<compile_context>
chip_gen: v7x
topology: tpu7x:2x2x1
jax: 0.10.2.dev20260603
libtpu: 0.0.44.dev20260713+nightly
codegen_flags: <defaults>
</compile_context>

<pallas_src>
import jax
import jax.numpy as jnp
from jax import lax
from jax.experimental import pallas as pl
from jax.experimental.pallas import tpu as pltpu
from jax.experimental.pallas import tpu_sc as plsc

_C = 80
_REG = 33
_D = 4 * _REG
_N = 300
_M = 16
_B = 8
_LANES = 16
_CHUNKS = 19
_NPAD = _CHUNKS * _LANES
_BIG = 1e30
_LN2 = 0.6931471805599453


def _iota():
    return lax.iota(jnp.int32, _LANES)


def _splat_i(x):
    return jnp.zeros((_LANES,), jnp.int32) + x


def _sigmoid(x):
    return 1.0 / (1.0 + jnp.exp(-x))


def _log1p_small(z):
    s = z / (2.0 + z)
    s2 = s * s
    return s * (2.0 + s2 * (2.0 / 3.0 + s2 * (2.0 / 5.0 + s2 * (
        2.0 / 7.0 + s2 * (2.0 / 9.0 + s2 * (2.0 / 11.0))))))


def _log(x):
    xi = lax.bitcast_convert_type(x, jnp.int32)
    e = jnp.right_shift(xi, 23) - 127
    m = lax.bitcast_convert_type(
        jnp.bitwise_or(jnp.bitwise_and(xi, 0x7FFFFF), 0x3F800000), jnp.float32)
    big = m > 1.4142135623730951
    m = jnp.where(big, m * 0.5, m)
    ef = (e + big.astype(jnp.int32)).astype(jnp.float32)
    s = (m - 1.0) / (m + 1.0)
    s2 = s * s
    poly = s * (2.0 + s2 * (2.0 / 3.0 + s2 * (2.0 / 5.0 + s2 * (
        2.0 / 7.0 + s2 * (2.0 / 9.0)))))
    return ef * _LN2 + poly


def _sc_body(plog_hbm, pbox_hbm, pcor_hbm, alog_hbm, abox_hbm, acor_hbm,
             labels_hbm, tbox_hbm, out_hbm,
             logit_v, box_v, corner_v, cost_v, pen_v, lab_v, tbox_v,
             part_v, out_v, shared_sp, red_v):
    core = lax.axis_index("c")
    sub = lax.axis_index("s")
    gwid = sub * 2 + core
    ii = _iota()
    zf = jnp.zeros((_LANES,), jnp.float32)

    part_v[pl.ds(0, _LANES)] = zf
    part_v[pl.ds(_LANES, _LANES)] = zf

    def do_task(t):
        lyr = t // _B
        b = t - lyr * _B

        @pl.when(t < _B)
        def _load_final():
            pltpu.sync_copy(plog_hbm.at[b], logit_v)
            pltpu.sync_copy(pbox_hbm.at[b], box_v)
            pltpu.sync_copy(pcor_hbm.at[:, b], corner_v)

        @pl.when(t >= _B)
        def _load_aux():
            la = lyr - 1
            pltpu.sync_copy(alog_hbm.at[la, b], logit_v)
            pltpu.sync_copy(abox_hbm.at[la, b], box_v)
            pltpu.sync_copy(acor_hbm.at[la, :, b], corner_v)

        pltpu.sync_copy(labels_hbm.at[b], lab_v)
        pltpu.sync_copy(tbox_hbm.at[b], tbox_v)

        @pl.loop(0, _CHUNKS)
        def _cost_chunk(c):
            n_idx = c * _LANES + ii
            valid = n_idx < _N
            nc = jnp.minimum(n_idx, _N - 1)
            bx0 = box_v[0, pl.ds(c * _LANES, _LANES)]
            by0 = box_v[1, pl.ds(c * _LANES, _LANES)]
            bx1 = box_v[2, pl.ds(c * _LANES, _LANES)]
            by1 = box_v[3, pl.ds(c * _LANES, _LANES)]

            @pl.loop(0, _M)
            def _cost_m(m):
                ms = _splat_i(m)
                tx0 = plsc.load_gather(tbox_v, [_splat_i(0), ms])
                ty0 = plsc.load_gather(tbox_v, [_splat_i(1), ms])
                tx1 = plsc.load_gather(tbox_v, [_splat_i(2), ms])
                ty1 = plsc.load_gather(tbox_v, [_splat_i(3), ms])
                labm = plsc.load_gather(lab_v, [ms])
                lg = plsc.load_gather(logit_v, [labm, nc])
                cb = (jnp.abs(bx0 - tx0) + jnp.abs(by0 - ty0)
                      + jnp.abs(bx1 - tx1) + jnp.abs(by1 - ty1))
                cv = 5.0 * cb - _sigmoid(lg)
                cv = jnp.where(valid, cv, _BIG)
                cost_v[pl.ds(m * _NPAD + c * _LANES, _LANES)] = cv

        @pl.loop(0, _CHUNKS)
        def _pen_init(c):
            pen_v[pl.ds(c * _LANES, _LANES)] = zf

        def greedy_body(j, srcvec):
            def chunk_body(c, mc):
                mv, mi = mc
                v = (cost_v[pl.ds(j * _NPAD + c * _LANES, _LANES)]
                     + pen_v[pl.ds(c * _LANES, _LANES)])
                idxv = c * _LANES + ii
                take = v < mv
                return (jnp.where(take, v, mv), jnp.where(take, idxv, mi))

            mv, mi = lax.fori_loop(
                0, _CHUNKS, chunk_body,
                (jnp.full((_LANES,), 1e33, jnp.float32),
                 jnp.zeros((_LANES,), jnp.int32)))
            gmin = jnp.min(mv)
            cand = jnp.where(mv == gmin, mi, jnp.int32(2**31 - 1))
            gidx = jnp.min(cand)
            plsc.store_scatter(pen_v, [_splat_i(gidx)],
                               jnp.full((_LANES,), _BIG, jnp.float32),
                               mask=ii == 0)
            return jnp.where(ii == j, gidx, srcvec)

        srcvec = lax.fori_loop(0, _M, greedy_body,
                               jnp.zeros((_LANES,), jnp.int32))

        def vfl_col(cidx, acc):
            l = plsc.load_gather(logit_v, [_splat_i(cidx), srcvec])
            p = _sigmoid(l)
            bce0 = jnp.maximum(l, 0.0) + _log1p_small(jnp.exp(-jnp.abs(l)))
            return acc + (0.75 * p * p) * bce0

        acc0 = lax.fori_loop(0, _C, vfl_col, zf)
        labvec = lab_v[...]
        lt = plsc.load_gather(logit_v, [labvec, srcvec])
        pt = _sigmoid(lt)
        bce0t = jnp.maximum(lt, 0.0) + _log1p_small(jnp.exp(-jnp.abs(lt)))
        vfl_vec = acc0 + (bce0t - lt) - (0.75 * pt * pt) * bce0t
        vfl_s = jnp.sum(vfl_vec)

        mbx0 = plsc.load_gather(box_v, [_splat_i(0), srcvec])
        mby0 = plsc.load_gather(box_v, [_splat_i(1), srcvec])
        mbx1 = plsc.load_gather(box_v, [_splat_i(2), srcvec])
        mby1 = plsc.load_gather(box_v, [_splat_i(3), srcvec])
        cx = (mbx0 + mbx1) * 0.5
        cy = (mby0 + mby1) * 0.5
        tx0 = tbox_v[0, :]
        ty0 = tbox_v[1, :]
        tx1 = tbox_v[2, :]
        ty1 = tbox_v[3, :]
        dists = (cx - tx0, cy - ty0, tx1 - cx, ty1 - cy)

        fgl_s = jnp.float32(0.0)
        for side in range(4):
            d = jnp.clip(dists[side] * 32.0, 0.0, 32.0 - 0.01)
            il = d.astype(jnp.int32)
            fl = il.astype(jnp.float32)
            wl = fl + 1.0 - d
            wr = d - fl
            base = _splat_i(side * _REG)

            def max_body(kk, mx):
                v = plsc.load_gather(corner_v, [base + kk, srcvec])
                return jnp.maximum(mx, v)

            mx = lax.fori_loop(0, _REG, max_body,
                               jnp.full((_LANES,), -_BIG, jnp.float32))

            def se_body(kk, sm):
                v = plsc.load_gather(corner_v, [base + kk, srcvec])
                return sm + jnp.exp(v - mx)

            se = lax.fori_loop(0, _REG, se_body, zf)
            lse = mx + _log(se)
            pil = plsc.load_gather(corner_v, [base + il, srcvec])
            pir = plsc.load_gather(corner_v, [base + il + 1, srcvec])
            fgl_s = fgl_s + jnp.sum(lse - wl * pil - wr * pir)

        lane_eq = ii == lyr
        part_v[pl.ds(0, _LANES)] = (part_v[pl.ds(0, _LANES)]
                                    + jnp.where(lane_eq, vfl_s, 0.0))
        part_v[pl.ds(_LANES, _LANES)] = (part_v[pl.ds(_LANES, _LANES)]
                                         + jnp.where(lane_eq, fgl_s, 0.0))

    do_task(gwid)

    @pl.when(gwid < _LANES)
    def _second():
        do_task(gwid + 32)

    pltpu.sync_copy(part_v, shared_sp.at[pl.ds(sub * 2 * _LANES, 2 * _LANES)])
    plsc.subcore_barrier()

    @pl.when(sub == 0)
    def _reduce():
        pltpu.sync_copy(shared_sp, red_v)

        def red_body(i, c):
            v, f = c
            return (v + red_v[pl.ds(i * 2 * _LANES, _LANES)],
                    f + red_v[pl.ds(i * 2 * _LANES + _LANES, _LANES)])

        vt, ft = lax.fori_loop(0, _LANES, red_body, (zf, zf))
        vt = vt * (1.0 / 128.0)
        ft = ft * (0.15 / 512.0)
        ii2 = _iota()
        m6 = ii2 < 6
        out_v[...] = jnp.zeros((_LANES,), jnp.float32)
        plsc.store_scatter(out_v, [jnp.where(m6, 2 * ii2, 0)], vt, mask=m6)
        plsc.store_scatter(out_v, [jnp.where(m6, 2 * ii2 + 1, 1)], ft, mask=m6)
        pltpu.sync_copy(out_v, out_hbm.at[core])


def kernel(pred_logits, pred_boxes, pred_corners, aux_logits, aux_boxes,
           aux_corners, target_labels, target_boxes):
    plog = jnp.swapaxes(pred_logits, 1, 2)
    pbox = jnp.swapaxes(pred_boxes, 1, 2)
    pcor = jnp.swapaxes(jnp.swapaxes(pred_corners, 1, 2), 0, 1)
    alog = jnp.swapaxes(aux_logits, 2, 3)
    abox = jnp.swapaxes(aux_boxes, 2, 3)
    acor = jnp.swapaxes(jnp.swapaxes(aux_corners, 2, 3), 1, 2)
    tbox = jnp.swapaxes(target_boxes, 1, 2)

    mesh = plsc.VectorSubcoreMesh(core_axis_name="c", subcore_axis_name="s",
                                  num_cores=2, num_subcores=16)
    f32 = jnp.float32
    run = pl.kernel(
        _sc_body,
        out_type=jax.ShapeDtypeStruct((2, _LANES), f32),
        mesh=mesh,
        compiler_params=pltpu.CompilerParams(needs_layout_passes=False,
                                             use_tc_tiling_on_sc=True),
        scratch_types=[
            pltpu.VMEM((_C, _N), f32),
            pltpu.VMEM((4, _N), f32),
            pltpu.VMEM((_D, _N), f32),
            pltpu.VMEM((_M * _NPAD,), f32),
            pltpu.VMEM((_NPAD,), f32),
            pltpu.VMEM((_M,), jnp.int32),
            pltpu.VMEM((4, _M), f32),
            pltpu.VMEM((2 * _LANES,), f32),
            pltpu.VMEM((_LANES,), f32),
            pltpu.VMEM_SHARED((_LANES * 2 * _LANES,), f32),
            pltpu.VMEM((_LANES * 2 * _LANES,), f32),
        ],
    )
    out = run(plog, pbox, pcor, alog, abox, acor, target_labels, tbox)
    return (out[0] + out[1])[:12]

# --- scband reference (transcript-rebuilt; emitter-appended) ---
"""Pipeline reference for scband-dfinecriterion-65103114273330 (READ-ONLY COPY).

The authoritative reference and input builder live on the scoring server;
editing this copy changes nothing except your own understanding.
"""

import jax, jax.numpy as jnp
import numpy as np

NUM_CLASSES = 80
REG_MAX = 32
W_VFL = 1.0
W_FGL = 0.15


def _make_boxes(key, shape):
    k1, k2 = jax.random.split(key)
    xy = jax.random.uniform(k1, tuple(shape[:-1]) + (2,), minval=0.0, maxval=0.55)
    wh = jax.random.uniform(k2, tuple(shape[:-1]) + (2,), minval=0.05, maxval=0.4)
    return jnp.concatenate([xy, xy + wh], axis=-1).astype(jnp.float32)


def setup_inputs(seed: int = 0):
    key = jax.random.key(seed)
    ks = jax.random.split(key, 10)
    B, N, C, M, L = 8, 300, NUM_CLASSES, 16, 5
    D = 4 * (REG_MAX + 1)
    return {
        'pred_logits': jax.random.normal(ks[0], (B, N, C), dtype=jnp.float32),
        'pred_boxes': _make_boxes(ks[1], (B, N, 4)),
        'pred_corners': jax.random.normal(ks[2], (B, N, D), dtype=jnp.float32),
        'aux_logits': jax.random.normal(ks[3], (L, B, N, C), dtype=jnp.float32),
        'aux_boxes': _make_boxes(ks[4], (L, B, N, 4)),
        'aux_corners': jax.random.normal(ks[5], (L, B, N, D), dtype=jnp.float32),
        'target_labels': jax.random.randint(ks[6], (B, M), 0, C, dtype=jnp.int32),
        'target_boxes': _make_boxes(ks[7], (B, M, 4)),
    }


def varifocal_loss(logits, target_scores, num_classes=NUM_CLASSES, alpha=0.75, gamma=2.0):
    p = jax.nn.sigmoid(logits)
    weight = target_scores + alpha * jnp.power(p, gamma) * (target_scores <= 0.0).astype(logits.dtype)
    bce = jnp.maximum(logits, 0.0) - logits * target_scores + jnp.log1p(jnp.exp(-jnp.abs(logits)))
    return (bce * weight).sum() / (target_scores.sum() + 1e-8)


def bbox2distance(points, bbox, reg_max=REG_MAX):
    left = points[:, 0] - bbox[:, 0]
    top = points[:, 1] - bbox[:, 1]
    right = bbox[:, 2] - points[:, 0]
    bottom = bbox[:, 3] - points[:, 1]
    dist = jnp.stack([left, top, right, bottom], axis=-1) * reg_max
    dist = jnp.clip(dist, 0.0, reg_max - 0.01)
    fl = jnp.floor(dist)
    wl = fl + 1.0 - dist
    wr = dist - fl
    il = fl.astype(jnp.int32)
    soft_labels = jax.nn.one_hot(il, reg_max + 1) * wl[..., None] + jax.nn.one_hot(il + 1, reg_max + 1) * wr[..., None]
    soft_weights = jnp.ones_like(dist)
    return soft_labels, soft_weights


def unimodal_distribution_focal_loss(pred, soft_labels, weight, reduction='mean'):
    logp = jax.nn.log_softmax(pred, axis=-1)
    loss = -(soft_labels * logp).sum(axis=-1) * weight
    if reduction == 'mean':
        return loss.sum() / (weight.sum() + 1e-8)
    return loss.sum()


def _greedy_assign(cost):
    # cost: (N, M) -> src indices (M,) (greedy Hungarian-style assignment)
    N, M = cost.shape
    used = jnp.zeros((N,), dtype=bool)
    src = []
    for j in range(M):
        col = jnp.where(used, jnp.inf, cost[:, j])
        i = jnp.argmin(col)
        used = used.at[i].set(True)
        src.append(i)
    return jnp.stack(src)


def _match(logits, boxes, tgt_labels, tgt_boxes):
    # batched matcher: logits (B,N,C), boxes (B,N,4), tgt_labels (B,M), tgt_boxes (B,M,4)
    B, N, C = logits.shape
    M = tgt_labels.shape[1]
    prob = jax.nn.sigmoid(logits)
    idx = jnp.broadcast_to(tgt_labels[:, None, :], (B, N, M))
    cost_class = -jnp.take_along_axis(prob, idx, axis=2)
    cost_bbox = jnp.abs(boxes[:, :, None, :] - tgt_boxes[:, None, :, :]).sum(-1)
    cost = cost_class + 5.0 * cost_bbox
    return jax.vmap(_greedy_assign)(cost)  # (B, M)


def _layer_losses(logits, boxes, corners, tgt_labels, tgt_boxes):
    B, N, C = logits.shape
    M = tgt_labels.shape[1]
    D = corners.shape[-1]
    src = _match(logits, boxes, tgt_labels, tgt_boxes)  # (B, M)
    m_logits = jnp.take_along_axis(logits, jnp.broadcast_to(src[:, :, None], (B, M, C)), axis=1).reshape(B * M, C)
    m_boxes = jnp.take_along_axis(boxes, jnp.broadcast_to(src[:, :, None], (B, M, 4)), axis=1).reshape(B * M, 4)
    m_corners = jnp.take_along_axis(corners, jnp.broadcast_to(src[:, :, None], (B, M, D)), axis=1).reshape(B * M, D)
    labels_flat = tgt_labels.reshape(-1)
    tgt_boxes_flat = tgt_boxes.reshape(B * M, 4)
    # VFL
    target_scores = jax.nn.one_hot(labels_flat, C, dtype=m_logits.dtype)
    loss_vfl = varifocal_loss(m_logits, target_scores) * W_VFL
    # FGL
    centers = (m_boxes[:, :2] + m_boxes[:, 2:]) / 2.0
    soft_labels, soft_weights = bbox2distance(centers, tgt_boxes_flat, REG_MAX)
    weights_all = jnp.ones((B * M,), dtype=m_corners.dtype)
    combined = (weights_all[:, None] * soft_weights).reshape(-1)
    loss_fgl = unimodal_distribution_focal_loss(
        m_corners.reshape(-1, REG_MAX + 1), soft_labels.reshape(-1, REG_MAX + 1), combined) * W_FGL
    return loss_vfl, loss_fgl


def reference(pred_logits, pred_boxes, pred_corners, aux_logits, aux_boxes, aux_corners, target_labels, target_boxes):
    losses = []
    v, f = _layer_losses(pred_logits, pred_boxes, pred_corners, target_labels, target_boxes)
    losses += [v, f]
    L = aux_logits.shape[0]
    for l in range(L):
        v, f = _layer_losses(aux_logits[l], aux_boxes[l], aux_corners[l], target_labels, target_boxes)
        losses += [v, f]
    return jnp.stack(losses)  # (12,) = [vfl, fgl] for final + 5 aux layers

if __name__ == "__main__":
    import jax
    _d = setup_inputs()
    print(jax.jit(kernel)(*tuple(_d.values())))

</pallas_src>

<mosaic_0001>
#map = affine_map<(d0, d1) -> (0, 0, 0)>
#map1 = affine_map<(d0, d1) -> (0, 0, 0, 0)>
#map2 = affine_map<(d0, d1) -> (0, 0)>
module attributes {stable_mosaic.version = 14 : i64} {
  func.func @_sc_body(%arg0: i32, %arg1: i32, %arg2: memref<8x80x300xf32, #tpu.memory_space<hbm>>, %arg3: memref<8x4x300xf32, #tpu.memory_space<hbm>>, %arg4: memref<132x8x300xf32, #tpu.memory_space<hbm>>, %arg5: memref<5x8x80x300xf32, #tpu.memory_space<hbm>>, %arg6: memref<5x8x4x300xf32, #tpu.memory_space<hbm>>, %arg7: memref<5x132x8x300xf32, #tpu.memory_space<hbm>>, %arg8: memref<8x16xi32, #tpu.memory_space<hbm>>, %arg9: memref<8x4x16xf32, #tpu.memory_space<hbm>>, %arg10: memref<2x16xf32, #tpu.memory_space<hbm>>, %arg11: memref<80x300xf32, #tpu.memory_space<vmem>>, %arg12: memref<4x300xf32, #tpu.memory_space<vmem>>, %arg13: memref<132x300xf32, #tpu.memory_space<vmem>>, %arg14: memref<4864xf32, #tpu.memory_space<vmem>>, %arg15: memref<304xf32, #tpu.memory_space<vmem>>, %arg16: memref<16xi32, #tpu.memory_space<vmem>>, %arg17: memref<4x16xf32, #tpu.memory_space<vmem>>, %arg18: memref<32xf32, #tpu.memory_space<vmem>>, %arg19: memref<16xf32, #tpu.memory_space<vmem>>, %arg20: memref<512xf32, #tpu.memory_space<vmem_shared>>, %arg21: memref<512xf32, #tpu.memory_space<vmem>>) attributes {dimension_semantics = [#tpu.dimension_semantics<core_parallel>, #tpu.dimension_semantics<subcore_parallel>], iteration_bounds = array<i64: 2, 16>, scalar_prefetch = 0 : i64, scratch_operands = 11 : i64, tpu.core_type = #tpu.core_type<sc_vector_subcore>, window_params = [{transform_indices = #map}, {transform_indices = #map}, {transform_indices = #map}, {transform_indices = #map1}, {transform_indices = #map1}, {transform_indices = #map1}, {transform_indices = #map2}, {transform_indices = #map}, {transform_indices = #map2}]} {
    %mul3A = arith.constant 2 : i32
    %mul3A_0 = arith.muli %arg1, %mul3A : i32
    %add3A = arith.addi %mul3A_0, %arg0 : i32
    %iota3A = tpu.iota {dimensions = array<i32: 0>} : vector<16xi32>
    %broadcast_in_dim3A = arith.constant 0.000000e+00 : f32
    %broadcast_in_dim3A_1 = vector.broadcast %broadcast_in_dim3A : f32 to vector<16xf32>
    %swap3A = arith.constant 0 : index
    %swap3A_2 = tpu.vector_load %arg18[%swap3A] {strides = array<i32>} : memref<32xf32, #tpu.memory_space<vmem>>, vector<16xf32>,
    tpu.vector_store %arg18[%swap3A], %broadcast_in_dim3A_1 {strides = array<i32>} : memref<32xf32, #tpu.memory_space<vmem>>, vector<16xf32>,
    %swap3A_3 = arith.constant 16 : index
    %swap3A_4 = tpu.vector_load %arg18[%swap3A_3] {strides = array<i32>} : memref<32xf32, #tpu.memory_space<vmem>>, vector<16xf32>,
    tpu.vector_store %arg18[%swap3A_3], %broadcast_in_dim3A_1 {strides = array<i32>} : memref<32xf32, #tpu.memory_space<vmem>>, vector<16xf32>,
    %jit3A = arith.constant 8 : i32
    %div3A = arith.divsi %add3A, %jit3A : i32
    %sign3A = arith.constant 0 : i32
    %sign3A_5 = arith.cmpi sgt, %add3A, %sign3A : i32
    %sign3A_6 = arith.extui %sign3A_5 : i1 to i32
    %sign3A_7 = arith.constant 0 : i32
    %sign3A_8 = arith.cmpi slt, %add3A, %sign3A_7 : i32
    %sign3A_9 = arith.extui %sign3A_8 : i1 to i32
    %sign3A_10 = arith.subi %sign3A_6, %sign3A_9 : i32
    %sign3A_11 = arith.constant 0 : i32
    %sign3A_12 = arith.cmpi sgt, %jit3A, %sign3A_11 : i32
    %sign3A_13 = arith.extui %sign3A_12 : i1 to i32
    %sign3A_14 = arith.constant 0 : i32
    %sign3A_15 = arith.cmpi slt, %jit3A, %sign3A_14 : i32
    %sign3A_16 = arith.extui %sign3A_15 : i1 to i32
    %sign3A_17 = arith.subi %sign3A_13, %sign3A_16 : i32
    %ne3A = arith.cmpi ne, %sign3A_10, %sign3A_17 : i32
    %rem3A = arith.remsi %add3A, %jit3A : i32
    %ne3A_18 = arith.constant 0 : i32
    %ne3A_19 = arith.cmpi ne, %rem3A, %ne3A_18 : i32
    %and3A = arith.andi %ne3A, %ne3A_19 : i1
    %sub3A = arith.constant 1 : i32
    %sub3A_20 = arith.subi %div3A, %sub3A : i32
    %select_n3A = arith.select %and3A, %sub3A_20, %div3A : i32
    %mul3A_21 = arith.constant 8 : i32
    %mul3A_22 = arith.muli %select_n3A, %mul3A_21 : i32
    %sub3A_23 = arith.subi %add3A, %mul3A_22 : i32
    %lt3A = arith.constant 8 : i32
    %lt3A_24 = arith.cmpi slt, %add3A, %lt3A : i32
    %convert_element_type3A = arith.extui %lt3A_24 : i1 to i32
    %cond3A = arith.constant 0 : i32
    %cond3A_25 = arith.cmpi ne, %convert_element_type3A, %cond3A : i32
    scf.if %cond3A_25 {
      "tpu.region"() ({
        %run_scoped3A = tpu.sem_alloc : memref<!tpu.dma_semaphore, #tpu.memory_space<semaphore_mem>>
        %dma_start3A = arith.constant 0 : i32
        %dma_start3A_617 = arith.constant 0 : i32
        %dma_start3A_618 = tpu.memref_slice %arg2[%sub3A_23, %dma_start3A, %dma_start3A_617] : memref<8x80x300xf32, #tpu.memory_space<hbm>> -> memref<1x80x300xf32, #tpu.memory_space<hbm>>
        %dma_start3A_619 = tpu.memref_squeeze %dma_start3A_618 : memref<1x80x300xf32, #tpu.memory_space<hbm>> -> memref<80x300xf32, #tpu.memory_space<hbm>>
        %dma_start3A_620 = arith.constant 0 : i32
        %dma_start3A_621 = arith.constant 0 : i32
        %dma_start3A_622 = tpu.memref_slice %arg2[%sub3A_23, %dma_start3A_620, %dma_start3A_621] : memref<8x80x300xf32, #tpu.memory_space<hbm>> -> memref<1x80x300xf32, #tpu.memory_space<hbm>>
        %dma_start3A_623 = tpu.memref_squeeze %dma_start3A_622 : memref<1x80x300xf32, #tpu.memory_space<hbm>> -> memref<80x300xf32, #tpu.memory_space<hbm>>
        tpu.enqueue_dma source(%dma_start3A_623 : memref<80x300xf32, #tpu.memory_space<hbm>>) target(%arg11 : memref<80x300xf32, #tpu.memory_space<vmem>>) target_semaphore(%run_scoped3A : memref<!tpu.dma_semaphore, #tpu.memory_space<semaphore_mem>>)
        %dma_wait3A = arith.constant 0 : i32
        %dma_wait3A_624 = arith.constant 0 : i32
        %dma_wait3A_625 = tpu.memref_slice %arg2[%sub3A_23, %dma_wait3A, %dma_wait3A_624] : memref<8x80x300xf32, #tpu.memory_space<hbm>> -> memref<1x80x300xf32, #tpu.memory_space<hbm>>
        %dma_wait3A_626 = tpu.memref_squeeze %dma_wait3A_625 : memref<1x80x300xf32, #tpu.memory_space<hbm>> -> memref<80x300xf32, #tpu.memory_space<hbm>>
        %dma_wait3A_627 = arith.constant 0 : i32
        %dma_wait3A_628 = arith.constant 0 : i32
        %dma_wait3A_629 = tpu.memref_slice %arg2[%sub3A_23, %dma_wait3A_627, %dma_wait3A_628] : memref<8x80x300xf32, #tpu.memory_space<hbm>> -> memref<1x80x300xf32, #tpu.memory_space<hbm>>
        %dma_wait3A_630 = tpu.memref_squeeze %dma_wait3A_629 : memref<1x80x300xf32, #tpu.memory_space<hbm>> -> memref<80x300xf32, #tpu.memory_space<hbm>>
        tpu.wait_dma2 semaphore(%run_scoped3A : memref<!tpu.dma_semaphore, #tpu.memory_space<semaphore_mem>>) src(%dma_wait3A_630 : memref<80x300xf32, #tpu.memory_space<hbm>>) dst(%arg11 : memref<80x300xf32, #tpu.memory_space<vmem>>)
        tpu.yield
      }) : () -> ()
      "tpu.region"() ({
        %run_scoped3A = tpu.sem_alloc : memref<!tpu.dma_semaphore, #tpu.memory_space<semaphore_mem>>
        %dma_start3A = arith.constant 0 : i32
        %dma_start3A_617 = arith.constant 0 : i32
        %dma_start3A_618 = tpu.memref_slice %arg3[%sub3A_23, %dma_start3A, %dma_start3A_617] : memref<8x4x300xf32, #tpu.memory_space<hbm>> -> memref<1x4x300xf32, #tpu.memory_space<hbm>>
        %dma_start3A_619 = tpu.memref_squeeze %dma_start3A_618 : memref<1x4x300xf32, #tpu.memory_space<hbm>> -> memref<4x300xf32, #tpu.memory_space<hbm>>
        %dma_start3A_620 = arith.constant 0 : i32
        %dma_start3A_621 = arith.constant 0 : i32
        %dma_start3A_622 = tpu.memref_slice %arg3[%sub3A_23, %dma_start3A_620, %dma_start3A_621] : memref<8x4x300xf32, #tpu.memory_space<hbm>> -> memref<1x4x300xf32, #tpu.memory_space<hbm>>
        %dma_start3A_623 = tpu.memref_squeeze %dma_start3A_622 : memref<1x4x300xf32, #tpu.memory_space<hbm>> -> memref<4x300xf32, #tpu.memory_space<hbm>>
        tpu.enqueue_dma source(%dma_start3A_623 : memref<4x300xf32, #tpu.memory_space<hbm>>) target(%arg12 : memref<4x300xf32, #tpu.memory_space<vmem>>) target_semaphore(%run_scoped3A : memref<!tpu.dma_semaphore, #tpu.memory_space<semaphore_mem>>)
        %dma_wait3A = arith.constant 0 : i32
        %dma_wait3A_624 = arith.constant 0 : i32
        %dma_wait3A_625 = tpu.memref_slice %arg3[%sub3A_23, %dma_wait3A, %dma_wait3A_624] : memref<8x4x300xf32, #tpu.memory_space<hbm>> -> memref<1x4x300xf32, #tpu.memory_space<hbm>>
        %dma_wait3A_626 = tpu.memref_squeeze %dma_wait3A_625 : memref<1x4x300xf32, #tpu.memory_space<hbm>> -> memref<4x300xf32, #tpu.memory_space<hbm>>
        %dma_wait3A_627 = arith.constant 0 : i32
        %dma_wait3A_628 = arith.constant 0 : i32
        %dma_wait3A_629 = tpu.memref_slice %arg3[%sub3A_23, %dma_wait3A_627, %dma_wait3A_628] : memref<8x4x300xf32, #tpu.memory_space<hbm>> -> memref<1x4x300xf32, #tpu.memory_space<hbm>>
        %dma_wait3A_630 = tpu.memref_squeeze %dma_wait3A_629 : memref<1x4x300xf32, #tpu.memory_space<hbm>> -> memref<4x300xf32, #tpu.memory_space<hbm>>
        tpu.wait_dma2 semaphore(%run_scoped3A : memref<!tpu.dma_semaphore, #tpu.memory_space<semaphore_mem>>) src(%dma_wait3A_630 : memref<4x300xf32, #tpu.memory_space<hbm>>) dst(%arg12 : memref<4x300xf32, #tpu.memory_space<vmem>>)
        tpu.yield
      }) : () -> ()
      "tpu.region"() ({
        %run_scoped3A = tpu.sem_alloc : memref<!tpu.dma_semaphore, #tpu.memory_space<semaphore_mem>>
        %dma_start3A = arith.constant 0 : i32
        %dma_start3A_617 = arith.constant 0 : i32
        %dma_start3A_618 = tpu.memref_slice %arg4[%dma_start3A, %sub3A_23, %dma_start3A_617] : memref<132x8x300xf32, #tpu.memory_space<hbm>> -> memref<132x1x300xf32, #tpu.memory_space<hbm>>
        %dma_start3A_619 = tpu.memref_squeeze %dma_start3A_618 : memref<132x1x300xf32, #tpu.memory_space<hbm>> -> memref<132x300xf32, #tpu.memory_space<hbm>>
        %dma_start3A_620 = arith.constant 0 : i32
        %dma_start3A_621 = arith.constant 0 : i32
        %dma_start3A_622 = tpu.memref_slice %arg4[%dma_start3A_620, %sub3A_23, %dma_start3A_621] : memref<132x8x300xf32, #tpu.memory_space<hbm>> -> memref<132x1x300xf32, #tpu.memory_space<hbm>>
        %dma_start3A_623 = tpu.memref_squeeze %dma_start3A_622 : memref<132x1x300xf32, #tpu.memory_space<hbm>> -> memref<132x300xf32, #tpu.memory_space<hbm>>
        tpu.enqueue_dma source(%dma_start3A_623 : memref<132x300xf32, #tpu.memory_space<hbm>>) target(%arg13 : memref<132x300xf32, #tpu.memory_space<vmem>>) target_semaphore(%run_scoped3A : memref<!tpu.dma_semaphore, #tpu.memory_space<semaphore_mem>>)
        %dma_wait3A = arith.constant 0 : i32
        %dma_wait3A_624 = arith.constant 0 : i32
        %dma_wait3A_625 = tpu.memref_slice %arg4[%dma_wait3A, %sub3A_23, %dma_wait3A_624] : memref<132x8x300xf32, #tpu.memory_space<hbm>> -> memref<132x1x300xf32, #tpu.memory_space<hbm>>
        %dma_wait3A_626 = tpu.memref_squeeze %dma_wait3A_625 : memref<132x1x300xf32, #tpu.memory_space<hbm>> -> memref<132x300xf32, #tpu.memory_space<hbm>>
        %dma_wait3A_627 = arith.constant 0 : i32
        %dma_wait3A_628 = arith.constant 0 : i32
        %dma_wait3A_629 = tpu.memref_slice %arg4[%dma_wait3A_627, %sub3A_23, %dma_wait3A_628] : memref<132x8x300xf32, #tpu.memory_space<hbm>> -> memref<132x1x300xf32, #tpu.memory_space<hbm>>
        %dma_wait3A_630 = tpu.memref_squeeze %dma_wait3A_629 : memref<132x1x300xf32, #tpu.memory_space<hbm>> -> memref<132x300xf32, #tpu.memory_space<hbm>>
        tpu.wait_dma2 semaphore(%run_scoped3A : memref<!tpu.dma_semaphore, #tpu.memory_space<semaphore_mem>>) src(%dma_wait3A_630 : memref<132x300xf32, #tpu.memory_space<hbm>>) dst(%arg13 : memref<132x300xf32, #tpu.memory_space<vmem>>)
        tpu.yield
      }) : () -> ()
    } else {
    }
    %ge3A = arith.constant 8 : i32
    %ge3A_26 = arith.cmpi sge, %add3A, %ge3A : i32
    %convert_element_type3A_27 = arith.extui %ge3A_26 : i1 to i32
    %cond3A_28 = arith.constant 0 : i32
    %cond3A_29 = arith.cmpi ne, %convert_element_type3A_27, %cond3A_28 : i32
    scf.if %cond3A_29 {
      %sub3A_617 = arith.constant 1 : i32
      %sub3A_618 = arith.subi %select_n3A, %sub3A_617 : i32
      "tpu.region"() ({
        %run_scoped3A = tpu.sem_alloc : memref<!tpu.dma_semaphore, #tpu.memory_space<semaphore_mem>>
        %dma_start3A = arith.constant 0 : i32
        %dma_start3A_619 = arith.constant 0 : i32
        %dma_start3A_620 = tpu.memref_slice %arg5[%sub3A_618, %sub3A_23, %dma_start3A, %dma_start3A_619] : memref<5x8x80x300xf32, #tpu.memory_space<hbm>> -> memref<1x1x80x300xf32, #tpu.memory_space<hbm>>
        %dma_start3A_621 = tpu.memref_squeeze %dma_start3A_620 : memref<1x1x80x300xf32, #tpu.memory_space<hbm>> -> memref<80x300xf32, #tpu.memory_space<hbm>>
        %dma_start3A_622 = arith.constant 0 : i32
        %dma_start3A_623 = arith.constant 0 : i32
        %dma_start3A_624 = tpu.memref_slice %arg5[%sub3A_618, %sub3A_23, %dma_start3A_622, %dma_start3A_623] : memref<5x8x80x300xf32, #tpu.memory_space<hbm>> -> memref<1x1x80x300xf32, #tpu.memory_space<hbm>>
        %dma_start3A_625 = tpu.memref_squeeze %dma_start3A_624 : memref<1x1x80x300xf32, #tpu.memory_space<hbm>> -> memref<80x300xf32, #tpu.memory_space<hbm>>
        tpu.enqueue_dma source(%dma_start3A_625 : memref<80x300xf32, #tpu.memory_space<hbm>>) target(%arg11 : memref<80x300xf32, #tpu.memory_space<vmem>>) target_semaphore(%run_scoped3A : memref<!tpu.dma_semaphore, #tpu.memory_space<semaphore_mem>>)
        %dma_wait3A = arith.constant 0 : i32
        %dma_wait3A_626 = arith.constant 0 : i32
        %dma_wait3A_627 = tpu.memref_slice %arg5[%sub3A_618, %sub3A_23, %dma_wait3A, %dma_wait3A_626] : memref<5x8x80x300xf32, #tpu.memory_space<hbm>> -> memref<1x1x80x300xf32, #tpu.memory_space<hbm>>
        %dma_wait3A_628 = tpu.memref_squeeze %dma_wait3A_627 : memref<1x1x80x300xf32, #tpu.memory_space<hbm>> -> memref<80x300xf32, #tpu.memory_space<hbm>>
        %dma_wait3A_629 = arith.constant 0 : i32
        %dma_wait3A_630 = arith.constant 0 : i32
        %dma_wait3A_631 = tpu.memref_slice %arg5[%sub3A_618, %sub3A_23, %dma_wait3A_629, %dma_wait3A_630] : memref<5x8x80x300xf32, #tpu.memory_space<hbm>> -> memref<1x1x80x300xf32, #tpu.memory_space<hbm>>
        %dma_wait3A_632 = tpu.memref_squeeze %dma_wait3A_631 : memref<1x1x80x300xf32, #tpu.memory_space<hbm>> -> memref<80x300xf32, #tpu.memory_space<hbm>>
        tpu.wait_dma2 semaphore(%run_scoped3A : memref<!tpu.dma_semaphore, #tpu.memory_space<semaphore_mem>>) src(%dma_wait3A_632 : memref<80x300xf32, #tpu.memory_space<hbm>>) dst(%arg11 : memref<80x300xf32, #tpu.memory_space<vmem>>)
        tpu.yield
      }) : () -> ()
      "tpu.region"() ({
        %run_scoped3A = tpu.sem_alloc : memref<!tpu.dma_semaphore, #tpu.memory_space<semaphore_mem>>
        %dma_start3A = arith.constant 0 : i32
        %dma_start3A_619 = arith.constant 0 : i32
        %dma_start3A_620 = tpu.memref_slice %arg6[%sub3A_618, %sub3A_23, %dma_start3A, %dma_start3A_619] : memref<5x8x4x300xf32, #tpu.memory_space<hbm>> -> memref<1x1x4x300xf32, #tpu.memory_space<hbm>>
        %dma_start3A_621 = tpu.memref_squeeze %dma_start3A_620 : memref<1x1x4x300xf32, #tpu.memory_space<hbm>> -> memref<4x300xf32, #tpu.memory_space<hbm>>
        %dma_start3A_622 = arith.constant 0 : i32
        %dma_start3A_623 = arith.constant 0 : i32
        %dma_start3A_624 = tpu.memref_slice %arg6[%sub3A_618, %sub3A_23, %dma_start3A_622, %dma_start3A_623] : memref<5x8x4x300xf32, #tpu.memory_space<hbm>> -> memref<1x1x4x300xf32, #tpu.memory_space<hbm>>
        %dma_start3A_625 = tpu.memref_squeeze %dma_start3A_624 : memref<1x1x4x300xf32, #tpu.memory_space<hbm>> -> memref<4x300xf32, #tpu.memory_space<hbm>>
        tpu.enqueue_dma source(%dma_start3A_625 : memref<4x300xf32, #tpu.memory_space<hbm>>) target(%arg12 : memref<4x300xf32, #tpu.memory_space<vmem>>) target_semaphore(%run_scoped3A : memref<!tpu.dma_semaphore, #tpu.memory_space<semaphore_mem>>)
        %dma_wait3A = arith.constant 0 : i32
        %dma_wait3A_626 = arith.constant 0 : i32
        %dma_wait3A_627 = tpu.memref_slice %arg6[%sub3A_618, %sub3A_23, %dma_wait3A, %dma_wait3A_626] : memref<5x8x4x300xf32, #tpu.memory_space<hbm>> -> memref<1x1x4x300xf32, #tpu.memory_space<hbm>>
        %dma_wait3A_628 = tpu.memref_squeeze %dma_wait3A_627 : memref<1x1x4x300xf32, #tpu.memory_space<hbm>> -> memref<4x300xf32, #tpu.memory_space<hbm>>
        %dma_wait3A_629 = arith.constant 0 : i32
        %dma_wait3A_630 = arith.constant 0 : i32
        %dma_wait3A_631 = tpu.memref_slice %arg6[%sub3A_618, %sub3A_23, %dma_wait3A_629, %dma_wait3A_630] : memref<5x8x4x300xf32, #tpu.memory_space<hbm>> -> memref<1x1x4x300xf32, #tpu.memory_space<hbm>>
        %dma_wait3A_632 = tpu.memref_squeeze %dma_wait3A_631 : memref<1x1x4x300xf32, #tpu.memory_space<hbm>> -> memref<4x300xf32, #tpu.memory_space<hbm>>
        tpu.wait_dma2 semaphore(%run_scoped3A : memref<!tpu.dma_semaphore, #tpu.memory_space<semaphore_mem>>) src(%dma_wait3A_632 : memref<4x300xf32, #tpu.memory_space<hbm>>) dst(%arg12 : memref<4x300xf32, #tpu.memory_space<vmem>>)
        tpu.yield
      }) : () -> ()
      "tpu.region"() ({
        %run_scoped3A = tpu.sem_alloc : memref<!tpu.dma_semaphore, #tpu.memory_space<semaphore_mem>>
        %dma_start3A = arith.constant 0 : i32
        %dma_start3A_619 = arith.constant 0 : i32
        %dma_start3A_620 = tpu.memref_slice %arg7[%sub3A_618, %dma_start3A, %sub3A_23, %dma_start3A_619] : memref<5x132x8x300xf32, #tpu.memory_space<hbm>> -> memref<1x132x1x300xf32, #tpu.memory_space<hbm>>
        %dma_start3A_621 = tpu.memref_squeeze %dma_start3A_620 : memref<1x132x1x300xf32, #tpu.memory_space<hbm>> -> memref<132x300xf32, #tpu.memory_space<hbm>>
        %dma_start3A_622 = arith.constant 0 : i32
        %dma_start3A_623 = arith.constant 0 : i32
        %dma_start3A_624 = tpu.memref_slice %arg7[%sub3A_618, %dma_start3A_622, %sub3A_23, %dma_start3A_623] : memref<5x132x8x300xf32, #tpu.memory_space<hbm>> -> memref<1x132x1x300xf32, #tpu.memory_space<hbm>>
        %dma_start3A_625 = tpu.memref_squeeze %dma_start3A_624 : memref<1x132x1x300xf32, #tpu.memory_space<hbm>> -> memref<132x300xf32, #tpu.memory_space<hbm>>
        tpu.enqueue_dma source(%dma_start3A_625 : memref<132x300xf32, #tpu.memory_space<hbm>>) target(%arg13 : memref<132x300xf32, #tpu.memory_space<vmem>>) target_semaphore(%run_scoped3A : memref<!tpu.dma_semaphore, #tpu.memory_space<semaphore_mem>>)
        %dma_wait3A = arith.constant 0 : i32
        %dma_wait3A_626 = arith.constant 0 : i32
        %dma_wait3A_627 = tpu.memref_slice %arg7[%sub3A_618, %dma_wait3A, %sub3A_23, %dma_wait3A_626] : memref<5x132x8x300xf32, #tpu.memory_space<hbm>> -> memref<1x132x1x300xf32, #tpu.memory_space<hbm>>
        %dma_wait3A_628 = tpu.memref_squeeze %dma_wait3A_627 : memref<1x132x1x300xf32, #tpu.memory_space<hbm>> -> memref<132x300xf32, #tpu.memory_space<hbm>>
        %dma_wait3A_629 = arith.constant 0 : i32
        %dma_wait3A_630 = arith.constant 0 : i32
        %dma_wait3A_631 = tpu.memref_slice %arg7[%sub3A_618, %dma_wait3A_629, %sub3A_23, %dma_wait3A_630] : memref<5x132x8x300xf32, #tpu.memory_space<hbm>> -> memref<1x132x1x300xf32, #tpu.memory_space<hbm>>
        %dma_wait3A_632 = tpu.memref_squeeze %dma_wait3A_631 : memref<1x132x1x300xf32, #tpu.memory_space<hbm>> -> memref<132x300xf32, #tpu.memory_space<hbm>>
        tpu.wait_dma2 semaphore(%run_scoped3A : memref<!tpu.dma_semaphore, #tpu.memory_space<semaphore_mem>>) src(%dma_wait3A_632 : memref<132x300xf32, #tpu.memory_space<hbm>>) dst(%arg13 : memref<132x300xf32, #tpu.memory_space<vmem>>)
        tpu.yield
      }) : () -> ()
    } else {
    }
    "tpu.region"() ({
      %run_scoped3A = tpu.sem_alloc : memref<!tpu.dma_semaphore, #tpu.memory_space<semaphore_mem>>
      %dma_start3A = arith.constant 0 : i32
      %dma_start3A_617 = tpu.memref_slice %arg8[%sub3A_23, %dma_start3A] : memref<8x16xi32, #tpu.memory_space<hbm>> -> memref<1x16xi32, #tpu.memory_space<hbm>>
      %dma_start3A_618 = tpu.memref_squeeze %dma_start3A_617 : memref<1x16xi32, #tpu.memory_space<hbm>> -> memref<16xi32, #tpu.memory_space<hbm>>
      %dma_start3A_619 = arith.constant 0 : i32
      %dma_start3A_620 = tpu.memref_slice %arg8[%sub3A_23, %dma_start3A_619] : memref<8x16xi32, #tpu.memory_space<hbm>> -> memref<1x16xi32, #tpu.memory_space<hbm>>
      %dma_start3A_621 = tpu.memref_squeeze %dma_start3A_620 : memref<1x16xi32, #tpu.memory_space<hbm>> -> memref<16xi32, #tpu.memory_space<hbm>>
      tpu.enqueue_dma source(%dma_start3A_621 : memref<16xi32, #tpu.memory_space<hbm>>) target(%arg16 : memref<16xi32, #tpu.memory_space<vmem>>) target_semaphore(%run_scoped3A : memref<!tpu.dma_semaphore, #tpu.memory_space<semaphore_mem>>)
      %dma_wait3A = arith.constant 0 : i32
      %dma_wait3A_622 = tpu.memref_slice %arg8[%sub3A_23, %dma_wait3A] : memref<8x16xi32, #tpu.memory_space<hbm>> -> memref<1x16xi32, #tpu.memory_space<hbm>>
      %dma_wait3A_623 = tpu.memref_squeeze %dma_wait3A_622 : memref<1x16xi32, #tpu.memory_space<hbm>> -> memref<16xi32, #tpu.memory_space<hbm>>
      %dma_wait3A_624 = arith.constant 0 : i32
      %dma_wait3A_625 = tpu.memref_slice %arg8[%sub3A_23, %dma_wait3A_624] : memref<8x16xi32, #tpu.memory_space<hbm>> -> memref<1x16xi32, #tpu.memory_space<hbm>>
      %dma_wait3A_626 = tpu.memref_squeeze %dma_wait3A_625 : memref<1x16xi32, #tpu.memory_space<hbm>> -> memref<16xi32, #tpu.memory_space<hbm>>
      tpu.wait_dma2 semaphore(%run_scoped3A : memref<!tpu.dma_semaphore, #tpu.memory_space<semaphore_mem>>) src(%dma_wait3A_626 : memref<16xi32, #tpu.memory_space<hbm>>) dst(%arg16 : memref<16xi32, #tpu.memory_space<vmem>>)
      tpu.yield
    }) : () -> ()
    "tpu.region"() ({
      %run_scoped3A = tpu.sem_alloc : memref<!tpu.dma_semaphore, #tpu.memory_space<semaphore_mem>>
      %dma_start3A = arith.constant 0 : i32
      %dma_start3A_617 = arith.constant 0 : i32
      %dma_start3A_618 = tpu.memref_slice %arg9[%sub3A_23, %dma_start3A, %dma_start3A_617] : memref<8x4x16xf32, #tpu.memory_space<hbm>> -> memref<1x4x16xf32, #tpu.memory_space<hbm>>
      %dma_start3A_619 = tpu.memref_squeeze %dma_start3A_618 : memref<1x4x16xf32, #tpu.memory_space<hbm>> -> memref<4x16xf32, #tpu.memory_space<hbm>>
      %dma_start3A_620 = arith.constant 0 : i32
      %dma_start3A_621 = arith.constant 0 : i32
      %dma_start3A_622 = tpu.memref_slice %arg9[%sub3A_23, %dma_start3A_620, %dma_start3A_621] : memref<8x4x16xf32, #tpu.memory_space<hbm>> -> memref<1x4x16xf32, #tpu.memory_space<hbm>>
      %dma_start3A_623 = tpu.memref_squeeze %dma_start3A_622 : memref<1x4x16xf32, #tpu.memory_space<hbm>> -> memref<4x16xf32, #tpu.memory_space<hbm>>
      tpu.enqueue_dma source(%dma_start3A_623 : memref<4x16xf32, #tpu.memory_space<hbm>>) target(%arg17 : memref<4x16xf32, #tpu.memory_space<vmem>>) target_semaphore(%run_scoped3A : memref<!tpu.dma_semaphore, #tpu.memory_space<semaphore_mem>>)
      %dma_wait3A = arith.constant 0 : i32
      %dma_wait3A_624 = arith.constant 0 : i32
      %dma_wait3A_625 = tpu.memref_slice %arg9[%sub3A_23, %dma_wait3A, %dma_wait3A_624] : memref<8x4x16xf32, #tpu.memory_space<hbm>> -> memref<1x4x16xf32, #tpu.memory_space<hbm>>
      %dma_wait3A_626 = tpu.memref_squeeze %dma_wait3A_625 : memref<1x4x16xf32, #tpu.memory_space<hbm>> -> memref<4x16xf32, #tpu.memory_space<hbm>>
      %dma_wait3A_627 = arith.constant 0 : i32
      %dma_wait3A_628 = arith.constant 0 : i32
      %dma_wait3A_629 = tpu.memref_slice %arg9[%sub3A_23, %dma_wait3A_627, %dma_wait3A_628] : memref<8x4x16xf32, #tpu.memory_space<hbm>> -> memref<1x4x16xf32, #tpu.memory_space<hbm>>
      %dma_wait3A_630 = tpu.memref_squeeze %dma_wait3A_629 : memref<1x4x16xf32, #tpu.memory_space<hbm>> -> memref<4x16xf32, #tpu.memory_space<hbm>>
      tpu.wait_dma2 semaphore(%run_scoped3A : memref<!tpu.dma_semaphore, #tpu.memory_space<semaphore_mem>>) src(%dma_wait3A_630 : memref<4x16xf32, #tpu.memory_space<hbm>>) dst(%arg17 : memref<4x16xf32, #tpu.memory_space<vmem>>)
      tpu.yield
    }) : () -> ()
    %scan3A = arith.constant 0 : i32
    %scan3A_30 = arith.constant 19 : i32
    %scan3A_31 = arith.addi %scan3A, %scan3A_30 : i32
    %scan3A_32 = arith.constant 1 : i32
    scf.for %scan3A_617 = %scan3A to %scan3A_31 step %scan3A_32  : i32 {
      %mul3A_618 = arith.constant 1 : i32
      %mul3A_619 = arith.muli %scan3A_617, %mul3A_618 : i32
      %add3A_620 = arith.constant 0 : i32
      %add3A_621 = arith.addi %add3A_620, %mul3A_619 : i32
      %mul3A_622 = arith.constant 16 : i32
      %mul3A_623 = arith.muli %add3A_621, %mul3A_622 : i32
      %add3A_624 = vector.broadcast %mul3A_623 : i32 to vector<16xi32>
      %add3A_625 = arith.addi %add3A_624, %iota3A : vector<16xi32>
      %lt3A_626 = arith.constant 300 : i32
      %lt3A_627 = vector.broadcast %lt3A_626 : i32 to vector<16xi32>
      %lt3A_628 = arith.cmpi slt, %add3A_625, %lt3A_627 : vector<16xi32>
      %min3A_629 = arith.constant 299 : i32
      %min3A_630 = vector.broadcast %min3A_629 : i32 to vector<16xi32>
      %min3A_631 = arith.minsi %add3A_625, %min3A_630 : vector<16xi32>
      %mul3A_632 = arith.constant 16 : i32
      %mul3A_633 = arith.muli %add3A_621, %mul3A_632 : i32
      %get3A_634 = arith.constant 0 : i32
      %get3A_635 = arith.index_cast %get3A_634 : i32 to index
      %get3A_636 = arith.index_cast %mul3A_633 : i32 to index
      %get3A_637 = tpu.vector_load %arg12[%get3A_635, %get3A_636] {strides = array<i32>} : memref<4x300xf32, #tpu.memory_space<vmem>>, vector<16xf32>,
      %mul3A_638 = arith.constant 16 : i32
      %mul3A_639 = arith.muli %add3A_621, %mul3A_638 : i32
      %get3A_640 = arith.constant 1 : i32
      %get3A_641 = arith.index_cast %get3A_640 : i32 to index
      %get3A_642 = arith.index_cast %mul3A_639 : i32 to index
      %get3A_643 = tpu.vector_load %arg12[%get3A_641, %get3A_642] {strides = array<i32>} : memref<4x300xf32, #tpu.memory_space<vmem>>, vector<16xf32>,
      %mul3A_644 = arith.constant 16 : i32
      %mul3A_645 = arith.muli %add3A_621, %mul3A_644 : i32
      %get3A_646 = arith.constant 2 : i32
      %get3A_647 = arith.index_cast %get3A_646 : i32 to index
      %get3A_648 = arith.index_cast %mul3A_645 : i32 to index
      %get3A_649 = tpu.vector_load %arg12[%get3A_647, %get3A_648] {strides = array<i32>} : memref<4x300xf32, #tpu.memory_space<vmem>>, vector<16xf32>,
      %mul3A_650 = arith.constant 16 : i32
      %mul3A_651 = arith.muli %add3A_621, %mul3A_650 : i32
      %get3A_652 = arith.constant 3 : i32
      %get3A_653 = arith.index_cast %get3A_652 : i32 to index
      %get3A_654 = arith.index_cast %mul3A_651 : i32 to index
      %get3A_655 = tpu.vector_load %arg12[%get3A_653, %get3A_654] {strides = array<i32>} : memref<4x300xf32, #tpu.memory_space<vmem>>, vector<16xf32>,
      %scan3A_656 = arith.constant 0 : i32
      %scan3A_657 = arith.constant 16 : i32
      %scan3A_658 = arith.addi %scan3A_656, %scan3A_657 : i32
      %scan3A_659 = arith.constant 1 : i32
      scf.for %scan3A_661 = %scan3A_656 to %scan3A_658 step %scan3A_659  : i32 {
        %mul3A_662 = arith.constant 1 : i32
        %mul3A_663 = arith.muli %scan3A_661, %mul3A_662 : i32
        %add3A_664 = arith.constant 0 : i32
        %add3A_665 = arith.addi %add3A_664, %mul3A_663 : i32
        %broadcast_in_dim3A_666 = arith.constant 0 : i32
        %broadcast_in_dim3A_667 = vector.broadcast %broadcast_in_dim3A_666 : i32 to vector<16xi32>
        %add3A_668 = vector.broadcast %add3A_665 : i32 to vector<16xi32>
        %add3A_669 = arith.addi %broadcast_in_dim3A_667, %add3A_668 : vector<16xi32>
        %broadcast_in_dim3A_670 = arith.constant 0 : i32
        %broadcast_in_dim3A_671 = vector.broadcast %broadcast_in_dim3A_670 : i32 to vector<16xi32>
        %add3A_672 = arith.constant 0 : i32
        %add3A_673 = vector.broadcast %add3A_672 : i32 to vector<16xi32>
        %add3A_674 = arith.addi %broadcast_in_dim3A_671, %add3A_673 : vector<16xi32>
        %gather3A_675 = tpu.vector_load_idx %arg17[%add3A_674, %add3A_669] : memref<4x16xf32, #tpu.memory_space<vmem>>[vector<16xi32>, vector<16xi32>], vector<16xf32>,
        %broadcast_in_dim3A_676 = arith.constant 0 : i32
        %broadcast_in_dim3A_677 = vector.broadcast %broadcast_in_dim3A_676 : i32 to vector<16xi32>
        %add3A_678 = arith.constant 1 : i32
        %add3A_679 = vector.broadcast %add3A_678 : i32 to vector<16xi32>
        %add3A_680 = arith.addi %broadcast_in_dim3A_677, %add3A_679 : vector<16xi32>
        %gather3A_681 = tpu.vector_load_idx %arg17[%add3A_680, %add3A_669] : memref<4x16xf32, #tpu.memory_space<vmem>>[vector<16xi32>, vector<16xi32>], vector<16xf32>,
        %broadcast_in_dim3A_682 = arith.constant 0 : i32
        %broadcast_in_dim3A_683 = vector.broadcast %broadcast_in_dim3A_682 : i32 to vector<16xi32>
        %add3A_684 = arith.constant 2 : i32
        %add3A_685 = vector.broadcast %add3A_684 : i32 to vector<16xi32>
        %add3A_686 = arith.addi %broadcast_in_dim3A_683, %add3A_685 : vector<16xi32>
        %gather3A_687 = tpu.vector_load_idx %arg17[%add3A_686, %add3A_669] : memref<4x16xf32, #tpu.memory_space<vmem>>[vector<16xi32>, vector<16xi32>], vector<16xf32>,
        %broadcast_in_dim3A_688 = arith.constant 0 : i32
        %broadcast_in_dim3A_689 = vector.broadcast %broadcast_in_dim3A_688 : i32 to vector<16xi32>
        %add3A_690 = arith.constant 3 : i32
        %add3A_691 = vector.broadcast %add3A_690 : i32 to vector<16xi32>
        %add3A_692 = arith.addi %broadcast_in_dim3A_689, %add3A_691 : vector<16xi32>
        %gather3A_693 = tpu.vector_load_idx %arg17[%add3A_692, %add3A_669] : memref<4x16xf32, #tpu.memory_space<vmem>>[vector<16xi32>, vector<16xi32>], vector<16xf32>,
        %gather3A_694 = tpu.vector_load_idx %arg16[%add3A_669] : memref<16xi32, #tpu.memory_space<vmem>>[vector<16xi32>], vector<16xi32>,
        %gather3A_695 = tpu.vector_load_idx %arg11[%gather3A_694, %min3A_631] : memref<80x300xf32, #tpu.memory_space<vmem>>[vector<16xi32>, vector<16xi32>], vector<16xf32>,
        %sub3A_696 = arith.subf %get3A_637, %gather3A_675 : vector<16xf32>
        %abs3A_697 = math.absf %sub3A_696 : vector<16xf32>
        %sub3A_698 = arith.subf %get3A_643, %gather3A_681 : vector<16xf32>
        %abs3A_699 = math.absf %sub3A_698 : vector<16xf32>
        %add3A_700 = arith.addf %abs3A_697, %abs3A_699 : vector<16xf32>
        %sub3A_701 = arith.subf %get3A_649, %gather3A_687 : vector<16xf32>
        %abs3A_702 = math.absf %sub3A_701 : vector<16xf32>
        %add3A_703 = arith.addf %add3A_700, %abs3A_702 : vector<16xf32>
        %sub3A_704 = arith.subf %get3A_655, %gather3A_693 : vector<16xf32>
        %abs3A_705 = math.absf %sub3A_704 : vector<16xf32>
        %add3A_706 = arith.addf %add3A_703, %abs3A_705 : vector<16xf32>
        %mul3A_707 = arith.constant 5.000000e+00 : f32
        %mul3A_708 = vector.broadcast %mul3A_707 : f32 to vector<16xf32>
        %mul3A_709 = arith.mulf %mul3A_708, %add3A_706 : vector<16xf32>
        %neg3A_710 = arith.constant 0.000000e+00 : f32
        %neg3A_711 = vector.broadcast %neg3A_710 : f32 to vector<16xf32>
        %neg3A_712 = arith.subf %neg3A_711, %gather3A_695 : vector<16xf32>
        %exp3A_713 = math.exp %neg3A_712 : vector<16xf32>
        %add3A_714 = arith.constant 1.000000e+00 : f32
        %add3A_715 = vector.broadcast %add3A_714 : f32 to vector<16xf32>
        %add3A_716 = arith.addf %add3A_715, %exp3A_713 : vector<16xf32>
        %div3A_717 = arith.constant 1.000000e+00 : f32
        %div3A_718 = vector.broadcast %div3A_717 : f32 to vector<16xf32>
        %div3A_719 = arith.divf %div3A_718, %add3A_716 : vector<16xf32>
        %sub3A_720 = arith.subf %mul3A_709, %div3A_719 : vector<16xf32>
        %jit3A_721 = arith.constant 1.000000e+30 : f32
        %broadcast_in_dim3A_722 = vector.broadcast %jit3A_721 : f32 to vector<16xf32>
        %select_n3A_723 = arith.select %lt3A_628, %sub3A_720, %broadcast_in_dim3A_722 : vector<16xi1>, vector<16xf32>
        %mul3A_724 = arith.constant 304 : i32
        %mul3A_725 = arith.muli %add3A_665, %mul3A_724 : i32
        %mul3A_726 = arith.constant 16 : i32
        %mul3A_727 = arith.muli %add3A_621, %mul3A_726 : i32
        %add3A_728 = arith.addi %mul3A_725, %mul3A_727 : i32
        %swap3A_729 = arith.index_cast %add3A_728 : i32 to index
        %swap3A_730 = tpu.vector_load %arg14[%swap3A_729] {strides = array<i32>} : memref<4864xf32, #tpu.memory_space<vmem>>, vector<16xf32>,
        tpu.vector_store %arg14[%swap3A_729], %select_n3A_723 {strides = array<i32>} : memref<4864xf32, #tpu.memory_space<vmem>>, vector<16xf32>,
      }
      %scan3A_660 = arith.constant 16 : i32
    }
    %scan3A_33 = arith.constant 19 : i32
    %scan3A_34 = arith.constant 0 : i32
    %scan3A_35 = arith.constant 19 : i32
    %scan3A_36 = arith.addi %scan3A_34, %scan3A_35 : i32
    %scan3A_37 = arith.constant 1 : i32
    scf.for %scan3A_617 = %scan3A_34 to %scan3A_36 step %scan3A_37  : i32 {
      %mul3A_618 = arith.constant 1 : i32
      %mul3A_619 = arith.muli %scan3A_617, %mul3A_618 : i32
      %add3A_620 = arith.constant 0 : i32
      %add3A_621 = arith.addi %add3A_620, %mul3A_619 : i32
      %mul3A_622 = arith.constant 16 : i32
      %mul3A_623 = arith.muli %add3A_621, %mul3A_622 : i32
      %swap3A_624 = arith.index_cast %mul3A_623 : i32 to index
      %swap3A_625 = tpu.vector_load %arg15[%swap3A_624] {strides = array<i32>} : memref<304xf32, #tpu.memory_space<vmem>>, vector<16xf32>,
      tpu.vector_store %arg15[%swap3A_624], %broadcast_in_dim3A_1 {strides = array<i32>} : memref<304xf32, #tpu.memory_space<vmem>>, vector<16xf32>,
    }
    %scan3A_38 = arith.constant 19 : i32
    %broadcast_in_dim3A_39 = arith.constant 0 : i32
    %broadcast_in_dim3A_40 = vector.broadcast %broadcast_in_dim3A_39 : i32 to vector<16xi32>
    %scan3A_41 = arith.constant 0 : i32
    %scan3A_42 = arith.constant 16 : i32
    %scan3A_43 = arith.addi %scan3A_41, %scan3A_42 : i32
    %scan3A_44 = arith.constant 1 : i32
    %scan3A_45 = scf.for %scan3A_617 = %scan3A_41 to %scan3A_43 step %scan3A_44 iter_args(%scan3A_618 = %broadcast_in_dim3A_40) -> (vector<16xi32>)  : i32 {
      %broadcast_in_dim3A_619 = arith.constant 9.99999994E+32 : f32
      %broadcast_in_dim3A_620 = vector.broadcast %broadcast_in_dim3A_619 : f32 to vector<16xf32>
      %broadcast_in_dim3A_621 = arith.constant 0 : i32
      %broadcast_in_dim3A_622 = vector.broadcast %broadcast_in_dim3A_621 : i32 to vector<16xi32>
      %scan3A_623 = arith.constant 0 : i32
      %scan3A_624 = arith.constant 19 : i32
      %scan3A_625 = arith.addi %scan3A_623, %scan3A_624 : i32
      %scan3A_626 = arith.constant 1 : i32
      %scan3A_627:2 = scf.for %scan3A_658 = %scan3A_623 to %scan3A_625 step %scan3A_626 iter_args(%scan3A_659 = %broadcast_in_dim3A_620, %scan3A_660 = %broadcast_in_dim3A_622) -> (vector<16xf32>, vector<16xi32>)  : i32 {
        %mul3A_661 = arith.constant 304 : i32
        %mul3A_662 = arith.muli %scan3A_617, %mul3A_661 : i32
        %mul3A_663 = arith.constant 16 : i32
        %mul3A_664 = arith.muli %scan3A_658, %mul3A_663 : i32
        %add3A_665 = arith.addi %mul3A_662, %mul3A_664 : i32
        %get3A_666 = arith.index_cast %add3A_665 : i32 to index
        %get3A_667 = tpu.vector_load %arg14[%get3A_666] {strides = array<i32>} : memref<4864xf32, #tpu.memory_space<vmem>>, vector<16xf32>,
        %mul3A_668 = arith.constant 16 : i32
        %mul3A_669 = arith.muli %scan3A_658, %mul3A_668 : i32
        %get3A_670 = arith.index_cast %mul3A_669 : i32 to index
        %get3A_671 = tpu.vector_load %arg15[%get3A_670] {strides = array<i32>} : memref<304xf32, #tpu.memory_space<vmem>>, vector<16xf32>,
        %add3A_672 = arith.addf %get3A_667, %get3A_671 : vector<16xf32>
        %mul3A_673 = arith.constant 16 : i32
        %mul3A_674 = arith.muli %scan3A_658, %mul3A_673 : i32
        %add3A_675 = vector.broadcast %mul3A_674 : i32 to vector<16xi32>
        %add3A_676 = arith.addi %add3A_675, %iota3A : vector<16xi32>
        %lt3A_677 = arith.cmpf olt, %add3A_672, %scan3A_659 : vector<16xf32>
        %select_n3A_678 = arith.select %lt3A_677, %add3A_672, %scan3A_659 : vector<16xi1>, vector<16xf32>
        %select_n3A_679 = arith.select %lt3A_677, %add3A_676, %scan3A_660 : vector<16xi1>, vector<16xi32>
        scf.yield %select_n3A_678, %select_n3A_679 : vector<16xf32>, vector<16xi32>
      }
      %scan3A_628 = arith.constant 19 : i32
      %reduce_min3A = arith.constant true
      %reduce_min3A_629 = vector.broadcast %reduce_min3A : i1 to vector<16xi1>
      %reduce_min3A_630 = tpu.scan <min>, %scan3A_627#0 masked %reduce_min3A_629 : vector<16xf32>, vector<16xi1> -> vector<16xf32>
      %reduce_min3A_631 = vector.extract %reduce_min3A_630[15] : f32 from vector<16xf32>
      %eq3A_632 = vector.broadcast %reduce_min3A_631 : f32 to vector<16xf32>
      %eq3A_633 = arith.cmpf oeq, %scan3A_627#0, %eq3A_632 : vector<16xf32>
      %jit3A_634 = arith.constant 2147483647 : i32
      %broadcast_in_dim3A_635 = vector.broadcast %jit3A_634 : i32 to vector<16xi32>
      %select_n3A_636 = arith.select %eq3A_633, %scan3A_627#1, %broadcast_in_dim3A_635 : vector<16xi1>, vector<16xi32>
      %reduce_min3A_637 = arith.constant true
      %reduce_min3A_638 = vector.broadcast %reduce_min3A_637 : i1 to vector<16xi1>
      %reduce_min3A_639 = arith.constant -2147483648 : i32
      %reduce_min3A_640 = vector.broadcast %reduce_min3A_639 : i32 to vector<16xi32>
      %reduce_min3A_641 = arith.xori %select_n3A_636, %reduce_min3A_640 : vector<16xi32>
      %reduce_min3A_642 = tpu.scan <min>, %reduce_min3A_641 masked %reduce_min3A_638 : vector<16xi32>, vector<16xi1> -> vector<16xi32>
      %reduce_min3A_643 = arith.xori %reduce_min3A_642, %reduce_min3A_640 : vector<16xi32>
      %reduce_min3A_644 = vector.extract %reduce_min3A_643[15] : i32 from vector<16xi32>
      %broadcast_in_dim3A_645 = arith.constant 0 : i32
      %broadcast_in_dim3A_646 = vector.broadcast %broadcast_in_dim3A_645 : i32 to vector<16xi32>
      %add3A_647 = vector.broadcast %reduce_min3A_644 : i32 to vector<16xi32>
      %add3A_648 = arith.addi %broadcast_in_dim3A_646, %add3A_647 : vector<16xi32>
      %broadcast_in_dim3A_649 = arith.constant 1.000000e+30 : f32
      %broadcast_in_dim3A_650 = vector.broadcast %broadcast_in_dim3A_649 : f32 to vector<16xf32>
      %eq3A_651 = arith.constant 0 : i32
      %eq3A_652 = vector.broadcast %eq3A_651 : i32 to vector<16xi32>
      %eq3A_653 = arith.cmpi eq, %iota3A, %eq3A_652 : vector<16xi32>
      tpu.vector_store_idx %arg15[%add3A_648], %broadcast_in_dim3A_650 masked %eq3A_653 : memref<304xf32, #tpu.memory_space<vmem>>[vector<16xi32>], vector<16xf32>, vector<16xi1>
      %eq3A_654 = vector.broadcast %scan3A_617 : i32 to vector<16xi32>
      %eq3A_655 = arith.cmpi eq, %iota3A, %eq3A_654 : vector<16xi32>
      %broadcast_in_dim3A_656 = vector.broadcast %reduce_min3A_644 : i32 to vector<16xi32>
      %select_n3A_657 = arith.select %eq3A_655, %broadcast_in_dim3A_656, %scan3A_618 : vector<16xi1>, vector<16xi32>
      scf.yield %select_n3A_657 : vector<16xi32>
    }
    %scan3A_46 = arith.constant 16 : i32
    %scan3A_47 = arith.constant 0 : i32
    %scan3A_48 = arith.constant 80 : i32
    %scan3A_49 = arith.addi %scan3A_47, %scan3A_48 : i32
    %scan3A_50 = arith.constant 1 : i32
    %scan3A_51 = scf.for %scan3A_617 = %scan3A_47 to %scan3A_49 step %scan3A_50 iter_args(%scan3A_618 = %broadcast_in_dim3A_1) -> (vector<16xf32>)  : i32 {
      %broadcast_in_dim3A_619 = arith.constant 0 : i32
      %broadcast_in_dim3A_620 = vector.broadcast %broadcast_in_dim3A_619 : i32 to vector<16xi32>
      %add3A_621 = vector.broadcast %scan3A_617 : i32 to vector<16xi32>
      %add3A_622 = arith.addi %broadcast_in_dim3A_620, %add3A_621 : vector<16xi32>
      %gather3A_623 = tpu.vector_load_idx %arg11[%add3A_622, %scan3A_45] : memref<80x300xf32, #tpu.memory_space<vmem>>[vector<16xi32>, vector<16xi32>], vector<16xf32>,
      %neg3A_624 = arith.constant 0.000000e+00 : f32
      %neg3A_625 = vector.broadcast %neg3A_624 : f32 to vector<16xf32>
      %neg3A_626 = arith.subf %neg3A_625, %gather3A_623 : vector<16xf32>
      %exp3A_627 = math.exp %neg3A_626 : vector<16xf32>
      %add3A_628 = arith.constant 1.000000e+00 : f32
      %add3A_629 = vector.broadcast %add3A_628 : f32 to vector<16xf32>
      %add3A_630 = arith.addf %add3A_629, %exp3A_627 : vector<16xf32>
      %div3A_631 = arith.constant 1.000000e+00 : f32
      %div3A_632 = vector.broadcast %div3A_631 : f32 to vector<16xf32>
      %div3A_633 = arith.divf %div3A_632, %add3A_630 : vector<16xf32>
      %max3A_634 = arith.constant 0.000000e+00 : f32
      %max3A_635 = vector.broadcast %max3A_634 : f32 to vector<16xf32>
      %max3A_636 = arith.maximumf %gather3A_623, %max3A_635 : vector<16xf32>
      %abs3A_637 = math.absf %gather3A_623 : vector<16xf32>
      %neg3A_638 = arith.constant 0.000000e+00 : f32
      %neg3A_639 = vector.broadcast %neg3A_638 : f32 to vector<16xf32>
      %neg3A_640 = arith.subf %neg3A_639, %abs3A_637 : vector<16xf32>
      %exp3A_641 = math.exp %neg3A_640 : vector<16xf32>
      %add3A_642 = arith.constant 2.000000e+00 : f32
      %add3A_643 = vector.broadcast %add3A_642 : f32 to vector<16xf32>
      %add3A_644 = arith.addf %add3A_643, %exp3A_641 : vector<16xf32>
      %div3A_645 = arith.divf %exp3A_641, %add3A_644 : vector<16xf32>
      %mul3A_646 = arith.mulf %div3A_645, %div3A_645 : vector<16xf32>
      %mul3A_647 = arith.constant 0.181818187 : f32
      %mul3A_648 = vector.broadcast %mul3A_647 : f32 to vector<16xf32>
      %mul3A_649 = arith.mulf %mul3A_646, %mul3A_648 : vector<16xf32>
      %add3A_650 = arith.constant 0.222222224 : f32
      %add3A_651 = vector.broadcast %add3A_650 : f32 to vector<16xf32>
      %add3A_652 = arith.addf %add3A_651, %mul3A_649 : vector<16xf32>
      %mul3A_653 = arith.mulf %mul3A_646, %add3A_652 : vector<16xf32>
      %add3A_654 = arith.constant 0.285714298 : f32
      %add3A_655 = vector.broadcast %add3A_654 : f32 to vector<16xf32>
      %add3A_656 = arith.addf %add3A_655, %mul3A_653 : vector<16xf32>
      %mul3A_657 = arith.mulf %mul3A_646, %add3A_656 : vector<16xf32>
      %add3A_658 = arith.constant 4.000000e-01 : f32
      %add3A_659 = vector.broadcast %add3A_658 : f32 to vector<16xf32>
      %add3A_660 = arith.addf %add3A_659, %mul3A_657 : vector<16xf32>
      %mul3A_661 = arith.mulf %mul3A_646, %add3A_660 : vector<16xf32>
      %add3A_662 = arith.constant 0.666666686 : f32
      %add3A_663 = vector.broadcast %add3A_662 : f32 to vector<16xf32>
      %add3A_664 = arith.addf %add3A_663, %mul3A_661 : vector<16xf32>
      %mul3A_665 = arith.mulf %mul3A_646, %add3A_664 : vector<16xf32>
      %add3A_666 = arith.constant 2.000000e+00 : f32
      %add3A_667 = vector.broadcast %add3A_666 : f32 to vector<16xf32>
      %add3A_668 = arith.addf %add3A_667, %mul3A_665 : vector<16xf32>
      %mul3A_669 = arith.mulf %div3A_645, %add3A_668 : vector<16xf32>
      %add3A_670 = arith.addf %max3A_636, %mul3A_669 : vector<16xf32>
      %mul3A_671 = arith.constant 7.500000e-01 : f32
      %mul3A_672 = vector.broadcast %mul3A_671 : f32 to vector<16xf32>
      %mul3A_673 = arith.mulf %mul3A_672, %div3A_633 : vector<16xf32>
      %mul3A_674 = arith.mulf %mul3A_673, %div3A_633 : vector<16xf32>
      %mul3A_675 = arith.mulf %mul3A_674, %add3A_670 : vector<16xf32>
      %add3A_676 = arith.addf %scan3A_618, %mul3A_675 : vector<16xf32>
      scf.yield %add3A_676 : vector<16xf32>
    }
    %scan3A_52 = arith.constant 80 : i32
    %get3A = arith.constant 0 : index
    %get3A_53 = tpu.vector_load %arg16[%get3A] {strides = array<i32>} : memref<16xi32, #tpu.memory_space<vmem>>, vector<16xi32>,
    %gather3A = tpu.vector_load_idx %arg11[%get3A_53, %scan3A_45] : memref<80x300xf32, #tpu.memory_space<vmem>>[vector<16xi32>, vector<16xi32>], vector<16xf32>,
    %neg3A = arith.constant 0.000000e+00 : f32
    %neg3A_54 = vector.broadcast %neg3A : f32 to vector<16xf32>
    %neg3A_55 = arith.subf %neg3A_54, %gather3A : vector<16xf32>
    %exp3A = math.exp %neg3A_55 : vector<16xf32>
    %add3A_56 = arith.constant 1.000000e+00 : f32
    %add3A_57 = vector.broadcast %add3A_56 : f32 to vector<16xf32>
    %add3A_58 = arith.addf %add3A_57, %exp3A : vector<16xf32>
    %div3A_59 = arith.constant 1.000000e+00 : f32
    %div3A_60 = vector.broadcast %div3A_59 : f32 to vector<16xf32>
    %div3A_61 = arith.divf %div3A_60, %add3A_58 : vector<16xf32>
    %max3A = arith.constant 0.000000e+00 : f32
    %max3A_62 = vector.broadcast %max3A : f32 to vector<16xf32>
    %max3A_63 = arith.maximumf %gather3A, %max3A_62 : vector<16xf32>
    %abs3A = math.absf %gather3A : vector<16xf32>
    %neg3A_64 = arith.constant 0.000000e+00 : f32
    %neg3A_65 = vector.broadcast %neg3A_64 : f32 to vector<16xf32>
    %neg3A_66 = arith.subf %neg3A_65, %abs3A : vector<16xf32>
    %exp3A_67 = math.exp %neg3A_66 : vector<16xf32>
    %add3A_68 = arith.constant 2.000000e+00 : f32
    %add3A_69 = vector.broadcast %add3A_68 : f32 to vector<16xf32>
    %add3A_70 = arith.addf %add3A_69, %exp3A_67 : vector<16xf32>
    %div3A_71 = arith.divf %exp3A_67, %add3A_70 : vector<16xf32>
    %mul3A_72 = arith.mulf %div3A_71, %div3A_71 : vector<16xf32>
    %mul3A_73 = arith.constant 0.181818187 : f32
    %mul3A_74 = vector.broadcast %mul3A_73 : f32 to vector<16xf32>
    %mul3A_75 = arith.mulf %mul3A_72, %mul3A_74 : vector<16xf32>
    %add3A_76 = arith.constant 0.222222224 : f32
    %add3A_77 = vector.broadcast %add3A_76 : f32 to vector<16xf32>
    %add3A_78 = arith.addf %add3A_77, %mul3A_75 : vector<16xf32>
    %mul3A_79 = arith.mulf %mul3A_72, %add3A_78 : vector<16xf32>
    %add3A_80 = arith.constant 0.285714298 : f32
    %add3A_81 = vector.broadcast %add3A_80 : f32 to vector<16xf32>
    %add3A_82 = arith.addf %add3A_81, %mul3A_79 : vector<16xf32>
    %mul3A_83 = arith.mulf %mul3A_72, %add3A_82 : vector<16xf32>
    %add3A_84 = arith.constant 4.000000e-01 : f32
    %add3A_85 = vector.broadcast %add3A_84 : f32 to vector<16xf32>
    %add3A_86 = arith.addf %add3A_85, %mul3A_83 : vector<16xf32>
    %mul3A_87 = arith.mulf %mul3A_72, %add3A_86 : vector<16xf32>
    %add3A_88 = arith.constant 0.666666686 : f32
    %add3A_89 = vector.broadcast %add3A_88 : f32 to vector<16xf32>
    %add3A_90 = arith.addf %add3A_89, %mul3A_87 : vector<16xf32>
    %mul3A_91 = arith.mulf %mul3A_72, %add3A_90 : vector<16xf32>
    %add3A_92 = arith.constant 2.000000e+00 : f32
    %add3A_93 = vector.broadcast %add3A_92 : f32 to vector<16xf32>
    %add3A_94 = arith.addf %add3A_93, %mul3A_91 : vector<16xf32>
    %mul3A_95 = arith.mulf %div3A_71, %add3A_94 : vector<16xf32>
    %add3A_96 = arith.addf %max3A_63, %mul3A_95 : vector<16xf32>
    %sub3A_97 = arith.subf %add3A_96, %gather3A : vector<16xf32>
    %add3A_98 = arith.addf %scan3A_51, %sub3A_97 : vector<16xf32>
    %mul3A_99 = arith.constant 7.500000e-01 : f32
    %mul3A_100 = vector.broadcast %mul3A_99 : f32 to vector<16xf32>
    %mul3A_101 = arith.mulf %mul3A_100, %div3A_61 : vector<16xf32>
    %mul3A_102 = arith.mulf %mul3A_101, %div3A_61 : vector<16xf32>
    %mul3A_103 = arith.mulf %mul3A_102, %add3A_96 : vector<16xf32>
    %sub3A_104 = arith.subf %add3A_98, %mul3A_103 : vector<16xf32>
    %reduce_sum3A = arith.constant true
    %reduce_sum3A_105 = vector.broadcast %reduce_sum3A : i1 to vector<16xi1>
    %reduce_sum3A_106 = tpu.scan <sum>, %sub3A_104 masked %reduce_sum3A_105 : vector<16xf32>, vector<16xi1> -> vector<16xf32>
    %reduce_sum3A_107 = vector.extract %reduce_sum3A_106[15] : f32 from vector<16xf32>
    %broadcast_in_dim3A_108 = arith.constant 0 : i32
    %broadcast_in_dim3A_109 = vector.broadcast %broadcast_in_dim3A_108 : i32 to vector<16xi32>
    %add3A_110 = arith.constant 0 : i32
    %add3A_111 = vector.broadcast %add3A_110 : i32 to vector<16xi32>
    %add3A_112 = arith.addi %broadcast_in_dim3A_109, %add3A_111 : vector<16xi32>
    %gather3A_113 = tpu.vector_load_idx %arg12[%add3A_112, %scan3A_45] : memref<4x300xf32, #tpu.memory_space<vmem>>[vector<16xi32>, vector<16xi32>], vector<16xf32>,
    %broadcast_in_dim3A_114 = arith.constant 0 : i32
    %broadcast_in_dim3A_115 = vector.broadcast %broadcast_in_dim3A_114 : i32 to vector<16xi32>
    %add3A_116 = arith.constant 1 : i32
    %add3A_117 = vector.broadcast %add3A_116 : i32 to vector<16xi32>
    %add3A_118 = arith.addi %broadcast_in_dim3A_115, %add3A_117 : vector<16xi32>
    %gather3A_119 = tpu.vector_load_idx %arg12[%add3A_118, %scan3A_45] : memref<4x300xf32, #tpu.memory_space<vmem>>[vector<16xi32>, vector<16xi32>], vector<16xf32>,
    %broadcast_in_dim3A_120 = arith.constant 0 : i32
    %broadcast_in_dim3A_121 = vector.broadcast %broadcast_in_dim3A_120 : i32 to vector<16xi32>
    %add3A_122 = arith.constant 2 : i32
    %add3A_123 = vector.broadcast %add3A_122 : i32 to vector<16xi32>
    %add3A_124 = arith.addi %broadcast_in_dim3A_121, %add3A_123 : vector<16xi32>
    %gather3A_125 = tpu.vector_load_idx %arg12[%add3A_124, %scan3A_45] : memref<4x300xf32, #tpu.memory_space<vmem>>[vector<16xi32>, vector<16xi32>], vector<16xf32>,
    %broadcast_in_dim3A_126 = arith.constant 0 : i32
    %broadcast_in_dim3A_127 = vector.broadcast %broadcast_in_dim3A_126 : i32 to vector<16xi32>
    %add3A_128 = arith.constant 3 : i32
    %add3A_129 = vector.broadcast %add3A_128 : i32 to vector<16xi32>
    %add3A_130 = arith.addi %broadcast_in_dim3A_127, %add3A_129 : vector<16xi32>
    %gather3A_131 = tpu.vector_load_idx %arg12[%add3A_130, %scan3A_45] : memref<4x300xf32, #tpu.memory_space<vmem>>[vector<16xi32>, vector<16xi32>], vector<16xf32>,
    %add3A_132 = arith.addf %gather3A_113, %gather3A_125 : vector<16xf32>
    %mul3A_133 = arith.constant 5.000000e-01 : f32
    %mul3A_134 = vector.broadcast %mul3A_133 : f32 to vector<16xf32>
    %mul3A_135 = arith.mulf %add3A_132, %mul3A_134 : vector<16xf32>
    %add3A_136 = arith.addf %gather3A_119, %gather3A_131 : vector<16xf32>
    %mul3A_137 = arith.constant 5.000000e-01 : f32
    %mul3A_138 = vector.broadcast %mul3A_137 : f32 to vector<16xf32>
    %mul3A_139 = arith.mulf %add3A_136, %mul3A_138 : vector<16xf32>
    %get3A_140 = arith.constant 0 : i32
    %get3A_141 = arith.index_cast %get3A_140 : i32 to index
    %get3A_142 = arith.constant 0 : index
    %get3A_143 = tpu.vector_load %arg17[%get3A_141, %get3A_142] {strides = array<i32>} : memref<4x16xf32, #tpu.memory_space<vmem>>, vector<16xf32>,
    %get3A_144 = arith.constant 1 : i32
    %get3A_145 = arith.index_cast %get3A_144 : i32 to index
    %get3A_146 = arith.constant 0 : index
    %get3A_147 = tpu.vector_load %arg17[%get3A_145, %get3A_146] {strides = array<i32>} : memref<4x16xf32, #tpu.memory_space<vmem>>, vector<16xf32>,
    %get3A_148 = arith.constant 2 : i32
    %get3A_149 = arith.index_cast %get3A_148 : i32 to index
    %get3A_150 = arith.constant 0 : index
    %get3A_151 = tpu.vector_load %arg17[%get3A_149, %get3A_150] {strides = array<i32>} : memref<4x16xf32, #tpu.memory_space<vmem>>, vector<16xf32>,
    %get3A_152 = arith.constant 3 : i32
    %get3A_153 = arith.index_cast %get3A_152 : i32 to index
    %get3A_154 = arith.constant 0 : index
    %get3A_155 = tpu.vector_load %arg17[%get3A_153, %get3A_154] {strides = array<i32>} : memref<4x16xf32, #tpu.memory_space<vmem>>, vector<16xf32>,
    %sub3A_156 = arith.subf %mul3A_135, %get3A_143 : vector<16xf32>
    %sub3A_157 = arith.subf %mul3A_139, %get3A_147 : vector<16xf32>
    %sub3A_158 = arith.subf %get3A_151, %mul3A_135 : vector<16xf32>
    %sub3A_159 = arith.subf %get3A_155, %mul3A_139 : vector<16xf32>
    %mul3A_160 = arith.constant 3.200000e+01 : f32
    %mul3A_161 = vector.broadcast %mul3A_160 : f32 to vector<16xf32>
    %mul3A_162 = arith.mulf %sub3A_156, %mul3A_161 : vector<16xf32>
    %jit3A_163 = arith.constant 0.000000e+00 : f32
    %jit3A_164 = arith.constant 3.199000e+01 : f32
    %max3A_165 = vector.broadcast %jit3A_163 : f32 to vector<16xf32>
    %max3A_166 = arith.maximumf %max3A_165, %mul3A_162 : vector<16xf32>
    %min3A = vector.broadcast %jit3A_164 : f32 to vector<16xf32>
    %min3A_167 = arith.minimumf %min3A, %max3A_166 : vector<16xf32>
    %convert_element_type3A_168 = arith.fptosi %min3A_167 : vector<16xf32> to vector<16xi32>
    %convert_element_type3A_169 = arith.sitofp %convert_element_type3A_168 : vector<16xi32> to vector<16xf32>
    %add3A_170 = arith.constant 1.000000e+00 : f32
    %add3A_171 = vector.broadcast %add3A_170 : f32 to vector<16xf32>
    %add3A_172 = arith.addf %convert_element_type3A_169, %add3A_171 : vector<16xf32>
    %sub3A_173 = arith.subf %add3A_172, %min3A_167 : vector<16xf32>
    %sub3A_174 = arith.subf %min3A_167, %convert_element_type3A_169 : vector<16xf32>
    %broadcast_in_dim3A_175 = arith.constant 0 : i32
    %broadcast_in_dim3A_176 = vector.broadcast %broadcast_in_dim3A_175 : i32 to vector<16xi32>
    %add3A_177 = arith.constant 0 : i32
    %add3A_178 = vector.broadcast %add3A_177 : i32 to vector<16xi32>
    %add3A_179 = arith.addi %broadcast_in_dim3A_176, %add3A_178 : vector<16xi32>
    %broadcast_in_dim3A_180 = arith.constant -1.000000e+30 : f32
    %broadcast_in_dim3A_181 = vector.broadcast %broadcast_in_dim3A_180 : f32 to vector<16xf32>
    %scan3A_182 = arith.constant 0 : i32
    %scan3A_183 = arith.constant 33 : i32
    %scan3A_184 = arith.addi %scan3A_182, %scan3A_183 : i32
    %scan3A_185 = arith.constant 1 : i32
    %scan3A_186 = scf.for %scan3A_617 = %scan3A_182 to %scan3A_184 step %scan3A_185 iter_args(%scan3A_618 = %broadcast_in_dim3A_181) -> (vector<16xf32>)  : i32 {
      %add3A_619 = vector.broadcast %scan3A_617 : i32 to vector<16xi32>
      %add3A_620 = arith.addi %add3A_179, %add3A_619 : vector<16xi32>
      %gather3A_621 = tpu.vector_load_idx %arg13[%add3A_620, %scan3A_45] : memref<132x300xf32, #tpu.memory_space<vmem>>[vector<16xi32>, vector<16xi32>], vector<16xf32>,
      %max3A_622 = arith.maximumf %scan3A_618, %gather3A_621 : vector<16xf32>
      scf.yield %max3A_622 : vector<16xf32>
    }
    %scan3A_187 = arith.constant 33 : i32
    %scan3A_188 = arith.constant 0 : i32
    %scan3A_189 = arith.constant 33 : i32
    %scan3A_190 = arith.addi %scan3A_188, %scan3A_189 : i32
    %scan3A_191 = arith.constant 1 : i32
    %scan3A_192 = scf.for %scan3A_617 = %scan3A_188 to %scan3A_190 step %scan3A_191 iter_args(%scan3A_618 = %broadcast_in_dim3A_1) -> (vector<16xf32>)  : i32 {
      %add3A_619 = vector.broadcast %scan3A_617 : i32 to vector<16xi32>
      %add3A_620 = arith.addi %add3A_179, %add3A_619 : vector<16xi32>
      %gather3A_621 = tpu.vector_load_idx %arg13[%add3A_620, %scan3A_45] : memref<132x300xf32, #tpu.memory_space<vmem>>[vector<16xi32>, vector<16xi32>], vector<16xf32>,
      %sub3A_622 = arith.subf %gather3A_621, %scan3A_186 : vector<16xf32>
      %exp3A_623 = math.exp %sub3A_622 : vector<16xf32>
      %add3A_624 = arith.addf %scan3A_618, %exp3A_623 : vector<16xf32>
      scf.yield %add3A_624 : vector<16xf32>
    }
    %scan3A_193 = arith.constant 33 : i32
    %bitcast_convert_type3A = tpu.bitcast %scan3A_192 : vector<16xf32> -> vector<16xi32>
    %shift_right_arithmetic3A = arith.constant 23 : i32
    %shift_right_arithmetic3A_194 = vector.broadcast %shift_right_arithmetic3A : i32 to vector<16xi32>
    %shift_right_arithmetic3A_195 = arith.shrsi %bitcast_convert_type3A, %shift_right_arithmetic3A_194 : vector<16xi32>
    %sub3A_196 = arith.constant 127 : i32
    %sub3A_197 = vector.broadcast %sub3A_196 : i32 to vector<16xi32>
    %sub3A_198 = arith.subi %shift_right_arithmetic3A_195, %sub3A_197 : vector<16xi32>
    %and3A_199 = arith.constant 8388607 : i32
    %and3A_200 = vector.broadcast %and3A_199 : i32 to vector<16xi32>
    %and3A_201 = arith.andi %bitcast_convert_type3A, %and3A_200 : vector<16xi32>
    %or3A = arith.constant 1065353216 : i32
    %or3A_202 = vector.broadcast %or3A : i32 to vector<16xi32>
    %or3A_203 = arith.ori %and3A_201, %or3A_202 : vector<16xi32>
    %bitcast_convert_type3A_204 = tpu.bitcast %or3A_203 : vector<16xi32> -> vector<16xf32>
    %gt3A = arith.constant 1.41421354 : f32
    %gt3A_205 = vector.broadcast %gt3A : f32 to vector<16xf32>
    %gt3A_206 = arith.cmpf ogt, %bitcast_convert_type3A_204, %gt3A_205 : vector<16xf32>
    %mul3A_207 = arith.constant 5.000000e-01 : f32
    %mul3A_208 = vector.broadcast %mul3A_207 : f32 to vector<16xf32>
    %mul3A_209 = arith.mulf %bitcast_convert_type3A_204, %mul3A_208 : vector<16xf32>
    %select_n3A_210 = arith.select %gt3A_206, %mul3A_209, %bitcast_convert_type3A_204 : vector<16xi1>, vector<16xf32>
    %convert_element_type3A_211 = arith.extui %gt3A_206 : vector<16xi1> to vector<16xi32>
    %add3A_212 = arith.addi %sub3A_198, %convert_element_type3A_211 : vector<16xi32>
    %convert_element_type3A_213 = arith.sitofp %add3A_212 : vector<16xi32> to vector<16xf32>
    %sub3A_214 = arith.constant 1.000000e+00 : f32
    %sub3A_215 = vector.broadcast %sub3A_214 : f32 to vector<16xf32>
    %sub3A_216 = arith.subf %select_n3A_210, %sub3A_215 : vector<16xf32>
    %add3A_217 = arith.constant 1.000000e+00 : f32
    %add3A_218 = vector.broadcast %add3A_217 : f32 to vector<16xf32>
    %add3A_219 = arith.addf %select_n3A_210, %add3A_218 : vector<16xf32>
    %div3A_220 = arith.divf %sub3A_216, %add3A_219 : vector<16xf32>
    %mul3A_221 = arith.mulf %div3A_220, %div3A_220 : vector<16xf32>
    %mul3A_222 = arith.constant 0.222222224 : f32
    %mul3A_223 = vector.broadcast %mul3A_222 : f32 to vector<16xf32>
    %mul3A_224 = arith.mulf %mul3A_221, %mul3A_223 : vector<16xf32>
    %add3A_225 = arith.constant 0.285714298 : f32
    %add3A_226 = vector.broadcast %add3A_225 : f32 to vector<16xf32>
    %add3A_227 = arith.addf %add3A_226, %mul3A_224 : vector<16xf32>
    %mul3A_228 = arith.mulf %mul3A_221, %add3A_227 : vector<16xf32>
    %add3A_229 = arith.constant 4.000000e-01 : f32
    %add3A_230 = vector.broadcast %add3A_229 : f32 to vector<16xf32>
    %add3A_231 = arith.addf %add3A_230, %mul3A_228 : vector<16xf32>
    %mul3A_232 = arith.mulf %mul3A_221, %add3A_231 : vector<16xf32>
    %add3A_233 = arith.constant 0.666666686 : f32
    %add3A_234 = vector.broadcast %add3A_233 : f32 to vector<16xf32>
    %add3A_235 = arith.addf %add3A_234, %mul3A_232 : vector<16xf32>
    %mul3A_236 = arith.mulf %mul3A_221, %add3A_235 : vector<16xf32>
    %add3A_237 = arith.constant 2.000000e+00 : f32
    %add3A_238 = vector.broadcast %add3A_237 : f32 to vector<16xf32>
    %add3A_239 = arith.addf %add3A_238, %mul3A_236 : vector<16xf32>
    %mul3A_240 = arith.mulf %div3A_220, %add3A_239 : vector<16xf32>
    %mul3A_241 = arith.constant 0.693147182 : f32
    %mul3A_242 = vector.broadcast %mul3A_241 : f32 to vector<16xf32>
    %mul3A_243 = arith.mulf %convert_element_type3A_213, %mul3A_242 : vector<16xf32>
    %add3A_244 = arith.addf %mul3A_243, %mul3A_240 : vector<16xf32>
    %add3A_245 = arith.addf %scan3A_186, %add3A_244 : vector<16xf32>
    %add3A_246 = arith.addi %add3A_179, %convert_element_type3A_168 : vector<16xi32>
    %gather3A_247 = tpu.vector_load_idx %arg13[%add3A_246, %scan3A_45] : memref<132x300xf32, #tpu.memory_space<vmem>>[vector<16xi32>, vector<16xi32>], vector<16xf32>,
    %add3A_248 = arith.addi %add3A_179, %convert_element_type3A_168 : vector<16xi32>
    %add3A_249 = arith.constant 1 : i32
    %add3A_250 = vector.broadcast %add3A_249 : i32 to vector<16xi32>
    %add3A_251 = arith.addi %add3A_248, %add3A_250 : vector<16xi32>
    %gather3A_252 = tpu.vector_load_idx %arg13[%add3A_251, %scan3A_45] : memref<132x300xf32, #tpu.memory_space<vmem>>[vector<16xi32>, vector<16xi32>], vector<16xf32>,
    %mul3A_253 = arith.mulf %sub3A_173, %gather3A_247 : vector<16xf32>
    %sub3A_254 = arith.subf %add3A_245, %mul3A_253 : vector<16xf32>
    %mul3A_255 = arith.mulf %sub3A_174, %gather3A_252 : vector<16xf32>
    %sub3A_256 = arith.subf %sub3A_254, %mul3A_255 : vector<16xf32>
    %reduce_sum3A_257 = arith.constant true
    %reduce_sum3A_258 = vector.broadcast %reduce_sum3A_257 : i1 to vector<16xi1>
    %reduce_sum3A_259 = tpu.scan <sum>, %sub3A_256 masked %reduce_sum3A_258 : vector<16xf32>, vector<16xi1> -> vector<16xf32>
    %reduce_sum3A_260 = vector.extract %reduce_sum3A_259[15] : f32 from vector<16xf32>
    %add3A_261 = arith.constant 0.000000e+00 : f32
    %add3A_262 = arith.addf %add3A_261, %reduce_sum3A_260 : f32
    %mul3A_263 = arith.constant 3.200000e+01 : f32
    %mul3A_264 = vector.broadcast %mul3A_263 : f32 to vector<16xf32>
    %mul3A_265 = arith.mulf %sub3A_157, %mul3A_264 : vector<16xf32>
    %jit3A_266 = arith.constant 0.000000e+00 : f32
    %jit3A_267 = arith.constant 3.199000e+01 : f32
    %max3A_268 = vector.broadcast %jit3A_266 : f32 to vector<16xf32>
    %max3A_269 = arith.maximumf %max3A_268, %mul3A_265 : vector<16xf32>
    %min3A_270 = vector.broadcast %jit3A_267 : f32 to vector<16xf32>
    %min3A_271 = arith.minimumf %min3A_270, %max3A_269 : vector<16xf32>
    %convert_element_type3A_272 = arith.fptosi %min3A_271 : vector<16xf32> to vector<16xi32>
    %convert_element_type3A_273 = arith.sitofp %convert_element_type3A_272 : vector<16xi32> to vector<16xf32>
    %add3A_274 = arith.constant 1.000000e+00 : f32
    %add3A_275 = vector.broadcast %add3A_274 : f32 to vector<16xf32>
    %add3A_276 = arith.addf %convert_element_type3A_273, %add3A_275 : vector<16xf32>
    %sub3A_277 = arith.subf %add3A_276, %min3A_271 : vector<16xf32>
    %sub3A_278 = arith.subf %min3A_271, %convert_element_type3A_273 : vector<16xf32>
    %broadcast_in_dim3A_279 = arith.constant 0 : i32
    %broadcast_in_dim3A_280 = vector.broadcast %broadcast_in_dim3A_279 : i32 to vector<16xi32>
    %add3A_281 = arith.constant 33 : i32
    %add3A_282 = vector.broadcast %add3A_281 : i32 to vector<16xi32>
    %add3A_283 = arith.addi %broadcast_in_dim3A_280, %add3A_282 : vector<16xi32>
    %broadcast_in_dim3A_284 = arith.constant -1.000000e+30 : f32
    %broadcast_in_dim3A_285 = vector.broadcast %broadcast_in_dim3A_284 : f32 to vector<16xf32>
    %scan3A_286 = arith.constant 0 : i32
    %scan3A_287 = arith.constant 33 : i32
    %scan3A_288 = arith.addi %scan3A_286, %scan3A_287 : i32
    %scan3A_289 = arith.constant 1 : i32
    %scan3A_290 = scf.for %scan3A_617 = %scan3A_286 to %scan3A_288 step %scan3A_289 iter_args(%scan3A_618 = %broadcast_in_dim3A_285) -> (vector<16xf32>)  : i32 {
      %add3A_619 = vector.broadcast %scan3A_617 : i32 to vector<16xi32>
      %add3A_620 = arith.addi %add3A_283, %add3A_619 : vector<16xi32>
      %gather3A_621 = tpu.vector_load_idx %arg13[%add3A_620, %scan3A_45] : memref<132x300xf32, #tpu.memory_space<vmem>>[vector<16xi32>, vector<16xi32>], vector<16xf32>,
      %max3A_622 = arith.maximumf %scan3A_618, %gather3A_621 : vector<16xf32>
      scf.yield %max3A_622 : vector<16xf32>
    }
    %scan3A_291 = arith.constant 33 : i32
    %scan3A_292 = arith.constant 0 : i32
    %scan3A_293 = arith.constant 33 : i32
    %scan3A_294 = arith.addi %scan3A_292, %scan3A_293 : i32
    %scan3A_295 = arith.constant 1 : i32
    %scan3A_296 = scf.for %scan3A_617 = %scan3A_292 to %scan3A_294 step %scan3A_295 iter_args(%scan3A_618 = %broadcast_in_dim3A_1) -> (vector<16xf32>)  : i32 {
      %add3A_619 = vector.broadcast %scan3A_617 : i32 to vector<16xi32>
      %add3A_620 = arith.addi %add3A_283, %add3A_619 : vector<16xi32>
      %gather3A_621 = tpu.vector_load_idx %arg13[%add3A_620, %scan3A_45] : memref<132x300xf32, #tpu.memory_space<vmem>>[vector<16xi32>, vector<16xi32>], vector<16xf32>,
      %sub3A_622 = arith.subf %gather3A_621, %scan3A_290 : vector<16xf32>
      %exp3A_623 = math.exp %sub3A_622 : vector<16xf32>
      %add3A_624 = arith.addf %scan3A_618, %exp3A_623 : vector<16xf32>
      scf.yield %add3A_624 : vector<16xf32>
    }
    %scan3A_297 = arith.constant 33 : i32
    %bitcast_convert_type3A_298 = tpu.bitcast %scan3A_296 : vector<16xf32> -> vector<16xi32>
    %shift_right_arithmetic3A_299 = arith.constant 23 : i32
    %shift_right_arithmetic3A_300 = vector.broadcast %shift_right_arithmetic3A_299 : i32 to vector<16xi32>
    %shift_right_arithmetic3A_301 = arith.shrsi %bitcast_convert_type3A_298, %shift_right_arithmetic3A_300 : vector<16xi32>
    %sub3A_302 = arith.constant 127 : i32
    %sub3A_303 = vector.broadcast %sub3A_302 : i32 to vector<16xi32>
    %sub3A_304 = arith.subi %shift_right_arithmetic3A_301, %sub3A_303 : vector<16xi32>
    %and3A_305 = arith.constant 8388607 : i32
    %and3A_306 = vector.broadcast %and3A_305 : i32 to vector<16xi32>
    %and3A_307 = arith.andi %bitcast_convert_type3A_298, %and3A_306 : vector<16xi32>
    %or3A_308 = arith.constant 1065353216 : i32
    %or3A_309 = vector.broadcast %or3A_308 : i32 to vector<16xi32>
    %or3A_310 = arith.ori %and3A_307, %or3A_309 : vector<16xi32>
    %bitcast_convert_type3A_311 = tpu.bitcast %or3A_310 : vector<16xi32> -> vector<16xf32>
    %gt3A_312 = arith.constant 1.41421354 : f32
    %gt3A_313 = vector.broadcast %gt3A_312 : f32 to vector<16xf32>
    %gt3A_314 = arith.cmpf ogt, %bitcast_convert_type3A_311, %gt3A_313 : vector<16xf32>
    %mul3A_315 = arith.constant 5.000000e-01 : f32
    %mul3A_316 = vector.broadcast %mul3A_315 : f32 to vector<16xf32>
    %mul3A_317 = arith.mulf %bitcast_convert_type3A_311, %mul3A_316 : vector<16xf32>
    %select_n3A_318 = arith.select %gt3A_314, %mul3A_317, %bitcast_convert_type3A_311 : vector<16xi1>, vector<16xf32>
    %convert_element_type3A_319 = arith.extui %gt3A_314 : vector<16xi1> to vector<16xi32>
    %add3A_320 = arith.addi %sub3A_304, %convert_element_type3A_319 : vector<16xi32>
    %convert_element_type3A_321 = arith.sitofp %add3A_320 : vector<16xi32> to vector<16xf32>
    %sub3A_322 = arith.constant 1.000000e+00 : f32
    %sub3A_323 = vector.broadcast %sub3A_322 : f32 to vector<16xf32>
    %sub3A_324 = arith.subf %select_n3A_318, %sub3A_323 : vector<16xf32>
    %add3A_325 = arith.constant 1.000000e+00 : f32
    %add3A_326 = vector.broadcast %add3A_325 : f32 to vector<16xf32>
    %add3A_327 = arith.addf %select_n3A_318, %add3A_326 : vector<16xf32>
    %div3A_328 = arith.divf %sub3A_324, %add3A_327 : vector<16xf32>
    %mul3A_329 = arith.mulf %div3A_328, %div3A_328 : vector<16xf32>
    %mul3A_330 = arith.constant 0.222222224 : f32
    %mul3A_331 = vector.broadcast %mul3A_330 : f32 to vector<16xf32>
    %mul3A_332 = arith.mulf %mul3A_329, %mul3A_331 : vector<16xf32>
    %add3A_333 = arith.constant 0.285714298 : f32
    %add3A_334 = vector.broadcast %add3A_333 : f32 to vector<16xf32>
    %add3A_335 = arith.addf %add3A_334, %mul3A_332 : vector<16xf32>
    %mul3A_336 = arith.mulf %mul3A_329, %add3A_335 : vector<16xf32>
    %add3A_337 = arith.constant 4.000000e-01 : f32
    %add3A_338 = vector.broadcast %add3A_337 : f32 to vector<16xf32>
    %add3A_339 = arith.addf %add3A_338, %mul3A_336 : vector<16xf32>
    %mul3A_340 = arith.mulf %mul3A_329, %add3A_339 : vector<16xf32>
    %add3A_341 = arith.constant 0.666666686 : f32
    %add3A_342 = vector.broadcast %add3A_341 : f32 to vector<16xf32>
    %add3A_343 = arith.addf %add3A_342, %mul3A_340 : vector<16xf32>
    %mul3A_344 = arith.mulf %mul3A_329, %add3A_343 : vector<16xf32>
    %add3A_345 = arith.constant 2.000000e+00 : f32
    %add3A_346 = vector.broadcast %add3A_345 : f32 to vector<16xf32>
    %add3A_347 = arith.addf %add3A_346, %mul3A_344 : vector<16xf32>
    %mul3A_348 = arith.mulf %div3A_328, %add3A_347 : vector<16xf32>
    %mul3A_349 = arith.constant 0.693147182 : f32
    %mul3A_350 = vector.broadcast %mul3A_349 : f32 to vector<16xf32>
    %mul3A_351 = arith.mulf %convert_element_type3A_321, %mul3A_350 : vector<16xf32>
    %add3A_352 = arith.addf %mul3A_351, %mul3A_348 : vector<16xf32>
    %add3A_353 = arith.addf %scan3A_290, %add3A_352 : vector<16xf32>
    %add3A_354 = arith.addi %add3A_283, %convert_element_type3A_272 : vector<16xi32>
    %gather3A_355 = tpu.vector_load_idx %arg13[%add3A_354, %scan3A_45] : memref<132x300xf32, #tpu.memory_space<vmem>>[vector<16xi32>, vector<16xi32>], vector<16xf32>,
    %add3A_356 = arith.addi %add3A_283, %convert_element_type3A_272 : vector<16xi32>
    %add3A_357 = arith.constant 1 : i32
    %add3A_358 = vector.broadcast %add3A_357 : i32 to vector<16xi32>
    %add3A_359 = arith.addi %add3A_356, %add3A_358 : vector<16xi32>
    %gather3A_360 = tpu.vector_load_idx %arg13[%add3A_359, %scan3A_45] : memref<132x300xf32, #tpu.memory_space<vmem>>[vector<16xi32>, vector<16xi32>], vector<16xf32>,
    %mul3A_361 = arith.mulf %sub3A_277, %gather3A_355 : vector<16xf32>
    %sub3A_362 = arith.subf %add3A_353, %mul3A_361 : vector<16xf32>
    %mul3A_363 = arith.mulf %sub3A_278, %gather3A_360 : vector<16xf32>
    %sub3A_364 = arith.subf %sub3A_362, %mul3A_363 : vector<16xf32>
    %reduce_sum3A_365 = arith.constant true
    %reduce_sum3A_366 = vector.broadcast %reduce_sum3A_365 : i1 to vector<16xi1>
    %reduce_sum3A_367 = tpu.scan <sum>, %sub3A_364 masked %reduce_sum3A_366 : vector<16xf32>, vector<16xi1> -> vector<16xf32>
    %reduce_sum3A_368 = vector.extract %reduce_sum3A_367[15] : f32 from vector<16xf32>
    %add3A_369 = arith.addf %add3A_262, %reduce_sum3A_368 : f32
    %mul3A_370 = arith.constant 3.200000e+01 : f32
    %mul3A_371 = vector.broadcast %mul3A_370 : f32 to vector<16xf32>
    %mul3A_372 = arith.mulf %sub3A_158, %mul3A_371 : vector<16xf32>
    %jit3A_373 = arith.constant 0.000000e+00 : f32
    %jit3A_374 = arith.constant 3.199000e+01 : f32
    %max3A_375 = vector.broadcast %jit3A_373 : f32 to vector<16xf32>
    %max3A_376 = arith.maximumf %max3A_375, %mul3A_372 : vector<16xf32>
    %min3A_377 = vector.broadcast %jit3A_374 : f32 to vector<16xf32>
    %min3A_378 = arith.minimumf %min3A_377, %max3A_376 : vector<16xf32>
    %convert_element_type3A_379 = arith.fptosi %min3A_378 : vector<16xf32> to vector<16xi32>
    %convert_element_type3A_380 = arith.sitofp %convert_element_type3A_379 : vector<16xi32> to vector<16xf32>
    %add3A_381 = arith.constant 1.000000e+00 : f32
    %add3A_382 = vector.broadcast %add3A_381 : f32 to vector<16xf32>
    %add3A_383 = arith.addf %convert_element_type3A_380, %add3A_382 : vector<16xf32>
    %sub3A_384 = arith.subf %add3A_383, %min3A_378 : vector<16xf32>
    %sub3A_385 = arith.subf %min3A_378, %convert_element_type3A_380 : vector<16xf32>
    %broadcast_in_dim3A_386 = arith.constant 0 : i32
    %broadcast_in_dim3A_387 = vector.broadcast %broadcast_in_dim3A_386 : i32 to vector<16xi32>
    %add3A_388 = arith.constant 66 : i32
    %add3A_389 = vector.broadcast %add3A_388 : i32 to vector<16xi32>
    %add3A_390 = arith.addi %broadcast_in_dim3A_387, %add3A_389 : vector<16xi32>
    %broadcast_in_dim3A_391 = arith.constant -1.000000e+30 : f32
    %broadcast_in_dim3A_392 = vector.broadcast %broadcast_in_dim3A_391 : f32 to vector<16xf32>
    %scan3A_393 = arith.constant 0 : i32
    %scan3A_394 = arith.constant 33 : i32
    %scan3A_395 = arith.addi %scan3A_393, %scan3A_394 : i32
    %scan3A_396 = arith.constant 1 : i32
    %scan3A_397 = scf.for %scan3A_617 = %scan3A_393 to %scan3A_395 step %scan3A_396 iter_args(%scan3A_618 = %broadcast_in_dim3A_392) -> (vector<16xf32>)  : i32 {
      %add3A_619 = vector.broadcast %scan3A_617 : i32 to vector<16xi32>
      %add3A_620 = arith.addi %add3A_390, %add3A_619 : vector<16xi32>
      %gather3A_621 = tpu.vector_load_idx %arg13[%add3A_620, %scan3A_45] : memref<132x300xf32, #tpu.memory_space<vmem>>[vector<16xi32>, vector<16xi32>], vector<16xf32>,
      %max3A_622 = arith.maximumf %scan3A_618, %gather3A_621 : vector<16xf32>
      scf.yield %max3A_622 : vector<16xf32>
    }
    %scan3A_398 = arith.constant 33 : i32
    %scan3A_399 = arith.constant 0 : i32
    %scan3A_400 = arith.constant 33 : i32
    %scan3A_401 = arith.addi %scan3A_399, %scan3A_400 : i32
    %scan3A_402 = arith.constant 1 : i32
    %scan3A_403 = scf.for %scan3A_617 = %scan3A_399 to %scan3A_401 step %scan3A_402 iter_args(%scan3A_618 = %broadcast_in_dim3A_1) -> (vector<16xf32>)  : i32 {
      %add3A_619 = vector.broadcast %scan3A_617 : i32 to vector<16xi32>
      %add3A_620 = arith.addi %add3A_390, %add3A_619 : vector<16xi32>
      %gather3A_621 = tpu.vector_load_idx %arg13[%add3A_620, %scan3A_45] : memref<132x300xf32, #tpu.memory_space<vmem>>[vector<16xi32>, vector<16xi32>], vector<16xf32>,
      %sub3A_622 = arith.subf %gather3A_621, %scan3A_397 : vector<16xf32>
      %exp3A_623 = math.exp %sub3A_622 : vector<16xf32>
      %add3A_624 = arith.addf %scan3A_618, %exp3A_623 : vector<16xf32>
      scf.yield %add3A_624 : vector<16xf32>
    }
    %scan3A_404 = arith.constant 33 : i32
    %bitcast_convert_type3A_405 = tpu.bitcast %scan3A_403 : vector<16xf32> -> vector<16xi32>
    %shift_right_arithmetic3A_406 = arith.constant 23 : i32
    %shift_right_arithmetic3A_407 = vector.broadcast %shift_right_arithmetic3A_406 : i32 to vector<16xi32>
    %shift_right_arithmetic3A_408 = arith.shrsi %bitcast_convert_type3A_405, %shift_right_arithmetic3A_407 : vector<16xi32>
    %sub3A_409 = arith.constant 127 : i32
    %sub3A_410 = vector.broadcast %sub3A_409 : i32 to vector<16xi32>
    %sub3A_411 = arith.subi %shift_right_arithmetic3A_408, %sub3A_410 : vector<16xi32>
    %and3A_412 = arith.constant 8388607 : i32
    %and3A_413 = vector.broadcast %and3A_412 : i32 to vector<16xi32>
    %and3A_414 = arith.andi %bitcast_convert_type3A_405, %and3A_413 : vector<16xi32>
    %or3A_415 = arith.constant 1065353216 : i32
    %or3A_416 = vector.broadcast %or3A_415 : i32 to vector<16xi32>
    %or3A_417 = arith.ori %and3A_414, %or3A_416 : vector<16xi32>
    %bitcast_convert_type3A_418 = tpu.bitcast %or3A_417 : vector<16xi32> -> vector<16xf32>
    %gt3A_419 = arith.constant 1.41421354 : f32
    %gt3A_420 = vector.broadcast %gt3A_419 : f32 to vector<16xf32>
    %gt3A_421 = arith.cmpf ogt, %bitcast_convert_type3A_418, %gt3A_420 : vector<16xf32>
    %mul3A_422 = arith.constant 5.000000e-01 : f32
    %mul3A_423 = vector.broadcast %mul3A_422 : f32 to vector<16xf32>
    %mul3A_424 = arith.mulf %bitcast_convert_type3A_418, %mul3A_423 : vector<16xf32>
    %select_n3A_425 = arith.select %gt3A_421, %mul3A_424, %bitcast_convert_type3A_418 : vector<16xi1>, vector<16xf32>
    %convert_element_type3A_426 = arith.extui %gt3A_421 : vector<16xi1> to vector<16xi32>
    %add3A_427 = arith.addi %sub3A_411, %convert_element_type3A_426 : vector<16xi32>
    %convert_element_type3A_428 = arith.sitofp %add3A_427 : vector<16xi32> to vector<16xf32>
    %sub3A_429 = arith.constant 1.000000e+00 : f32
    %sub3A_430 = vector.broadcast %sub3A_429 : f32 to vector<16xf32>
    %sub3A_431 = arith.subf %select_n3A_425, %sub3A_430 : vector<16xf32>
    %add3A_432 = arith.constant 1.000000e+00 : f32
    %add3A_433 = vector.broadcast %add3A_432 : f32 to vector<16xf32>
    %add3A_434 = arith.addf %select_n3A_425, %add3A_433 : vector<16xf32>
    %div3A_435 = arith.divf %sub3A_431, %add3A_434 : vector<16xf32>
    %mul3A_436 = arith.mulf %div3A_435, %div3A_435 : vector<16xf32>
    %mul3A_437 = arith.constant 0.222222224 : f32
    %mul3A_438 = vector.broadcast %mul3A_437 : f32 to vector<16xf32>
    %mul3A_439 = arith.mulf %mul3A_436, %mul3A_438 : vector<16xf32>
    %add3A_440 = arith.constant 0.285714298 : f32
    %add3A_441 = vector.broadcast %add3A_440 : f32 to vector<16xf32>
    %add3A_442 = arith.addf %add3A_441, %mul3A_439 : vector<16xf32>
    %mul3A_443 = arith.mulf %mul3A_436, %add3A_442 : vector<16xf32>
    %add3A_444 = arith.constant 4.000000e-01 : f32
    %add3A_445 = vector.broadcast %add3A_444 : f32 to vector<16xf32>
    %add3A_446 = arith.addf %add3A_445, %mul3A_443 : vector<16xf32>
    %mul3A_447 = arith.mulf %mul3A_436, %add3A_446 : vector<16xf32>
    %add3A_448 = arith.constant 0.666666686 : f32
    %add3A_449 = vector.broadcast %add3A_448 : f32 to vector<16xf32>
    %add3A_450 = arith.addf %add3A_449, %mul3A_447 : vector<16xf32>
    %mul3A_451 = arith.mulf %mul3A_436, %add3A_450 : vector<16xf32>
    %add3A_452 = arith.constant 2.000000e+00 : f32
    %add3A_453 = vector.broadcast %add3A_452 : f32 to vector<16xf32>
    %add3A_454 = arith.addf %add3A_453, %mul3A_451 : vector<16xf32>
    %mul3A_455 = arith.mulf %div3A_435, %add3A_454 : vector<16xf32>
    %mul3A_456 = arith.constant 0.693147182 : f32
    %mul3A_457 = vector.broadcast %mul3A_456 : f32 to vector<16xf32>
    %mul3A_458 = arith.mulf %convert_element_type3A_428, %mul3A_457 : vector<16xf32>
    %add3A_459 = arith.addf %mul3A_458, %mul3A_455 : vector<16xf32>
    %add3A_460 = arith.addf %scan3A_397, %add3A_459 : vector<16xf32>
    %add3A_461 = arith.addi %add3A_390, %convert_element_type3A_379 : vector<16xi32>
    %gather3A_462 = tpu.vector_load_idx %arg13[%add3A_461, %scan3A_45] : memref<132x300xf32, #tpu.memory_space<vmem>>[vector<16xi32>, vector<16xi32>], vector<16xf32>,
    %add3A_463 = arith.addi %add3A_390, %convert_element_type3A_379 : vector<16xi32>
    %add3A_464 = arith.constant 1 : i32
    %add3A_465 = vector.broadcast %add3A_464 : i32 to vector<16xi32>
    %add3A_466 = arith.addi %add3A_463, %add3A_465 : vector<16xi32>
    %gather3A_467 = tpu.vector_load_idx %arg13[%add3A_466, %scan3A_45] : memref<132x300xf32, #tpu.memory_space<vmem>>[vector<16xi32>, vector<16xi32>], vector<16xf32>,
    %mul3A_468 = arith.mulf %sub3A_384, %gather3A_462 : vector<16xf32>
    %sub3A_469 = arith.subf %add3A_460, %mul3A_468 : vector<16xf32>
    %mul3A_470 = arith.mulf %sub3A_385, %gather3A_467 : vector<16xf32>
    %sub3A_471 = arith.subf %sub3A_469, %mul3A_470 : vector<16xf32>
    %reduce_sum3A_472 = arith.constant true
    %reduce_sum3A_473 = vector.broadcast %reduce_sum3A_472 : i1 to vector<16xi1>
    %reduce_sum3A_474 = tpu.scan <sum>, %sub3A_471 masked %reduce_sum3A_473 : vector<16xf32>, vector<16xi1> -> vector<16xf32>
    %reduce_sum3A_475 = vector.extract %reduce_sum3A_474[15] : f32 from vector<16xf32>
    %add3A_476 = arith.addf %add3A_369, %reduce_sum3A_475 : f32
    %mul3A_477 = arith.constant 3.200000e+01 : f32
    %mul3A_478 = vector.broadcast %mul3A_477 : f32 to vector<16xf32>
    %mul3A_479 = arith.mulf %sub3A_159, %mul3A_478 : vector<16xf32>
    %jit3A_480 = arith.constant 0.000000e+00 : f32
    %jit3A_481 = arith.constant 3.199000e+01 : f32
    %max3A_482 = vector.broadcast %jit3A_480 : f32 to vector<16xf32>
    %max3A_483 = arith.maximumf %max3A_482, %mul3A_479 : vector<16xf32>
    %min3A_484 = vector.broadcast %jit3A_481 : f32 to vector<16xf32>
    %min3A_485 = arith.minimumf %min3A_484, %max3A_483 : vector<16xf32>
    %convert_element_type3A_486 = arith.fptosi %min3A_485 : vector<16xf32> to vector<16xi32>
    %convert_element_type3A_487 = arith.sitofp %convert_element_type3A_486 : vector<16xi32> to vector<16xf32>
    %add3A_488 = arith.constant 1.000000e+00 : f32
    %add3A_489 = vector.broadcast %add3A_488 : f32 to vector<16xf32>
    %add3A_490 = arith.addf %convert_element_type3A_487, %add3A_489 : vector<16xf32>
    %sub3A_491 = arith.subf %add3A_490, %min3A_485 : vector<16xf32>
    %sub3A_492 = arith.subf %min3A_485, %convert_element_type3A_487 : vector<16xf32>
    %broadcast_in_dim3A_493 = arith.constant 0 : i32
    %broadcast_in_dim3A_494 = vector.broadcast %broadcast_in_dim3A_493 : i32 to vector<16xi32>
    %add3A_495 = arith.constant 99 : i32
    %add3A_496 = vector.broadcast %add3A_495 : i32 to vector<16xi32>
    %add3A_497 = arith.addi %broadcast_in_dim3A_494, %add3A_496 : vector<16xi32>
    %broadcast_in_dim3A_498 = arith.constant -1.000000e+30 : f32
    %broadcast_in_dim3A_499 = vector.broadcast %broadcast_in_dim3A_498 : f32 to vector<16xf32>
    %scan3A_500 = arith.constant 0 : i32
    %scan3A_501 = arith.constant 33 : i32
    %scan3A_502 = arith.addi %scan3A_500, %scan3A_501 : i32
    %scan3A_503 = arith.constant 1 : i32
    %scan3A_504 = scf.for %scan3A_617 = %scan3A_500 to %scan3A_502 step %scan3A_503 iter_args(%scan3A_618 = %broadcast_in_dim3A_499) -> (vector<16xf32>)  : i32 {
      %add3A_619 = vector.broadcast %scan3A_617 : i32 to vector<16xi32>
      %add3A_620 = arith.addi %add3A_497, %add3A_619 : vector<16xi32>
      %gather3A_621 = tpu.vector_load_idx %arg13[%add3A_620, %scan3A_45] : memref<132x300xf32, #tpu.memory_space<vmem>>[vector<16xi32>, vector<16xi32>], vector<16xf32>,
      %max3A_622 = arith.maximumf %scan3A_618, %gather3A_621 : vector<16xf32>
      scf.yield %max3A_622 : vector<16xf32>
    }
    %scan3A_505 = arith.constant 33 : i32
    %scan3A_506 = arith.constant 0 : i32
    %scan3A_507 = arith.constant 33 : i32
    %scan3A_508 = arith.addi %scan3A_506, %scan3A_507 : i32
    %scan3A_509 = arith.constant 1 : i32
    %scan3A_510 = scf.for %scan3A_617 = %scan3A_506 to %scan3A_508 step %scan3A_509 iter_args(%scan3A_618 = %broadcast_in_dim3A_1) -> (vector<16xf32>)  : i32 {
      %add3A_619 = vector.broadcast %scan3A_617 : i32 to vector<16xi32>
      %add3A_620 = arith.addi %add3A_497, %add3A_619 : vector<16xi32>
      %gather3A_621 = tpu.vector_load_idx %arg13[%add3A_620, %scan3A_45] : memref<132x300xf32, #tpu.memory_space<vmem>>[vector<16xi32>, vector<16xi32>], vector<16xf32>,
      %sub3A_622 = arith.subf %gather3A_621, %scan3A_504 : vector<16xf32>
      %exp3A_623 = math.exp %sub3A_622 : vector<16xf32>
      %add3A_624 = arith.addf %scan3A_618, %exp3A_623 : vector<16xf32>
      scf.yield %add3A_624 : vector<16xf32>
    }
    %scan3A_511 = arith.constant 33 : i32
    %bitcast_convert_type3A_512 = tpu.bitcast %scan3A_510 : vector<16xf32> -> vector<16xi32>
    %shift_right_arithmetic3A_513 = arith.constant 23 : i32
    %shift_right_arithmetic3A_514 = vector.broadcast %shift_right_arithmetic3A_513 : i32 to vector<16xi32>
    %shift_right_arithmetic3A_515 = arith.shrsi %bitcast_convert_type3A_512, %shift_right_arithmetic3A_514 : vector<16xi32>
    %sub3A_516 = arith.constant 127 : i32
    %sub3A_517 = vector.broadcast %sub3A_516 : i32 to vector<16xi32>
    %sub3A_518 = arith.subi %shift_right_arithmetic3A_515, %sub3A_517 : vector<16xi32>
    %and3A_519 = arith.constant 8388607 : i32
    %and3A_520 = vector.broadcast %and3A_519 : i32 to vector<16xi32>
    %and3A_521 = arith.andi %bitcast_convert_type3A_512, %and3A_520 : vector<16xi32>
    %or3A_522 = arith.constant 1065353216 : i32
    %or3A_523 = vector.broadcast %or3A_522 : i32 to vector<16xi32>
    %or3A_524 = arith.ori %and3A_521, %or3A_523 : vector<16xi32>
    %bitcast_convert_type3A_525 = tpu.bitcast %or3A_524 : vector<16xi32> -> vector<16xf32>
    %gt3A_526 = arith.constant 1.41421354 : f32
    %gt3A_527 = vector.broadcast %gt3A_526 : f32 to vector<16xf32>
    %gt3A_528 = arith.cmpf ogt, %bitcast_convert_type3A_525, %gt3A_527 : vector<16xf32>
    %mul3A_529 = arith.constant 5.000000e-01 : f32
    %mul3A_530 = vector.broadcast %mul3A_529 : f32 to vector<16xf32>
    %mul3A_531 = arith.mulf %bitcast_convert_type3A_525, %mul3A_530 : vector<16xf32>
    %select_n3A_532 = arith.select %gt3A_528, %mul3A_531, %bitcast_convert_type3A_525 : vector<16xi1>, vector<16xf32>
    %convert_element_type3A_533 = arith.extui %gt3A_528 : vector<16xi1> to vector<16xi32>
    %add3A_534 = arith.addi %sub3A_518, %convert_element_type3A_533 : vector<16xi32>
    %convert_element_type3A_535 = arith.sitofp %add3A_534 : vector<16xi32> to vector<16xf32>
    %sub3A_536 = arith.constant 1.000000e+00 : f32
    %sub3A_537 = vector.broadcast %sub3A_536 : f32 to vector<16xf32>
    %sub3A_538 = arith.subf %select_n3A_532, %sub3A_537 : vector<16xf32>
    %add3A_539 = arith.constant 1.000000e+00 : f32
    %add3A_540 = vector.broadcast %add3A_539 : f32 to vector<16xf32>
    %add3A_541 = arith.addf %select_n3A_532, %add3A_540 : vector<16xf32>
    %div3A_542 = arith.divf %sub3A_538, %add3A_541 : vector<16xf32>
    %mul3A_543 = arith.mulf %div3A_542, %div3A_542 : vector<16xf32>
    %mul3A_544 = arith.constant 0.222222224 : f32
    %mul3A_545 = vector.broadcast %mul3A_544 : f32 to vector<16xf32>
    %mul3A_546 = arith.mulf %mul3A_543, %mul3A_545 : vector<16xf32>
    %add3A_547 = arith.constant 0.285714298 : f32
    %add3A_548 = vector.broadcast %add3A_547 : f32 to vector<16xf32>
    %add3A_549 = arith.addf %add3A_548, %mul3A_546 : vector<16xf32>
    %mul3A_550 = arith.mulf %mul3A_543, %add3A_549 : vector<16xf32>
    %add3A_551 = arith.constant 4.000000e-01 : f32
    %add3A_552 = vector.broadcast %add3A_551 : f32 to vector<16xf32>
    %add3A_553 = arith.addf %add3A_552, %mul3A_550 : vector<16xf32>
    %mul3A_554 = arith.mulf %mul3A_543, %add3A_553 : vector<16xf32>
    %add3A_555 = arith.constant 0.666666686 : f32
    %add3A_556 = vector.broadcast %add3A_555 : f32 to vector<16xf32>
    %add3A_557 = arith.addf %add3A_556, %mul3A_554 : vector<16xf32>
    %mul3A_558 = arith.mulf %mul3A_543, %add3A_557 : vector<16xf32>
    %add3A_559 = arith.constant 2.000000e+00 : f32
    %add3A_560 = vector.broadcast %add3A_559 : f32 to vector<16xf32>
    %add3A_561 = arith.addf %add3A_560, %mul3A_558 : vector<16xf32>
    %mul3A_562 = arith.mulf %div3A_542, %add3A_561 : vector<16xf32>
    %mul3A_563 = arith.constant 0.693147182 : f32
    %mul3A_564 = vector.broadcast %mul3A_563 : f32 to vector<16xf32>
    %mul3A_565 = arith.mulf %convert_element_type3A_535, %mul3A_564 : vector<16xf32>
    %add3A_566 = arith.addf %mul3A_565, %mul3A_562 : vector<16xf32>
    %add3A_567 = arith.addf %scan3A_504, %add3A_566 : vector<16xf32>
    %add3A_568 = arith.addi %add3A_497, %convert_element_type3A_486 : vector<16xi32>
    %gather3A_569 = tpu.vector_load_idx %arg13[%add3A_568, %scan3A_45] : memref<132x300xf32, #tpu.memory_space<vmem>>[vector<16xi32>, vector<16xi32>], vector<16xf32>,
    %add3A_570 = arith.addi %add3A_497, %convert_element_type3A_486 : vector<16xi32>
    %add3A_571 = arith.constant 1 : i32
    %add3A_572 = vector.broadcast %add3A_571 : i32 to vector<16xi32>
    %add3A_573 = arith.addi %add3A_570, %add3A_572 : vector<16xi32>
    %gather3A_574 = tpu.vector_load_idx %arg13[%add3A_573, %scan3A_45] : memref<132x300xf32, #tpu.memory_space<vmem>>[vector<16xi32>, vector<16xi32>], vector<16xf32>,
    %mul3A_575 = arith.mulf %sub3A_491, %gather3A_569 : vector<16xf32>
    %sub3A_576 = arith.subf %add3A_567, %mul3A_575 : vector<16xf32>
    %mul3A_577 = arith.mulf %sub3A_492, %gather3A_574 : vector<16xf32>
    %sub3A_578 = arith.subf %sub3A_576, %mul3A_577 : vector<16xf32>
    %reduce_sum3A_579 = arith.constant true
    %reduce_sum3A_580 = vector.broadcast %reduce_sum3A_579 : i1 to vector<16xi1>
    %reduce_sum3A_581 = tpu.scan <sum>, %sub3A_578 masked %reduce_sum3A_580 : vector<16xf32>, vector<16xi1> -> vector<16xf32>
    %reduce_sum3A_582 = vector.extract %reduce_sum3A_581[15] : f32 from vector<16xf32>
    %add3A_583 = arith.addf %add3A_476, %reduce_sum3A_582 : f32
    %eq3A = vector.broadcast %select_n3A : i32 to vector<16xi32>
    %eq3A_584 = arith.cmpi eq, %iota3A, %eq3A : vector<16xi32>
    %get3A_585 = arith.constant 0 : index
    %get3A_586 = tpu.vector_load %arg18[%get3A_585] {strides = array<i32>} : memref<32xf32, #tpu.memory_space<vmem>>, vector<16xf32>,
    %jit3A_587 = arith.constant 0.000000e+00 : f32
    %broadcast_in_dim3A_588 = vector.broadcast %reduce_sum3A_107 : f32 to vector<16xf32>
    %broadcast_in_dim3A_589 = vector.broadcast %jit3A_587 : f32 to vector<16xf32>
    %select_n3A_590 = arith.select %eq3A_584, %broadcast_in_dim3A_588, %broadcast_in_dim3A_589 : vector<16xi1>, vector<16xf32>
    %add3A_591 = arith.addf %get3A_586, %select_n3A_590 : vector<16xf32>
    %swap3A_592 = arith.constant 0 : index
    %swap3A_593 = tpu.vector_load %arg18[%swap3A_592] {strides = array<i32>} : memref<32xf32, #tpu.memory_space<vmem>>, vector<16xf32>,
    tpu.vector_store %arg18[%swap3A_592], %add3A_591 {strides = array<i32>} : memref<32xf32, #tpu.memory_space<vmem>>, vector<16xf32>,
    %get3A_594 = arith.constant 16 : index
    %get3A_595 = tpu.vector_load %arg18[%get3A_594] {strides = array<i32>} : memref<32xf32, #tpu.memory_space<vmem>>, vector<16xf32>,
    %jit3A_596 = arith.constant 0.000000e+00 : f32
    %broadcast_in_dim3A_597 = vector.broadcast %add3A_583 : f32 to vector<16xf32>
    %broadcast_in_dim3A_598 = vector.broadcast %jit3A_596 : f32 to vector<16xf32>
    %select_n3A_599 = arith.select %eq3A_584, %broadcast_in_dim3A_597, %broadcast_in_dim3A_598 : vector<16xi1>, vector<16xf32>
    %add3A_600 = arith.addf %get3A_595, %select_n3A_599 : vector<16xf32>
    %swap3A_601 = arith.constant 16 : index
    %swap3A_602 = tpu.vector_load %arg18[%swap3A_601] {strides = array<i32>} : memref<32xf32, #tpu.memory_space<vmem>>, vector<16xf32>,
    tpu.vector_store %arg18[%swap3A_601], %add3A_600 {strides = array<i32>} : memref<32xf32, #tpu.memory_space<vmem>>, vector<16xf32>,
    %lt3A_603 = arith.constant 16 : i32
    %lt3A_604 = arith.cmpi slt, %add3A, %lt3A_603 : i32
    %convert_element_type3A_605 = arith.extui %lt3A_604 : i1 to i32
    %cond3A_606 = arith.constant 0 : i32
    %cond3A_607 = arith.cmpi ne, %convert_element_type3A_605, %cond3A_606 : i32
    scf.if %cond3A_607 {
      %add3A_617 = arith.constant 32 : i32
      %add3A_618 = arith.addi %add3A, %add3A_617 : i32
      %jit3A_619 = arith.constant 8 : i32
      %div3A_620 = arith.divsi %add3A_618, %jit3A_619 : i32
      %sign3A_621 = arith.constant 0 : i32
      %sign3A_622 = arith.cmpi sgt, %add3A_618, %sign3A_621 : i32
      %sign3A_623 = arith.extui %sign3A_622 : i1 to i32
      %sign3A_624 = arith.constant 0 : i32
      %sign3A_625 = arith.cmpi slt, %add3A_618, %sign3A_624 : i32
      %sign3A_626 = arith.extui %sign3A_625 : i1 to i32
      %sign3A_627 = arith.subi %sign3A_623, %sign3A_626 : i32
      %sign3A_628 = arith.constant 0 : i32
      %sign3A_629 = arith.cmpi sgt, %jit3A_619, %sign3A_628 : i32
      %sign3A_630 = arith.extui %sign3A_629 : i1 to i32
      %sign3A_631 = arith.constant 0 : i32
      %sign3A_632 = arith.cmpi slt, %jit3A_619, %sign3A_631 : i32
      %sign3A_633 = arith.extui %sign3A_632 : i1 to i32
      %sign3A_634 = arith.subi %sign3A_630, %sign3A_633 : i32
      %ne3A_635 = arith.cmpi ne, %sign3A_627, %sign3A_634 : i32
      %rem3A_636 = arith.remsi %add3A_618, %jit3A_619 : i32
      %ne3A_637 = arith.constant 0 : i32
      %ne3A_638 = arith.cmpi ne, %rem3A_636, %ne3A_637 : i32
      %and3A_639 = arith.andi %ne3A_635, %ne3A_638 : i1
      %sub3A_640 = arith.constant 1 : i32
      %sub3A_641 = arith.subi %div3A_620, %sub3A_640 : i32
      %select_n3A_642 = arith.select %and3A_639, %sub3A_641, %div3A_620 : i32
      %mul3A_643 = arith.constant 8 : i32
      %mul3A_644 = arith.muli %select_n3A_642, %mul3A_643 : i32
      %sub3A_645 = arith.subi %add3A_618, %mul3A_644 : i32
      %lt3A_646 = arith.constant 8 : i32
      %lt3A_647 = arith.cmpi slt, %add3A_618, %lt3A_646 : i32
      %convert_element_type3A_648 = arith.extui %lt3A_647 : i1 to i32
      %cond3A_649 = arith.constant 0 : i32
      %cond3A_650 = arith.cmpi ne, %convert_element_type3A_648, %cond3A_649 : i32
      scf.if %cond3A_650 {
        "tpu.region"() ({
          %run_scoped3A = tpu.sem_alloc : memref<!tpu.dma_semaphore, #tpu.memory_space<semaphore_mem>>
          %dma_start3A = arith.constant 0 : i32
          %dma_start3A_1243 = arith.constant 0 : i32
          %dma_start3A_1244 = tpu.memref_slice %arg2[%sub3A_645, %dma_start3A, %dma_start3A_1243] : memref<8x80x300xf32, #tpu.memory_space<hbm>> -> memref<1x80x300xf32, #tpu.memory_space<hbm>>
          %dma_start3A_1245 = tpu.memref_squeeze %dma_start3A_1244 : memref<1x80x300xf32, #tpu.memory_space<hbm>> -> memref<80x300xf32, #tpu.memory_space<hbm>>
          %dma_start3A_1246 = arith.constant 0 : i32
          %dma_start3A_1247 = arith.constant 0 : i32
          %dma_start3A_1248 = tpu.memref_slice %arg2[%sub3A_645, %dma_start3A_1246, %dma_start3A_1247] : memref<8x80x300xf32, #tpu.memory_space<hbm>> -> memref<1x80x300xf32, #tpu.memory_space<hbm>>
          %dma_start3A_1249 = tpu.memref_squeeze %dma_start3A_1248 : memref<1x80x300xf32, #tpu.memory_space<hbm>> -> memref<80x300xf32, #tpu.memory_space<hbm>>
          tpu.enqueue_dma source(%dma_start3A_1249 : memref<80x300xf32, #tpu.memory_space<hbm>>) target(%arg11 : memref<80x300xf32, #tpu.memory_space<vmem>>) target_semaphore(%run_scoped3A : memref<!tpu.dma_semaphore, #tpu.memory_space<semaphore_mem>>)
          %dma_wait3A = arith.constant 0 : i32
          %dma_wait3A_1250 = arith.constant 0 : i32
          %dma_wait3A_1251 = tpu.memref_slice %arg2[%sub3A_645, %dma_wait3A, %dma_wait3A_1250] : memref<8x80x300xf32, #tpu.memory_space<hbm>> -> memref<1x80x300xf32, #tpu.memory_space<hbm>>
          %dma_wait3A_1252 = tpu.memref_squeeze %dma_wait3A_1251 : memref<1x80x300xf32, #tpu.memory_space<hbm>> -> memref<80x300xf32, #tpu.memory_space<hbm>>
          %dma_wait3A_1253 = arith.constant 0 : i32
          %dma_wait3A_1254 = arith.constant 0 : i32
          %dma_wait3A_1255 = tpu.memref_slice %arg2[%sub3A_645, %dma_wait3A_1253, %dma_wait3A_1254] : memref<8x80x300xf32, #tpu.memory_space<hbm>> -> memref<1x80x300xf32, #tpu.memory_space<hbm>>
          %dma_wait3A_1256 = tpu.memref_squeeze %dma_wait3A_1255 : memref<1x80x300xf32, #tpu.memory_space<hbm>> -> memref<80x300xf32, #tpu.memory_space<hbm>>
          tpu.wait_dma2 semaphore(%run_scoped3A : memref<!tpu.dma_semaphore, #tpu.memory_space<semaphore_mem>>) src(%dma_wait3A_1256 : memref<80x300xf32, #tpu.memory_space<hbm>>) dst(%arg11 : memref<80x300xf32, #tpu.memory_space<vmem>>)
          tpu.yield
        }) : () -> ()
        "tpu.region"() ({
          %run_scoped3A = tpu.sem_alloc : memref<!tpu.dma_semaphore, #tpu.memory_space<semaphore_mem>>
          %dma_start3A = arith.constant 0 : i32
          %dma_start3A_1243 = arith.constant 0 : i32
          %dma_start3A_1244 = tpu.memref_slice %arg3[%sub3A_645, %dma_start3A, %dma_start3A_1243] : memref<8x4x300xf32, #tpu.memory_space<hbm>> -> memref<1x4x300xf32, #tpu.memory_space<hbm>>
          %dma_start3A_1245 = tpu.memref_squeeze %dma_start3A_1244 : memref<1x4x300xf32, #tpu.memory_space<hbm>> -> memref<4x300xf32, #tpu.memory_space<hbm>>
          %dma_start3A_1246 = arith.constant 0 : i32
          %dma_start3A_1247 = arith.constant 0 : i32
          %dma_start3A_1248 = tpu.memref_slice %arg3[%sub3A_645, %dma_start3A_1246, %dma_start3A_1247] : memref<8x4x300xf32, #tpu.memory_space<hbm>> -> memref<1x4x300xf32, #tpu.memory_space<hbm>>
          %dma_start3A_1249 = tpu.memref_squeeze %dma_start3A_1248 : memref<1x4x300xf32, #tpu.memory_space<hbm>> -> memref<4x300xf32, #tpu.memory_space<hbm>>
          tpu.enqueue_dma source(%dma_start3A_1249 : memref<4x300xf32, #tpu.memory_space<hbm>>) target(%arg12 : memref<4x300xf32, #tpu.memory_space<vmem>>) target_semaphore(%run_scoped3A : memref<!tpu.dma_semaphore, #tpu.memory_space<semaphore_mem>>)
          %dma_wait3A = arith.constant 0 : i32
          %dma_wait3A_1250 = arith.constant 0 : i32
          %dma_wait3A_1251 = tpu.memref_slice %arg3[%sub3A_645, %dma_wait3A, %dma_wait3A_1250] : memref<8x4x300xf32, #tpu.memory_space<hbm>> -> memref<1x4x300xf32, #tpu.memory_space<hbm>>
          %dma_wait3A_1252 = tpu.memref_squeeze %dma_wait3A_1251 : memref<1x4x300xf32, #tpu.memory_space<hbm>> -> memref<4x300xf32, #tpu.memory_space<hbm>>
          %dma_wait3A_1253 = arith.constant 0 : i32
          %dma_wait3A_1254 = arith.constant 0 : i32
          %dma_wait3A_1255 = tpu.memref_slice %arg3[%sub3A_645, %dma_wait3A_1253, %dma_wait3A_1254] : memref<8x4x300xf32, #tpu.memory_space<hbm>> -> memref<1x4x300xf32, #tpu.memory_space<hbm>>
          %dma_wait3A_1256 = tpu.memref_squeeze %dma_wait3A_1255 : memref<1x4x300xf32, #tpu.memory_space<hbm>> -> memref<4x300xf32, #tpu.memory_space<hbm>>
          tpu.wait_dma2 semaphore(%run_scoped3A : memref<!tpu.dma_semaphore, #tpu.memory_space<semaphore_mem>>) src(%dma_wait3A_1256 : memref<4x300xf32, #tpu.memory_space<hbm>>) dst(%arg12 : memref<4x300xf32, #tpu.memory_space<vmem>>)
          tpu.yield
        }) : () -> ()
        "tpu.region"() ({
          %run_scoped3A = tpu.sem_alloc : memref<!tpu.dma_semaphore, #tpu.memory_space<semaphore_mem>>
          %dma_start3A = arith.constant 0 : i32
          %dma_start3A_1243 = arith.constant 0 : i32
          %dma_start3A_1244 = tpu.memref_slice %arg4[%dma_start3A, %sub3A_645, %dma_start3A_1243] : memref<132x8x300xf32, #tpu.memory_space<hbm>> -> memref<132x1x300xf32, #tpu.memory_space<hbm>>
          %dma_start3A_1245 = tpu.memref_squeeze %dma_start3A_1244 : memref<132x1x300xf32, #tpu.memory_space<hbm>> -> memref<132x300xf32, #tpu.memory_space<hbm>>
          %dma_start3A_1246 = arith.constant 0 : i32
          %dma_start3A_1247 = arith.constant 0 : i32
          %dma_start3A_1248 = tpu.memref_slice %arg4[%dma_start3A_1246, %sub3A_645, %dma_start3A_1247] : memref<132x8x300xf32, #tpu.memory_space<hbm>> -> memref<132x1x300xf32, #tpu.memory_space<hbm>>
          %dma_start3A_1249 = tpu.memref_squeeze %dma_start3A_1248 : memref<132x1x300xf32, #tpu.memory_space<hbm>> -> memref<132x300xf32, #tpu.memory_space<hbm>>
          tpu.enqueue_dma source(%dma_start3A_1249 : memref<132x300xf32, #tpu.memory_space<hbm>>) target(%arg13 : memref<132x300xf32, #tpu.memory_space<vmem>>) target_semaphore(%run_scoped3A : memref<!tpu.dma_semaphore, #tpu.memory_space<semaphore_mem>>)
          %dma_wait3A = arith.constant 0 : i32
          %dma_wait3A_1250 = arith.constant 0 : i32
          %dma_wait3A_1251 = tpu.memref_slice %arg4[%dma_wait3A, %sub3A_645, %dma_wait3A_1250] : memref<132x8x300xf32, #tpu.memory_space<hbm>> -> memref<132x1x300xf32, #tpu.memory_space<hbm>>
          %dma_wait3A_1252 = tpu.memref_squeeze %dma_wait3A_1251 : memref<132x1x300xf32, #tpu.memory_space<hbm>> -> memref<132x300xf32, #tpu.memory_space<hbm>>
          %dma_wait3A_1253 = arith.constant 0 : i32
          %dma_wait3A_1254 = arith.constant 0 : i32
          %dma_wait3A_1255 = tpu.memref_slice %arg4[%dma_wait3A_1253, %sub3A_645, %dma_wait3A_1254] : memref<132x8x300xf32, #tpu.memory_space<hbm>> -> memref<132x1x300xf32, #tpu.memory_space<hbm>>
          %dma_wait3A_1256 = tpu.memref_squeeze %dma_wait3A_1255 : memref<132x1x300xf32, #tpu.memory_space<hbm>> -> memref<132x300xf32, #tpu.memory_space<hbm>>
          tpu.wait_dma2 semaphore(%run_scoped3A : memref<!tpu.dma_semaphore, #tpu.memory_space<semaphore_mem>>) src(%dma_wait3A_1256 : memref<132x300xf32, #tpu.memory_space<hbm>>) dst(%arg13 : memref<132x300xf32, #tpu.memory_space<vmem>>)
          tpu.yield
        }) : () -> ()
      } else {
      }
      %ge3A_651 = arith.constant 8 : i32
      %ge3A_652 = arith.cmpi sge, %add3A_618, %ge3A_651 : i32
      %convert_element_type3A_653 = arith.extui %ge3A_652 : i1 to i32
      %cond3A_654 = arith.constant 0 : i32
      %cond3A_655 = arith.cmpi ne, %convert_element_type3A_653, %cond3A_654 : i32
      scf.if %cond3A_655 {
        %sub3A_1243 = arith.constant 1 : i32
        %sub3A_1244 = arith.subi %select_n3A_642, %sub3A_1243 : i32
        "tpu.region"() ({
          %run_scoped3A = tpu.sem_alloc : memref<!tpu.dma_semaphore, #tpu.memory_space<semaphore_mem>>
          %dma_start3A = arith.constant 0 : i32
          %dma_start3A_1245 = arith.constant 0 : i32
          %dma_start3A_1246 = tpu.memref_slice %arg5[%sub3A_1244, %sub3A_645, %dma_start3A, %dma_start3A_1245] : memref<5x8x80x300xf32, #tpu.memory_space<hbm>> -> memref<1x1x80x300xf32, #tpu.memory_space<hbm>>
          %dma_start3A_1247 = tpu.memref_squeeze %dma_start3A_1246 : memref<1x1x80x300xf32, #tpu.memory_space<hbm>> -> memref<80x300xf32, #tpu.memory_space<hbm>>
          %dma_start3A_1248 = arith.constant 0 : i32
          %dma_start3A_1249 = arith.constant 0 : i32
          %dma_start3A_1250 = tpu.memref_slice %arg5[%sub3A_1244, %sub3A_645, %dma_start3A_1248, %dma_start3A_1249] : memref<5x8x80x300xf32, #tpu.memory_space<hbm>> -> memref<1x1x80x300xf32, #tpu.memory_space<hbm>>
          %dma_start3A_1251 = tpu.memref_squeeze %dma_start3A_1250 : memref<1x1x80x300xf32, #tpu.memory_space<hbm>> -> memref<80x300xf32, #tpu.memory_space<hbm>>
          tpu.enqueue_dma source(%dma_start3A_1251 : memref<80x300xf32, #tpu.memory_space<hbm>>) target(%arg11 : memref<80x300xf32, #tpu.memory_space<vmem>>) target_semaphore(%run_scoped3A : memref<!tpu.dma_semaphore, #tpu.memory_space<semaphore_mem>>)
          %dma_wait3A = arith.constant 0 : i32
          %dma_wait3A_1252 = arith.constant 0 : i32
          %dma_wait3A_1253 = tpu.memref_slice %arg5[%sub3A_1244, %sub3A_645, %dma_wait3A, %dma_wait3A_1252] : memref<5x8x80x300xf32, #tpu.memory_space<hbm>> -> memref<1x1x80x300xf32, #tpu.memory_space<hbm>>
          %dma_wait3A_1254 = tpu.memref_squeeze %dma_wait3A_1253 : memref<1x1x80x300xf32, #tpu.memory_space<hbm>> -> memref<80x300xf32, #tpu.memory_space<hbm>>
          %dma_wait3A_1255 = arith.constant 0 : i32
          %dma_wait3A_1256 = arith.constant 0 : i32
          %dma_wait3A_1257 = tpu.memref_slice %arg5[%sub3A_1244, %sub3A_645, %dma_wait3A_1255, %dma_wait3A_1256] : memref<5x8x80x300xf32, #tpu.memory_space<hbm>> -> memref<1x1x80x300xf32, #tpu.memory_space<hbm>>
          %dma_wait3A_1258 = tpu.memref_squeeze %dma_wait3A_1257 : memref<1x1x80x300xf32, #tpu.memory_space<hbm>> -> memref<80x300xf32, #tpu.memory_space<hbm>>
          tpu.wait_dma2 semaphore(%run_scoped3A : memref<!tpu.dma_semaphore, #tpu.memory_space<semaphore_mem>>) src(%dma_wait3A_1258 : memref<80x300xf32, #tpu.memory_space<hbm>>) dst(%arg11 : memref<80x300xf32, #tpu.memory_space<vmem>>)
          tpu.yield
        }) : () -> ()
        "tpu.region"() ({
          %run_scoped3A = tpu.sem_alloc : memref<!tpu.dma_semaphore, #tpu.memory_space<semaphore_mem>>
          %dma_start3A = arith.constant 0 : i32
          %dma_start3A_1245 = arith.constant 0 : i32
          %dma_start3A_1246 = tpu.memref_slice %arg6[%sub3A_1244, %sub3A_645, %dma_start3A, %dma_start3A_1245] : memref<5x8x4x300xf32, #tpu.memory_space<hbm>> -> memref<1x1x4x300xf32, #tpu.memory_space<hbm>>
          %dma_start3A_1247 = tpu.memref_squeeze %dma_start3A_1246 : memref<1x1x4x300xf32, #tpu.memory_space<hbm>> -> memref<4x300xf32, #tpu.memory_space<hbm>>
          %dma_start3A_1248 = arith.constant 0 : i32
          %dma_start3A_1249 = arith.constant 0 : i32
          %dma_start3A_1250 = tpu.memref_slice %arg6[%sub3A_1244, %sub3A_645, %dma_start3A_1248, %dma_start3A_1249] : memref<5x8x4x300xf32, #tpu.memory_space<hbm>> -> memref<1x1x4x300xf32, #tpu.memory_space<hbm>>
          %dma_start3A_1251 = tpu.memref_squeeze %dma_start3A_1250 : memref<1x1x4x300xf32, #tpu.memory_space<hbm>> -> memref<4x300xf32, #tpu.memory_space<hbm>>
          tpu.enqueue_dma source(%dma_start3A_1251 : memref<4x300xf32, #tpu.memory_space<hbm>>) target(%arg12 : memref<4x300xf32, #tpu.memory_space<vmem>>) target_semaphore(%run_scoped3A : memref<!tpu.dma_semaphore, #tpu.memory_space<semaphore_mem>>)
          %dma_wait3A = arith.constant 0 : i32
          %dma_wait3A_1252 = arith.constant 0 : i32
          %dma_wait3A_1253 = tpu.memref_slice %arg6[%sub3A_1244, %sub3A_645, %dma_wait3A, %dma_wait3A_1252] : memref<5x8x4x300xf32, #tpu.memory_space<hbm>> -> memref<1x1x4x300xf32, #tpu.memory_space<hbm>>
          %dma_wait3A_1254 = tpu.memref_squeeze %dma_wait3A_1253 : memref<1x1x4x300xf32, #tpu.memory_space<hbm>> -> memref<4x300xf32, #tpu.memory_space<hbm>>
          %dma_wait3A_1255 = arith.constant 0 : i32
          %dma_wait3A_1256 = arith.constant 0 : i32
          %dma_wait3A_1257 = tpu.memref_slice %arg6[%sub3A_1244, %sub3A_645, %dma_wait3A_1255, %dma_wait3A_1256] : memref<5x8x4x300xf32, #tpu.memory_space<hbm>> -> memref<1x1x4x300xf32, #tpu.memory_space<hbm>>
          %dma_wait3A_1258 = tpu.memref_squeeze %dma_wait3A_1257 : memref<1x1x4x300xf32, #tpu.memory_space<hbm>> -> memref<4x300xf32, #tpu.memory_space<hbm>>
          tpu.wait_dma2 semaphore(%run_scoped3A : memref<!tpu.dma_semaphore, #tpu.memory_space<semaphore_mem>>) src(%dma_wait3A_1258 : memref<4x300xf32, #tpu.memory_space<hbm>>) dst(%arg12 : memref<4x300xf32, #tpu.memory_space<vmem>>)
          tpu.yield
        }) : () -> ()
        "tpu.region"() ({
          %run_scoped3A = tpu.sem_alloc : memref<!tpu.dma_semaphore, #tpu.memory_space<semaphore_mem>>
          %dma_start3A = arith.constant 0 : i32
          %dma_start3A_1245 = arith.constant 0 : i32
          %dma_start3A_1246 = tpu.memref_slice %arg7[%sub3A_1244, %dma_start3A, %sub3A_645, %dma_start3A_1245] : memref<5x132x8x300xf32, #tpu.memory_space<hbm>> -> memref<1x132x1x300xf32, #tpu.memory_space<hbm>>
          %dma_start3A_1247 = tpu.memref_squeeze %dma_start3A_1246 : memref<1x132x1x300xf32, #tpu.memory_space<hbm>> -> memref<132x300xf32, #tpu.memory_space<hbm>>
          %dma_start3A_1248 = arith.constant 0 : i32
          %dma_start3A_1249 = arith.constant 0 : i32
          %dma_start3A_1250 = tpu.memref_slice %arg7[%sub3A_1244, %dma_start3A_1248, %sub3A_645, %dma_start3A_1249] : memref<5x132x8x300xf32, #tpu.memory_space<hbm>> -> memref<1x132x1x300xf32, #tpu.memory_space<hbm>>
          %dma_start3A_1251 = tpu.memref_squeeze %dma_start3A_1250 : memref<1x132x1x300xf32, #tpu.memory_space<hbm>> -> memref<132x300xf32, #tpu.memory_space<hbm>>
          tpu.enqueue_dma source(%dma_start3A_1251 : memref<132x300xf32, #tpu.memory_space<hbm>>) target(%arg13 : memref<132x300xf32, #tpu.memory_space<vmem>>) target_semaphore(%run_scoped3A : memref<!tpu.dma_semaphore, #tpu.memory_space<semaphore_mem>>)
          %dma_wait3A = arith.constant 0 : i32
          %dma_wait3A_1252 = arith.constant 0 : i32
          %dma_wait3A_1253 = tpu.memref_slice %arg7[%sub3A_1244, %dma_wait3A, %sub3A_645, %dma_wait3A_1252] : memref<5x132x8x300xf32, #tpu.memory_space<hbm>> -> memref<1x132x1x300xf32, #tpu.memory_space<hbm>>
          %dma_wait3A_1254 = tpu.memref_squeeze %dma_wait3A_1253 : memref<1x132x1x300xf32, #tpu.memory_space<hbm>> -> memref<132x300xf32, #tpu.memory_space<hbm>>
          %dma_wait3A_1255 = arith.constant 0 : i32
          %dma_wait3A_1256 = arith.constant 0 : i32
          %dma_wait3A_1257 = tpu.memref_slice %arg7[%sub3A_1244, %dma_wait3A_1255, %sub3A_645, %dma_wait3A_1256] : memref<5x132x8x300xf32, #tpu.memory_space<hbm>> -> memref<1x132x1x300xf32, #tpu.memory_space<hbm>>
          %dma_wait3A_1258 = tpu.memref_squeeze %dma_wait3A_1257 : memref<1x132x1x300xf32, #tpu.memory_space<hbm>> -> memref<132x300xf32, #tpu.memory_space<hbm>>
          tpu.wait_dma2 semaphore(%run_scoped3A : memref<!tpu.dma_semaphore, #tpu.memory_space<semaphore_mem>>) src(%dma_wait3A_1258 : memref<132x300xf32, #tpu.memory_space<hbm>>) dst(%arg13 : memref<132x300xf32, #tpu.memory_space<vmem>>)
          tpu.yield
        }) : () -> ()
      } else {
      }
      "tpu.region"() ({
        %run_scoped3A = tpu.sem_alloc : memref<!tpu.dma_semaphore, #tpu.memory_space<semaphore_mem>>
        %dma_start3A = arith.constant 0 : i32
        %dma_start3A_1243 = tpu.memref_slice %arg8[%sub3A_645, %dma_start3A] : memref<8x16xi32, #tpu.memory_space<hbm>> -> memref<1x16xi32, #tpu.memory_space<hbm>>
        %dma_start3A_1244 = tpu.memref_squeeze %dma_start3A_1243 : memref<1x16xi32, #tpu.memory_space<hbm>> -> memref<16xi32, #tpu.memory_space<hbm>>
        %dma_start3A_1245 = arith.constant 0 : i32
        %dma_start3A_1246 = tpu.memref_slice %arg8[%sub3A_645, %dma_start3A_1245] : memref<8x16xi32, #tpu.memory_space<hbm>> -> memref<1x16xi32, #tpu.memory_space<hbm>>
        %dma_start3A_1247 = tpu.memref_squeeze %dma_start3A_1246 : memref<1x16xi32, #tpu.memory_space<hbm>> -> memref<16xi32, #tpu.memory_space<hbm>>
        tpu.enqueue_dma source(%dma_start3A_1247 : memref<16xi32, #tpu.memory_space<hbm>>) target(%arg16 : memref<16xi32, #tpu.memory_space<vmem>>) target_semaphore(%run_scoped3A : memref<!tpu.dma_semaphore, #tpu.memory_space<semaphore_mem>>)
        %dma_wait3A = arith.constant 0 : i32
        %dma_wait3A_1248 = tpu.memref_slice %arg8[%sub3A_645, %dma_wait3A] : memref<8x16xi32, #tpu.memory_space<hbm>> -> memref<1x16xi32, #tpu.memory_space<hbm>>
        %dma_wait3A_1249 = tpu.memref_squeeze %dma_wait3A_1248 : memref<1x16xi32, #tpu.memory_space<hbm>> -> memref<16xi32, #tpu.memory_space<hbm>>
        %dma_wait3A_1250 = arith.constant 0 : i32
        %dma_wait3A_1251 = tpu.memref_slice %arg8[%sub3A_645, %dma_wait3A_1250] : memref<8x16xi32, #tpu.memory_space<hbm>> -> memref<1x16xi32, #tpu.memory_space<hbm>>
        %dma_wait3A_1252 = tpu.memref_squeeze %dma_wait3A_1251 : memref<1x16xi32, #tpu.memory_space<hbm>> -> memref<16xi32, #tpu.memory_space<hbm>>
        tpu.wait_dma2 semaphore(%run_scoped3A : memref<!tpu.dma_semaphore, #tpu.memory_space<semaphore_mem>>) src(%dma_wait3A_1252 : memref<16xi32, #tpu.memory_space<hbm>>) dst(%arg16 : memref<16xi32, #tpu.memory_space<vmem>>)
        tpu.yield
      }) : () -> ()
      "tpu.region"() ({
        %run_scoped3A = tpu.sem_alloc : memref<!tpu.dma_semaphore, #tpu.memory_space<semaphore_mem>>
        %dma_start3A = arith.constant 0 : i32
        %dma_start3A_1243 = arith.constant 0 : i32
        %dma_start3A_1244 = tpu.memref_slice %arg9[%sub3A_645, %dma_start3A, %dma_start3A_1243] : memref<8x4x16xf32, #tpu.memory_space<hbm>> -> memref<1x4x16xf32, #tpu.memory_space<hbm>>
        %dma_start3A_1245 = tpu.memref_squeeze %dma_start3A_1244 : memref<1x4x16xf32, #tpu.memory_space<hbm>> -> memref<4x16xf32, #tpu.memory_space<hbm>>
        %dma_start3A_1246 = arith.constant 0 : i32
        %dma_start3A_1247 = arith.constant 0 : i32
        %dma_start3A_1248 = tpu.memref_slice %arg9[%sub3A_645, %dma_start3A_1246, %dma_start3A_1247] : memref<8x4x16xf32, #tpu.memory_space<hbm>> -> memref<1x4x16xf32, #tpu.memory_space<hbm>>
        %dma_start3A_1249 = tpu.memref_squeeze %dma_start3A_1248 : memref<1x4x16xf32, #tpu.memory_space<hbm>> -> memref<4x16xf32, #tpu.memory_space<hbm>>
        tpu.enqueue_dma source(%dma_start3A_1249 : memref<4x16xf32, #tpu.memory_space<hbm>>) target(%arg17 : memref<4x16xf32, #tpu.memory_space<vmem>>) target_semaphore(%run_scoped3A : memref<!tpu.dma_semaphore, #tpu.memory_space<semaphore_mem>>)
        %dma_wait3A = arith.constant 0 : i32
        %dma_wait3A_1250 = arith.constant 0 : i32
        %dma_wait3A_1251 = tpu.memref_slice %arg9[%sub3A_645, %dma_wait3A, %dma_wait3A_1250] : memref<8x4x16xf32, #tpu.memory_space<hbm>> -> memref<1x4x16xf32, #tpu.memory_space<hbm>>
        %dma_wait3A_1252 = tpu.memref_squeeze %dma_wait3A_1251 : memref<1x4x16xf32, #tpu.memory_space<hbm>> -> memref<4x16xf32, #tpu.memory_space<hbm>>
        %dma_wait3A_1253 = arith.constant 0 : i32
        %dma_wait3A_1254 = arith.constant 0 : i32
        %dma_wait3A_1255 = tpu.memref_slice %arg9[%sub3A_645, %dma_wait3A_1253, %dma_wait3A_1254] : memref<8x4x16xf32, #tpu.memory_space<hbm>> -> memref<1x4x16xf32, #tpu.memory_space<hbm>>
        %dma_wait3A_1256 = tpu.memref_squeeze %dma_wait3A_1255 : memref<1x4x16xf32, #tpu.memory_space<hbm>> -> memref<4x16xf32, #tpu.memory_space<hbm>>
        tpu.wait_dma2 semaphore(%run_scoped3A : memref<!tpu.dma_semaphore, #tpu.memory_space<semaphore_mem>>) src(%dma_wait3A_1256 : memref<4x16xf32, #tpu.memory_space<hbm>>) dst(%arg17 : memref<4x16xf32, #tpu.memory_space<vmem>>)
        tpu.yield
      }) : () -> ()
      %scan3A_656 = arith.constant 0 : i32
      %scan3A_657 = arith.constant 19 : i32
      %scan3A_658 = arith.addi %scan3A_656, %scan3A_657 : i32
      %scan3A_659 = arith.constant 1 : i32
      scf.for %scan3A_1243 = %scan3A_656 to %scan3A_658 step %scan3A_659  : i32 {
        %mul3A_1244 = arith.constant 1 : i32
        %mul3A_1245 = arith.muli %scan3A_1243, %mul3A_1244 : i32
        %add3A_1246 = arith.constant 0 : i32
        %add3A_1247 = arith.addi %add3A_1246, %mul3A_1245 : i32
        %mul3A_1248 = arith.constant 16 : i32
        %mul3A_1249 = arith.muli %add3A_1247, %mul3A_1248 : i32
        %add3A_1250 = vector.broadcast %mul3A_1249 : i32 to vector<16xi32>
        %add3A_1251 = arith.addi %add3A_1250, %iota3A : vector<16xi32>
        %lt3A_1252 = arith.constant 300 : i32
        %lt3A_1253 = vector.broadcast %lt3A_1252 : i32 to vector<16xi32>
        %lt3A_1254 = arith.cmpi slt, %add3A_1251, %lt3A_1253 : vector<16xi32>
        %min3A_1255 = arith.constant 299 : i32
        %min3A_1256 = vector.broadcast %min3A_1255 : i32 to vector<16xi32>
        %min3A_1257 = arith.minsi %add3A_1251, %min3A_1256 : vector<16xi32>
        %mul3A_1258 = arith.constant 16 : i32
        %mul3A_1259 = arith.muli %add3A_1247, %mul3A_1258 : i32
        %get3A_1260 = arith.constant 0 : i32
        %get3A_1261 = arith.index_cast %get3A_1260 : i32 to index
        %get3A_1262 = arith.index_cast %mul3A_1259 : i32 to index
        %get3A_1263 = tpu.vector_load %arg12[%get3A_1261, %get3A_1262] {strides = array<i32>} : memref<4x300xf32, #tpu.memory_space<vmem>>, vector<16xf32>,
        %mul3A_1264 = arith.constant 16 : i32
        %mul3A_1265 = arith.muli %add3A_1247, %mul3A_1264 : i32
        %get3A_1266 = arith.constant 1 : i32
        %get3A_1267 = arith.index_cast %get3A_1266 : i32 to index
        %get3A_1268 = arith.index_cast %mul3A_1265 : i32 to index
        %get3A_1269 = tpu.vector_load %arg12[%get3A_1267, %get3A_1268] {strides = array<i32>} : memref<4x300xf32, #tpu.memory_space<vmem>>, vector<16xf32>,
        %mul3A_1270 = arith.constant 16 : i32
        %mul3A_1271 = arith.muli %add3A_1247, %mul3A_1270 : i32
        %get3A_1272 = arith.constant 2 : i32
        %get3A_1273 = arith.index_cast %get3A_1272 : i32 to index
        %get3A_1274 = arith.index_cast %mul3A_1271 : i32 to index
        %get3A_1275 = tpu.vector_load %arg12[%get3A_1273, %get3A_1274] {strides = array<i32>} : memref<4x300xf32, #tpu.memory_space<vmem>>, vector<16xf32>,
        %mul3A_1276 = arith.constant 16 : i32
        %mul3A_1277 = arith.muli %add3A_1247, %mul3A_1276 : i32
        %get3A_1278 = arith.constant 3 : i32
        %get3A_1279 = arith.index_cast %get3A_1278 : i32 to index
        %get3A_1280 = arith.index_cast %mul3A_1277 : i32 to index
        %get3A_1281 = tpu.vector_load %arg12[%get3A_1279, %get3A_1280] {strides = array<i32>} : memref<4x300xf32, #tpu.memory_space<vmem>>, vector<16xf32>,
        %scan3A_1282 = arith.constant 0 : i32
        %scan3A_1283 = arith.constant 16 : i32
        %scan3A_1284 = arith.addi %scan3A_1282, %scan3A_1283 : i32
        %scan3A_1285 = arith.constant 1 : i32
        scf.for %scan3A_1287 = %scan3A_1282 to %scan3A_1284 step %scan3A_1285  : i32 {
          %mul3A_1288 = arith.constant 1 : i32
          %mul3A_1289 = arith.muli %scan3A_1287, %mul3A_1288 : i32
          %add3A_1290 = arith.constant 0 : i32
          %add3A_1291 = arith.addi %add3A_1290, %mul3A_1289 : i32
          %broadcast_in_dim3A_1292 = arith.constant 0 : i32
          %broadcast_in_dim3A_1293 = vector.broadcast %broadcast_in_dim3A_1292 : i32 to vector<16xi32>
          %add3A_1294 = vector.broadcast %add3A_1291 : i32 to vector<16xi32>
          %add3A_1295 = arith.addi %broadcast_in_dim3A_1293, %add3A_1294 : vector<16xi32>
          %broadcast_in_dim3A_1296 = arith.constant 0 : i32
          %broadcast_in_dim3A_1297 = vector.broadcast %broadcast_in_dim3A_1296 : i32 to vector<16xi32>
          %add3A_1298 = arith.constant 0 : i32
          %add3A_1299 = vector.broadcast %add3A_1298 : i32 to vector<16xi32>
          %add3A_1300 = arith.addi %broadcast_in_dim3A_1297, %add3A_1299 : vector<16xi32>
          %gather3A_1301 = tpu.vector_load_idx %arg17[%add3A_1300, %add3A_1295] : memref<4x16xf32, #tpu.memory_space<vmem>>[vector<16xi32>, vector<16xi32>], vector<16xf32>,
          %broadcast_in_dim3A_1302 = arith.constant 0 : i32
          %broadcast_in_dim3A_1303 = vector.broadcast %broadcast_in_dim3A_1302 : i32 to vector<16xi32>
          %add3A_1304 = arith.constant 1 : i32
          %add3A_1305 = vector.broadcast %add3A_1304 : i32 to vector<16xi32>
          %add3A_1306 = arith.addi %broadcast_in_dim3A_1303, %add3A_1305 : vector<16xi32>
          %gather3A_1307 = tpu.vector_load_idx %arg17[%add3A_1306, %add3A_1295] : memref<4x16xf32, #tpu.memory_space<vmem>>[vector<16xi32>, vector<16xi32>], vector<16xf32>,
          %broadcast_in_dim3A_1308 = arith.constant 0 : i32
          %broadcast_in_dim3A_1309 = vector.broadcast %broadcast_in_dim3A_1308 : i32 to vector<16xi32>
          %add3A_1310 = arith.constant 2 : i32
          %add3A_1311 = vector.broadcast %add3A_1310 : i32 to vector<16xi32>
          %add3A_1312 = arith.addi %broadcast_in_dim3A_1309, %add3A_1311 : vector<16xi32>
          %gather3A_1313 = tpu.vector_load_idx %arg17[%add3A_1312, %add3A_1295] : memref<4x16xf32, #tpu.memory_space<vmem>>[vector<16xi32>, vector<16xi32>], vector<16xf32>,
          %broadcast_in_dim3A_1314 = arith.constant 0 : i32
          %broadcast_in_dim3A_1315 = vector.broadcast %broadcast_in_dim3A_1314 : i32 to vector<16xi32>
          %add3A_1316 = arith.constant 3 : i32
          %add3A_1317 = vector.broadcast %add3A_1316 : i32 to vector<16xi32>
          %add3A_1318 = arith.addi %broadcast_in_dim3A_1315, %add3A_1317 : vector<16xi32>
          %gather3A_1319 = tpu.vector_load_idx %arg17[%add3A_1318, %add3A_1295] : memref<4x16xf32, #tpu.memory_space<vmem>>[vector<16xi32>, vector<16xi32>], vector<16xf32>,
          %gather3A_1320 = tpu.vector_load_idx %arg16[%add3A_1295] : memref<16xi32, #tpu.memory_space<vmem>>[vector<16xi32>], vector<16xi32>,
          %gather3A_1321 = tpu.vector_load_idx %arg11[%gather3A_1320, %min3A_1257] : memref<80x300xf32, #tpu.memory_space<vmem>>[vector<16xi32>, vector<16xi32>], vector<16xf32>,
          %sub3A_1322 = arith.subf %get3A_1263, %gather3A_1301 : vector<16xf32>
          %abs3A_1323 = math.absf %sub3A_1322 : vector<16xf32>
          %sub3A_1324 = arith.subf %get3A_1269, %gather3A_1307 : vector<16xf32>
          %abs3A_1325 = math.absf %sub3A_1324 : vector<16xf32>
          %add3A_1326 = arith.addf %abs3A_1323, %abs3A_1325 : vector<16xf32>
          %sub3A_1327 = arith.subf %get3A_1275, %gather3A_1313 : vector<16xf32>
          %abs3A_1328 = math.absf %sub3A_1327 : vector<16xf32>
          %add3A_1329 = arith.addf %add3A_1326, %abs3A_1328 : vector<16xf32>
          %sub3A_1330 = arith.subf %get3A_1281, %gather3A_1319 : vector<16xf32>
          %abs3A_1331 = math.absf %sub3A_1330 : vector<16xf32>
          %add3A_1332 = arith.addf %add3A_1329, %abs3A_1331 : vector<16xf32>
          %mul3A_1333 = arith.constant 5.000000e+00 : f32
          %mul3A_1334 = vector.broadcast %mul3A_1333 : f32 to vector<16xf32>
          %mul3A_1335 = arith.mulf %mul3A_1334, %add3A_1332 : vector<16xf32>
          %neg3A_1336 = arith.constant 0.000000e+00 : f32
          %neg3A_1337 = vector.broadcast %neg3A_1336 : f32 to vector<16xf32>
          %neg3A_1338 = arith.subf %neg3A_1337, %gather3A_1321 : vector<16xf32>
          %exp3A_1339 = math.exp %neg3A_1338 : vector<16xf32>
          %add3A_1340 = arith.constant 1.000000e+00 : f32
          %add3A_1341 = vector.broadcast %add3A_1340 : f32 to vector<16xf32>
          %add3A_1342 = arith.addf %add3A_1341, %exp3A_1339 : vector<16xf32>
          %div3A_1343 = arith.constant 1.000000e+00 : f32
          %div3A_1344 = vector.broadcast %div3A_1343 : f32 to vector<16xf32>
          %div3A_1345 = arith.divf %div3A_1344, %add3A_1342 : vector<16xf32>
          %sub3A_1346 = arith.subf %mul3A_1335, %div3A_1345 : vector<16xf32>
          %jit3A_1347 = arith.constant 1.000000e+30 : f32
          %broadcast_in_dim3A_1348 = vector.broadcast %jit3A_1347 : f32 to vector<16xf32>
          %select_n3A_1349 = arith.select %lt3A_1254, %sub3A_1346, %broadcast_in_dim3A_1348 : vector<16xi1>, vector<16xf32>
          %mul3A_1350 = arith.constant 304 : i32
          %mul3A_1351 = arith.muli %add3A_1291, %mul3A_1350 : i32
          %mul3A_1352 = arith.constant 16 : i32
          %mul3A_1353 = arith.muli %add3A_1247, %mul3A_1352 : i32
          %add3A_1354 = arith.addi %mul3A_1351, %mul3A_1353 : i32
          %swap3A_1355 = arith.index_cast %add3A_1354 : i32 to index
          %swap3A_1356 = tpu.vector_load %arg14[%swap3A_1355] {strides = array<i32>} : memref<4864xf32, #tpu.memory_space<vmem>>, vector<16xf32>,
          tpu.vector_store %arg14[%swap3A_1355], %select_n3A_1349 {strides = array<i32>} : memref<4864xf32, #tpu.memory_space<vmem>>, vector<16xf32>,
        }
        %scan3A_1286 = arith.constant 16 : i32
      }
      %scan3A_660 = arith.constant 19 : i32
      %scan3A_661 = arith.constant 0 : i32
      %scan3A_662 = arith.constant 19 : i32
      %scan3A_663 = arith.addi %scan3A_661, %scan3A_662 : i32
      %scan3A_664 = arith.constant 1 : i32
      scf.for %scan3A_1243 = %scan3A_661 to %scan3A_663 step %scan3A_664  : i32 {
        %mul3A_1244 = arith.constant 1 : i32
        %mul3A_1245 = arith.muli %scan3A_1243, %mul3A_1244 : i32
        %add3A_1246 = arith.constant 0 : i32
        %add3A_1247 = arith.addi %add3A_1246, %mul3A_1245 : i32
        %mul3A_1248 = arith.constant 16 : i32
        %mul3A_1249 = arith.muli %add3A_1247, %mul3A_1248 : i32
        %swap3A_1250 = arith.index_cast %mul3A_1249 : i32 to index
        %swap3A_1251 = tpu.vector_load %arg15[%swap3A_1250] {strides = array<i32>} : memref<304xf32, #tpu.memory_space<vmem>>, vector<16xf32>,
        tpu.vector_store %arg15[%swap3A_1250], %broadcast_in_dim3A_1 {strides = array<i32>} : memref<304xf32, #tpu.memory_space<vmem>>, vector<16xf32>,
      }
      %scan3A_665 = arith.constant 19 : i32
      %broadcast_in_dim3A_666 = arith.constant 0 : i32
      %broadcast_in_dim3A_667 = vector.broadcast %broadcast_in_dim3A_666 : i32 to vector<16xi32>
      %scan3A_668 = arith.constant 0 : i32
      %scan3A_669 = arith.constant 16 : i32
      %scan3A_670 = arith.addi %scan3A_668, %scan3A_669 : i32
      %scan3A_671 = arith.constant 1 : i32
      %scan3A_672 = scf.for %scan3A_1243 = %scan3A_668 to %scan3A_670 step %scan3A_671 iter_args(%scan3A_1244 = %broadcast_in_dim3A_667) -> (vector<16xi32>)  : i32 {
        %broadcast_in_dim3A_1245 = arith.constant 9.99999994E+32 : f32
        %broadcast_in_dim3A_1246 = vector.broadcast %broadcast_in_dim3A_1245 : f32 to vector<16xf32>
        %broadcast_in_dim3A_1247 = arith.constant 0 : i32
        %broadcast_in_dim3A_1248 = vector.broadcast %broadcast_in_dim3A_1247 : i32 to vector<16xi32>
        %scan3A_1249 = arith.constant 0 : i32
        %scan3A_1250 = arith.constant 19 : i32
        %scan3A_1251 = arith.addi %scan3A_1249, %scan3A_1250 : i32
        %scan3A_1252 = arith.constant 1 : i32
        %scan3A_1253:2 = scf.for %scan3A_1284 = %scan3A_1249 to %scan3A_1251 step %scan3A_1252 iter_args(%scan3A_1285 = %broadcast_in_dim3A_1246, %scan3A_1286 = %broadcast_in_dim3A_1248) -> (vector<16xf32>, vector<16xi32>)  : i32 {
          %mul3A_1287 = arith.constant 304 : i32
          %mul3A_1288 = arith.muli %scan3A_1243, %mul3A_1287 : i32
          %mul3A_1289 = arith.constant 16 : i32
          %mul3A_1290 = arith.muli %scan3A_1284, %mul3A_1289 : i32
          %add3A_1291 = arith.addi %mul3A_1288, %mul3A_1290 : i32
          %get3A_1292 = arith.index_cast %add3A_1291 : i32 to index
          %get3A_1293 = tpu.vector_load %arg14[%get3A_1292] {strides = array<i32>} : memref<4864xf32, #tpu.memory_space<vmem>>, vector<16xf32>,
          %mul3A_1294 = arith.constant 16 : i32
          %mul3A_1295 = arith.muli %scan3A_1284, %mul3A_1294 : i32
          %get3A_1296 = arith.index_cast %mul3A_1295 : i32 to index
          %get3A_1297 = tpu.vector_load %arg15[%get3A_1296] {strides = array<i32>} : memref<304xf32, #tpu.memory_space<vmem>>, vector<16xf32>,
          %add3A_1298 = arith.addf %get3A_1293, %get3A_1297 : vector<16xf32>
          %mul3A_1299 = arith.constant 16 : i32
          %mul3A_1300 = arith.muli %scan3A_1284, %mul3A_1299 : i32
          %add3A_1301 = vector.broadcast %mul3A_1300 : i32 to vector<16xi32>
          %add3A_1302 = arith.addi %add3A_1301, %iota3A : vector<16xi32>
          %lt3A_1303 = arith.cmpf olt, %add3A_1298, %scan3A_1285 : vector<16xf32>
          %select_n3A_1304 = arith.select %lt3A_1303, %add3A_1298, %scan3A_1285 : vector<16xi1>, vector<16xf32>
          %select_n3A_1305 = arith.select %lt3A_1303, %add3A_1302, %scan3A_1286 : vector<16xi1>, vector<16xi32>
          scf.yield %select_n3A_1304, %select_n3A_1305 : vector<16xf32>, vector<16xi32>
        }
        %scan3A_1254 = arith.constant 19 : i32
        %reduce_min3A = arith.constant true
        %reduce_min3A_1255 = vector.broadcast %reduce_min3A : i1 to vector<16xi1>
        %reduce_min3A_1256 = tpu.scan <min>, %scan3A_1253#0 masked %reduce_min3A_1255 : vector<16xf32>, vector<16xi1> -> vector<16xf32>
        %reduce_min3A_1257 = vector.extract %reduce_min3A_1256[15] : f32 from vector<16xf32>
        %eq3A_1258 = vector.broadcast %reduce_min3A_1257 : f32 to vector<16xf32>
        %eq3A_1259 = arith.cmpf oeq, %scan3A_1253#0, %eq3A_1258 : vector<16xf32>
        %jit3A_1260 = arith.constant 2147483647 : i32
        %broadcast_in_dim3A_1261 = vector.broadcast %jit3A_1260 : i32 to vector<16xi32>
        %select_n3A_1262 = arith.select %eq3A_1259, %scan3A_1253#1, %broadcast_in_dim3A_1261 : vector<16xi1>, vector<16xi32>
        %reduce_min3A_1263 = arith.constant true
        %reduce_min3A_1264 = vector.broadcast %reduce_min3A_1263 : i1 to vector<16xi1>
        %reduce_min3A_1265 = arith.constant -2147483648 : i32
        %reduce_min3A_1266 = vector.broadcast %reduce_min3A_1265 : i32 to vector<16xi32>
        %reduce_min3A_1267 = arith.xori %select_n3A_1262, %reduce_min3A_1266 : vector<16xi32>
        %reduce_min3A_1268 = tpu.scan <min>, %reduce_min3A_1267 masked %reduce_min3A_1264 : vector<16xi32>, vector<16xi1> -> vector<16xi32>
        %reduce_min3A_1269 = arith.xori %reduce_min3A_1268, %reduce_min3A_1266 : vector<16xi32>
        %reduce_min3A_1270 = vector.extract %reduce_min3A_1269[15] : i32 from vector<16xi32>
        %broadcast_in_dim3A_1271 = arith.constant 0 : i32
        %broadcast_in_dim3A_1272 = vector.broadcast %broadcast_in_dim3A_1271 : i32 to vector<16xi32>
        %add3A_1273 = vector.broadcast %reduce_min3A_1270 : i32 to vector<16xi32>
        %add3A_1274 = arith.addi %broadcast_in_dim3A_1272, %add3A_1273 : vector<16xi32>
        %broadcast_in_dim3A_1275 = arith.constant 1.000000e+30 : f32
        %broadcast_in_dim3A_1276 = vector.broadcast %broadcast_in_dim3A_1275 : f32 to vector<16xf32>
        %eq3A_1277 = arith.constant 0 : i32
        %eq3A_1278 = vector.broadcast %eq3A_1277 : i32 to vector<16xi32>
        %eq3A_1279 = arith.cmpi eq, %iota3A, %eq3A_1278 : vector<16xi32>
        tpu.vector_store_idx %arg15[%add3A_1274], %broadcast_in_dim3A_1276 masked %eq3A_1279 : memref<304xf32, #tpu.memory_space<vmem>>[vector<16xi32>], vector<16xf32>, vector<16xi1>
        %eq3A_1280 = vector.broadcast %scan3A_1243 : i32 to vector<16xi32>
        %eq3A_1281 = arith.cmpi eq, %iota3A, %eq3A_1280 : vector<16xi32>
        %broadcast_in_dim3A_1282 = vector.broadcast %reduce_min3A_1270 : i32 to vector<16xi32>
        %select_n3A_1283 = arith.select %eq3A_1281, %broadcast_in_dim3A_1282, %scan3A_1244 : vector<16xi1>, vector<16xi32>
        scf.yield %select_n3A_1283 : vector<16xi32>
      }
      %scan3A_673 = arith.constant 16 : i32
      %scan3A_674 = arith.constant 0 : i32
      %scan3A_675 = arith.constant 80 : i32
      %scan3A_676 = arith.addi %scan3A_674, %scan3A_675 : i32
      %scan3A_677 = arith.constant 1 : i32
      %scan3A_678 = scf.for %scan3A_1243 = %scan3A_674 to %scan3A_676 step %scan3A_677 iter_args(%scan3A_1244 = %broadcast_in_dim3A_1) -> (vector<16xf32>)  : i32 {
        %broadcast_in_dim3A_1245 = arith.constant 0 : i32
        %broadcast_in_dim3A_1246 = vector.broadcast %broadcast_in_dim3A_1245 : i32 to vector<16xi32>
        %add3A_1247 = vector.broadcast %scan3A_1243 : i32 to vector<16xi32>
        %add3A_1248 = arith.addi %broadcast_in_dim3A_1246, %add3A_1247 : vector<16xi32>
        %gather3A_1249 = tpu.vector_load_idx %arg11[%add3A_1248, %scan3A_672] : memref<80x300xf32, #tpu.memory_space<vmem>>[vector<16xi32>, vector<16xi32>], vector<16xf32>,
        %neg3A_1250 = arith.constant 0.000000e+00 : f32
        %neg3A_1251 = vector.broadcast %neg3A_1250 : f32 to vector<16xf32>
        %neg3A_1252 = arith.subf %neg3A_1251, %gather3A_1249 : vector<16xf32>
        %exp3A_1253 = math.exp %neg3A_1252 : vector<16xf32>
        %add3A_1254 = arith.constant 1.000000e+00 : f32
        %add3A_1255 = vector.broadcast %add3A_1254 : f32 to vector<16xf32>
        %add3A_1256 = arith.addf %add3A_1255, %exp3A_1253 : vector<16xf32>
        %div3A_1257 = arith.constant 1.000000e+00 : f32
        %div3A_1258 = vector.broadcast %div3A_1257 : f32 to vector<16xf32>
        %div3A_1259 = arith.divf %div3A_1258, %add3A_1256 : vector<16xf32>
        %max3A_1260 = arith.constant 0.000000e+00 : f32
        %max3A_1261 = vector.broadcast %max3A_1260 : f32 to vector<16xf32>
        %max3A_1262 = arith.maximumf %gather3A_1249, %max3A_1261 : vector<16xf32>
        %abs3A_1263 = math.absf %gather3A_1249 : vector<16xf32>
        %neg3A_1264 = arith.constant 0.000000e+00 : f32
        %neg3A_1265 = vector.broadcast %neg3A_1264 : f32 to vector<16xf32>
        %neg3A_1266 = arith.subf %neg3A_1265, %abs3A_1263 : vector<16xf32>
        %exp3A_1267 = math.exp %neg3A_1266 : vector<16xf32>
        %add3A_1268 = arith.constant 2.000000e+00 : f32
        %add3A_1269 = vector.broadcast %add3A_1268 : f32 to vector<16xf32>
        %add3A_1270 = arith.addf %add3A_1269, %exp3A_1267 : vector<16xf32>
        %div3A_1271 = arith.divf %exp3A_1267, %add3A_1270 : vector<16xf32>
        %mul3A_1272 = arith.mulf %div3A_1271, %div3A_1271 : vector<16xf32>
        %mul3A_1273 = arith.constant 0.181818187 : f32
        %mul3A_1274 = vector.broadcast %mul3A_1273 : f32 to vector<16xf32>
        %mul3A_1275 = arith.mulf %mul3A_1272, %mul3A_1274 : vector<16xf32>
        %add3A_1276 = arith.constant 0.222222224 : f32
        %add3A_1277 = vector.broadcast %add3A_1276 : f32 to vector<16xf32>
        %add3A_1278 = arith.addf %add3A_1277, %mul3A_1275 : vector<16xf32>
        %mul3A_1279 = arith.mulf %mul3A_1272, %add3A_1278 : vector<16xf32>
        %add3A_1280 = arith.constant 0.285714298 : f32
        %add3A_1281 = vector.broadcast %add3A_1280 : f32 to vector<16xf32>
        %add3A_1282 = arith.addf %add3A_1281, %mul3A_1279 : vector<16xf32>
        %mul3A_1283 = arith.mulf %mul3A_1272, %add3A_1282 : vector<16xf32>
        %add3A_1284 = arith.constant 4.000000e-01 : f32
        %add3A_1285 = vector.broadcast %add3A_1284 : f32 to vector<16xf32>
        %add3A_1286 = arith.addf %add3A_1285, %mul3A_1283 : vector<16xf32>
        %mul3A_1287 = arith.mulf %mul3A_1272, %add3A_1286 : vector<16xf32>
        %add3A_1288 = arith.constant 0.666666686 : f32
        %add3A_1289 = vector.broadcast %add3A_1288 : f32 to vector<16xf32>
        %add3A_1290 = arith.addf %add3A_1289, %mul3A_1287 : vector<16xf32>
        %mul3A_1291 = arith.mulf %mul3A_1272, %add3A_1290 : vector<16xf32>
        %add3A_1292 = arith.constant 2.000000e+00 : f32
        %add3A_1293 = vector.broadcast %add3A_1292 : f32 to vector<16xf32>
        %add3A_1294 = arith.addf %add3A_1293, %mul3A_1291 : vector<16xf32>
        %mul3A_1295 = arith.mulf %div3A_1271, %add3A_1294 : vector<16xf32>
        %add3A_1296 = arith.addf %max3A_1262, %mul3A_1295 : vector<16xf32>
        %mul3A_1297 = arith.constant 7.500000e-01 : f32
        %mul3A_1298 = vector.broadcast %mul3A_1297 : f32 to vector<16xf32>
        %mul3A_1299 = arith.mulf %mul3A_1298, %div3A_1259 : vector<16xf32>
        %mul3A_1300 = arith.mulf %mul3A_1299, %div3A_1259 : vector<16xf32>
        %mul3A_1301 = arith.mulf %mul3A_1300, %add3A_1296 : vector<16xf32>
        %add3A_1302 = arith.addf %scan3A_1244, %mul3A_1301 : vector<16xf32>
        scf.yield %add3A_1302 : vector<16xf32>
      }
      %scan3A_679 = arith.constant 80 : i32
      %get3A_680 = arith.constant 0 : index
      %get3A_681 = tpu.vector_load %arg16[%get3A_680] {strides = array<i32>} : memref<16xi32, #tpu.memory_space<vmem>>, vector<16xi32>,
      %gather3A_682 = tpu.vector_load_idx %arg11[%get3A_681, %scan3A_672] : memref<80x300xf32, #tpu.memory_space<vmem>>[vector<16xi32>, vector<16xi32>], vector<16xf32>,
      %neg3A_683 = arith.constant 0.000000e+00 : f32
      %neg3A_684 = vector.broadcast %neg3A_683 : f32 to vector<16xf32>
      %neg3A_685 = arith.subf %neg3A_684, %gather3A_682 : vector<16xf32>
      %exp3A_686 = math.exp %neg3A_685 : vector<16xf32>
      %add3A_687 = arith.constant 1.000000e+00 : f32
      %add3A_688 = vector.broadcast %add3A_687 : f32 to vector<16xf32>
      %add3A_689 = arith.addf %add3A_688, %exp3A_686 : vector<16xf32>
      %div3A_690 = arith.constant 1.000000e+00 : f32
      %div3A_691 = vector.broadcast %div3A_690 : f32 to vector<16xf32>
      %div3A_692 = arith.divf %div3A_691, %add3A_689 : vector<16xf32>
      %max3A_693 = arith.constant 0.000000e+00 : f32
      %max3A_694 = vector.broadcast %max3A_693 : f32 to vector<16xf32>
      %max3A_695 = arith.maximumf %gather3A_682, %max3A_694 : vector<16xf32>
      %abs3A_696 = math.absf %gather3A_682 : vector<16xf32>
      %neg3A_697 = arith.constant 0.000000e+00 : f32
      %neg3A_698 = vector.broadcast %neg3A_697 : f32 to vector<16xf32>
      %neg3A_699 = arith.subf %neg3A_698, %abs3A_696 : vector<16xf32>
      %exp3A_700 = math.exp %neg3A_699 : vector<16xf32>
      %add3A_701 = arith.constant 2.000000e+00 : f32
      %add3A_702 = vector.broadcast %add3A_701 : f32 to vector<16xf32>
      %add3A_703 = arith.addf %add3A_702, %exp3A_700 : vector<16xf32>
      %div3A_704 = arith.divf %exp3A_700, %add3A_703 : vector<16xf32>
      %mul3A_705 = arith.mulf %div3A_704, %div3A_704 : vector<16xf32>
      %mul3A_706 = arith.constant 0.181818187 : f32
      %mul3A_707 = vector.broadcast %mul3A_706 : f32 to vector<16xf32>
      %mul3A_708 = arith.mulf %mul3A_705, %mul3A_707 : vector<16xf32>
      %add3A_709 = arith.constant 0.222222224 : f32
      %add3A_710 = vector.broadcast %add3A_709 : f32 to vector<16xf32>
      %add3A_711 = arith.addf %add3A_710, %mul3A_708 : vector<16xf32>
      %mul3A_712 = arith.mulf %mul3A_705, %add3A_711 : vector<16xf32>
      %add3A_713 = arith.constant 0.285714298 : f32
      %add3A_714 = vector.broadcast %add3A_713 : f32 to vector<16xf32>
      %add3A_715 = arith.addf %add3A_714, %mul3A_712 : vector<16xf32>
      %mul3A_716 = arith.mulf %mul3A_705, %add3A_715 : vector<16xf32>
      %add3A_717 = arith.constant 4.000000e-01 : f32
      %add3A_718 = vector.broadcast %add3A_717 : f32 to vector<16xf32>
      %add3A_719 = arith.addf %add3A_718, %mul3A_716 : vector<16xf32>
      %mul3A_720 = arith.mulf %mul3A_705, %add3A_719 : vector<16xf32>
      %add3A_721 = arith.constant 0.666666686 : f32
      %add3A_722 = vector.broadcast %add3A_721 : f32 to vector<16xf32>
      %add3A_723 = arith.addf %add3A_722, %mul3A_720 : vector<16xf32>
      %mul3A_724 = arith.mulf %mul3A_705, %add3A_723 : vector<16xf32>
      %add3A_725 = arith.constant 2.000000e+00 : f32
      %add3A_726 = vector.broadcast %add3A_725 : f32 to vector<16xf32>
      %add3A_727 = arith.addf %add3A_726, %mul3A_724 : vector<16xf32>
      %mul3A_728 = arith.mulf %div3A_704, %add3A_727 : vector<16xf32>
      %add3A_729 = arith.addf %max3A_695, %mul3A_728 : vector<16xf32>
      %sub3A_730 = arith.subf %add3A_729, %gather3A_682 : vector<16xf32>
      %add3A_731 = arith.addf %scan3A_678, %sub3A_730 : vector<16xf32>
      %mul3A_732 = arith.constant 7.500000e-01 : f32
      %mul3A_733 = vector.broadcast %mul3A_732 : f32 to vector<16xf32>
      %mul3A_734 = arith.mulf %mul3A_733, %div3A_692 : vector<16xf32>
      %mul3A_735 = arith.mulf %mul3A_734, %div3A_692 : vector<16xf32>
      %mul3A_736 = arith.mulf %mul3A_735, %add3A_729 : vector<16xf32>
      %sub3A_737 = arith.subf %add3A_731, %mul3A_736 : vector<16xf32>
      %reduce_sum3A_738 = arith.constant true
      %reduce_sum3A_739 = vector.broadcast %reduce_sum3A_738 : i1 to vector<16xi1>
      %reduce_sum3A_740 = tpu.scan <sum>, %sub3A_737 masked %reduce_sum3A_739 : vector<16xf32>, vector<16xi1> -> vector<16xf32>
      %reduce_sum3A_741 = vector.extract %reduce_sum3A_740[15] : f32 from vector<16xf32>
      %broadcast_in_dim3A_742 = arith.constant 0 : i32
      %broadcast_in_dim3A_743 = vector.broadcast %broadcast_in_dim3A_742 : i32 to vector<16xi32>
      %add3A_744 = arith.constant 0 : i32
      %add3A_745 = vector.broadcast %add3A_744 : i32 to vector<16xi32>
      %add3A_746 = arith.addi %broadcast_in_dim3A_743, %add3A_745 : vector<16xi32>
      %gather3A_747 = tpu.vector_load_idx %arg12[%add3A_746, %scan3A_672] : memref<4x300xf32, #tpu.memory_space<vmem>>[vector<16xi32>, vector<16xi32>], vector<16xf32>,
      %broadcast_in_dim3A_748 = arith.constant 0 : i32
      %broadcast_in_dim3A_749 = vector.broadcast %broadcast_in_dim3A_748 : i32 to vector<16xi32>
      %add3A_750 = arith.constant 1 : i32
      %add3A_751 = vector.broadcast %add3A_750 : i32 to vector<16xi32>
      %add3A_752 = arith.addi %broadcast_in_dim3A_749, %add3A_751 : vector<16xi32>
      %gather3A_753 = tpu.vector_load_idx %arg12[%add3A_752, %scan3A_672] : memref<4x300xf32, #tpu.memory_space<vmem>>[vector<16xi32>, vector<16xi32>], vector<16xf32>,
      %broadcast_in_dim3A_754 = arith.constant 0 : i32
      %broadcast_in_dim3A_755 = vector.broadcast %broadcast_in_dim3A_754 : i32 to vector<16xi32>
      %add3A_756 = arith.constant 2 : i32
      %add3A_757 = vector.broadcast %add3A_756 : i32 to vector<16xi32>
      %add3A_758 = arith.addi %broadcast_in_dim3A_755, %add3A_757 : vector<16xi32>
      %gather3A_759 = tpu.vector_load_idx %arg12[%add3A_758, %scan3A_672] : memref<4x300xf32, #tpu.memory_space<vmem>>[vector<16xi32>, vector<16xi32>], vector<16xf32>,
      %broadcast_in_dim3A_760 = arith.constant 0 : i32
      %broadcast_in_dim3A_761 = vector.broadcast %broadcast_in_dim3A_760 : i32 to vector<16xi32>
      %add3A_762 = arith.constant 3 : i32
      %add3A_763 = vector.broadcast %add3A_762 : i32 to vector<16xi32>
      %add3A_764 = arith.addi %broadcast_in_dim3A_761, %add3A_763 : vector<16xi32>
      %gather3A_765 = tpu.vector_load_idx %arg12[%add3A_764, %scan3A_672] : memref<4x300xf32, #tpu.memory_space<vmem>>[vector<16xi32>, vector<16xi32>], vector<16xf32>,
      %add3A_766 = arith.addf %gather3A_747, %gather3A_759 : vector<16xf32>
      %mul3A_767 = arith.constant 5.000000e-01 : f32
      %mul3A_768 = vector.broadcast %mul3A_767 : f32 to vector<16xf32>
      %mul3A_769 = arith.mulf %add3A_766, %mul3A_768 : vector<16xf32>
      %add3A_770 = arith.addf %gather3A_753, %gather3A_765 : vector<16xf32>
      %mul3A_771 = arith.constant 5.000000e-01 : f32
      %mul3A_772 = vector.broadcast %mul3A_771 : f32 to vector<16xf32>
      %mul3A_773 = arith.mulf %add3A_770, %mul3A_772 : vector<16xf32>
      %get3A_774 = arith.constant 0 : i32
      %get3A_775 = arith.index_cast %get3A_774 : i32 to index
      %get3A_776 = arith.constant 0 : index
      %get3A_777 = tpu.vector_load %arg17[%get3A_775, %get3A_776] {strides = array<i32>} : memref<4x16xf32, #tpu.memory_space<vmem>>, vector<16xf32>,
      %get3A_778 = arith.constant 1 : i32
      %get3A_779 = arith.index_cast %get3A_778 : i32 to index
      %get3A_780 = arith.constant 0 : index
      %get3A_781 = tpu.vector_load %arg17[%get3A_779, %get3A_780] {strides = array<i32>} : memref<4x16xf32, #tpu.memory_space<vmem>>, vector<16xf32>,
      %get3A_782 = arith.constant 2 : i32
      %get3A_783 = arith.index_cast %get3A_782 : i32 to index
      %get3A_784 = arith.constant 0 : index
      %get3A_785 = tpu.vector_load %arg17[%get3A_783, %get3A_784] {strides = array<i32>} : memref<4x16xf32, #tpu.memory_space<vmem>>, vector<16xf32>,
      %get3A_786 = arith.constant 3 : i32
      %get3A_787 = arith.index_cast %get3A_786 : i32 to index
      %get3A_788 = arith.constant 0 : index
      %get3A_789 = tpu.vector_load %arg17[%get3A_787, %get3A_788] {strides = array<i32>} : memref<4x16xf32, #tpu.memory_space<vmem>>, vector<16xf32>,
      %sub3A_790 = arith.subf %mul3A_769, %get3A_777 : vector<16xf32>
      %sub3A_791 = arith.subf %mul3A_773, %get3A_781 : vector<16xf32>
      %sub3A_792 = arith.subf %get3A_785, %mul3A_769 : vector<16xf32>
      %sub3A_793 = arith.subf %get3A_789, %mul3A_773 : vector<16xf32>
      %mul3A_794 = arith.constant 3.200000e+01 : f32
      %mul3A_795 = vector.broadcast %mul3A_794 : f32 to vector<16xf32>
      %mul3A_796 = arith.mulf %sub3A_790, %mul3A_795 : vector<16xf32>
      %jit3A_797 = arith.constant 0.000000e+00 : f32
      %jit3A_798 = arith.constant 3.199000e+01 : f32
      %max3A_799 = vector.broadcast %jit3A_797 : f32 to vector<16xf32>
      %max3A_800 = arith.maximumf %max3A_799, %mul3A_796 : vector<16xf32>
      %min3A_801 = vector.broadcast %jit3A_798 : f32 to vector<16xf32>
      %min3A_802 = arith.minimumf %min3A_801, %max3A_800 : vector<16xf32>
      %convert_element_type3A_803 = arith.fptosi %min3A_802 : vector<16xf32> to vector<16xi32>
      %convert_element_type3A_804 = arith.sitofp %convert_element_type3A_803 : vector<16xi32> to vector<16xf32>
      %add3A_805 = arith.constant 1.000000e+00 : f32
      %add3A_806 = vector.broadcast %add3A_805 : f32 to vector<16xf32>
      %add3A_807 = arith.addf %convert_element_type3A_804, %add3A_806 : vector<16xf32>
      %sub3A_808 = arith.subf %add3A_807, %min3A_802 : vector<16xf32>
      %sub3A_809 = arith.subf %min3A_802, %convert_element_type3A_804 : vector<16xf32>
      %broadcast_in_dim3A_810 = arith.constant 0 : i32
      %broadcast_in_dim3A_811 = vector.broadcast %broadcast_in_dim3A_810 : i32 to vector<16xi32>
      %add3A_812 = arith.constant 0 : i32
      %add3A_813 = vector.broadcast %add3A_812 : i32 to vector<16xi32>
      %add3A_814 = arith.addi %broadcast_in_dim3A_811, %add3A_813 : vector<16xi32>
      %broadcast_in_dim3A_815 = arith.constant -1.000000e+30 : f32
      %broadcast_in_dim3A_816 = vector.broadcast %broadcast_in_dim3A_815 : f32 to vector<16xf32>
      %scan3A_817 = arith.constant 0 : i32
      %scan3A_818 = arith.constant 33 : i32
      %scan3A_819 = arith.addi %scan3A_817, %scan3A_818 : i32
      %scan3A_820 = arith.constant 1 : i32
      %scan3A_821 = scf.for %scan3A_1243 = %scan3A_817 to %scan3A_819 step %scan3A_820 iter_args(%scan3A_1244 = %broadcast_in_dim3A_816) -> (vector<16xf32>)  : i32 {
        %add3A_1245 = vector.broadcast %scan3A_1243 : i32 to vector<16xi32>
        %add3A_1246 = arith.addi %add3A_814, %add3A_1245 : vector<16xi32>
        %gather3A_1247 = tpu.vector_load_idx %arg13[%add3A_1246, %scan3A_672] : memref<132x300xf32, #tpu.memory_space<vmem>>[vector<16xi32>, vector<16xi32>], vector<16xf32>,
        %max3A_1248 = arith.maximumf %scan3A_1244, %gather3A_1247 : vector<16xf32>
        scf.yield %max3A_1248 : vector<16xf32>
      }
      %scan3A_822 = arith.constant 33 : i32
      %scan3A_823 = arith.constant 0 : i32
      %scan3A_824 = arith.constant 33 : i32
      %scan3A_825 = arith.addi %scan3A_823, %scan3A_824 : i32
      %scan3A_826 = arith.constant 1 : i32
      %scan3A_827 = scf.for %scan3A_1243 = %scan3A_823 to %scan3A_825 step %scan3A_826 iter_args(%scan3A_1244 = %broadcast_in_dim3A_1) -> (vector<16xf32>)  : i32 {
        %add3A_1245 = vector.broadcast %scan3A_1243 : i32 to vector<16xi32>
        %add3A_1246 = arith.addi %add3A_814, %add3A_1245 : vector<16xi32>
        %gather3A_1247 = tpu.vector_load_idx %arg13[%add3A_1246, %scan3A_672] : memref<132x300xf32, #tpu.memory_space<vmem>>[vector<16xi32>, vector<16xi32>], vector<16xf32>,
        %sub3A_1248 = arith.subf %gather3A_1247, %scan3A_821 : vector<16xf32>
        %exp3A_1249 = math.exp %sub3A_1248 : vector<16xf32>
        %add3A_1250 = arith.addf %scan3A_1244, %exp3A_1249 : vector<16xf32>
        scf.yield %add3A_1250 : vector<16xf32>
      }
      %scan3A_828 = arith.constant 33 : i32
      %bitcast_convert_type3A_829 = tpu.bitcast %scan3A_827 : vector<16xf32> -> vector<16xi32>
      %shift_right_arithmetic3A_830 = arith.constant 23 : i32
      %shift_right_arithmetic3A_831 = vector.broadcast %shift_right_arithmetic3A_830 : i32 to vector<16xi32>
      %shift_right_arithmetic3A_832 = arith.shrsi %bitcast_convert_type3A_829, %shift_right_arithmetic3A_831 : vector<16xi32>
      %sub3A_833 = arith.constant 127 : i32
      %sub3A_834 = vector.broadcast %sub3A_833 : i32 to vector<16xi32>
      %sub3A_835 = arith.subi %shift_right_arithmetic3A_832, %sub3A_834 : vector<16xi32>
      %and3A_836 = arith.constant 8388607 : i32
      %and3A_837 = vector.broadcast %and3A_836 : i32 to vector<16xi32>
      %and3A_838 = arith.andi %bitcast_convert_type3A_829, %and3A_837 : vector<16xi32>
      %or3A_839 = arith.constant 1065353216 : i32
      %or3A_840 = vector.broadcast %or3A_839 : i32 to vector<16xi32>
      %or3A_841 = arith.ori %and3A_838, %or3A_840 : vector<16xi32>
      %bitcast_convert_type3A_842 = tpu.bitcast %or3A_841 : vector<16xi32> -> vector<16xf32>
      %gt3A_843 = arith.constant 1.41421354 : f32
      %gt3A_844 = vector.broadcast %gt3A_843 : f32 to vector<16xf32>
      %gt3A_845 = arith.cmpf ogt, %bitcast_convert_type3A_842, %gt3A_844 : vector<16xf32>
      %mul3A_846 = arith.constant 5.000000e-01 : f32
      %mul3A_847 = vector.broadcast %mul3A_846 : f32 to vector<16xf32>
      %mul3A_848 = arith.mulf %bitcast_convert_type3A_842, %mul3A_847 : vector<16xf32>
      %select_n3A_849 = arith.select %gt3A_845, %mul3A_848, %bitcast_convert_type3A_842 : vector<16xi1>, vector<16xf32>
      %convert_element_type3A_850 = arith.extui %gt3A_845 : vector<16xi1> to vector<16xi32>
      %add3A_851 = arith.addi %sub3A_835, %convert_element_type3A_850 : vector<16xi32>
      %convert_element_type3A_852 = arith.sitofp %add3A_851 : vector<16xi32> to vector<16xf32>
      %sub3A_853 = arith.constant 1.000000e+00 : f32
      %sub3A_854 = vector.broadcast %sub3A_853 : f32 to vector<16xf32>
      %sub3A_855 = arith.subf %select_n3A_849, %sub3A_854 : vector<16xf32>
      %add3A_856 = arith.constant 1.000000e+00 : f32
      %add3A_857 = vector.broadcast %add3A_856 : f32 to vector<16xf32>
      %add3A_858 = arith.addf %select_n3A_849, %add3A_857 : vector<16xf32>
      %div3A_859 = arith.divf %sub3A_855, %add3A_858 : vector<16xf32>
      %mul3A_860 = arith.mulf %div3A_859, %div3A_859 : vector<16xf32>
      %mul3A_861 = arith.constant 0.222222224 : f32
      %mul3A_862 = vector.broadcast %mul3A_861 : f32 to vector<16xf32>
      %mul3A_863 = arith.mulf %mul3A_860, %mul3A_862 : vector<16xf32>
      %add3A_864 = arith.constant 0.285714298 : f32
      %add3A_865 = vector.broadcast %add3A_864 : f32 to vector<16xf32>
      %add3A_866 = arith.addf %add3A_865, %mul3A_863 : vector<16xf32>
      %mul3A_867 = arith.mulf %mul3A_860, %add3A_866 : vector<16xf32>
      %add3A_868 = arith.constant 4.000000e-01 : f32
      %add3A_869 = vector.broadcast %add3A_868 : f32 to vector<16xf32>
      %add3A_870 = arith.addf %add3A_869, %mul3A_867 : vector<16xf32>
      %mul3A_871 = arith.mulf %mul3A_860, %add3A_870 : vector<16xf32>
      %add3A_872 = arith.constant 0.666666686 : f32
      %add3A_873 = vector.broadcast %add3A_872 : f32 to vector<16xf32>
      %add3A_874 = arith.addf %add3A_873, %mul3A_871 : vector<16xf32>
      %mul3A_875 = arith.mulf %mul3A_860, %add3A_874 : vector<16xf32>
      %add3A_876 = arith.constant 2.000000e+00 : f32
      %add3A_877 = vector.broadcast %add3A_876 : f32 to vector<16xf32>
      %add3A_878 = arith.addf %add3A_877, %mul3A_875 : vector<16xf32>
      %mul3A_879 = arith.mulf %div3A_859, %add3A_878 : vector<16xf32>
      %mul3A_880 = arith.constant 0.693147182 : f32
      %mul3A_881 = vector.broadcast %mul3A_880 : f32 to vector<16xf32>
      %mul3A_882 = arith.mulf %convert_element_type3A_852, %mul3A_881 : vector<16xf32>
      %add3A_883 = arith.addf %mul3A_882, %mul3A_879 : vector<16xf32>
      %add3A_884 = arith.addf %scan3A_821, %add3A_883 : vector<16xf32>
      %add3A_885 = arith.addi %add3A_814, %convert_element_type3A_803 : vector<16xi32>
      %gather3A_886 = tpu.vector_load_idx %arg13[%add3A_885, %scan3A_672] : memref<132x300xf32, #tpu.memory_space<vmem>>[vector<16xi32>, vector<16xi32>], vector<16xf32>,
      %add3A_887 = arith.addi %add3A_814, %convert_element_type3A_803 : vector<16xi32>
      %add3A_888 = arith.constant 1 : i32
      %add3A_889 = vector.broadcast %add3A_888 : i32 to vector<16xi32>
      %add3A_890 = arith.addi %add3A_887, %add3A_889 : vector<16xi32>
      %gather3A_891 = tpu.vector_load_idx %arg13[%add3A_890, %scan3A_672] : memref<132x300xf32, #tpu.memory_space<vmem>>[vector<16xi32>, vector<16xi32>], vector<16xf32>,
      %mul3A_892 = arith.mulf %sub3A_808, %gather3A_886 : vector<16xf32>
      %sub3A_893 = arith.subf %add3A_884, %mul3A_892 : vector<16xf32>
      %mul3A_894 = arith.mulf %sub3A_809, %gather3A_891 : vector<16xf32>
      %sub3A_895 = arith.subf %sub3A_893, %mul3A_894 : vector<16xf32>
      %reduce_sum3A_896 = arith.constant true
      %reduce_sum3A_897 = vector.broadcast %reduce_sum3A_896 : i1 to vector<16xi1>
      %reduce_sum3A_898 = tpu.scan <sum>, %sub3A_895 masked %reduce_sum3A_897 : vector<16xf32>, vector<16xi1> -> vector<16xf32>
      %reduce_sum3A_899 = vector.extract %reduce_sum3A_898[15] : f32 from vector<16xf32>
      %add3A_900 = arith.constant 0.000000e+00 : f32
      %add3A_901 = arith.addf %add3A_900, %reduce_sum3A_899 : f32
      %mul3A_902 = arith.constant 3.200000e+01 : f32
      %mul3A_903 = vector.broadcast %mul3A_902 : f32 to vector<16xf32>
      %mul3A_904 = arith.mulf %sub3A_791, %mul3A_903 : vector<16xf32>
      %jit3A_905 = arith.constant 0.000000e+00 : f32
      %jit3A_906 = arith.constant 3.199000e+01 : f32
      %max3A_907 = vector.broadcast %jit3A_905 : f32 to vector<16xf32>
      %max3A_908 = arith.maximumf %max3A_907, %mul3A_904 : vector<16xf32>
      %min3A_909 = vector.broadcast %jit3A_906 : f32 to vector<16xf32>
      %min3A_910 = arith.minimumf %min3A_909, %max3A_908 : vector<16xf32>
      %convert_element_type3A_911 = arith.fptosi %min3A_910 : vector<16xf32> to vector<16xi32>
      %convert_element_type3A_912 = arith.sitofp %convert_element_type3A_911 : vector<16xi32> to vector<16xf32>
      %add3A_913 = arith.constant 1.000000e+00 : f32
      %add3A_914 = vector.broadcast %add3A_913 : f32 to vector<16xf32>
      %add3A_915 = arith.addf %convert_element_type3A_912, %add3A_914 : vector<16xf32>
      %sub3A_916 = arith.subf %add3A_915, %min3A_910 : vector<16xf32>
      %sub3A_917 = arith.subf %min3A_910, %convert_element_type3A_912 : vector<16xf32>
      %broadcast_in_dim3A_918 = arith.constant 0 : i32
      %broadcast_in_dim3A_919 = vector.broadcast %broadcast_in_dim3A_918 : i32 to vector<16xi32>
      %add3A_920 = arith.constant 33 : i32
      %add3A_921 = vector.broadcast %add3A_920 : i32 to vector<16xi32>
      %add3A_922 = arith.addi %broadcast_in_dim3A_919, %add3A_921 : vector<16xi32>
      %broadcast_in_dim3A_923 = arith.constant -1.000000e+30 : f32
      %broadcast_in_dim3A_924 = vector.broadcast %broadcast_in_dim3A_923 : f32 to vector<16xf32>
      %scan3A_925 = arith.constant 0 : i32
      %scan3A_926 = arith.constant 33 : i32
      %scan3A_927 = arith.addi %scan3A_925, %scan3A_926 : i32
      %scan3A_928 = arith.constant 1 : i32
      %scan3A_929 = scf.for %scan3A_1243 = %scan3A_925 to %scan3A_927 step %scan3A_928 iter_args(%scan3A_1244 = %broadcast_in_dim3A_924) -> (vector<16xf32>)  : i32 {
        %add3A_1245 = vector.broadcast %scan3A_1243 : i32 to vector<16xi32>
        %add3A_1246 = arith.addi %add3A_922, %add3A_1245 : vector<16xi32>
        %gather3A_1247 = tpu.vector_load_idx %arg13[%add3A_1246, %scan3A_672] : memref<132x300xf32, #tpu.memory_space<vmem>>[vector<16xi32>, vector<16xi32>], vector<16xf32>,
        %max3A_1248 = arith.maximumf %scan3A_1244, %gather3A_1247 : vector<16xf32>
        scf.yield %max3A_1248 : vector<16xf32>
      }
      %scan3A_930 = arith.constant 33 : i32
      %scan3A_931 = arith.constant 0 : i32
      %scan3A_932 = arith.constant 33 : i32
      %scan3A_933 = arith.addi %scan3A_931, %scan3A_932 : i32
      %scan3A_934 = arith.constant 1 : i32
      %scan3A_935 = scf.for %scan3A_1243 = %scan3A_931 to %scan3A_933 step %scan3A_934 iter_args(%scan3A_1244 = %broadcast_in_dim3A_1) -> (vector<16xf32>)  : i32 {
        %add3A_1245 = vector.broadcast %scan3A_1243 : i32 to vector<16xi32>
        %add3A_1246 = arith.addi %add3A_922, %add3A_1245 : vector<16xi32>
        %gather3A_1247 = tpu.vector_load_idx %arg13[%add3A_1246, %scan3A_672] : memref<132x300xf32, #tpu.memory_space<vmem>>[vector<16xi32>, vector<16xi32>], vector<16xf32>,
        %sub3A_1248 = arith.subf %gather3A_1247, %scan3A_929 : vector<16xf32>
        %exp3A_1249 = math.exp %sub3A_1248 : vector<16xf32>
        %add3A_1250 = arith.addf %scan3A_1244, %exp3A_1249 : vector<16xf32>
        scf.yield %add3A_1250 : vector<16xf32>
      }
      %scan3A_936 = arith.constant 33 : i32
      %bitcast_convert_type3A_937 = tpu.bitcast %scan3A_935 : vector<16xf32> -> vector<16xi32>
      %shift_right_arithmetic3A_938 = arith.constant 23 : i32
      %shift_right_arithmetic3A_939 = vector.broadcast %shift_right_arithmetic3A_938 : i32 to vector<16xi32>
      %shift_right_arithmetic3A_940 = arith.shrsi %bitcast_convert_type3A_937, %shift_right_arithmetic3A_939 : vector<16xi32>
      %sub3A_941 = arith.constant 127 : i32
      %sub3A_942 = vector.broadcast %sub3A_941 : i32 to vector<16xi32>
      %sub3A_943 = arith.subi %shift_right_arithmetic3A_940, %sub3A_942 : vector<16xi32>
      %and3A_944 = arith.constant 8388607 : i32
      %and3A_945 = vector.broadcast %and3A_944 : i32 to vector<16xi32>
      %and3A_946 = arith.andi %bitcast_convert_type3A_937, %and3A_945 : vector<16xi32>
      %or3A_947 = arith.constant 1065353216 : i32
      %or3A_948 = vector.broadcast %or3A_947 : i32 to vector<16xi32>
      %or3A_949 = arith.ori %and3A_946, %or3A_948 : vector<16xi32>
      %bitcast_convert_type3A_950 = tpu.bitcast %or3A_949 : vector<16xi32> -> vector<16xf32>
      %gt3A_951 = arith.constant 1.41421354 : f32
      %gt3A_952 = vector.broadcast %gt3A_951 : f32 to vector<16xf32>
      %gt3A_953 = arith.cmpf ogt, %bitcast_convert_type3A_950, %gt3A_952 : vector<16xf32>
      %mul3A_954 = arith.constant 5.000000e-01 : f32
      %mul3A_955 = vector.broadcast %mul3A_954 : f32 to vector<16xf32>
      %mul3A_956 = arith.mulf %bitcast_convert_type3A_950, %mul3A_955 : vector<16xf32>
      %select_n3A_957 = arith.select %gt3A_953, %mul3A_956, %bitcast_convert_type3A_950 : vector<16xi1>, vector<16xf32>
      %convert_element_type3A_958 = arith.extui %gt3A_953 : vector<16xi1> to vector<16xi32>
      %add3A_959 = arith.addi %sub3A_943, %convert_element_type3A_958 : vector<16xi32>
      %convert_element_type3A_960 = arith.sitofp %add3A_959 : vector<16xi32> to vector<16xf32>
      %sub3A_961 = arith.constant 1.000000e+00 : f32
      %sub3A_962 = vector.broadcast %sub3A_961 : f32 to vector<16xf32>
      %sub3A_963 = arith.subf %select_n3A_957, %sub3A_962 : vector<16xf32>
      %add3A_964 = arith.constant 1.000000e+00 : f32
      %add3A_965 = vector.broadcast %add3A_964 : f32 to vector<16xf32>
      %add3A_966 = arith.addf %select_n3A_957, %add3A_965 : vector<16xf32>
      %div3A_967 = arith.divf %sub3A_963, %add3A_966 : vector<16xf32>
      %mul3A_968 = arith.mulf %div3A_967, %div3A_967 : vector<16xf32>
      %mul3A_969 = arith.constant 0.222222224 : f32
      %mul3A_970 = vector.broadcast %mul3A_969 : f32 to vector<16xf32>
      %mul3A_971 = arith.mulf %mul3A_968, %mul3A_970 : vector<16xf32>
      %add3A_972 = arith.constant 0.285714298 : f32
      %add3A_973 = vector.broadcast %add3A_972 : f32 to vector<16xf32>
      %add3A_974 = arith.addf %add3A_973, %mul3A_971 : vector<16xf32>
      %mul3A_975 = arith.mulf %mul3A_968, %add3A_974 : vector<16xf32>
      %add3A_976 = arith.constant 4.000000e-01 : f32
      %add3A_977 = vector.broadcast %add3A_976 : f32 to vector<16xf32>
      %add3A_978 = arith.addf %add3A_977, %mul3A_975 : vector<16xf32>
      %mul3A_979 = arith.mulf %mul3A_968, %add3A_978 : vector<16xf32>
      %add3A_980 = arith.constant 0.666666686 : f32
      %add3A_981 = vector.broadcast %add3A_980 : f32 to vector<16xf32>
      %add3A_982 = arith.addf %add3A_981, %mul3A_979 : vector<16xf32>
      %mul3A_983 = arith.mulf %mul3A_968, %add3A_982 : vector<16xf32>
      %add3A_984 = arith.constant 2.000000e+00 : f32
      %add3A_985 = vector.broadcast %add3A_984 : f32 to vector<16xf32>
      %add3A_986 = arith.addf %add3A_985, %mul3A_983 : vector<16xf32>
      %mul3A_987 = arith.mulf %div3A_967, %add3A_986 : vector<16xf32>
      %mul3A_988 = arith.constant 0.693147182 : f32
      %mul3A_989 = vector.broadcast %mul3A_988 : f32 to vector<16xf32>
      %mul3A_990 = arith.mulf %convert_element_type3A_960, %mul3A_989 : vector<16xf32>
      %add3A_991 = arith.addf %mul3A_990, %mul3A_987 : vector<16xf32>
      %add3A_992 = arith.addf %scan3A_929, %add3A_991 : vector<16xf32>
      %add3A_993 = arith.addi %add3A_922, %convert_element_type3A_911 : vector<16xi32>
      %gather3A_994 = tpu.vector_load_idx %arg13[%add3A_993, %scan3A_672] : memref<132x300xf32, #tpu.memory_space<vmem>>[vector<16xi32>, vector<16xi32>], vector<16xf32>,
      %add3A_995 = arith.addi %add3A_922, %convert_element_type3A_911 : vector<16xi32>
      %add3A_996 = arith.constant 1 : i32
      %add3A_997 = vector.broadcast %add3A_996 : i32 to vector<16xi32>
      %add3A_998 = arith.addi %add3A_995, %add3A_997 : vector<16xi32>
      %gather3A_999 = tpu.vector_load_idx %arg13[%add3A_998, %scan3A_672] : memref<132x300xf32, #tpu.memory_space<vmem>>[vector<16xi32>, vector<16xi32>], vector<16xf32>,
      %mul3A_1000 = arith.mulf %sub3A_916, %gather3A_994 : vector<16xf32>
      %sub3A_1001 = arith.subf %add3A_992, %mul3A_1000 : vector<16xf32>
      %mul3A_1002 = arith.mulf %sub3A_917, %gather3A_999 : vector<16xf32>
      %sub3A_1003 = arith.subf %sub3A_1001, %mul3A_1002 : vector<16xf32>
      %reduce_sum3A_1004 = arith.constant true
      %reduce_sum3A_1005 = vector.broadcast %reduce_sum3A_1004 : i1 to vector<16xi1>
      %reduce_sum3A_1006 = tpu.scan <sum>, %sub3A_1003 masked %reduce_sum3A_1005 : vector<16xf32>, vector<16xi1> -> vector<16xf32>
      %reduce_sum3A_1007 = vector.extract %reduce_sum3A_1006[15] : f32 from vector<16xf32>
      %add3A_1008 = arith.addf %add3A_901, %reduce_sum3A_1007 : f32
      %mul3A_1009 = arith.constant 3.200000e+01 : f32
      %mul3A_1010 = vector.broadcast %mul3A_1009 : f32 to vector<16xf32>
      %mul3A_1011 = arith.mulf %sub3A_792, %mul3A_1010 : vector<16xf32>
      %jit3A_1012 = arith.constant 0.000000e+00 : f32
      %jit3A_1013 = arith.constant 3.199000e+01 : f32
      %max3A_1014 = vector.broadcast %jit3A_1012 : f32 to vector<16xf32>
      %max3A_1015 = arith.maximumf %max3A_1014, %mul3A_1011 : vector<16xf32>
      %min3A_1016 = vector.broadcast %jit3A_1013 : f32 to vector<16xf32>
      %min3A_1017 = arith.minimumf %min3A_1016, %max3A_1015 : vector<16xf32>
      %convert_element_type3A_1018 = arith.fptosi %min3A_1017 : vector<16xf32> to vector<16xi32>
      %convert_element_type3A_1019 = arith.sitofp %convert_element_type3A_1018 : vector<16xi32> to vector<16xf32>
      %add3A_1020 = arith.constant 1.000000e+00 : f32
      %add3A_1021 = vector.broadcast %add3A_1020 : f32 to vector<16xf32>
      %add3A_1022 = arith.addf %convert_element_type3A_1019, %add3A_1021 : vector<16xf32>
      %sub3A_1023 = arith.subf %add3A_1022, %min3A_1017 : vector<16xf32>
      %sub3A_1024 = arith.subf %min3A_1017, %convert_element_type3A_1019 : vector<16xf32>
      %broadcast_in_dim3A_1025 = arith.constant 0 : i32
      %broadcast_in_dim3A_1026 = vector.broadcast %broadcast_in_dim3A_1025 : i32 to vector<16xi32>
      %add3A_1027 = arith.constant 66 : i32
      %add3A_1028 = vector.broadcast %add3A_1027 : i32 to vector<16xi32>
      %add3A_1029 = arith.addi %broadcast_in_dim3A_1026, %add3A_1028 : vector<16xi32>
      %broadcast_in_dim3A_1030 = arith.constant -1.000000e+30 : f32
      %broadcast_in_dim3A_1031 = vector.broadcast %broadcast_in_dim3A_1030 : f32 to vector<16xf32>
      %scan3A_1032 = arith.constant 0 : i32
      %scan3A_1033 = arith.constant 33 : i32
      %scan3A_1034 = arith.addi %scan3A_1032, %scan3A_1033 : i32
      %scan3A_1035 = arith.constant 1 : i32
      %scan3A_1036 = scf.for %scan3A_1243 = %scan3A_1032 to %scan3A_1034 step %scan3A_1035 iter_args(%scan3A_1244 = %broadcast_in_dim3A_1031) -> (vector<16xf32>)  : i32 {
        %add3A_1245 = vector.broadcast %scan3A_1243 : i32 to vector<16xi32>
        %add3A_1246 = arith.addi %add3A_1029, %add3A_1245 : vector<16xi32>
        %gather3A_1247 = tpu.vector_load_idx %arg13[%add3A_1246, %scan3A_672] : memref<132x300xf32, #tpu.memory_space<vmem>>[vector<16xi32>, vector<16xi32>], vector<16xf32>,
        %max3A_1248 = arith.maximumf %scan3A_1244, %gather3A_1247 : vector<16xf32>
        scf.yield %max3A_1248 : vector<16xf32>
      }
      %scan3A_1037 = arith.constant 33 : i32
      %scan3A_1038 = arith.constant 0 : i32
      %scan3A_1039 = arith.constant 33 : i32
      %scan3A_1040 = arith.addi %scan3A_1038, %scan3A_1039 : i32
      %scan3A_1041 = arith.constant 1 : i32
      %scan3A_1042 = scf.for %scan3A_1243 = %scan3A_1038 to %scan3A_1040 step %scan3A_1041 iter_args(%scan3A_1244 = %broadcast_in_dim3A_1) -> (vector<16xf32>)  : i32 {
        %add3A_1245 = vector.broadcast %scan3A_1243 : i32 to vector<16xi32>
        %add3A_1246 = arith.addi %add3A_1029, %add3A_1245 : vector<16xi32>
        %gather3A_1247 = tpu.vector_load_idx %arg13[%add3A_1246, %scan3A_672] : memref<132x300xf32, #tpu.memory_space<vmem>>[vector<16xi32>, vector<16xi32>], vector<16xf32>,
        %sub3A_1248 = arith.subf %gather3A_1247, %scan3A_1036 : vector<16xf32>
        %exp3A_1249 = math.exp %sub3A_1248 : vector<16xf32>
        %add3A_1250 = arith.addf %scan3A_1244, %exp3A_1249 : vector<16xf32>
        scf.yield %add3A_1250 : vector<16xf32>
      }
      %scan3A_1043 = arith.constant 33 : i32
      %bitcast_convert_type3A_1044 = tpu.bitcast %scan3A_1042 : vector<16xf32> -> vector<16xi32>
      %shift_right_arithmetic3A_1045 = arith.constant 23 : i32
      %shift_right_arithmetic3A_1046 = vector.broadcast %shift_right_arithmetic3A_1045 : i32 to vector<16xi32>
      %shift_right_arithmetic3A_1047 = arith.shrsi %bitcast_convert_type3A_1044, %shift_right_arithmetic3A_1046 : vector<16xi32>
      %sub3A_1048 = arith.constant 127 : i32
      %sub3A_1049 = vector.broadcast %sub3A_1048 : i32 to vector<16xi32>
      %sub3A_1050 = arith.subi %shift_right_arithmetic3A_1047, %sub3A_1049 : vector<16xi32>
      %and3A_1051 = arith.constant 8388607 : i32
      %and3A_1052 = vector.broadcast %and3A_1051 : i32 to vector<16xi32>
      %and3A_1053 = arith.andi %bitcast_convert_type3A_1044, %and3A_1052 : vector<16xi32>
      %or3A_1054 = arith.constant 1065353216 : i32
      %or3A_1055 = vector.broadcast %or3A_1054 : i32 to vector<16xi32>
      %or3A_1056 = arith.ori %and3A_1053, %or3A_1055 : vector<16xi32>
      %bitcast_convert_type3A_1057 = tpu.bitcast %or3A_1056 : vector<16xi32> -> vector<16xf32>
      %gt3A_1058 = arith.constant 1.41421354 : f32
      %gt3A_1059 = vector.broadcast %gt3A_1058 : f32 to vector<16xf32>
      %gt3A_1060 = arith.cmpf ogt, %bitcast_convert_type3A_1057, %gt3A_1059 : vector<16xf32>
      %mul3A_1061 = arith.constant 5.000000e-01 : f32
      %mul3A_1062 = vector.broadcast %mul3A_1061 : f32 to vector<16xf32>
      %mul3A_1063 = arith.mulf %bitcast_convert_type3A_1057, %mul3A_1062 : vector<16xf32>
      %select_n3A_1064 = arith.select %gt3A_1060, %mul3A_1063, %bitcast_convert_type3A_1057 : vector<16xi1>, vector<16xf32>
      %convert_element_type3A_1065 = arith.extui %gt3A_1060 : vector<16xi1> to vector<16xi32>
      %add3A_1066 = arith.addi %sub3A_1050, %convert_element_type3A_1065 : vector<16xi32>
      %convert_element_type3A_1067 = arith.sitofp %add3A_1066 : vector<16xi32> to vector<16xf32>
      %sub3A_1068 = arith.constant 1.000000e+00 : f32
      %sub3A_1069 = vector.broadcast %sub3A_1068 : f32 to vector<16xf32>
      %sub3A_1070 = arith.subf %select_n3A_1064, %sub3A_1069 : vector<16xf32>
      %add3A_1071 = arith.constant 1.000000e+00 : f32
      %add3A_1072 = vector.broadcast %add3A_1071 : f32 to vector<16xf32>
      %add3A_1073 = arith.addf %select_n3A_1064, %add3A_1072 : vector<16xf32>
      %div3A_1074 = arith.divf %sub3A_1070, %add3A_1073 : vector<16xf32>
      %mul3A_1075 = arith.mulf %div3A_1074, %div3A_1074 : vector<16xf32>
      %mul3A_1076 = arith.constant 0.222222224 : f32
      %mul3A_1077 = vector.broadcast %mul3A_1076 : f32 to vector<16xf32>
      %mul3A_1078 = arith.mulf %mul3A_1075, %mul3A_1077 : vector<16xf32>
      %add3A_1079 = arith.constant 0.285714298 : f32
      %add3A_1080 = vector.broadcast %add3A_1079 : f32 to vector<16xf32>
      %add3A_1081 = arith.addf %add3A_1080, %mul3A_1078 : vector<16xf32>
      %mul3A_1082 = arith.mulf %mul3A_1075, %add3A_1081 : vector<16xf32>
      %add3A_1083 = arith.constant 4.000000e-01 : f32
      %add3A_1084 = vector.broadcast %add3A_1083 : f32 to vector<16xf32>
      %add3A_1085 = arith.addf %add3A_1084, %mul3A_1082 : vector<16xf32>
      %mul3A_1086 = arith.mulf %mul3A_1075, %add3A_1085 : vector<16xf32>
      %add3A_1087 = arith.constant 0.666666686 : f32
      %add3A_1088 = vector.broadcast %add3A_1087 : f32 to vector<16xf32>
      %add3A_1089 = arith.addf %add3A_1088, %mul3A_1086 : vector<16xf32>
      %mul3A_1090 = arith.mulf %mul3A_1075, %add3A_1089 : vector<16xf32>
      %add3A_1091 = arith.constant 2.000000e+00 : f32
      %add3A_1092 = vector.broadcast %add3A_1091 : f32 to vector<16xf32>
      %add3A_1093 = arith.addf %add3A_1092, %mul3A_1090 : vector<16xf32>
      %mul3A_1094 = arith.mulf %div3A_1074, %add3A_1093 : vector<16xf32>
      %mul3A_1095 = arith.constant 0.693147182 : f32
      %mul3A_1096 = vector.broadcast %mul3A_1095 : f32 to vector<16xf32>
      %mul3A_1097 = arith.mulf %convert_element_type3A_1067, %mul3A_1096 : vector<16xf32>
      %add3A_1098 = arith.addf %mul3A_1097, %mul3A_1094 : vector<16xf32>
      %add3A_1099 = arith.addf %scan3A_1036, %add3A_1098 : vector<16xf32>
      %add3A_1100 = arith.addi %add3A_1029, %convert_element_type3A_1018 : vector<16xi32>
      %gather3A_1101 = tpu.vector_load_idx %arg13[%add3A_1100, %scan3A_672] : memref<132x300xf32, #tpu.memory_space<vmem>>[vector<16xi32>, vector<16xi32>], vector<16xf32>,
      %add3A_1102 = arith.addi %add3A_1029, %convert_element_type3A_1018 : vector<16xi32>
      %add3A_1103 = arith.constant 1 : i32
      %add3A_1104 = vector.broadcast %add3A_1103 : i32 to vector<16xi32>
      %add3A_1105 = arith.addi %add3A_1102, %add3A_1104 : vector<16xi32>
      %gather3A_1106 = tpu.vector_load_idx %arg13[%add3A_1105, %scan3A_672] : memref<132x300xf32, #tpu.memory_space<vmem>>[vector<16xi32>, vector<16xi32>], vector<16xf32>,
      %mul3A_1107 = arith.mulf %sub3A_1023, %gather3A_1101 : vector<16xf32>
      %sub3A_1108 = arith.subf %add3A_1099, %mul3A_1107 : vector<16xf32>
      %mul3A_1109 = arith.mulf %sub3A_1024, %gather3A_1106 : vector<16xf32>
      %sub3A_1110 = arith.subf %sub3A_1108, %mul3A_1109 : vector<16xf32>
      %reduce_sum3A_1111 = arith.constant true
      %reduce_sum3A_1112 = vector.broadcast %reduce_sum3A_1111 : i1 to vector<16xi1>
      %reduce_sum3A_1113 = tpu.scan <sum>, %sub3A_1110 masked %reduce_sum3A_1112 : vector<16xf32>, vector<16xi1> -> vector<16xf32>
      %reduce_sum3A_1114 = vector.extract %reduce_sum3A_1113[15] : f32 from vector<16xf32>
      %add3A_1115 = arith.addf %add3A_1008, %reduce_sum3A_1114 : f32
      %mul3A_1116 = arith.constant 3.200000e+01 : f32
      %mul3A_1117 = vector.broadcast %mul3A_1116 : f32 to vector<16xf32>
      %mul3A_1118 = arith.mulf %sub3A_793, %mul3A_1117 : vector<16xf32>
      %jit3A_1119 = arith.constant 0.000000e+00 : f32
      %jit3A_1120 = arith.constant 3.199000e+01 : f32
      %max3A_1121 = vector.broadcast %jit3A_1119 : f32 to vector<16xf32>
      %max3A_1122 = arith.maximumf %max3A_1121, %mul3A_1118 : vector<16xf32>
      %min3A_1123 = vector.broadcast %jit3A_1120 : f32 to vector<16xf32>
      %min3A_1124 = arith.minimumf %min3A_1123, %max3A_1122 : vector<16xf32>
      %convert_element_type3A_1125 = arith.fptosi %min3A_1124 : vector<16xf32> to vector<16xi32>
      %convert_element_type3A_1126 = arith.sitofp %convert_element_type3A_1125 : vector<16xi32> to vector<16xf32>
      %add3A_1127 = arith.constant 1.000000e+00 : f32
      %add3A_1128 = vector.broadcast %add3A_1127 : f32 to vector<16xf32>
      %add3A_1129 = arith.addf %convert_element_type3A_1126, %add3A_1128 : vector<16xf32>
      %sub3A_1130 = arith.subf %add3A_1129, %min3A_1124 : vector<16xf32>
      %sub3A_1131 = arith.subf %min3A_1124, %convert_element_type3A_1126 : vector<16xf32>
      %broadcast_in_dim3A_1132 = arith.constant 0 : i32
      %broadcast_in_dim3A_1133 = vector.broadcast %broadcast_in_dim3A_1132 : i32 to vector<16xi32>
      %add3A_1134 = arith.constant 99 : i32
      %add3A_1135 = vector.broadcast %add3A_1134 : i32 to vector<16xi32>
      %add3A_1136 = arith.addi %broadcast_in_dim3A_1133, %add3A_1135 : vector<16xi32>
      %broadcast_in_dim3A_1137 = arith.constant -1.000000e+30 : f32
      %broadcast_in_dim3A_1138 = vector.broadcast %broadcast_in_dim3A_1137 : f32 to vector<16xf32>
      %scan3A_1139 = arith.constant 0 : i32
      %scan3A_1140 = arith.constant 33 : i32
      %scan3A_1141 = arith.addi %scan3A_1139, %scan3A_1140 : i32
      %scan3A_1142 = arith.constant 1 : i32
      %scan3A_1143 = scf.for %scan3A_1243 = %scan3A_1139 to %scan3A_1141 step %scan3A_1142 iter_args(%scan3A_1244 = %broadcast_in_dim3A_1138) -> (vector<16xf32>)  : i32 {
        %add3A_1245 = vector.broadcast %scan3A_1243 : i32 to vector<16xi32>
        %add3A_1246 = arith.addi %add3A_1136, %add3A_1245 : vector<16xi32>
        %gather3A_1247 = tpu.vector_load_idx %arg13[%add3A_1246, %scan3A_672] : memref<132x300xf32, #tpu.memory_space<vmem>>[vector<16xi32>, vector<16xi32>], vector<16xf32>,
        %max3A_1248 = arith.maximumf %scan3A_1244, %gather3A_1247 : vector<16xf32>
        scf.yield %max3A_1248 : vector<16xf32>
      }
      %scan3A_1144 = arith.constant 33 : i32
      %scan3A_1145 = arith.constant 0 : i32
      %scan3A_1146 = arith.constant 33 : i32
      %scan3A_1147 = arith.addi %scan3A_1145, %scan3A_1146 : i32
      %scan3A_1148 = arith.constant 1 : i32
      %scan3A_1149 = scf.for %scan3A_1243 = %scan3A_1145 to %scan3A_1147 step %scan3A_1148 iter_args(%scan3A_1244 = %broadcast_in_dim3A_1) -> (vector<16xf32>)  : i32 {
        %add3A_1245 = vector.broadcast %scan3A_1243 : i32 to vector<16xi32>
        %add3A_1246 = arith.addi %add3A_1136, %add3A_1245 : vector<16xi32>
        %gather3A_1247 = tpu.vector_load_idx %arg13[%add3A_1246, %scan3A_672] : memref<132x300xf32, #tpu.memory_space<vmem>>[vector<16xi32>, vector<16xi32>], vector<16xf32>,
        %sub3A_1248 = arith.subf %gather3A_1247, %scan3A_1143 : vector<16xf32>
        %exp3A_1249 = math.exp %sub3A_1248 : vector<16xf32>
        %add3A_1250 = arith.addf %scan3A_1244, %exp3A_1249 : vector<16xf32>
        scf.yield %add3A_1250 : vector<16xf32>
      }
      %scan3A_1150 = arith.constant 33 : i32
      %bitcast_convert_type3A_1151 = tpu.bitcast %scan3A_1149 : vector<16xf32> -> vector<16xi32>
      %shift_right_arithmetic3A_1152 = arith.constant 23 : i32
      %shift_right_arithmetic3A_1153 = vector.broadcast %shift_right_arithmetic3A_1152 : i32 to vector<16xi32>
      %shift_right_arithmetic3A_1154 = arith.shrsi %bitcast_convert_type3A_1151, %shift_right_arithmetic3A_1153 : vector<16xi32>
      %sub3A_1155 = arith.constant 127 : i32
      %sub3A_1156 = vector.broadcast %sub3A_1155 : i32 to vector<16xi32>
      %sub3A_1157 = arith.subi %shift_right_arithmetic3A_1154, %sub3A_1156 : vector<16xi32>
      %and3A_1158 = arith.constant 8388607 : i32
      %and3A_1159 = vector.broadcast %and3A_1158 : i32 to vector<16xi32>
      %and3A_1160 = arith.andi %bitcast_convert_type3A_1151, %and3A_1159 : vector<16xi32>
      %or3A_1161 = arith.constant 1065353216 : i32
      %or3A_1162 = vector.broadcast %or3A_1161 : i32 to vector<16xi32>
      %or3A_1163 = arith.ori %and3A_1160, %or3A_1162 : vector<16xi32>
      %bitcast_convert_type3A_1164 = tpu.bitcast %or3A_1163 : vector<16xi32> -> vector<16xf32>
      %gt3A_1165 = arith.constant 1.41421354 : f32
      %gt3A_1166 = vector.broadcast %gt3A_1165 : f32 to vector<16xf32>
      %gt3A_1167 = arith.cmpf ogt, %bitcast_convert_type3A_1164, %gt3A_1166 : vector<16xf32>
      %mul3A_1168 = arith.constant 5.000000e-01 : f32
      %mul3A_1169 = vector.broadcast %mul3A_1168 : f32 to vector<16xf32>
      %mul3A_1170 = arith.mulf %bitcast_convert_type3A_1164, %mul3A_1169 : vector<16xf32>
      %select_n3A_1171 = arith.select %gt3A_1167, %mul3A_1170, %bitcast_convert_type3A_1164 : vector<16xi1>, vector<16xf32>
      %convert_element_type3A_1172 = arith.extui %gt3A_1167 : vector<16xi1> to vector<16xi32>
      %add3A_1173 = arith.addi %sub3A_1157, %convert_element_type3A_1172 : vector<16xi32>
      %convert_element_type3A_1174 = arith.sitofp %add3A_1173 : vector<16xi32> to vector<16xf32>
      %sub3A_1175 = arith.constant 1.000000e+00 : f32
      %sub3A_1176 = vector.broadcast %sub3A_1175 : f32 to vector<16xf32>
      %sub3A_1177 = arith.subf %select_n3A_1171, %sub3A_1176 : vector<16xf32>
      %add3A_1178 = arith.constant 1.000000e+00 : f32
      %add3A_1179 = vector.broadcast %add3A_1178 : f32 to vector<16xf32>
      %add3A_1180 = arith.addf %select_n3A_1171, %add3A_1179 : vector<16xf32>
      %div3A_1181 = arith.divf %sub3A_1177, %add3A_1180 : vector<16xf32>
      %mul3A_1182 = arith.mulf %div3A_1181, %div3A_1181 : vector<16xf32>
      %mul3A_1183 = arith.constant 0.222222224 : f32
      %mul3A_1184 = vector.broadcast %mul3A_1183 : f32 to vector<16xf32>
      %mul3A_1185 = arith.mulf %mul3A_1182, %mul3A_1184 : vector<16xf32>
      %add3A_1186 = arith.constant 0.285714298 : f32
      %add3A_1187 = vector.broadcast %add3A_1186 : f32 to vector<16xf32>
      %add3A_1188 = arith.addf %add3A_1187, %mul3A_1185 : vector<16xf32>
      %mul3A_1189 = arith.mulf %mul3A_1182, %add3A_1188 : vector<16xf32>
      %add3A_1190 = arith.constant 4.000000e-01 : f32
      %add3A_1191 = vector.broadcast %add3A_1190 : f32 to vector<16xf32>
      %add3A_1192 = arith.addf %add3A_1191, %mul3A_1189 : vector<16xf32>
      %mul3A_1193 = arith.mulf %mul3A_1182, %add3A_1192 : vector<16xf32>
      %add3A_1194 = arith.constant 0.666666686 : f32
      %add3A_1195 = vector.broadcast %add3A_1194 : f32 to vector<16xf32>
      %add3A_1196 = arith.addf %add3A_1195, %mul3A_1193 : vector<16xf32>
      %mul3A_1197 = arith.mulf %mul3A_1182, %add3A_1196 : vector<16xf32>
      %add3A_1198 = arith.constant 2.000000e+00 : f32
      %add3A_1199 = vector.broadcast %add3A_1198 : f32 to vector<16xf32>
      %add3A_1200 = arith.addf %add3A_1199, %mul3A_1197 : vector<16xf32>
      %mul3A_1201 = arith.mulf %div3A_1181, %add3A_1200 : vector<16xf32>
      %mul3A_1202 = arith.constant 0.693147182 : f32
      %mul3A_1203 = vector.broadcast %mul3A_1202 : f32 to vector<16xf32>
      %mul3A_1204 = arith.mulf %convert_element_type3A_1174, %mul3A_1203 : vector<16xf32>
      %add3A_1205 = arith.addf %mul3A_1204, %mul3A_1201 : vector<16xf32>
      %add3A_1206 = arith.addf %scan3A_1143, %add3A_1205 : vector<16xf32>
      %add3A_1207 = arith.addi %add3A_1136, %convert_element_type3A_1125 : vector<16xi32>
      %gather3A_1208 = tpu.vector_load_idx %arg13[%add3A_1207, %scan3A_672] : memref<132x300xf32, #tpu.memory_space<vmem>>[vector<16xi32>, vector<16xi32>], vector<16xf32>,
      %add3A_1209 = arith.addi %add3A_1136, %convert_element_type3A_1125 : vector<16xi32>
      %add3A_1210 = arith.constant 1 : i32
      %add3A_1211 = vector.broadcast %add3A_1210 : i32 to vector<16xi32>
      %add3A_1212 = arith.addi %add3A_1209, %add3A_1211 : vector<16xi32>
      %gather3A_1213 = tpu.vector_load_idx %arg13[%add3A_1212, %scan3A_672] : memref<132x300xf32, #tpu.memory_space<vmem>>[vector<16xi32>, vector<16xi32>], vector<16xf32>,
      %mul3A_1214 = arith.mulf %sub3A_1130, %gather3A_1208 : vector<16xf32>
      %sub3A_1215 = arith.subf %add3A_1206, %mul3A_1214 : vector<16xf32>
      %mul3A_1216 = arith.mulf %sub3A_1131, %gather3A_1213 : vector<16xf32>
      %sub3A_1217 = arith.subf %sub3A_1215, %mul3A_1216 : vector<16xf32>
      %reduce_sum3A_1218 = arith.constant true
      %reduce_sum3A_1219 = vector.broadcast %reduce_sum3A_1218 : i1 to vector<16xi1>
      %reduce_sum3A_1220 = tpu.scan <sum>, %sub3A_1217 masked %reduce_sum3A_1219 : vector<16xf32>, vector<16xi1> -> vector<16xf32>
      %reduce_sum3A_1221 = vector.extract %reduce_sum3A_1220[15] : f32 from vector<16xf32>
      %add3A_1222 = arith.addf %add3A_1115, %reduce_sum3A_1221 : f32
      %eq3A_1223 = vector.broadcast %select_n3A_642 : i32 to vector<16xi32>
      %eq3A_1224 = arith.cmpi eq, %iota3A, %eq3A_1223 : vector<16xi32>
      %get3A_1225 = arith.constant 0 : index
      %get3A_1226 = tpu.vector_load %arg18[%get3A_1225] {strides = array<i32>} : memref<32xf32, #tpu.memory_space<vmem>>, vector<16xf32>,
      %jit3A_1227 = arith.constant 0.000000e+00 : f32
      %broadcast_in_dim3A_1228 = vector.broadcast %reduce_sum3A_741 : f32 to vector<16xf32>
      %broadcast_in_dim3A_1229 = vector.broadcast %jit3A_1227 : f32 to vector<16xf32>
      %select_n3A_1230 = arith.select %eq3A_1224, %broadcast_in_dim3A_1228, %broadcast_in_dim3A_1229 : vector<16xi1>, vector<16xf32>
      %add3A_1231 = arith.addf %get3A_1226, %select_n3A_1230 : vector<16xf32>
      %swap3A_1232 = arith.constant 0 : index
      %swap3A_1233 = tpu.vector_load %arg18[%swap3A_1232] {strides = array<i32>} : memref<32xf32, #tpu.memory_space<vmem>>, vector<16xf32>,
      tpu.vector_store %arg18[%swap3A_1232], %add3A_1231 {strides = array<i32>} : memref<32xf32, #tpu.memory_space<vmem>>, vector<16xf32>,
      %get3A_1234 = arith.constant 16 : index
      %get3A_1235 = tpu.vector_load %arg18[%get3A_1234] {strides = array<i32>} : memref<32xf32, #tpu.memory_space<vmem>>, vector<16xf32>,
      %jit3A_1236 = arith.constant 0.000000e+00 : f32
      %broadcast_in_dim3A_1237 = vector.broadcast %add3A_1222 : f32 to vector<16xf32>
      %broadcast_in_dim3A_1238 = vector.broadcast %jit3A_1236 : f32 to vector<16xf32>
      %select_n3A_1239 = arith.select %eq3A_1224, %broadcast_in_dim3A_1237, %broadcast_in_dim3A_1238 : vector<16xi1>, vector<16xf32>
      %add3A_1240 = arith.addf %get3A_1235, %select_n3A_1239 : vector<16xf32>
      %swap3A_1241 = arith.constant 16 : index
      %swap3A_1242 = tpu.vector_load %arg18[%swap3A_1241] {strides = array<i32>} : memref<32xf32, #tpu.memory_space<vmem>>, vector<16xf32>,
      tpu.vector_store %arg18[%swap3A_1241], %add3A_1240 {strides = array<i32>} : memref<32xf32, #tpu.memory_space<vmem>>, vector<16xf32>,
    } else {
    }
    %mul3A_608 = arith.constant 2 : i32
    %mul3A_609 = arith.muli %arg1, %mul3A_608 : i32
    %mul3A_610 = arith.constant 16 : i32
    %mul3A_611 = arith.muli %mul3A_609, %mul3A_610 : i32
    "tpu.region"() ({
      %run_scoped3A = tpu.sem_alloc : memref<!tpu.dma_semaphore, #tpu.memory_space<semaphore_mem>>
      %dma_start3A = tpu.memref_slice %arg20[%mul3A_611] : memref<512xf32, #tpu.memory_space<vmem_shared>> -> memref<32xf32, #tpu.memory_space<vmem_shared>>
      %dma_start3A_617 = tpu.memref_slice %arg20[%mul3A_611] : memref<512xf32, #tpu.memory_space<vmem_shared>> -> memref<32xf32, #tpu.memory_space<vmem_shared>>
      tpu.enqueue_dma source(%arg18 : memref<32xf32, #tpu.memory_space<vmem>>) target(%dma_start3A_617 : memref<32xf32, #tpu.memory_space<vmem_shared>>) target_semaphore(%run_scoped3A : memref<!tpu.dma_semaphore, #tpu.memory_space<semaphore_mem>>)
      %dma_wait3A = tpu.memref_slice %arg20[%mul3A_611] : memref<512xf32, #tpu.memory_space<vmem_shared>> -> memref<32xf32, #tpu.memory_space<vmem_shared>>
      %dma_wait3A_618 = tpu.memref_slice %arg20[%mul3A_611] : memref<512xf32, #tpu.memory_space<vmem_shared>> -> memref<32xf32, #tpu.memory_space<vmem_shared>>
      tpu.wait_dma2 semaphore(%run_scoped3A : memref<!tpu.dma_semaphore, #tpu.memory_space<semaphore_mem>>) src(%arg18 : memref<32xf32, #tpu.memory_space<vmem>>) dst(%dma_wait3A_618 : memref<32xf32, #tpu.memory_space<vmem_shared>>)
      tpu.yield
    }) : () -> ()
    %barrier3A = arith.constant 0 : index
    tpu.barrier barrier_id(%barrier3A)
    %eq3A_612 = arith.constant 0 : i32
    %eq3A_613 = arith.cmpi eq, %arg1, %eq3A_612 : i32
    %convert_element_type3A_614 = arith.extui %eq3A_613 : i1 to i32
    %cond3A_615 = arith.constant 0 : i32
    %cond3A_616 = arith.cmpi ne, %convert_element_type3A_614, %cond3A_615 : i32
    scf.if %cond3A_616 {
      "tpu.region"() ({
        %run_scoped3A = tpu.sem_alloc : memref<!tpu.dma_semaphore, #tpu.memory_space<semaphore_mem>>
        tpu.enqueue_dma source(%arg20 : memref<512xf32, #tpu.memory_space<vmem_shared>>) target(%arg21 : memref<512xf32, #tpu.memory_space<vmem>>) target_semaphore(%run_scoped3A : memref<!tpu.dma_semaphore, #tpu.memory_space<semaphore_mem>>)
        tpu.wait_dma2 semaphore(%run_scoped3A : memref<!tpu.dma_semaphore, #tpu.memory_space<semaphore_mem>>) src(%arg20 : memref<512xf32, #tpu.memory_space<vmem_shared>>) dst(%arg21 : memref<512xf32, #tpu.memory_space<vmem>>)
        tpu.yield
      }) : () -> ()
      %scan3A_617 = arith.constant 0 : i32
      %scan3A_618 = arith.constant 16 : i32
      %scan3A_619 = arith.addi %scan3A_617, %scan3A_618 : i32
      %scan3A_620 = arith.constant 1 : i32
      %scan3A_621:2 = scf.for %scan3A_652 = %scan3A_617 to %scan3A_619 step %scan3A_620 iter_args(%scan3A_653 = %broadcast_in_dim3A_1, %scan3A_654 = %broadcast_in_dim3A_1) -> (vector<16xf32>, vector<16xf32>)  : i32 {
        %mul3A_655 = arith.constant 2 : i32
        %mul3A_656 = arith.muli %scan3A_652, %mul3A_655 : i32
        %mul3A_657 = arith.constant 16 : i32
        %mul3A_658 = arith.muli %mul3A_656, %mul3A_657 : i32
        %get3A_659 = arith.index_cast %mul3A_658 : i32 to index
        %get3A_660 = tpu.vector_load %arg21[%get3A_659] {strides = array<i32>} : memref<512xf32, #tpu.memory_space<vmem>>, vector<16xf32>,
        %add3A_661 = arith.addf %scan3A_653, %get3A_660 : vector<16xf32>
        %mul3A_662 = arith.constant 2 : i32
        %mul3A_663 = arith.muli %scan3A_652, %mul3A_662 : i32
        %mul3A_664 = arith.constant 16 : i32
        %mul3A_665 = arith.muli %mul3A_663, %mul3A_664 : i32
        %add3A_666 = arith.constant 16 : i32
        %add3A_667 = arith.addi %mul3A_665, %add3A_666 : i32
        %get3A_668 = arith.index_cast %add3A_667 : i32 to index
        %get3A_669 = tpu.vector_load %arg21[%get3A_668] {strides = array<i32>} : memref<512xf32, #tpu.memory_space<vmem>>, vector<16xf32>,
        %add3A_670 = arith.addf %scan3A_654, %get3A_669 : vector<16xf32>
        scf.yield %add3A_661, %add3A_670 : vector<16xf32>, vector<16xf32>
      }
      %scan3A_622 = arith.constant 16 : i32
      %mul3A_623 = arith.constant 7.812500e-03 : f32
      %mul3A_624 = vector.broadcast %mul3A_623 : f32 to vector<16xf32>
      %mul3A_625 = arith.mulf %scan3A_621#0, %mul3A_624 : vector<16xf32>
      %mul3A_626 = arith.constant 2.92968762E-4 : f32
      %mul3A_627 = vector.broadcast %mul3A_626 : f32 to vector<16xf32>
      %mul3A_628 = arith.mulf %scan3A_621#1, %mul3A_627 : vector<16xf32>
      %iota3A_629 = tpu.iota {dimensions = array<i32: 0>} : vector<16xi32>
      %lt3A_630 = arith.constant 6 : i32
      %lt3A_631 = vector.broadcast %lt3A_630 : i32 to vector<16xi32>
      %lt3A_632 = arith.cmpi slt, %iota3A_629, %lt3A_631 : vector<16xi32>
      %broadcast_in_dim3A_633 = arith.constant 0.000000e+00 : f32
      %broadcast_in_dim3A_634 = vector.broadcast %broadcast_in_dim3A_633 : f32 to vector<16xf32>
      %swap3A_635 = arith.constant 0 : index
      %swap3A_636 = tpu.vector_load %arg19[%swap3A_635] {strides = array<i32>} : memref<16xf32, #tpu.memory_space<vmem>>, vector<16xf32>,
      tpu.vector_store %arg19[%swap3A_635], %broadcast_in_dim3A_634 {strides = array<i32>} : memref<16xf32, #tpu.memory_space<vmem>>, vector<16xf32>,
      %mul3A_637 = arith.constant 2 : i32
      %mul3A_638 = vector.broadcast %mul3A_637 : i32 to vector<16xi32>
      %mul3A_639 = arith.muli %mul3A_638, %iota3A_629 : vector<16xi32>
      %jit3A_640 = arith.constant 0 : i32
      %broadcast_in_dim3A_641 = vector.broadcast %jit3A_640 : i32 to vector<16xi32>
      %select_n3A_642 = arith.select %lt3A_632, %mul3A_639, %broadcast_in_dim3A_641 : vector<16xi1>, vector<16xi32>
      tpu.vector_store_idx %arg19[%select_n3A_642], %mul3A_625 masked %lt3A_632 : memref<16xf32, #tpu.memory_space<vmem>>[vector<16xi32>], vector<16xf32>, vector<16xi1>
      %mul3A_643 = arith.constant 2 : i32
      %mul3A_644 = vector.broadcast %mul3A_643 : i32 to vector<16xi32>
      %mul3A_645 = arith.muli %mul3A_644, %iota3A_629 : vector<16xi32>
      %add3A_646 = arith.constant 1 : i32
      %add3A_647 = vector.broadcast %add3A_646 : i32 to vector<16xi32>
      %add3A_648 = arith.addi %mul3A_645, %add3A_647 : vector<16xi32>
      %jit3A_649 = arith.constant 1 : i32
      %broadcast_in_dim3A_650 = vector.broadcast %jit3A_649 : i32 to vector<16xi32>
      %select_n3A_651 = arith.select %lt3A_632, %add3A_648, %broadcast_in_dim3A_650 : vector<16xi1>, vector<16xi32>
      tpu.vector_store_idx %arg19[%select_n3A_651], %mul3A_628 masked %lt3A_632 : memref<16xf32, #tpu.memory_space<vmem>>[vector<16xi32>], vector<16xf32>, vector<16xi1>
      "tpu.region"() ({
        %run_scoped3A = tpu.sem_alloc : memref<!tpu.dma_semaphore, #tpu.memory_space<semaphore_mem>>
        %dma_start3A = arith.constant 0 : i32
        %dma_start3A_652 = tpu.memref_slice %arg10[%arg0, %dma_start3A] : memref<2x16xf32, #tpu.memory_space<hbm>> -> memref<1x16xf32, #tpu.memory_space<hbm>>
        %dma_start3A_653 = tpu.memref_squeeze %dma_start3A_652 : memref<1x16xf32, #tpu.memory_space<hbm>> -> memref<16xf32, #tpu.memory_space<hbm>>
        %dma_start3A_654 = arith.constant 0 : i32
        %dma_start3A_655 = tpu.memref_slice %arg10[%arg0, %dma_start3A_654] : memref<2x16xf32, #tpu.memory_space<hbm>> -> memref<1x16xf32, #tpu.memory_space<hbm>>
        %dma_start3A_656 = tpu.memref_squeeze %dma_start3A_655 : memref<1x16xf32, #tpu.memory_space<hbm>> -> memref<16xf32, #tpu.memory_space<hbm>>
        tpu.enqueue_dma source(%arg19 : memref<16xf32, #tpu.memory_space<vmem>>) target(%dma_start3A_656 : memref<16xf32, #tpu.memory_space<hbm>>) target_semaphore(%run_scoped3A : memref<!tpu.dma_semaphore, #tpu.memory_space<semaphore_mem>>)
        %dma_wait3A = arith.constant 0 : i32
        %dma_wait3A_657 = tpu.memref_slice %arg10[%arg0, %dma_wait3A] : memref<2x16xf32, #tpu.memory_space<hbm>> -> memref<1x16xf32, #tpu.memory_space<hbm>>
        %dma_wait3A_658 = tpu.memref_squeeze %dma_wait3A_657 : memref<1x16xf32, #tpu.memory_space<hbm>> -> memref<16xf32, #tpu.memory_space<hbm>>
        %dma_wait3A_659 = arith.constant 0 : i32
        %dma_wait3A_660 = tpu.memref_slice %arg10[%arg0, %dma_wait3A_659] : memref<2x16xf32, #tpu.memory_space<hbm>> -> memref<1x16xf32, #tpu.memory_space<hbm>>
        %dma_wait3A_661 = tpu.memref_squeeze %dma_wait3A_660 : memref<1x16xf32, #tpu.memory_space<hbm>> -> memref<16xf32, #tpu.memory_space<hbm>>
        tpu.wait_dma2 semaphore(%run_scoped3A : memref<!tpu.dma_semaphore, #tpu.memory_space<semaphore_mem>>) src(%arg19 : memref<16xf32, #tpu.memory_space<vmem>>) dst(%dma_wait3A_661 : memref<16xf32, #tpu.memory_space<hbm>>)
        tpu.yield
      }) : () -> ()
    } else {
    }
    return
  }
}

</mosaic_0001>

<sc_bundles>
// kernel: kernel.3.cloned.1.call-start
scs
__scs_entry_jumppad:
0x0: {  	(pc) =	sbr.rel $0x88, $3  }
0x1: {  	(tag) =	ssettag $0x0;
	lr =	simm.s32 $0x1  }
0x2: {  	[smem:$0x3F99] =	sst lr;
	_ =	strace $0xD0000000  }
0x3: {  	_ = 	snop  }
0x4: {  	_ = 	snop  }
0x5: {  	_ = 	snop  }
0x6: {  	_ = 	snop  }
0x7: {  	_ = 	snop  }
__scs_overlays_trampoline_lowered:
0x8: {  	[smem:$0x3FA8] =	sst s0  }
0x9: {  	[smem:$0x3FA9] =	sst s1  }
0xa: {  	[smem:$0x3FAA] =	sst s2  }
0xb: {  	[smem:$0x3FAB] =	sst s3  }
0xc: {  	[smem:$0x3FAC] =	sst s4  }
0xd: {  	[smem:$0x3FAD] =	sst s5  }
0xe: {  	[smem:$0x3FAE] =	sst s6  }
0xf: {  	[smem:$0x3FAF] =	sst s7  }
0x10: {  	[smem:$0x3FB0] =	sst s8  }
0x11: {  	[smem:$0x3FB1] =	sst s9;
	s0 =	simm.s32 @!p0 $0x0  }
0x12: {  	s1 =	sld [smem:$0x3F97];
	s0 =	simm.s32 @p0 $0x1  }
0x13: {  	[smem:$0x3FB2] =	sst s0;
	s0 =	simm.s32 @!p1 $0x0  }
0x14: {  	s2 =	sld [smem:$0x3F96];
	s0 =	simm.s32 @p1 $0x1  }
0x15: {  	[smem:$0x3FB3] =	sst s0;
	s0 =	simm.s32 @!p2 $0x0  }
0x16: {  	s3 =	sld [smem:$0x3FDB];
	s0 =	simm.s32 @p2 $0x1  }
0x17: {  	s4 =	simm.s32 $0x1BF5;
	[smem:$0x3FB5] =	sst s0  }
0x18: {  	s0 =	sld [smem:$0x3F98];
	_ =	swait.ge [sflag:s4], $0x0  }
0x19: {  	s7 =	sld [smem:$0x3F99]  }
0x1a: {  	s8 =	sadd.s32 $0xFFFFE003, lr  }
0x1b: {  	s9 =	sadd.s32 $0xFFFFFEF7, lr;
	s5 =	simm.s32 $0xFFFFFFFF;
	p2 =	slt.u32 s8, $0xFFFFF086  }
0x1c: {  	p1 =	slt.u32 s9, $0xF7A;
	s5 =	simm.s32 @!p2 $0x0  }
0x1d: {  	s5 =	simm.s32 @p1 $0x1;
	p0 =	seq.s32 s7, s2  }
0x1e: {  	s7 =	smul.u32 @!p0 $0xF7A, s2;
	p2 =	seq.s32 @!p0 s5, $0x0  }
0x1f: {  	s9 =	smul.u32 $0xF7A, s1;
	s8 =	simm.s32 @!p0 $0x1BF5;
	p2 =	por !p2, p0  }
0x20: {  	[sflag:s8] =	ssyncset.s32 @!p0 $0xFFFFF086;
	s6 =	sadd.s32 @!p0 s3, s7;
	s7 =	simm.s32 @!p0 $0x108  }
0x21: {  	s3 =	sadd.s32 s3, s9;
	s6 =	sadd.s32 @!p0 $0x88, s6;
	s7 =	simm.s32 @p2 $0x1082  }
0x22: {  	[simem:s7], [sflag:s8] =	dma.local @!p0 [hbm:s6], $0xF7A  }
0x23: {  	s9 =	sor.u32 $0xD0000000, s2;
	s6 =	simm.s32 $0x108;
	_ =	swait.ge @!p0 [sflag:s8], $0x0  }
0x24: {  	s3 =	sadd.s32 $0x88, s3;
	s6 =	simm.s32 @!p1 $0x1082;
	[sflag:s4] =	ssyncset.s32 $0xFFFFF086  }
0x25: {  	[simem:s6], [sflag:s4] =	dma.local [hbm:s3], $0xF7A  }
0x26: {  	[smem:$0x3F99] =	sst s1;
	(tag) =	ssettag s2;
	_ =	strace s9  }
0x27: {  	s1 =	sld [smem:$0x3FA9]  }
0x28: {  	s2 =	sld [smem:$0x3FAA]  }
0x29: {  	s4 =	sld [smem:$0x3FAC]  }
0x2a: {  	p0 =	seq.s32 s5, $0x0;
	s5 =	sld [smem:$0x3FAD]  }
0x2b: {  	s6 =	sld [smem:$0x3FAE]  }
0x2c: {  	s7 =	sld [smem:$0x3FAF]  }
0x2d: {  	s3 =	simm.s32 $0x108;
	s8 =	sld [smem:$0x3FB0]  }
0x2e: {  	s3 =	simm.s32 @!p0 $0x1082;
	s9 =	sld [smem:$0x3FB1]  }
0x2f: {  	lr =	sadd.s32 s0, s3;
	s0 =	sld [smem:$0x3FA8]  }
0x30: {  	s3 =	sld [smem:$0x3FAB]  }
0x31: {  	[smem:$0x3FB4] =	sst s10  }
0x32: {  	s10 =	sld [smem:$0x3FB2];
	_ =	sdelay $0x3  }
0x33: {  	p0 =	seq.s32 s10, $0x1;
	s10 =	sld [smem:$0x3FB4];
	_ =	sdelay $0x3  }
0x34: {  	[smem:$0x3FB4] =	sst s10  }
0x35: {  	s10 =	sld [smem:$0x3FB3];
	_ =	sdelay $0x3  }
0x36: {  	p1 =	seq.s32 s10, $0x1;
	s10 =	sld [smem:$0x3FB4];
	_ =	sdelay $0x3  }
0x37: {  	[smem:$0x3FB4] =	sst s10  }
0x38: {  	s10 =	sld [smem:$0x3FB5]  }
0x39: {  	_ = 	snop;
	(pc) =	sbr.ind lr, $3  }
0x3a: {  	_ = 	snop  }
0x3b: {  	_ = 	snop  }
0x3c: {  	p2 =	seq.s32 s10, $0x1;
	s10 =	sld [smem:$0x3FB4]  }
0x3d: {  	_ =	shalt  }
0x3e: {  	_ =	shalt  }
0x3f: {  	_ =	shalt  }
0x40: {  	_ =	shalt  }
0x41: {  	_ =	shalt  }
0x42: {  	_ =	shalt  }
0x43: {  	_ =	shalt  }
0x44: {  	_ =	shalt  }
0x45: {  	_ =	shalt  }
0x46: {  	_ =	shalt  }
0x47: {  	_ =	shalt  }
0x48: {  	_ =	shalt  }
0x49: {  	_ =	shalt  }
0x4a: {  	_ =	shalt  }
0x4b: {  	_ =	shalt  }
0x4c: {  	_ =	shalt  }
0x4d: {  	_ =	shalt  }
0x4e: {  	_ =	shalt  }
0x4f: {  	_ =	shalt  }
0x50: {  	_ =	shalt  }
0x51: {  	_ =	shalt  }
0x52: {  	_ =	shalt  }
0x53: {  	_ =	shalt  }
0x54: {  	_ =	shalt  }
0x55: {  	_ =	shalt  }
0x56: {  	_ =	shalt  }
0x57: {  	_ =	shalt  }
0x58: {  	_ =	shalt  }
0x59: {  	_ =	shalt  }
0x5a: {  	_ =	shalt  }
0x5b: {  	_ =	shalt  }
0x5c: {  	_ =	shalt  }
0x5d: {  	_ =	shalt  }
0x5e: {  	_ =	shalt  }
0x5f: {  	_ =	shalt  }
0x60: {  	_ =	shalt  }
0x61: {  	_ =	shalt  }
0x62: {  	_ =	shalt  }
0x63: {  	_ =	shalt  }
0x64: {  	_ =	shalt  }
0x65: {  	_ =	shalt  }
0x66: {  	_ =	shalt  }
0x67: {  	_ =	shalt  }
0x68: {  	_ =	shalt  }
0x69: {  	_ =	shalt  }
0x6a: {  	_ =	shalt  }
0x6b: {  	_ =	shalt  }
0x6c: {  	_ =	shalt  }
0x6d: {  	_ =	shalt  }
0x6e: {  	_ =	shalt  }
0x6f: {  	_ =	shalt  }
0x70: {  	_ =	shalt  }
0x71: {  	_ =	shalt  }
0x72: {  	_ =	shalt  }
0x73: {  	_ =	shalt  }
0x74: {  	_ =	shalt  }
0x75: {  	_ =	shalt  }
0x76: {  	_ =	shalt  }
0x77: {  	_ =	shalt  }
0x78: {  	_ =	shalt  }
0x79: {  	_ =	shalt  }
0x7a: {  	_ =	shalt  }
0x7b: {  	_ =	shalt  }
0x7c: {  	_ =	shalt  }
0x7d: {  	_ =	shalt  }
0x7e: {  	_ =	shalt  }
0x7f: {  	_ =	shalt  }
0x80: {  	_ =	shalt  }
0x81: {  	_ =	shalt  }
0x82: {  	_ =	shalt  }
0x83: {  	_ =	shalt  }
0x84: {  	_ =	shalt  }
0x85: {  	_ =	shalt  }
0x86: {  	_ =	shalt  }
0x87: {  	_ =	shalt  }
.Lfunc_end0:
.L_simem_size_0:
called_computation_lowered:
.L_overlay_start_0:
0x88: {  	s2 =	sld [smem:$0x3FD9]  }
0x89: {  	s3 =	sld [smem:$0x3FFE];
	_ =	sdelay $0x1  }
0x8a: {  	s1 =	srdreg.scid  }
0x8b: {  	s0 =	sand.u32 $0x1, s1  }
0x8c: {  	s17 =	sshll.u32 s0, $0xA;
	s2 =	sadd.s32 s3, s2  }
0x8d: {  	s2 =	sadd.s32 s2, s17  }
0x8e: {  	[smem:$0x3FC0] =	sst s2  }
0x8f: {  	_ = 	snop  }
0x90: {  	s2 =	sld [smem:$0x3FC9]  }
0x91: {  	s18 =	sld [smem:$0x3FC8]  }
0x92: {  	s4 =	sld [smem:$0x3FC7]  }
0x93: {  	s5 =	sld [smem:$0x3FC6]  }
0x94: {  	s6 =	sld [smem:$0x3FC5]  }
0x95: {  	s7 =	sld [smem:$0x3FC4]  }
0x96: {  	s8 =	sld [smem:$0x3FC3]  }
0x97: {  	s9 =	sld [smem:$0x3FC2];
	(tm) =	ssettm $0x1  }
0x98: {  	s10 =	sld [smem:$0x3FFB];
	_ =	sdelay $0x3  }
0x99: {  	_ =	strace s10  }
0x9a: {  	s10 =	sld [smem:$0x3FFC];
	_ =	sdelay $0x3  }
0x9b: {  	_ =	strace s10  }
0x9c: {  	s10 =	sld [smem:$0x3FFD];
	_ =	sdelay $0x3  }
0x9d: {  	_ =	strace s10  }
0x9e: {  	_ =	strace $0x8FFFFFFF  }
0x9f: {  	s19 =	sld [smem:$0x3FDB];
	_ =	sdelay $0x1  }
0xa0: {  	s11 =	simm.s32 $_scs_section_size  }
0xa1: {  	s12 =	simm.s32 $_size__tile_overlayer_lowered;
	s13 =	simm.s32 $_tile_overlayer_lowered  }
0xa2: {  	s22 =	simm.s32 $0x1BFF;
	s21 =	sshll.u32 s13, $0x1;
	s10 =	sadd.s32 s11, s19  }
0xa3: {  	s14 =	simm.s32 $0x0;
	s20 =	sshll.u32 s12, $0x1;
	s12 =	sadd.s32 s21, s10  }
0xa4: {  	[timem:s14], [sflag:s22] =	dma.local [hbm:s12], s20  }
0xa5: {  	_ =	swait.ge [sflag:s22], s20  }
0xa6: {  	s11 =	ssub.s32 $0x0, s20;
	[sflag:s22] =	ssyncset.done $0x0  }
0xa7: {  	[sflag:s22] =	ssyncadd.s32 s11;
	_ =	sdelay $0x1  }
0xa8: {  	s23 =	simm.s32 $0x1B8B  }
0xa9: {  	_ =	swait.ge [sflag:s23], $0x1  }
0xaa: {  	[sflag:s23] =	ssyncset.done $0x0  }
0xab: {  	s25 =	simm.s32 $0x1B8E;
	s24 =	sld [smem:$0x3FFE];
	[sflag:s23] =	ssyncadd.s32 $0xFFFFFFFF  }
0xac: {  	s26 =	simm.s32 $execute0_lowered;
	[smem:$0x3FD2] =	sst s25  }
0xad: {  	s12 =	sshll.u32 s26, $0x1;
	_ =	strace $0x80000046;
	[dreg:$0x1] =	wrdreg $0xFFFFFFFF  }
0xae: {  	s28 =	simm.s32 $_size_execute0_lowered;
	s10 =	sadd.s32 s10, s12;
	[dreg:$0x0] =	wrdreg $0x0  }
0xaf: {  	s12 =	sshll.u32 s28, $0x1;
	[dreg:$0x2] =	wrdreg s10  }
0xb0: {  	[dreg:$0x3] =	wrdreg s12  }
0xb1: {  	[dreg:$0x4] =	wrdreg $0xC0  }
0xb2: {  	_ =	task [dreg:s14], $0x5FFFF  }
0xb3: {  	[dreg:$0x1] =	wrdreg $0xFFFFFFFF  }
0xb4: {  	[dreg:$0x0] =	wrdreg $0x60  }
0xb5: {  	[dreg:$0x2] =	wrdreg s2  }
0xb6: {  	[dreg:$0x3] =	wrdreg s18  }
0xb7: {  	[dreg:$0x4] =	wrdreg s4  }
0xb8: {  	[dreg:$0x5] =	wrdreg s5  }
0xb9: {  	[dreg:$0x6] =	wrdreg s6  }
0xba: {  	[dreg:$0x7] =	wrdreg s7  }
0xbb: {  	[dreg:$0x8] =	wrdreg s8  }
0xbc: {  	[dreg:$0x9] =	wrdreg s9  }
0xbd: {  	[dreg:$0xa] =	wrdreg s24  }
0xbe: {  	[dreg:$0xb] =	wrdreg $0x162000  }
0xbf: {  	[dreg:$0xc] =	wrdreg $0x9  }
0xc0: {  	_ =	task.clear_ibuf [dreg:s14], $0xDFFFF;
	_ =	strace $0x90000046  }
0xc1: {  	s29 =	simm.s32 $0x9;
	_ =	strace $0x80000048  }
0xc2: {  	_ =	swait.ge [sflag:s29], $0x1  }
0xc3: {  	[sflag:s29] =	ssyncadd.s32 $0xFFFFFFFF  }
0xc4: {  	_ =	strace $0x90000048  }
0xc5: {  	_ =	sfence  }
0xc6: {  	s30 =	sld [smem:$0x0];
	_ =	sdelay $0x2  }
0xc7: {  	s31 =	sshll.u32 s1, $0xD;
	s1 =	sshrl.u32 s1, $0x2  }
0xc8: {  	s3 =	sand.u32 $0x4000, s31;
	s1 =	sadd.s32 s1, s30  }
0xc9: {  	s0 =	sor.u32 s3, s0;
	s1 =	sshll.u32 s1, $0x11  }
0xca: {  	s0 =	sor.u32 s1, s0  }
0xcb: {  	s0 =	sadd.s32 $0x8F2B, s0  }
0xcc: {  	[sflag:s0] =	ssyncadd.remote.s32 $0x1  }
0xcd: {  	_ =	sfence.sel $0xFFFF  }
0xce: {  	[dreg:$0x0] =	wrdreg $0xFFFFFFFF;
	(pc) =	sbr.abs _section_cstart, $3  }
0xcf: {  	[dreg:$0x1] =	wrdreg $0xFFFFFFFF  }
0xd0: {  	_ =	task.clear_ibuf [dreg:s14], $0x2FFFF;
	_ =	strace $0x9FFFFFFF  }
0xd1: {  	(tm) =	ssettm $0x7FFFFFFF  }
tec
execute0_lowered:
.L_overlay_start_1:
0x0: {  	(tag) =	ssettag $0x1  }
0x1: {  	s6 =	rddreg [dreg:$0x0]  }
0x2: {  	s7 =	rddreg [dreg:$0x1]  }
0x3: {  	s8 =	rddreg [dreg:$0x2]  }
0x4: {  	s11 =	rddreg [dreg:$0x3]  }
0x5: {  	s12 =	rddreg [dreg:$0x4]  }
0x6: {  	s5 =	rddreg [dreg:$0x5]  }
0x7: {  	s3 =	rddreg [dreg:$0x6]  }
0x8: {  	s4 =	rddreg [dreg:$0x7]  }
0x9: {  	s1 =	srdreg.scid;
	s10 =	rddreg [dreg:$0x8]  }
0xa: {  	s0 =	stileid.u32;
	s23 =	rddreg [dreg:$0x9];
	s28 =	simm.s32 $0x15F00  }
0xb: {  	s29 =	simm.s32 $0x15D00;
	s30 =	simm.s32 $0x7E00;
	s9 =	sand.u32 $0x1, s1  }
0xc: {  	s2 =	sshll.u32 s0, $0x1;
	s1 =	sshrl.u32 s0, $0x2;
	p0 =	sgt.u32 s0, $0x3  }
0xd: {  	p2 =	sgt.u32 s0, $0x7;
	s16 =	sshll.u32 s9, $0x4;
	s17 =	smul.u32 $0x3C000, s1  }
0xe: {  	s13 =	sor.u32 s9, s2;
	s18 =	sadd.s32 s16, s10;
	s16 =	smul.u32 $0x3000, s1  }
0xf: {  	p1 =	sne.s32 s0, $0x0;
	s22 =	sshll.u32 s1, $0x3;
	s26 =	smul.u32 $0xF00, s13  }
0x10: {  	s2 =	simm.s32 $0x0;
	s9 =	ssub.s32 $0x2, s9;
	s21 =	smul.u32 $0xC0, s13  }
0x11: {  	s14 =	ssub.s32 s13, s22;
	[smem:$0x7FF] =	sst s2;
	s22 =	smul.u32 $0x63000, s1  }
0x12: {  	s20 =	sshrl.u32 s9, $0x1;
	s31 =	sshll.u32 s13, $0x7;
	s15 =	smul.u32 $0x7800, s14  }
0x13: {  	_ =	strace $0x80000047;
	s24 =	smul.u32 $0x600, s14;
	s19 =	sshrl.u32 s14, $0x3  }
0x14: {  	s20 =	ssub.s32 s9, s20;
	s19 =	smul.u32 $0xC00, s19;
	s6 =	sadd.s32 s6, s26  }
0x15: {  	s7 =	sadd.s32 s7, s21;
	s15 =	sadd.s32 s15, s17;
	[dreg:$0xb] =	wrdreg s6  }
0x16: {  	s10 =	sadd.s32 s24, s16;
	s6 =	sand.u32 $0x7, s13;
	[dreg:$0xc] =	wrdreg s7  }
0x17: {  	s25 =	sadd.s32 $0xFFFC4000, s15;
	s21 =	smul.u32 $0x7800, s6;
	s10 =	sadd.s32 $0xFFFFD000, s10  }
0x18: {  	s19 =	sadd.s32 s19, s22;
	s15 =	sand.u32 $0x380, s31;
	s24 =	smul.u32 $0x600, s6  }
0x19: {  	s31 =	sshll.u32 s14, $0x7;
	s6 =	sshll.u32 s6, $0x6;
	s9 =	sshrl.u32 s25, $0x3  }
0x1a: {  	s19 =	sor.u32 s15, s19;
	s25 =	sshrl.u32 s10, $0x3;
	s17 =	sadd.s32 s21, s17  }
0x1b: {  	s9 =	sadd.s32 s11, s9;
	s26 =	sadd.s32 $0xFFF9D000, s19;
	s16 =	sadd.s32 s24, s16  }
0x1c: {  	s21 =	sadd.s32 s12, s25;
	s24 =	sand.u32 $0xFFFFFC00, s31;
	s25 =	sshll.u32 s13, $0x4  }
0x1d: {  	s31 =	sor.u32 s15, s22;
	s19 =	simm.s32 $0x1;
	[dreg:$0xd] =	wrdreg s9  }
0x1e: {  	s10 =	sshrl.u32 s26, $0x3;
	[dreg:$0xe] =	wrdreg s21;
	s9 =	sor.u32 s15, s24  }
0x1f: {  	s26 =	sshll.u32 s14, $0x6;
	s8 =	sadd.s32 s8, s25;
	s21 =	sor.u32 $0x4, s1  }
0x20: {  	s22 =	sadd.s32 $0xB4000, s17;
	s24 =	sadd.s32 $0x9000, s16;
	s13 =	sadd.s32 $0x129000, s31  }
0x21: {  	s25 =	sand.u32 $0x70, s25;
	s31 =	sadd.s32 $0x400, s18;
	s18 =	smax.u32 s20, $0x1  }
0x22: {  	v4 =	vmov s1;
	s20 =	simm.s32 $0x7800;
	s1 =	simm.s32 $0x0;
	s7 =	sadd.s32 s5, s10  }
0x23: {  	s9 =	sshrl.u32 s9, $0x3;
	s10 =	sand.u32 $0x1FFFFFC0, s26;
	s14 =	sshrl.u32 s22, $0x3  }
0x24: {  	v0 =	vimm.s32 $0xA86420;
	v1 =	vimm.s32 $0x11B97531;
	s15 =	sshrl.u32 s24, $0x3;
	s13 =	sshrl.u32 s13, $0x3;
	s26 =	sshll.u32 s0, $0x5  }
0x25: {  	v2 =	vunpack.c.l.s4.s8 v0;
	v3 =	vunpack.c.l.s4.s8 v1;
	[dreg:$0x10] =	wrdreg s31;
	v5 =	vmov s21;
	s21 =	simm.s32 $0x80;
	s22 =	simm.s32 $0xC00  }
.Ltmp0:
0x26: {  	vm2 =	vcmask $0x2300;
	s24 =	simm.s32 $0x14200;
	s0 =	simm.s32 $0x16180;
	(pc) =	sbr.rel .LBB2_1-.Ltmp0, $4  }
0x27: {  	v1 =	vlaneseq.u32;
	v6 =	vunpack.c.0.s8.s32 v2;
	v3 =	vunpack.c.0.s8.s32 v3;
	s9 =	sadd.s32 s3, s9;
	s10 =	sadd.s32 s4, s10;
	s11 =	sadd.s32 s11, s14  }
0x28: {  	v0 =	vimm.f32 $0.0e+00;
	vm0 =	veq.s32 v4, v1;
	v2 =	vimm.f32 $1.000000020e+30;
	s12 =	sadd.s32 s12, s15;
	s13 =	sadd.s32 s5, s13;
	s14 =	sadd.s32 s3, s25  }
0x29: {  	v4 =	vand.u32 $0xF, v6;
	s15 =	sadd.s32 s4, s6;
	s16 =	sadd.s32 s26, s23;
	s23 =	simm.s32 $0x13E00;
	vm1 =	veq.s32 v5, v1;
	v5 =	vand.u32 $0xF, v3  }
0x2a: {  	v4 =	vnsel vm2, $0x0, v4;
	s25 =	simm.s32 $0x14600;
	s26 =	simm.s32 $0x15E80;
	v3 =	vimm.s32 $0x0;
	[dreg:$0xf] =	wrdreg s11;
	v5 =	vnsel vm2, $0x1, v5  }
.LBB2_66:
0x2b: {  	s1 =	sadd.s32 $0x1, s1  }
0x2c: {  	p3 =	sne.s32 s1, s18  }
.Ltmp1:
0x2d: {  	_ = 	snop;
	(pc) =	sbr.rel @!p3 .LBB2_67-.Ltmp1, $1  }
0x2e: {  	_ =	sdelay $0x3  }
.LBB2_1:
.Ltmp2:
0x2f: {  	(pc) =	sbr.rel @p0 .LBB2_5-.Ltmp2, $3  }
0x30: {  	_ =	sdelay $0x1  }
0x31: {  	[tilespmem:$0x16100] =	vst v0  }
0x32: {  	[tilespmem:$0x16110] =	vst v0;
	s3 =	simm.s32 $0x0  }
0x33: {  	s4 =	rddreg [dreg:$0xb]  }
0x34: {  	[tilespmem:s3], [sflag:$0x1] =	stream.linear.gather [hbm4b:s4+s3], $0x7800, $0x38;
	[tilespmem:$0x16420] =	vst v63  }
0x35: {  	_ =	swait.ge [sflag:s19], $0x7800  }
0x36: {  	[sflag:s19] =	ssyncset.done $0x0  }
0x37: {  	s6 =	rddreg [dreg:$0xc];
	[sflag:s19] =	ssyncadd.s32 $0xFFFF8800  }
0x38: {  	[tilespmem:s20], [sflag:$0x1] =	stream.linear.gather [hbm4b:s6+s3], $0x600, $0x38;
	[tilespmem:$0x16420] =	vst v63  }
0x39: {  	_ =	swait.ge [sflag:s19], $0x600  }
0x3a: {  	[sflag:s19] =	ssyncset.done $0x0  }
0x3b: {  	s11 =	simm.s32 $0x7E00;
	s17 =	sadd.s32 $0x0, s8;
	[sflag:s19] =	ssyncadd.s32 $0xFFFFFA00  }
0x3c: {  	[tilespmem:s11], [sflag:$0x1] =	stream.strided.gather [hbm4b:s17+s21], $0x400, s22, s21, $0x38;
	[tilespmem:$0x16420] =	vst v63  }
0x3d: {  	s5 =	simm.s32 $0x8200;
	s31 =	sadd.s32 $0x80, s17;
	s4 =	simm.s32 $0x8A00  }
0x3e: {  	[tilespmem:s5], [sflag:$0x1] =	stream.strided.gather [hbm4b:s31+s21], $0x400, s22, s21, $0x38;
	[tilespmem:$0x16420] =	vst v63  }
0x3f: {  	s3 =	simm.s32 $0xC00;
	s6 =	simm.s32 $0x8600;
	s5 =	sadd.s32 $0x100, s17  }
.LBB2_3:
0x40: {  	[tilespmem:s6], [sflag:$0x1] =	stream.strided.gather [hbm4b:s5+s21], $0x400, s22, s21, $0x38;
	[tilespmem:$0x16420] =	vst v63  }
0x41: {  	p3 =	seq.s32 s3, $0xB400  }
.Ltmp3:
0x42: {  	s5 =	sadd.s32 s3, s8;
	(pc) =	sbr.rel @!p3 .LBB2_3-.Ltmp3, $4  }
0x43: {  	[tilespmem:s4], [sflag:$0x1] =	stream.strided.gather [hbm4b:s5+s21], $0x400, s22, s21, $0x38;
	[tilespmem:$0x16420] =	vst v63  }
0x44: {  	s17 =	sadd.s32 $0x400, s4;
	s3 =	sadd.s32 $0xC00, s3;
	s6 =	sadd.s32 $0x80, s5  }
0x45: {  	[tilespmem:s17], [sflag:$0x1] =	stream.strided.gather [hbm4b:s6+s21], $0x400, s22, s21, $0x38;
	[tilespmem:$0x16420] =	vst v63  }
0x46: {  	s5 =	sadd.s32 $0x100, s5;
	s6 =	sadd.s32 $0x800, s4;
	s4 =	sadd.s32 $0xC00, s4  }
.Ltmp4:
0x47: {  	(pc) =	sbr.rel .LBB2_8-.Ltmp4, $3  }
0x48: {  	_ =	sdelay $0x1  }
0x49: {  	[tilespmem:s6], [sflag:$0x1] =	stream.strided.gather [hbm4b:s5+s21], $0x400, s22, s21, $0x38;
	[tilespmem:$0x16420] =	vst v63  }
0x4a: {  	s3 =	smov.u32 s8  }
.LBB2_5:
0x4b: {  	s4 =	rddreg [dreg:$0xd]  }
0x4c: {  	[tilespmem:s3], [sflag:$0x1] =	stream.linear.gather [hbm4b:s4+s3], $0x7800, $0x38;
	[tilespmem:$0x16420] =	vst v63  }
0x4d: {  	_ =	swait.ge [sflag:s19], $0x7800  }
0x4e: {  	[sflag:s19] =	ssyncset.done $0x0  }
0x4f: {  	s6 =	rddreg [dreg:$0xe];
	[sflag:s19] =	ssyncadd.s32 $0xFFFF8800  }
0x50: {  	[tilespmem:s20], [sflag:$0x1] =	stream.linear.gather [hbm4b:s6+s3], $0x600, $0x38;
	[tilespmem:$0x16420] =	vst v63  }
0x51: {  	_ =	swait.ge [sflag:s19], $0x600  }
0x52: {  	[sflag:s19] =	ssyncset.done $0x0  }
0x53: {  	s11 =	simm.s32 $0x7E00;
	s17 =	sadd.s32 $0x0, s7;
	[sflag:s19] =	ssyncadd.s32 $0xFFFFFA00  }
0x54: {  	[tilespmem:s11], [sflag:$0x1] =	stream.strided.gather [hbm4b:s17+s21], $0x400, s22, s21, $0x38;
	[tilespmem:$0x16420] =	vst v63  }
0x55: {  	s5 =	simm.s32 $0x8200;
	s31 =	sadd.s32 $0x80, s17;
	s4 =	simm.s32 $0x8A00  }
0x56: {  	[tilespmem:s5], [sflag:$0x1] =	stream.strided.gather [hbm4b:s31+s21], $0x400, s22, s21, $0x38;
	[tilespmem:$0x16420] =	vst v63  }
0x57: {  	s3 =	simm.s32 $0xC00;
	s6 =	simm.s32 $0x8600;
	s5 =	sadd.s32 $0x100, s17  }
.LBB2_6:
0x58: {  	[tilespmem:s6], [sflag:$0x1] =	stream.strided.gather [hbm4b:s5+s21], $0x400, s22, s21, $0x38;
	[tilespmem:$0x16420] =	vst v63  }
0x59: {  	p3 =	sne.s32 s3, $0xB400  }
.Ltmp5:
0x5a: {  	s5 =	sadd.s32 s3, s7;
	(pc) =	sbr.rel @p3 .LBB2_6-.Ltmp5, $4  }
0x5b: {  	[tilespmem:s4], [sflag:$0x1] =	stream.strided.gather [hbm4b:s5+s21], $0x400, s22, s21, $0x38;
	[tilespmem:$0x16420] =	vst v63  }
0x5c: {  	s17 =	sadd.s32 $0x400, s4;
	s3 =	sadd.s32 $0xC00, s3;
	s6 =	sadd.s32 $0x80, s5  }
0x5d: {  	[tilespmem:s17], [sflag:$0x1] =	stream.strided.gather [hbm4b:s6+s21], $0x400, s22, s21, $0x38;
	[tilespmem:$0x16420] =	vst v63  }
0x5e: {  	s5 =	sadd.s32 $0x100, s5;
	s6 =	sadd.s32 $0x800, s4;
	s4 =	sadd.s32 $0xC00, s4  }
0x5f: {  	[tilespmem:s6], [sflag:$0x1] =	stream.strided.gather [hbm4b:s5+s21], $0x400, s22, s21, $0x38;
	[tilespmem:$0x16420] =	vst v63  }
0x60: {  	s3 =	smov.u32 s7  }
.LBB2_8:
0x61: {  	s4 =	sadd.s32 $0xC000, s3  }
0x62: {  	[tilespmem:s23], [sflag:$0x1] =	stream.strided.gather [hbm4b:s4+s21], $0x200, s22, s21, $0x38;
	[tilespmem:$0x16420] =	vst v63  }
0x63: {  	s17 =	sadd.s32 $0xC080, s3  }
0x64: {  	[tilespmem:s24], [sflag:$0x1] =	stream.strided.gather [hbm4b:s17+s21], $0x200, s22, s21, $0x38;
	[tilespmem:$0x16420] =	vst v63  }
0x65: {  	s31 =	sadd.s32 $0xC100, s3  }
0x66: {  	[tilespmem:s25], [sflag:$0x1] =	stream.strided.gather [hbm4b:s31+s21], $0x200, s22, s21, $0x38;
	[tilespmem:$0x16420] =	vst v63  }
0x67: {  	_ =	swait.ge [sflag:s19], $0xC600  }
0x68: {  	[sflag:s19] =	ssyncset.done $0x0  }
0x69: {  	s17 =	simm.s32 $0x0;
	[sflag:s19] =	ssyncadd.s32 $0xFFFF3A00  }
0x6a: {  	[tilespmem:s26], [sflag:$0x1] =	stream.linear.gather [hbm4b:s9+s17], $0x80, $0x38;
	[tilespmem:$0x16420] =	vst v63  }
0x6b: {  	_ =	swait.ge [sflag:s19], $0x80  }
0x6c: {  	[sflag:s19] =	ssyncset.done $0x0  }
0x6d: {  	[sflag:s19] =	ssyncadd.s32 $0xFFFFFF80  }
0x6e: {  	[tilespmem:s28], [sflag:$0x1] =	stream.linear.gather [hbm4b:s10+s17], $0x200, $0x38;
	[tilespmem:$0x16420] =	vst v63  }
0x6f: {  	_ =	swait.ge [sflag:s19], $0x200  }
0x70: {  	[sflag:s19] =	ssyncset.done $0x0  }
0x71: {  	s3 =	simm.s32 $0x0;
	s4 =	simm.s32 $0x14A00;
	[sflag:s19] =	ssyncadd.s32 $0xFFFFFE00  }
.LBB2_9:
0x72: {  	v7 =	vmov s17;
	_ =	sdelay $0x4  }
0x73: {  	v6 =	vld.idx.msk [tilespmem:v7+s26+$0x0], $0xffff;
	_ =	sdelay $0x2  }
0x74: {  	s5 =	sshll.u32 s3, $0x4  }
0x75: {  	v12 =	vor.u32 s5, v1  }
0x76: {  	v8 =	vmin.u32 v12, $0x12B;
	v9 =	vshrl.u32 v6, $0x3  }
0x77: {  	v10 =	vshll.u32 v8, $0x3;
	v9 =	vmul.u32 $0xC00, v9  }
0x78: {  	v10 =	vand.u32 $0xC00, v10;
	v6 =	vshll.u32 v6, $0x7  }
0x79: {  	v6 =	vand.u32 $0x380, v6;
	v9 =	vadd.s32 v10, v9  }
0x7a: {  	v11 =	vand.u32 $0x7F, v8;
	v6 =	vor.u32 v6, v9  }
0x7b: {  	v6 =	vor.u32 v11, v6;
	_ =	sdelay $0x4  }
0x7c: {  	v6 =	vld.idx.msk [tilespmem:v6+s2+$0x0], $0xffff;
	_ =	sdelay $0x4  }
0x7d: {  	v6 =	vsub.f32 $0.0e+00, v6;
	_ =	sdelay $0x1  }
0x7e: {  	v6 =	vmul.f32 $1.442695020e+00, v6;
	_ =	sdelay $0x1  }
0x7f: {  	s6 =	sshll.u32 s3, $0x6;
	v9 =	vor.u32 $0x80, v7;
	(erf) = vpow2.f32 v6  }
0x80: {  	s5 =	sand.u32 $0x70, s5;
	s6 =	sand.u32 $0x600, s6  }
0x81: {  	v13 =	vor.u32 $0x100, v7;
	s5 =	sor.u32 s5, s6  }
0x82: {  	v8 =	vld [tilespmem:s5+$0x7880]  }
0x83: {  	v15 =	vor.u32 $0x180, v7;
	v14 =	vld.idx.msk [tilespmem:v7+s28+$0x0], $0xffff  }
0x84: {  	v16 =	vld.idx.msk [tilespmem:v9+s28+$0x0], $0xffff  }
0x85: {  	v6 =	vld [tilespmem:s5+$0x7800]  }
0x86: {  	v13 =	vld.idx.msk [tilespmem:v13+s28+$0x0], $0xffff  }
0x87: {  	v9 =	vld [tilespmem:s5+$0x7900]  }
0x88: {  	v15 =	vld.idx.msk [tilespmem:v15+s28+$0x0], $0xffff;
	v17 =	vpop (erf)  }
0x89: {  	v7 =	vld [tilespmem:s5+$0x7980];
	v17 =	vadd.f32 $1.000000000e+00, v17  }
0x8a: {  	v16 =	vsub.f32 v8, v16;
	v14 =	vsub.f32 v6, v14  }
0x8b: {  	(erf) = vrcp.f32 v17  }
0x8c: {  	v13 =	vsub.f32 v9, v13;
	v16 =	vand.u32 $0x7FFFFFFF, v16;
	v14 =	vand.u32 $0x7FFFFFFF, v14  }
0x8d: {  	v14 =	vadd.f32 v16, v14  }
0x8e: {  	v15 =	vsub.f32 v7, v15;
	v13 =	vand.u32 $0x7FFFFFFF, v13  }
0x8f: {  	v13 =	vadd.f32 v13, v14  }
0x90: {  	v14 =	vand.u32 $0x7FFFFFFF, v15  }
0x91: {  	v13 =	vadd.f32 v14, v13;
	_ =	sdelay $0x1  }
0x92: {  	s6 =	simm.s32 $0x1;
	v13 =	vmul.f32 $5.000000000e+00, v13  }
0x93: {  	v14 =	vmov s6;
	v15 =	vpop (erf)  }
0x94: {  	v13 =	vsub.f32 v13, v15  }
0x95: {  	vm2 =	vlt.u32 v12, $0x12C  }
0x96: {  	v12 =	vnsel vm2, $0x7149F2CA, v13  }
0x97: {  	[tilespmem:s4+$0x0] =	vst v12  }
0x98: {  	v12 =	vld.idx.msk [tilespmem:v14+s26+$0x0], $0xffff;
	_ =	sdelay $0x4  }
0x99: {  	v13 =	vshrl.u32 v12, $0x3  }
0x9a: {  	v13 =	vmul.u32 $0xC00, v13  }
0x9b: {  	v12 =	vshll.u32 v12, $0x7  }
0x9c: {  	v12 =	vand.u32 $0x380, v12;
	v13 =	vadd.s32 v10, v13  }
0x9d: {  	v12 =	vor.u32 v12, v13  }
0x9e: {  	v12 =	vor.u32 v11, v12;
	_ =	sdelay $0x4  }
0x9f: {  	v12 =	vld.idx.msk [tilespmem:v12+s2+$0x0], $0xffff;
	_ =	sdelay $0x4  }
0xa0: {  	v12 =	vsub.f32 $0.0e+00, v12;
	_ =	sdelay $0x1  }
0xa1: {  	v12 =	vmul.f32 $1.442695020e+00, v12;
	_ =	sdelay $0x1  }
0xa2: {  	(erf) = vpow2.f32 v12  }
0xa3: {  	v12 =	vor.u32 $0x80, v14;
	_ =	sdelay $0x1  }
0xa4: {  	v13 =	vor.u32 $0x100, v14;
	_ =	sdelay $0x1  }
0xa5: {  	v15 =	vld.idx.msk [tilespmem:v14+s28+$0x0], $0xffff;
	v14 =	vor.u32 $0x180, v14  }
0xa6: {  	v12 =	vld.idx.msk [tilespmem:v12+s28+$0x0], $0xffff;
	_ =	sdelay $0x1  }
0xa7: {  	v13 =	vld.idx.msk [tilespmem:v13+s28+$0x0], $0xffff  }
0xa8: {  	v63 =	vpop (erf)  }
0xa9: {  	v14 =	vld.idx.msk [tilespmem:v14+s28+$0x0], $0xffff;
	v16 =	vadd.f32 $1.000000000e+00, v63  }
0xaa: {  	v15 =	vsub.f32 v6, v15;
	v12 =	vsub.f32 v8, v12  }
0xab: {  	(erf) = vrcp.f32 v16  }
0xac: {  	v15 =	vand.u32 $0x7FFFFFFF, v15;
	v13 =	vsub.f32 v9, v13;
	v12 =	vand.u32 $0x7FFFFFFF, v12  }
0xad: {  	v12 =	vadd.f32 v12, v15  }
0xae: {  	v13 =	vand.u32 $0x7FFFFFFF, v13;
	v14 =	vsub.f32 v7, v14  }
0xaf: {  	v12 =	vadd.f32 v13, v12  }
0xb0: {  	v13 =	vand.u32 $0x7FFFFFFF, v14  }
0xb1: {  	v12 =	vadd.f32 v13, v12;
	_ =	sdelay $0x1  }
0xb2: {  	s11 =	simm.s32 $0x2;
	v13 =	vmul.f32 $5.000000000e+00, v12  }
0xb3: {  	s31 =	smov.u32 s4;
	s5 =	simm.s32 $0x3;
	v12 =	vmov s11;
	v14 =	vpop (erf)  }
.LBB2_10:
0xb4: {  	p3 =	sne.s32 s5, $0xF;
	v13 =	vsub.f32 v13, v14;
	_ =	sdelay $0x1  }
0xb5: {  	s31 =	sadd.s32 $0x130, s31;
	v13 =	vnsel vm2, $0x7149F2CA, v13  }
0xb6: {  	[tilespmem:s31+$0x0] =	vst v13  }
0xb7: {  	v13 =	vld.idx.msk [tilespmem:v12+s26+$0x0], $0xffff;
	_ =	sdelay $0x5  }
0xb8: {  	v14 =	vshrl.u32 v13, $0x3  }
0xb9: {  	v14 =	vmul.u32 $0xC00, v14  }
0xba: {  	v13 =	vshll.u32 v13, $0x7  }
0xbb: {  	v13 =	vand.u32 $0x380, v13;
	v14 =	vadd.s32 v10, v14  }
0xbc: {  	v13 =	vor.u32 v13, v14  }
0xbd: {  	v13 =	vor.u32 v11, v13;
	_ =	sdelay $0x4  }
0xbe: {  	v13 =	vld.idx.msk [tilespmem:v13+s2+$0x0], $0xffff;
	_ =	sdelay $0x5  }
0xbf: {  	v13 =	vsub.f32 $0.0e+00, v13;
	_ =	sdelay $0x1  }
0xc0: {  	v13 =	vmul.f32 $1.442695020e+00, v13;
	_ =	sdelay $0x1  }
0xc1: {  	v14 =	vor.u32 $0x80, v12;
	(erf) = vpow2.f32 v13;
	_ =	sdelay $0x1  }
0xc2: {  	v13 =	vor.u32 $0x100, v12;
	_ =	sdelay $0x1  }
0xc3: {  	v15 =	vld.idx.msk [tilespmem:v12+s28+$0x0], $0xffff;
	v12 =	vor.u32 $0x180, v12  }
0xc4: {  	v14 =	vld.idx.msk [tilespmem:v14+s28+$0x0], $0xffff;
	_ =	sdelay $0x1  }
0xc5: {  	v13 =	vld.idx.msk [tilespmem:v13+s28+$0x0], $0xffff;
	_ =	sdelay $0x1  }
0xc6: {  	v12 =	vld.idx.msk [tilespmem:v12+s28+$0x0], $0xffff;
	v16 =	vpop (erf)  }
0xc7: {  	v16 =	vadd.f32 $1.000000000e+00, v16  }
0xc8: {  	v15 =	vsub.f32 v6, v15;
	v14 =	vsub.f32 v8, v14  }
0xc9: {  	(erf) = vrcp.f32 v16  }
0xca: {  	v15 =	vand.u32 $0x7FFFFFFF, v15;
	v14 =	vand.u32 $0x7FFFFFFF, v14;
	v13 =	vsub.f32 v9, v13  }
0xcb: {  	v14 =	vadd.f32 v14, v15  }
0xcc: {  	v13 =	vand.u32 $0x7FFFFFFF, v13;
	v12 =	vsub.f32 v7, v12  }
0xcd: {  	v13 =	vadd.f32 v13, v14  }
.Ltmp6:
0xce: {  	v12 =	vand.u32 $0x7FFFFFFF, v12;
	(pc) =	sbr.rel @p3 .LBB2_10-.Ltmp6, $3  }
0xcf: {  	v12 =	vadd.f32 v12, v13;
	_ =	sdelay $0x1  }
0xd0: {  	v13 =	vmul.f32 $5.000000000e+00, v12  }
0xd1: {  	v12 =	vmov s5;
	s5 =	sadd.s32 $0x1, s5;
	v14 =	vpop (erf)  }
0xd2: {  	v13 =	vsub.f32 v13, v14;
	_ =	sdelay $0x1  }
0xd3: {  	s5 =	sadd.s32 $0x130, s31;
	v13 =	vnsel vm2, $0x7149F2CA, v13  }
0xd4: {  	[tilespmem:s5+$0x0] =	vst v13  }
0xd5: {  	v13 =	vld.idx.msk [tilespmem:v12+s26+$0x0], $0xffff;
	_ =	sdelay $0x4  }
0xd6: {  	v57 =	vshrl.u32 v13, $0x3  }
0xd7: {  	v14 =	vmul.u32 $0xC00, v57  }
0xd8: {  	v13 =	vshll.u32 v13, $0x7  }
0xd9: {  	v13 =	vand.u32 $0x380, v13;
	v10 =	vadd.s32 v10, v14  }
0xda: {  	v10 =	vor.u32 v13, v10  }
0xdb: {  	v10 =	vor.u32 v11, v10;
	_ =	sdelay $0x4  }
0xdc: {  	v10 =	vld.idx.msk [tilespmem:v10+s2+$0x0], $0xffff;
	_ =	sdelay $0x4  }
0xdd: {  	v10 =	vsub.f32 $0.0e+00, v10;
	_ =	sdelay $0x1  }
0xde: {  	v10 =	vmul.f32 $1.442695020e+00, v10;
	_ =	sdelay $0x1  }
0xdf: {  	(erf) = vpow2.f32 v10  }
0xe0: {  	v58 =	vor.u32 $0x80, v12;
	_ =	sdelay $0x1  }
0xe1: {  	v59 =	vor.u32 $0x100, v12;
	_ =	sdelay $0x1  }
0xe2: {  	v61 =	vor.u32 $0x180, v12;
	v60 =	vld.idx.msk [tilespmem:v12+s28+$0x0], $0xffff  }
0xe3: {  	v10 =	vld.idx.msk [tilespmem:v58+s28+$0x0], $0xffff;
	_ =	sdelay $0x1  }
0xe4: {  	v11 =	vld.idx.msk [tilespmem:v59+s28+$0x0], $0xffff  }
0xe5: {  	v62 =	vpop (erf)  }
0xe6: {  	v12 =	vld.idx.msk [tilespmem:v61+s28+$0x0], $0xffff;
	v14 =	vadd.f32 $1.000000000e+00, v62  }
0xe7: {  	v6 =	vsub.f32 v6, v60;
	v8 =	vsub.f32 v8, v10  }
0xe8: {  	(erf) = vrcp.f32 v14  }
0xe9: {  	v6 =	vand.u32 $0x7FFFFFFF, v6;
	v9 =	vsub.f32 v9, v11;
	v8 =	vand.u32 $0x7FFFFFFF, v8  }
0xea: {  	v6 =	vadd.f32 v8, v6  }
0xeb: {  	v7 =	vsub.f32 v7, v12;
	v63 =	vand.u32 $0x7FFFFFFF, v9  }
0xec: {  	v6 =	vadd.f32 v63, v6  }
0xed: {  	v7 =	vand.u32 $0x7FFFFFFF, v7  }
0xee: {  	v6 =	vadd.f32 v7, v6  }
0xef: {  	s3 =	sadd.s32 $0x1, s3  }
0xf0: {  	p3 =	sne.s32 s3, $0x13;
	v6 =	vmul.f32 $5.000000000e+00, v6  }
.Ltmp7:
0xf1: {  	v7 =	vpop (erf);
	(pc) =	sbr.rel @p3 .LBB2_9-.Ltmp7, $3  }
0xf2: {  	v6 =	vsub.f32 v6, v7;
	_ =	sdelay $0x1  }
0xf3: {  	s5 =	sadd.s32 $0x130, s5;
	v6 =	vnsel vm2, $0x7149F2CA, v6  }
0xf4: {  	s4 =	sadd.s32 $0x10, s4;
	[tilespmem:s5+$0x0] =	vst v6  }
0xf5: {  	[tilespmem:$0x15D00] =	vst v0  }
0xf6: {  	[tilespmem:$0x15D10] =	vst v0  }
0xf7: {  	[tilespmem:$0x15D20] =	vst v0  }
0xf8: {  	[tilespmem:$0x15D30] =	vst v0  }
0xf9: {  	[tilespmem:$0x15D40] =	vst v0  }
0xfa: {  	[tilespmem:$0x15D50] =	vst v0  }
0xfb: {  	[tilespmem:$0x15D60] =	vst v0  }
0xfc: {  	[tilespmem:$0x15D70] =	vst v0  }
0xfd: {  	[tilespmem:$0x15D80] =	vst v0  }
0xfe: {  	[tilespmem:$0x15D90] =	vst v0  }
0xff: {  	[tilespmem:$0x15DA0] =	vst v0  }
0x100: {  	[tilespmem:$0x15DB0] =	vst v0  }
0x101: {  	[tilespmem:$0x15DC0] =	vst v0  }
0x102: {  	[tilespmem:$0x15DD0] =	vst v0  }
0x103: {  	[tilespmem:$0x15DE0] =	vst v0  }
0x104: {  	[tilespmem:$0x15DF0] =	vst v0  }
0x105: {  	[tilespmem:$0x15E00] =	vst v0  }
0x106: {  	[tilespmem:$0x15E10] =	vst v0  }
0x107: {  	[tilespmem:$0x15E20] =	vst v0;
	s3 =	simm.s32 $0x0;
	v7 =	vimm.s32 $0x0;
	s4 =	simm.s32 $0x14A00  }
.LBB2_13:
0x108: {  	s5 =	simm.s32 $0x15D00;
	v9 =	vld [tilespmem:s4+$0x0]  }
0x109: {  	v10 =	vld [tilespmem:s5+$0x0];
	_ =	sdelay $0x3  }
0x10a: {  	v6 =	vimm.f32 $9.999999940e+32;
	s31 =	simm.s32 $0x10;
	s6 =	sadd.s32 $0x10, s4;
	s17 =	simm.s32 $0x0;
	v8 =	vimm.s32 $0x0  }
.LBB2_14:
0x10b: {  	v11 =	vadd.f32 v10, v9;
	v9 =	vld [tilespmem:s6+$0x0];
	s5 =	sadd.s32 $0x10, s5;
	s11 =	smov.u32 s31;
	p3 =	sne.s32 s31, $0x120  }
.Ltmp8:
0x10c: {  	s31 =	sadd.s32 $0x10, s31;
	v10 =	vld [tilespmem:s5+$0x0];
	(pc) =	sbr.rel @p3 .LBB2_14-.Ltmp8, $3  }
0x10d: {  	v12 =	vor.u32 s17, v1;
	s17 =	smov.u32 s11;
	vm2 =	vlt.f32 v11, v6  }
0x10e: {  	v6 =	vsel vm2, v11, v6;
	v8 =	vsel vm2, v12, v8;
	_ =	sdelay $0x1  }
0x10f: {  	s6 =	sadd.s32 $0x10, s6  }
0x110: {  	v9 =	vadd.f32 v10, v9;
	_ =	sdelay $0x1  }
0x111: {  	vm2 =	vlt.f32 v9, v6  }
0x112: {  	v6 =	vsel vm2, v9, v6  }
0x113: {  	(xrf0) =	vmin.scan.msk.f32 $0xffff, v6;
	_ =	sdelay $0x5  }
0x114: {  	v62, _, _ =	vpop (xrf0)  }
0x115: {  	v63 =	vor.u32 s17, v1;
	v9 =	vbroadcast v62, $0xF  }
0x116: {  	v8 =	vsel vm2, v63, v8  }
0x117: {  	vm2 =	veq.f32 v6, v9;
	v6 =	vxor.u32 $0x80000000, v8  }
0x118: {  	v6 =	vnsel vm2, $0xFFFFFFFF, v6  }
0x119: {  	(xrf0) =	vmin.scan.msk.u32 $0xffff, v6;
	_ =	sdelay $0x5  }
0x11a: {  	v6, _, _ =	vpop (xrf0)  }
0x11b: {  	(v2sf) =	vpush v6, $0xF;
	_ =	sdelay $0xe  }
0x11c: {  	s5 =	spop (v2sf)  }
0x11d: {  	v8 =	vmov s3;
	s3 =	sadd.s32 $0x1, s3;
	s5 =	sxor.u32 $0x80000000, s5  }
0x11e: {  	p3 =	seq.s32 s3, $0x10;
	v6 =	vmov s5  }
.Ltmp9:
0x11f: {  	_ = 	snop;
	(pc) =	sbr.rel @!p3 .LBB2_13-.Ltmp9, $3  }
0x120: {  	_ =	sdelay $0x1  }
0x121: {  	vm2 =	veq.s32 v8, v1  }
0x122: {  	s4 =	sadd.s32 $0x130, s4;
	v7 =	vsel vm2, s5, v7;
	[tilespmem:v6+s29+$0x0] =	vst.idx.msk $0x1, v2  }
0x123: {  	s3 =	simm.s32 $0x0  }
0x124: {  	v9 =	vmov s3  }
0x125: {  	v10 =	vshrl.u32 v9, $0x3  }
0x126: {  	v8 =	vshll.u32 v7, $0x3;
	v10 =	vmul.u32 $0xC00, v10  }
0x127: {  	v14 =	vand.u32 $0xFFFFFC00, v8;
	v9 =	vshll.u32 v9, $0x7  }
0x128: {  	v9 =	vand.u32 $0x380, v9;
	v10 =	vadd.s32 v14, v10  }
0x129: {  	v6 =	vand.u32 $0x7F, v7;
	v9 =	vor.u32 v9, v10  }
0x12a: {  	v9 =	vor.u32 v6, v9;
	_ =	sdelay $0x4  }
0x12b: {  	v13 =	vld.idx.msk [tilespmem:v9+s2+$0x0], $0xffff  }
0x12c: {  	s5 =	simm.s32 $0x1  }
0x12d: {  	v9 =	vmov s5  }
0x12e: {  	v10 =	vshrl.u32 v9, $0x3  }
0x12f: {  	v10 =	vmul.u32 $0xC00, v10  }
0x130: {  	v9 =	vshll.u32 v9, $0x7;
	v11 =	vand.u32 $0x7FFFFFFF, v13  }
0x131: {  	v9 =	vand.u32 $0x380, v9;
	v10 =	vadd.s32 v14, v10;
	v11 =	vsub.f32 $0.0e+00, v11  }
0x132: {  	v9 =	vor.u32 v9, v10  }
0x133: {  	v9 =	vor.u32 v6, v9;
	v10 =	vmul.f32 $1.442695020e+00, v11;
	_ =	sdelay $0x1  }
0x134: {  	(erf) = vpow2.f32 v10;
	_ =	sdelay $0x2  }
0x135: {  	v11 =	vld.idx.msk [tilespmem:v9+s2+$0x0], $0xffff;
	_ =	sdelay $0x1  }
0x136: {  	s6 =	simm.s32 $0x2  }
0x137: {  	v9 =	vmov s6  }
0x138: {  	v10 =	vshrl.u32 v9, $0x3  }
0x139: {  	v10 =	vmul.u32 $0xC00, v10;
	v12 =	vand.u32 $0x7FFFFFFF, v11  }
0x13a: {  	v9 =	vshll.u32 v9, $0x7;
	v12 =	vsub.f32 $0.0e+00, v12;
	v15 =	vpop (erf)  }
0x13b: {  	v9 =	vand.u32 $0x380, v9;
	v10 =	vadd.s32 v14, v10;
	v16 =	vadd.f32 $2.000000000e+00, v15  }
0x13c: {  	v9 =	vor.u32 v9, v10;
	v10 =	vmul.f32 $1.442695020e+00, v12  }
0x13d: {  	v9 =	vor.u32 v6, v9;
	(erf) = vrcp.f32 v16  }
0x13e: {  	(erf) = vpow2.f32 v10;
	_ =	sdelay $0x3  }
0x13f: {  	s11 =	simm.s32 $0x3;
	v9 =	vld.idx.msk [tilespmem:v9+s2+$0x0], $0xffff;
	v16 =	vsub.f32 $0.0e+00, v13  }
0x140: {  	v10 =	vmov s11  }
0x141: {  	v12 =	vshrl.u32 v10, $0x3;
	v19 =	vmul.f32 $1.442695020e+00, v16  }
0x142: {  	v10 =	vshll.u32 v10, $0x7;
	v12 =	vmul.u32 $0xC00, v12  }
0x143: {  	v10 =	vand.u32 $0x380, v10;
	(erf) = vpow2.f32 v19;
	v17 =	vpop (erf)  }
0x144: {  	v12 =	vadd.s32 v14, v12;
	v18 =	vand.u32 $0x7FFFFFFF, v9;
	v20 =	vpop (erf);
	v16 =	vmul.f32 v17, v15  }
0x145: {  	s17 =	simm.s32 $0x4;
	v10 =	vor.u32 v10, v12;
	v12 =	vsub.f32 $0.0e+00, v18;
	v15 =	vadd.f32 $2.000000000e+00, v20  }
0x146: {  	v10 =	vor.u32 v6, v10;
	v17 =	vmov s17;
	v19 =	vmul.f32 v16, v16  }
0x147: {  	v12 =	vmul.f32 $1.442695020e+00, v12;
	(erf) = vrcp.f32 v15;
	v15 =	vshrl.u32 v17, $0x3  }
0x148: {  	v17 =	vshll.u32 v17, $0x7;
	v18 =	vmul.f32 $1.818181870e-01, v19;
	v15 =	vmul.u32 $0xC00, v15  }
0x149: {  	(erf) = vpow2.f32 v12;
	v17 =	vand.u32 $0x380, v17  }
0x14a: {  	v12 =	vadd.f32 $2.222222240e-01, v18;
	v15 =	vadd.s32 v14, v15;
	v18 =	vsub.f32 $0.0e+00, v11  }
0x14b: {  	v15 =	vor.u32 v17, v15  }
0x14c: {  	v10 =	vld.idx.msk [tilespmem:v10+s2+$0x0], $0xffff;
	v17 =	vor.u32 v6, v15;
	v15 =	vmul.f32 $1.442695020e+00, v18  }
0x14d: {  	v12 =	vmul.f32 v12, v19;
	_ =	sdelay $0x1  }
0x14e: {  	v12 =	vadd.f32 $2.857142980e-01, v12;
	v18 =	vpop (erf)  }
0x14f: {  	(erf) = vpow2.f32 v15;
	v15 =	vpop (erf)  }
0x150: {  	s31 =	simm.s32 $0x5;
	v21 =	vand.u32 $0x7FFFFFFF, v10;
	v12 =	vmul.f32 v12, v19;
	v15 =	vmul.f32 v15, v20  }
0x151: {  	v21 =	vsub.f32 $0.0e+00, v21;
	v22 =	vadd.f32 $1.000000000e+00, v18;
	v20 =	vmov s31;
	v18 =	vpop (erf)  }
0x152: {  	v23 =	vadd.f32 $4.000000060e-01, v12;
	v12 =	vld.idx.msk [tilespmem:v17+s2+$0x0], $0xffff;
	v24 =	vadd.f32 $2.000000000e+00, v18;
	v17 =	vmul.f32 v15, v15  }
0x153: {  	v21 =	vmul.f32 $1.442695020e+00, v21;
	(erf) = vrcp.f32 v22;
	v22 =	vshrl.u32 v20, $0x3  }
0x154: {  	v22 =	vmul.u32 $0xC00, v22;
	(erf) = vrcp.f32 v24;
	v24 =	vmul.f32 $1.818181870e-01, v17  }
0x155: {  	v23 =	vmul.f32 v23, v19  }
0x156: {  	(erf) = vpow2.f32 v21;
	v21 =	vadd.s32 v14, v22;
	v22 =	vadd.f32 $2.222222240e-01, v24  }
0x157: {  	v20 =	vshll.u32 v20, $0x7;
	v23 =	vadd.f32 $6.666666860e-01, v23  }
0x158: {  	v8 =	vimm.f32 $0.0e+00;
	v20 =	vand.u32 $0x380, v20  }
0x159: {  	v21 =	vor.u32 v20, v21;
	v20 =	vand.u32 $0x7FFFFFFF, v12;
	v19 =	vmul.f32 v23, v19  }
0x15a: {  	s3 =	simm.s32 $0x6;
	v24 =	vsub.f32 $0.0e+00, v9;
	v23 =	vsub.f32 $0.0e+00, v20;
	v20 =	vmul.f32 v22, v17;
	v22 =	vpop (erf)  }
.LBB2_17:
0x15b: {  	v25 =	vmov s3;
	p3 =	sne.s32 s3, $0x4F;
	v21 =	vor.u32 v6, v21;
	v19 =	vadd.f32 $2.000000000e+00, v19  }
0x15c: {  	v23 =	vmul.f32 $1.442695020e+00, v23;
	v24 =	vmul.f32 $1.442695020e+00, v24;
	v20 =	vadd.f32 $2.857142980e-01, v20;
	v26 =	vpop (erf)  }
0x15d: {  	v27 =	vmax.f32 v13, $0.0e+00;
	v13 =	vmovc v11;
	v19 =	vmul.f32 v19, v16;
	v28 =	vmul.f32 $7.500000000e-01, v26;
	v16 =	vmovc v15  }
0x15e: {  	v22 =	vadd.f32 $1.000000000e+00, v22;
	(erf) = vpow2.f32 v24;
	v11 =	vpop (erf);
	v20 =	vmul.f32 v20, v17  }
0x15f: {  	v15 =	vmul.f32 v11, v18;
	v18 =	vpop (erf);
	v19 =	vadd.f32 v19, v27;
	v24 =	vmul.f32 v28, v26  }
0x160: {  	v11 =	vmovc v9;
	v9 =	vmovc v10;
	v26 =	vld.idx.msk [tilespmem:v21+s2+$0x0], $0xffff;
	v21 =	vadd.f32 $2.000000000e+00, v18;
	v20 =	vadd.f32 $4.000000060e-01, v20;
	(erf) = vrcp.f32 v22  }
0x161: {  	v10 =	vmovc v12;
	v22 =	vshrl.u32 v25, $0x3;
	v27 =	vmul.f32 v15, v15;
	v19 =	vmul.f32 v19, v24  }
0x162: {  	v12 =	vmul.u32 $0xC00, v22;
	(erf) = vrcp.f32 v21;
	v20 =	vmul.f32 v20, v17  }
.Ltmp10:
0x163: {  	(erf) = vpow2.f32 v23;
	v21 =	vmul.f32 $1.818181870e-01, v27;
	v8 =	vadd.f32 v19, v8;
	(pc) =	sbr.rel @p3 .LBB2_17-.Ltmp10, $4  }
0x164: {  	v19 =	vshll.u32 v25, $0x7;
	v20 =	vadd.f32 $6.666666860e-01, v20  }
0x165: {  	v24 =	vadd.s32 v14, v12;
	v19 =	vand.u32 $0x380, v19;
	v25 =	vadd.f32 $2.222222240e-01, v21  }
0x166: {  	v21 =	vor.u32 v19, v24;
	v23 =	vand.u32 $0x7FFFFFFF, v26;
	v12 =	vmovc v26;
	v19 =	vmul.f32 v20, v17;
	v17 =	vmovc v27  }
0x167: {  	s3 =	sadd.s32 $0x1, s3;
	v24 =	vsub.f32 $0.0e+00, v9;
	v23 =	vsub.f32 $0.0e+00, v23;
	v20 =	vmul.f32 v25, v17;
	v22 =	vpop (erf)  }
0x168: {  	_ =	sdelay $0x1  }
0x169: {  	v25 =	vpop (erf)  }
0x16a: {  	v14 =	vmul.f32 $1.442695020e+00, v24;
	v57 =	vpop (erf)  }
0x16b: {  	v22 =	vadd.f32 $1.000000000e+00, v22;
	v26 =	vpop (erf)  }
0x16c: {  	(erf) = vpow2.f32 v14;
	v14 =	vadd.f32 $2.000000000e+00, v26  }
0x16d: {  	v21 =	vor.u32 v6, v21;
	v23 =	vmul.f32 $1.442695020e+00, v23;
	(erf) = vrcp.f32 v22  }
0x16e: {  	(erf) = vrcp.f32 v14  }
0x16f: {  	(erf) = vpow2.f32 v23;
	_ =	sdelay $0x2  }
0x170: {  	v14 =	vld.idx.msk [tilespmem:v21+s2+$0x0], $0xffff;
	_ =	sdelay $0x2  }
0x171: {  	v21 =	vsub.f32 $0.0e+00, v10;
	v22 =	vpop (erf)  }
0x172: {  	v23 =	vpop (erf)  }
0x173: {  	v21 =	vmul.f32 $1.442695020e+00, v21;
	v27 =	vand.u32 $0x7FFFFFFF, v14;
	v28 =	vpop (erf)  }
0x174: {  	v27 =	vsub.f32 $0.0e+00, v27;
	v22 =	vadd.f32 $1.000000000e+00, v22;
	v29 =	vpop (erf)  }
0x175: {  	(erf) = vpow2.f32 v21;
	v21 =	vadd.f32 $2.000000000e+00, v29  }
0x176: {  	v27 =	vmul.f32 $1.442695020e+00, v27;
	(erf) = vrcp.f32 v22  }
0x177: {  	v18 =	vmul.f32 v57, v18;
	(erf) = vrcp.f32 v21  }
0x178: {  	(erf) = vpow2.f32 v27  }
0x179: {  	v21 =	vmul.f32 v18, v18  }
0x17a: {  	v19 =	vadd.f32 $2.000000000e+00, v19  }
0x17b: {  	v20 =	vadd.f32 $2.857142980e-01, v20;
	v22 =	vmul.f32 $1.818181870e-01, v21  }
0x17c: {  	v16 =	vmul.f32 v19, v16  }
0x17d: {  	v19 =	vsub.f32 $0.0e+00, v12;
	v20 =	vmul.f32 v20, v17;
	v22 =	vadd.f32 $2.222222240e-01, v22  }
0x17e: {  	v13 =	vmax.f32 v13, $0.0e+00;
	v59 =	vmul.f32 $7.500000000e-01, v25;
	v26 =	vmul.f32 v28, v26;
	v58 =	vpop (erf)  }
0x17f: {  	v19 =	vmul.f32 $1.442695020e+00, v19;
	v20 =	vadd.f32 $4.000000060e-01, v20;
	v60 =	vpop (erf);
	v22 =	vmul.f32 v22, v21  }
0x180: {  	v13 =	vadd.f32 v16, v13;
	v31 =	vmul.f32 v26, v26;
	v24 =	vadd.f32 $1.000000000e+00, v58;
	v30 =	vpop (erf)  }
0x181: {  	v16 =	vmul.f32 v20, v17;
	(erf) = vpow2.f32 v19;
	v22 =	vadd.f32 $2.857142980e-01, v22;
	v32 =	vpop (erf)  }
0x182: {  	v61 =	vmul.f32 $1.818181870e-01, v31;
	(erf) = vrcp.f32 v24;
	v19 =	vadd.f32 $2.000000000e+00, v32  }
0x183: {  	v16 =	vadd.f32 $6.666666860e-01, v16;
	v20 =	vmul.f32 v22, v21;
	v62 =	vmul.f32 v30, v29  }
0x184: {  	(erf) = vrcp.f32 v19;
	v19 =	vmul.f32 v59, v25  }
0x185: {  	v16 =	vmul.f32 v16, v17;
	v22 =	vadd.f32 $2.222222240e-01, v61  }
0x186: {  	v17 =	vmul.f32 v62, v62;
	v13 =	vmul.f32 v13, v19;
	v19 =	vadd.f32 $4.000000060e-01, v20  }
0x187: {  	v16 =	vadd.f32 $2.000000000e+00, v16;
	v20 =	vmul.f32 v22, v31  }
0x188: {  	v22 =	vmul.f32 $1.818181870e-01, v17;
	v8 =	vadd.f32 v13, v8;
	v13 =	vmul.f32 v19, v21  }
0x189: {  	v19 =	vadd.f32 $2.857142980e-01, v20;
	v20 =	vmul.f32 $7.500000000e-01, v23  }
0x18a: {  	v11 =	vmax.f32 v11, $0.0e+00;
	v15 =	vmul.f32 v16, v15;
	v13 =	vadd.f32 $6.666666860e-01, v13  }
0x18b: {  	v63 =	vpop (erf);
	v19 =	vmul.f32 v19, v31;
	v16 =	vmul.f32 v20, v23;
	v20 =	vadd.f32 $2.222222240e-01, v22  }
0x18c: {  	v11 =	vadd.f32 v15, v11;
	v22 =	vpop (erf)  }
0x18d: {  	v13 =	vmul.f32 v13, v21;
	v19 =	vadd.f32 $4.000000060e-01, v19;
	v20 =	vmul.f32 v20, v17;
	v23 =	vpop (erf)  }
0x18e: {  	v21 =	vsub.f32 $0.0e+00, v14;
	v11 =	vmul.f32 v11, v16;
	v15 =	vmul.f32 v23, v32  }
0x18f: {  	v13 =	vadd.f32 $2.000000000e+00, v13;
	v19 =	vmul.f32 v19, v31;
	v16 =	vadd.f32 $2.857142980e-01, v20  }
0x190: {  	v9 =	vmax.f32 v9, $0.0e+00;
	v21 =	vmul.f32 $1.442695020e+00, v21;
	v20 =	vmul.f32 v15, v15  }
0x191: {  	v13 =	vmul.f32 v13, v18;
	v18 =	vadd.f32 $6.666666860e-01, v19;
	v16 =	vmul.f32 v16, v17  }
0x192: {  	v8 =	vadd.f32 v11, v8;
	(erf) = vpow2.f32 v21;
	v19 =	vmul.f32 $1.818181870e-01, v20  }
0x193: {  	v11 =	vmul.f32 v18, v31;
	v18 =	vmul.f32 $7.500000000e-01, v60;
	v16 =	vadd.f32 $4.000000060e-01, v16  }
0x194: {  	v9 =	vadd.f32 v13, v9  }
0x195: {  	v19 =	vadd.f32 $2.222222240e-01, v19;
	v13 =	vmul.f32 v18, v60;
	v16 =	vmul.f32 v16, v17  }
0x196: {  	v21 =	vadd.f32 $1.000000000e+00, v63;
	v11 =	vadd.f32 $2.000000000e+00, v11;
	v18 =	vld [tilespmem:$0x15E80]  }
0x197: {  	v19 =	vmul.f32 v19, v20;
	v9 =	vmul.f32 v9, v13;
	v13 =	vadd.f32 $6.666666860e-01, v16  }
0x198: {  	v11 =	vmul.f32 v11, v26  }
0x199: {  	v10 =	vmax.f32 v10, $0.0e+00;
	(erf) = vrcp.f32 v21;
	v16 =	vadd.f32 $2.857142980e-01, v19  }
0x19a: {  	v8 =	vadd.f32 v9, v8;
	v9 =	vmul.f32 $7.500000000e-01, v22;
	v10 =	vadd.f32 v11, v10  }
0x19b: {  	v11 =	vmul.f32 v13, v17;
	v17 =	vshrl.u32 v18, $0x3;
	v13 =	vpop (erf);
	v16 =	vmul.f32 v16, v20  }
0x19c: {  	v19 =	vshrl.u32 v7, $0x7;
	v17 =	vmul.u32 $0xC00, v17;
	v13 =	vadd.f32 $1.000000000e+00, v13  }
0x19d: {  	v7 =	vshll.u32 v19, $0xA;
	v18 =	vshll.u32 v18, $0x7;
	v16 =	vadd.f32 $4.000000060e-01, v16  }
0x19e: {  	(erf) = vrcp.f32 v13;
	v13 =	vadd.s32 v7, v17;
	v17 =	vand.u32 $0x380, v18  }
0x19f: {  	v9 =	vmul.f32 v9, v22;
	v13 =	vor.u32 v17, v13;
	v17 =	vshll.u32 v19, $0x9  }
0x1a0: {  	v11 =	vadd.f32 $2.000000000e+00, v11;
	v16 =	vmul.f32 v16, v20;
	v13 =	vor.u32 v6, v13  }
0x1a1: {  	s3 =	simm.s32 $0x0;
	v10 =	vmul.f32 v10, v9;
	v9 =	vmax.f32 v12, $0.0e+00;
	v12 =	vor.u32 v6, v17  }
0x1a2: {  	v22 =	vmov s3;
	v16 =	vadd.f32 $6.666666860e-01, v16;
	v18 =	vor.u32 $0x80, v12;
	v17 =	vpop (erf)  }
0x1a3: {  	v11 =	vmul.f32 v11, v62;
	v21 =	vor.u32 $0x100, v12;
	v19 =	vmul.f32 $7.500000000e-01, v17  }
0x1a4: {  	v23 =	vshrl.u32 v22, $0x3;
	v16 =	vmul.f32 v16, v20;
	v20 =	vor.u32 $0x180, v12  }
0x1a5: {  	v11 =	vadd.f32 v11, v9;
	v17 =	vmul.f32 v19, v17;
	v9 =	vld.idx.msk [tilespmem:v13+s3+$0x0], $0xffff;
	v13 =	vmul.u32 $0xC00, v23  }
0x1a6: {  	v8 =	vadd.f32 v10, v8;
	v10 =	vadd.f32 $2.000000000e+00, v16;
	v12 =	vld.idx.msk [tilespmem:v12+s20+$0x0], $0xffff;
	v16 =	vshll.u32 v22, $0x7  }
0x1a7: {  	v18 =	vld.idx.msk [tilespmem:v18+s20+$0x0], $0xffff;
	v16 =	vand.u32 $0x380, v16;
	v17 =	vmul.f32 v11, v17;
	v22 =	vpop (erf);
	v11 =	vadd.s32 v7, v13  }
0x1a8: {  	s31 =	simm.s32 $0x1;
	v10 =	vmul.f32 v10, v15;
	v13 =	vld.idx.msk [tilespmem:v21+s20+$0x0], $0xffff;
	v15 =	vmul.f32 $7.500000000e-01, v22;
	v11 =	vor.u32 v16, v11  }
0x1a9: {  	v14 =	vmax.f32 v14, $0.0e+00;
	v19 =	vld.idx.msk [tilespmem:v20+s20+$0x0], $0xffff;
	v16 =	vmov s31;
	v11 =	vor.u32 v6, v11  }
0x1aa: {  	v20 =	vld [tilespmem:$0x15F80];
	v10 =	vadd.f32 v10, v14;
	v21 =	vshrl.u32 v16, $0x3;
	v15 =	vmul.f32 v15, v22  }
0x1ab: {  	v14 =	vld [tilespmem:$0x15F00];
	v21 =	vmul.u32 $0xC00, v21  }
0x1ac: {  	v23 =	vadd.f32 v17, v8;
	v8 =	vld [tilespmem:$0x16080];
	v10 =	vmul.f32 v10, v15;
	v15 =	vshll.u32 v16, $0x7  }
0x1ad: {  	v22 =	vld [tilespmem:$0x16000];
	v17 =	vadd.s32 v7, v21;
	v21 =	vand.u32 $0x380, v15  }
0x1ae: {  	s3 =	simm.s32 $0x2;
	v15 =	vimm.f32 $-1.000000020e+30;
	v10 =	vadd.f32 v10, v23;
	v23 =	vor.u32 v21, v17;
	v16 =	vld.idx.msk [tilespmem:v11+s30+$0x0], $0xffff  }
.LBB2_19:
0x1af: {  	v24 =	vmov s3;
	p3 =	sne.s32 s3, $0x20;
	s3 =	sadd.s32 $0x1, s3;
	v25 =	vor.u32 v6, v23  }
.Ltmp11:
0x1b0: {  	v23 =	vshrl.u32 v24, $0x3;
	(pc) =	sbr.rel @p3 .LBB2_19-.Ltmp11, $4  }
0x1b1: {  	v23 =	vmul.u32 $0xC00, v23  }
0x1b2: {  	v24 =	vshll.u32 v24, $0x7  }
0x1b3: {  	v24 =	vand.u32 $0x380, v24;
	v23 =	vadd.s32 v7, v23  }
0x1b4: {  	v15 =	vmax.f32 v15, v16;
	v23 =	vor.u32 v24, v23;
	v16 =	vld.idx.msk [tilespmem:v25+s30+$0x0], $0xffff  }
0x1b5: {  	v23 =	vor.u32 v6, v23  }
0x1b6: {  	s3 =	simm.s32 $0x2  }
0x1b7: {  	v24 =	vmov s3  }
0x1b8: {  	v17 =	vor.u32 v21, v17;
	v21 =	vshrl.u32 v24, $0x3  }
0x1b9: {  	v21 =	vmul.u32 $0xC00, v21  }
0x1ba: {  	v24 =	vshll.u32 v24, $0x7;
	v23 =	vld.idx.msk [tilespmem:v23+s30+$0x0], $0xffff  }
0x1bb: {  	s17 =	simm.s32 $0x3;
	v25 =	vld.idx.msk [tilespmem:v11+s30+$0x0], $0xffff;
	v17 =	vor.u32 v6, v17;
	v24 =	vand.u32 $0x380, v24;
	v21 =	vadd.s32 v7, v21  }
0x1bc: {  	v11 =	vor.u32 v24, v21;
	v21 =	vmov s17  }
0x1bd: {  	v24 =	vor.u32 v6, v11;
	v11 =	vshrl.u32 v21, $0x3  }
0x1be: {  	v26 =	vmul.u32 $0xC00, v11;
	v11 =	vmax.f32 v15, v16  }
0x1bf: {  	v15 =	vshll.u32 v21, $0x7;
	v11 =	vmax.f32 v11, v23  }
0x1c0: {  	v17 =	vld.idx.msk [tilespmem:v17+s30+$0x0], $0xffff;
	v15 =	vand.u32 $0x380, v15;
	v16 =	vadd.s32 v7, v26;
	v21 =	vsub.f32 v25, v11  }
0x1c1: {  	v15 =	vor.u32 v15, v16  }
0x1c2: {  	v63 =	vor.u32 v6, v15;
	v15 =	vmul.f32 $1.442695020e+00, v21;
	_ =	sdelay $0x1  }
0x1c3: {  	(erf) = vpow2.f32 v15  }
0x1c4: {  	v17 =	vsub.f32 v17, v11  }
0x1c5: {  	s31 =	simm.s32 $0x4  }
0x1c6: {  	v16 =	vmov s31;
	v23 =	vld.idx.msk [tilespmem:v24+s30+$0x0], $0xffff;
	v17 =	vmul.f32 $1.442695020e+00, v17  }
0x1c7: {  	v21 =	vshrl.u32 v16, $0x3  }
0x1c8: {  	v21 =	vmul.u32 $0xC00, v21;
	(erf) = vpow2.f32 v17  }
0x1c9: {  	v16 =	vshll.u32 v16, $0x7  }
0x1ca: {  	v16 =	vand.u32 $0x380, v16;
	v21 =	vadd.s32 v7, v21  }
0x1cb: {  	s3 =	simm.s32 $0x5;
	v15 =	vimm.f32 $0.0e+00;
	v21 =	vor.u32 v16, v21;
	v16 =	vld.idx.msk [tilespmem:v63+s30+$0x0], $0xffff;
	v17 =	vsub.f32 v23, v11  }
.LBB2_21:
0x1cc: {  	v23 =	vmov s3;
	p3 =	sne.s32 s3, $0x20;
	s3 =	sadd.s32 $0x1, s3;
	v24 =	vor.u32 v6, v21;
	v21 =	vpop (erf)  }
.Ltmp12:
0x1cd: {  	v25 =	vshrl.u32 v23, $0x3;
	v17 =	vmul.f32 $1.442695020e+00, v17;
	v15 =	vadd.f32 v21, v15;
	(pc) =	sbr.rel @p3 .LBB2_21-.Ltmp12, $4  }
0x1ce: {  	v21 =	vmul.u32 $0xC00, v25  }
0x1cf: {  	v23 =	vshll.u32 v23, $0x7;
	(erf) = vpow2.f32 v17  }
0x1d0: {  	v17 =	vadd.s32 v7, v21;
	v21 =	vand.u32 $0x380, v23  }
0x1d1: {  	v21 =	vor.u32 v21, v17;
	v17 =	vsub.f32 v16, v11;
	v16 =	vld.idx.msk [tilespmem:v24+s30+$0x0], $0xffff  }
0x1d2: {  	v12 =	vadd.f32 v13, v12;
	_ =	sdelay $0x1  }
0x1d3: {  	v26 =	vmul.f32 $5.000000000e-01, v12;
	_ =	sdelay $0x1  }
0x1d4: {  	v12 =	vor.u32 v6, v21;
	v13 =	vsub.f32 v26, v14;
	_ =	sdelay $0x1  }
0x1d5: {  	v13 =	vmul.f32 $3.200000000e+01, v13;
	_ =	sdelay $0x1  }
0x1d6: {  	v13 =	vmax.f32 v13, $0.0e+00  }
0x1d7: {  	v14 =	vld.idx.msk [tilespmem:v12+s30+$0x0], $0xffff;
	v12 =	vmin.f32 v13, $3.198999980e+01  }
0x1d8: {  	v13 =	vtrunc.f32 v12  }
0x1d9: {  	v16 =	vsub.f32 v16, v11;
	v13 =	vcvt.f32.s32 v13  }
0x1da: {  	v23 =	vpop (erf);
	v17 =	vmul.f32 $1.442695020e+00, v17  }
0x1db: {  	s3 =	simm.s32 $0x0;
	v15 =	vadd.f32 v23, v15;
	v16 =	vmul.f32 $1.442695020e+00, v16;
	v21 =	vshrl.u32 v13, $0x3  }
0x1dc: {  	v23 =	vmov s3;
	(erf) = vpow2.f32 v17;
	v21 =	vmul.u32 $0xC00, v21  }
0x1dd: {  	v23 =	vadd.s32 $0x21, v23;
	(erf) = vpow2.f32 v16;
	v14 =	vsub.f32 v14, v11  }
0x1de: {  	v17 =	vshll.u32 v13, $0x7;
	v16 =	vadd.s32 v7, v21;
	v21 =	vadd.s32 $0x1, v13  }
0x1df: {  	v14 =	vmul.f32 $1.442695020e+00, v14;
	v17 =	vand.u32 $0x380, v17;
	v24 =	vshrl.u32 v21, $0x3  }
0x1e0: {  	s17 =	simm.s32 $0x1;
	v23 =	vbroadcast v23, $0x0;
	v16 =	vor.u32 v17, v16;
	v17 =	vmul.u32 $0xC00, v24  }
0x1e1: {  	v25 =	vpop (erf);
	(erf) = vpow2.f32 v14;
	v14 =	vor.u32 v6, v16;
	v24 =	vmov s17  }
0x1e2: {  	v16 =	vadd.s32 v7, v17;
	v17 =	vshll.u32 v21, $0x7;
	v21 =	vshrl.u32 v23, $0x3  }
0x1e3: {  	v15 =	vadd.f32 v25, v15;
	v17 =	vand.u32 $0x380, v17;
	v21 =	vmul.u32 $0xC00, v21  }
0x1e4: {  	v16 =	vor.u32 v17, v16;
	v17 =	vshll.u32 v23, $0x7;
	v23 =	vadd.s32 $0x21, v24  }
0x1e5: {  	v24 =	vpop (erf);
	v21 =	vadd.s32 v7, v21;
	v17 =	vand.u32 $0x380, v17;
	v23 =	vbroadcast v23, $0x0  }
0x1e6: {  	v15 =	vadd.f32 v24, v15;
	v24 =	vor.u32 v6, v16;
	v16 =	vor.u32 v17, v21  }
0x1e7: {  	s31 =	simm.s32 $0x2;
	v16 =	vor.u32 v6, v16;
	v17 =	vshrl.u32 v23, $0x3  }
0x1e8: {  	v21 =	vmov s31;
	v17 =	vmul.u32 $0xC00, v17  }
0x1e9: {  	v25 =	vpop (erf);
	v21 =	vadd.s32 $0x21, v21;
	v23 =	vshll.u32 v23, $0x7  }
0x1ea: {  	v25 =	vadd.f32 v25, v15;
	v23 =	vand.u32 $0x380, v23;
	v29 =	vadd.s32 v7, v17  }
0x1eb: {  	v28 =	vpop (erf);
	v27 =	vbroadcast v21, $0x0;
	v23 =	vor.u32 v23, v29  }
0x1ec: {  	v17 =	vadd.f32 v28, v25;
	v25 =	vld.idx.msk [tilespmem:v16+s30+$0x0], $0xffff;
	v28 =	vor.u32 v6, v23  }
0x1ed: {  	v15 =	vld.idx.msk [tilespmem:v14+s30+$0x0], $0xffff;
	v29 =	vshrl.u32 v27, $0x3  }
0x1ee: {  	s3 =	simm.s32 $0x3;
	v14 =	vld.idx.msk [tilespmem:v24+s30+$0x0], $0xffff;
	v24 =	vimm.f32 $-1.000000020e+30;
	v29 =	vmul.u32 $0xC00, v29  }
.LBB2_23:
0x1ef: {  	v30 =	vmov s3;
	p3 =	sne.s32 s3, $0x20;
	s3 =	sadd.s32 $0x1, s3;
	v27 =	vshll.u32 v27, $0x7  }
.Ltmp13:
0x1f0: {  	v30 =	vadd.s32 $0x21, v30;
	v29 =	vadd.s32 v7, v29;
	v31 =	vand.u32 $0x380, v27;
	(pc) =	sbr.rel @p3 .LBB2_23-.Ltmp13, $4  }
0x1f1: {  	v24 =	vmax.f32 v24, v25;
	v27 =	vbroadcast v30, $0x0;
	v29 =	vor.u32 v31, v29;
	v25 =	vld.idx.msk [tilespmem:v28+s30+$0x0], $0xffff  }
0x1f2: {  	v28 =	vor.u32 v6, v29  }
0x1f3: {  	v29 =	vshrl.u32 v27, $0x3  }
0x1f4: {  	v29 =	vmul.u32 $0xC00, v29  }
0x1f5: {  	v27 =	vshll.u32 v27, $0x7  }
0x1f6: {  	v29 =	vadd.s32 v7, v29;
	v27 =	vand.u32 $0x380, v27  }
0x1f7: {  	v27 =	vor.u32 v27, v29  }
0x1f8: {  	v27 =	vor.u32 v6, v27;
	_ =	sdelay $0x3  }
0x1f9: {  	v28 =	vld.idx.msk [tilespmem:v28+s30+$0x0], $0xffff  }
0x1fa: {  	v21 =	vbroadcast v21, $0x0;
	v27 =	vld.idx.msk [tilespmem:v27+s30+$0x0], $0xffff  }
0x1fb: {  	v29 =	vld.idx.msk [tilespmem:v16+s30+$0x0], $0xffff  }
0x1fc: {  	v23 =	vor.u32 v6, v23;
	s3 =	simm.s32 $0x3;
	v16 =	vmax.f32 v24, v25;
	v24 =	vshrl.u32 v21, $0x3  }
0x1fd: {  	v25 =	vmov s3;
	v24 =	vmul.u32 $0xC00, v24  }
0x1fe: {  	v21 =	vshll.u32 v21, $0x7;
	v25 =	vadd.s32 $0x21, v25;
	v16 =	vmax.f32 v16, v28  }
0x1ff: {  	v21 =	vand.u32 $0x380, v21;
	v24 =	vadd.s32 v7, v24;
	v16 =	vmax.f32 v16, v27  }
0x200: {  	v25 =	vbroadcast v25, $0x0;
	v21 =	vor.u32 v21, v24;
	v24 =	vsub.f32 v29, v16  }
0x201: {  	v27 =	vld.idx.msk [tilespmem:v23+s30+$0x0], $0xffff  }
0x202: {  	v28 =	vor.u32 v6, v21;
	v21 =	vshrl.u32 v25, $0x3;
	v24 =	vmul.f32 $1.442695020e+00, v24  }
0x203: {  	s31 =	simm.s32 $0x4;
	v30 =	vmul.u32 $0xC00, v21  }
0x204: {  	v25 =	vshll.u32 v25, $0x7;
	v29 =	vmov s31;
	(erf) = vpow2.f32 v24  }
0x205: {  	v25 =	vand.u32 $0x380, v25;
	v21 =	vadd.s32 $0x21, v29;
	v29 =	vadd.s32 v7, v30  }
0x206: {  	v21 =	vbroadcast v21, $0x0;
	v25 =	vor.u32 v25, v29;
	v27 =	vsub.f32 v27, v16  }
0x207: {  	v25 =	vor.u32 v6, v25;
	v24 =	vld.idx.msk [tilespmem:v28+s30+$0x0], $0xffff  }
0x208: {  	v29 =	vshrl.u32 v21, $0x3;
	v27 =	vmul.f32 $1.442695020e+00, v27  }
0x209: {  	s3 =	simm.s32 $0x5;
	v23 =	vimm.f32 $0.0e+00;
	v28 =	vmul.u32 $0xC00, v29  }
.LBB2_25:
0x20a: {  	v29 =	vmov s3;
	p3 =	sne.s32 s3, $0x20;
	s3 =	sadd.s32 $0x1, s3;
	v21 =	vshll.u32 v21, $0x7;
	(erf) = vpow2.f32 v27  }
.Ltmp14:
0x20b: {  	v27 =	vadd.s32 $0x21, v29;
	v28 =	vadd.s32 v7, v28;
	v30 =	vand.u32 $0x380, v21;
	(pc) =	sbr.rel @p3 .LBB2_25-.Ltmp14, $4  }
0x20c: {  	v21 =	vbroadcast v27, $0x0;
	v27 =	vor.u32 v30, v28;
	v28 =	vsub.f32 v24, v16;
	v24 =	vld.idx.msk [tilespmem:v25+s30+$0x0], $0xffff  }
0x20d: {  	v25 =	vor.u32 v6, v27;
	v29 =	vpop (erf)  }
0x20e: {  	v30 =	vshrl.u32 v21, $0x3;
	v27 =	vmul.f32 $1.442695020e+00, v28;
	v23 =	vadd.f32 v29, v23  }
0x20f: {  	v28 =	vmul.u32 $0xC00, v30  }
0x210: {  	v18 =	vadd.f32 v19, v18  }
0x211: {  	v19 =	vshll.u32 v21, $0x7  }
0x212: {  	v19 =	vand.u32 $0x380, v19;
	v21 =	vmul.f32 $5.000000000e-01, v18;
	v18 =	vadd.s32 v7, v28  }
0x213: {  	v18 =	vor.u32 v19, v18  }
0x214: {  	v19 =	vsub.f32 v21, v20;
	v20 =	vor.u32 v6, v18;
	_ =	sdelay $0x1  }
0x215: {  	v18 =	vmul.f32 $3.200000000e+01, v19  }
0x216: {  	v19 =	vld.idx.msk [tilespmem:v25+s30+$0x0], $0xffff  }
0x217: {  	v18 =	vmax.f32 v18, $0.0e+00  }
0x218: {  	v18 =	vmin.f32 v18, $3.198999980e+01;
	v25 =	vld.idx.msk [tilespmem:v20+s30+$0x0], $0xffff  }
0x219: {  	v20 =	vtrunc.f32 v18  }
0x21a: {  	(erf) = vpow2.f32 v27;
	v24 =	vsub.f32 v24, v16;
	v20 =	vcvt.f32.s32 v20  }
0x21b: {  	v19 =	vsub.f32 v19, v16  }
0x21c: {  	v24 =	vmul.f32 $1.442695020e+00, v24;
	v27 =	vadd.s32 $0x21, v20  }
0x21d: {  	v29 =	vpop (erf);
	v19 =	vmul.f32 $1.442695020e+00, v19;
	v28 =	vshrl.u32 v27, $0x3;
	v25 =	vsub.f32 v25, v16  }
0x21e: {  	v23 =	vadd.f32 v29, v23;
	(erf) = vpow2.f32 v24;
	v28 =	vmul.u32 $0xC00, v28  }
0x21f: {  	s3 =	simm.s32 $0x0;
	(erf) = vpow2.f32 v19;
	v19 =	vmul.f32 $1.442695020e+00, v25;
	v25 =	vshll.u32 v27, $0x7  }
0x220: {  	v27 =	vadd.s32 $0x22, v20;
	v24 =	vadd.s32 v7, v28;
	v28 =	vmov s3  }
0x221: {  	v25 =	vand.u32 $0x380, v25;
	v29 =	vshrl.u32 v27, $0x3;
	v28 =	vadd.s32 $0x42, v28  }
0x222: {  	s17 =	simm.s32 $0x1;
	v24 =	vor.u32 v25, v24;
	v25 =	vmul.u32 $0xC00, v29;
	v28 =	vbroadcast v28, $0x0  }
0x223: {  	v30 =	vpop (erf);
	(erf) = vpow2.f32 v19;
	v29 =	vmov s17;
	v19 =	vor.u32 v6, v24  }
0x224: {  	v24 =	vadd.s32 v7, v25;
	v25 =	vshll.u32 v27, $0x7;
	v27 =	vshrl.u32 v28, $0x3  }
0x225: {  	v23 =	vadd.f32 v30, v23;
	v25 =	vand.u32 $0x380, v25;
	v27 =	vmul.u32 $0xC00, v27  }
0x226: {  	v24 =	vor.u32 v25, v24;
	v25 =	vshll.u32 v28, $0x7;
	v28 =	vadd.s32 $0x42, v29  }
0x227: {  	v29 =	vpop (erf);
	v25 =	vand.u32 $0x380, v25;
	v28 =	vbroadcast v28, $0x0;
	v27 =	vadd.s32 v7, v27  }
0x228: {  	v29 =	vadd.f32 v29, v23;
	v30 =	vor.u32 v6, v24;
	v23 =	vor.u32 v25, v27  }
0x229: {  	v24 =	vshrl.u32 v28, $0x3;
	v23 =	vor.u32 v6, v23  }
0x22a: {  	s31 =	simm.s32 $0x2;
	v32 =	vmul.u32 $0xC00, v24  }
0x22b: {  	v25 =	vmov s31;
	v28 =	vshll.u32 v28, $0x7  }
0x22c: {  	v31 =	vpop (erf);
	v27 =	vadd.s32 $0x42, v25;
	v24 =	vld.idx.msk [tilespmem:v19+s30+$0x0], $0xffff;
	v28 =	vand.u32 $0x380, v28;
	v32 =	vadd.s32 v7, v32  }
0x22d: {  	v25 =	vadd.f32 v31, v29;
	v31 =	vbroadcast v27, $0x0;
	v19 =	vld.idx.msk [tilespmem:v30+s30+$0x0], $0xffff;
	v28 =	vor.u32 v28, v32  }
0x22e: {  	v32 =	vor.u32 v6, v28;
	v30 =	vld.idx.msk [tilespmem:v23+s30+$0x0], $0xffff  }
0x22f: {  	v29 =	vpop (erf);
	v33 =	vshrl.u32 v31, $0x3  }
0x230: {  	s3 =	simm.s32 $0x3;
	v25 =	vadd.f32 v29, v25;
	v29 =	vimm.f32 $-1.000000020e+30;
	v33 =	vmul.u32 $0xC00, v33  }
.LBB2_27:
0x231: {  	v34 =	vmov s3;
	p3 =	sne.s32 s3, $0x20;
	s3 =	sadd.s32 $0x1, s3;
	v31 =	vshll.u32 v31, $0x7  }
.Ltmp15:
0x232: {  	v34 =	vadd.s32 $0x42, v34;
	v33 =	vadd.s32 v7, v33;
	v35 =	vand.u32 $0x380, v31;
	(pc) =	sbr.rel @p3 .LBB2_27-.Ltmp15, $4  }
0x233: {  	v29 =	vmax.f32 v29, v30;
	v31 =	vbroadcast v34, $0x0;
	v33 =	vor.u32 v35, v33;
	v30 =	vld.idx.msk [tilespmem:v32+s30+$0x0], $0xffff  }
0x234: {  	v32 =	vor.u32 v6, v33  }
0x235: {  	v33 =	vshrl.u32 v31, $0x3  }
0x236: {  	v33 =	vmul.u32 $0xC00, v33  }
0x237: {  	v31 =	vshll.u32 v31, $0x7  }
0x238: {  	v33 =	vadd.s32 v7, v33;
	v31 =	vand.u32 $0x380, v31  }
0x239: {  	v31 =	vor.u32 v31, v33  }
0x23a: {  	v31 =	vor.u32 v6, v31;
	_ =	sdelay $0x3  }
0x23b: {  	v32 =	vld.idx.msk [tilespmem:v32+s30+$0x0], $0xffff  }
0x23c: {  	v27 =	vbroadcast v27, $0x0;
	v31 =	vld.idx.msk [tilespmem:v31+s30+$0x0], $0xffff  }
0x23d: {  	v58 =	vld.idx.msk [tilespmem:v23+s30+$0x0], $0xffff  }
0x23e: {  	v28 =	vor.u32 v6, v28;
	s3 =	simm.s32 $0x3;
	v23 =	vmax.f32 v29, v30;
	v29 =	vshrl.u32 v27, $0x3  }
0x23f: {  	v30 =	vmov s3;
	v29 =	vmul.u32 $0xC00, v29  }
0x240: {  	v27 =	vshll.u32 v27, $0x7;
	v30 =	vadd.s32 $0x42, v30;
	v23 =	vmax.f32 v23, v32  }
0x241: {  	v27 =	vand.u32 $0x380, v27;
	v29 =	vadd.s32 v7, v29;
	v23 =	vmax.f32 v23, v31  }
0x242: {  	v30 =	vbroadcast v30, $0x0;
	v27 =	vor.u32 v27, v29;
	v29 =	vsub.f32 v58, v23  }
0x243: {  	v28 =	vld.idx.msk [tilespmem:v28+s30+$0x0], $0xffff  }
0x244: {  	v59 =	vshrl.u32 v30, $0x3;
	v31 =	vor.u32 v6, v27;
	v29 =	vmul.f32 $1.442695020e+00, v29  }
0x245: {  	s31 =	simm.s32 $0x4;
	v32 =	vmul.u32 $0xC00, v59  }
0x246: {  	v60 =	vmov s31;
	v34 =	vshll.u32 v30, $0x7;
	(erf) = vpow2.f32 v29  }
0x247: {  	v33 =	vadd.s32 $0x42, v60;
	v61 =	vand.u32 $0x380, v34;
	v32 =	vadd.s32 v7, v32  }
0x248: {  	v30 =	vbroadcast v33, $0x0;
	v62 =	vsub.f32 v28, v23;
	v29 =	vor.u32 v61, v32  }
0x249: {  	v28 =	vld.idx.msk [tilespmem:v31+s30+$0x0], $0xffff;
	v29 =	vor.u32 v6, v29  }
0x24a: {  	v63 =	vshrl.u32 v30, $0x3;
	v31 =	vmul.f32 $1.442695020e+00, v62  }
0x24b: {  	s3 =	simm.s32 $0x5;
	v27 =	vimm.f32 $0.0e+00;
	v32 =	vmul.u32 $0xC00, v63  }
.LBB2_29:
0x24c: {  	v33 =	vmov s3;
	p3 =	sne.s32 s3, $0x20;
	s3 =	sadd.s32 $0x1, s3;
	v30 =	vshll.u32 v30, $0x7;
	(erf) = vpow2.f32 v31  }
.Ltmp16:
0x24d: {  	v31 =	vadd.s32 $0x42, v33;
	v32 =	vadd.s32 v7, v32;
	v34 =	vand.u32 $0x380, v30;
	(pc) =	sbr.rel @p3 .LBB2_29-.Ltmp16, $4  }
0x24e: {  	v30 =	vbroadcast v31, $0x0;
	v31 =	vor.u32 v34, v32;
	v32 =	vsub.f32 v28, v23;
	v28 =	vld.idx.msk [tilespmem:v29+s30+$0x0], $0xffff  }
0x24f: {  	v29 =	vor.u32 v6, v31;
	v33 =	vpop (erf)  }
0x250: {  	v34 =	vshrl.u32 v30, $0x3;
	v31 =	vmul.f32 $1.442695020e+00, v32;
	v27 =	vadd.f32 v33, v27  }
0x251: {  	v32 =	vmul.u32 $0xC00, v34  }
0x252: {  	v30 =	vshll.u32 v30, $0x7  }
0x253: {  	v32 =	vadd.s32 v7, v32;
	v30 =	vand.u32 $0x380, v30  }
0x254: {  	v30 =	vor.u32 v30, v32  }
0x255: {  	v22 =	vsub.f32 v22, v26;
	v26 =	vor.u32 v6, v30;
	_ =	sdelay $0x1  }
0x256: {  	v22 =	vmul.f32 $3.200000000e+01, v22  }
0x257: {  	v29 =	vld.idx.msk [tilespmem:v29+s30+$0x0], $0xffff  }
0x258: {  	v22 =	vmax.f32 v22, $0.0e+00  }
0x259: {  	v22 =	vmin.f32 v22, $3.198999980e+01;
	v30 =	vld.idx.msk [tilespmem:v26+s30+$0x0], $0xffff  }
0x25a: {  	v26 =	vtrunc.f32 v22  }
0x25b: {  	(erf) = vpow2.f32 v31;
	v28 =	vsub.f32 v28, v23;
	v26 =	vcvt.f32.s32 v26  }
0x25c: {  	v29 =	vsub.f32 v29, v23  }
0x25d: {  	v28 =	vmul.f32 $1.442695020e+00, v28;
	v31 =	vadd.s32 $0x42, v26  }
0x25e: {  	v29 =	vmul.f32 $1.442695020e+00, v29;
	v55 =	vshrl.u32 v31, $0x3;
	v30 =	vsub.f32 v30, v23  }
0x25f: {  	s3 =	simm.s32 $0x0;
	v33 =	vpop (erf);
	(erf) = vpow2.f32 v28;
	v32 =	vmul.u32 $0xC00, v55  }
0x260: {  	v56 =	vmov s3;
	(erf) = vpow2.f32 v29;
	v28 =	vmul.f32 $1.442695020e+00, v30  }
0x261: {  	v29 =	vadd.s32 v7, v32;
	v30 =	vshll.u32 v31, $0x7;
	v31 =	vadd.s32 $0x43, v26  }
0x262: {  	v32 =	vadd.s32 $0x63, v56;
	v30 =	vand.u32 $0x380, v30;
	v57 =	vshrl.u32 v31, $0x3  }
0x263: {  	s17 =	simm.s32 $0x1;
	v32 =	vbroadcast v32, $0x0;
	v29 =	vor.u32 v30, v29;
	v30 =	vmul.u32 $0xC00, v57  }
0x264: {  	v58 =	vmov s17;
	v34 =	vpop (erf);
	(erf) = vpow2.f32 v28;
	v28 =	vor.u32 v6, v29  }
0x265: {  	v29 =	vadd.s32 v7, v30;
	v30 =	vshll.u32 v31, $0x7;
	v31 =	vshrl.u32 v32, $0x3  }
0x266: {  	v59 =	vadd.s32 $0x63, v58;
	v30 =	vand.u32 $0x380, v30;
	v31 =	vmul.u32 $0xC00, v31  }
0x267: {  	v27 =	vadd.f32 v33, v27;
	v29 =	vor.u32 v30, v29;
	v30 =	vshll.u32 v32, $0x7  }
0x268: {  	v32 =	vbroadcast v59, $0x0;
	v31 =	vadd.s32 v7, v31;
	v30 =	vand.u32 $0x380, v30  }
0x269: {  	v61 =	vor.u32 v6, v29;
	v29 =	vor.u32 v30, v31  }
0x26a: {  	v27 =	vadd.f32 v34, v27;
	v30 =	vshrl.u32 v32, $0x3;
	v29 =	vor.u32 v6, v29  }
0x26b: {  	s31 =	simm.s32 $0x2;
	v60 =	vpop (erf);
	v30 =	vmul.u32 $0xC00, v30  }
0x26c: {  	v27 =	vadd.f32 v60, v27;
	v31 =	vmov s31;
	v32 =	vshll.u32 v32, $0x7  }
0x26d: {  	v31 =	vadd.s32 $0x63, v31;
	v32 =	vand.u32 $0x380, v32;
	v36 =	vadd.s32 v7, v30  }
0x26e: {  	v62 =	vpop (erf);
	v35 =	vbroadcast v31, $0x0;
	v32 =	vor.u32 v32, v36  }
0x26f: {  	v27 =	vadd.f32 v62, v27;
	v36 =	vor.u32 v6, v32;
	v34 =	vld.idx.msk [tilespmem:v29+s30+$0x0], $0xffff  }
0x270: {  	v28 =	vld.idx.msk [tilespmem:v28+s30+$0x0], $0xffff;
	v63 =	vpop (erf);
	v37 =	vshrl.u32 v35, $0x3  }
0x271: {  	s3 =	simm.s32 $0x3;
	v33 =	vimm.f32 $-1.000000020e+30;
	v30 =	vadd.f32 v63, v27;
	v27 =	vld.idx.msk [tilespmem:v61+s30+$0x0], $0xffff;
	v37 =	vmul.u32 $0xC00, v37  }
.LBB2_31:
0x272: {  	v38 =	vmov s3;
	p3 =	sne.s32 s3, $0x20;
	s3 =	sadd.s32 $0x1, s3;
	v35 =	vshll.u32 v35, $0x7  }
.Ltmp17:
0x273: {  	v38 =	vadd.s32 $0x63, v38;
	v37 =	vadd.s32 v7, v37;
	v39 =	vand.u32 $0x380, v35;
	(pc) =	sbr.rel @p3 .LBB2_31-.Ltmp17, $4  }
0x274: {  	v33 =	vmax.f32 v33, v34;
	v35 =	vbroadcast v38, $0x0;
	v37 =	vor.u32 v39, v37;
	v34 =	vld.idx.msk [tilespmem:v36+s30+$0x0], $0xffff  }
0x275: {  	v36 =	vor.u32 v6, v37  }
0x276: {  	v37 =	vshrl.u32 v35, $0x3  }
0x277: {  	v37 =	vmul.u32 $0xC00, v37  }
0x278: {  	v35 =	vshll.u32 v35, $0x7  }
0x279: {  	v37 =	vadd.s32 v7, v37;
	v35 =	vand.u32 $0x380, v35  }
0x27a: {  	v35 =	vor.u32 v35, v37  }
0x27b: {  	v35 =	vor.u32 v6, v35;
	_ =	sdelay $0x3  }
0x27c: {  	v36 =	vld.idx.msk [tilespmem:v36+s30+$0x0], $0xffff  }
0x27d: {  	v35 =	vld.idx.msk [tilespmem:v35+s30+$0x0], $0xffff  }
0x27e: {  	v31 =	vbroadcast v31, $0x0;
	v53 =	vld.idx.msk [tilespmem:v29+s30+$0x0], $0xffff  }
0x27f: {  	v32 =	vor.u32 v6, v32;
	s3 =	simm.s32 $0x3  }
0x280: {  	v29 =	vmax.f32 v33, v34;
	v55 =	vmov s3;
	v54 =	vshrl.u32 v31, $0x3  }
0x281: {  	v31 =	vshll.u32 v31, $0x7;
	v33 =	vmul.u32 $0xC00, v54;
	v29 =	vmax.f32 v29, v36  }
0x282: {  	v34 =	vadd.s32 $0x63, v55;
	v31 =	vand.u32 $0x380, v31;
	v29 =	vmax.f32 v29, v35  }
0x283: {  	v34 =	vbroadcast v34, $0x0;
	v33 =	vadd.s32 v7, v33;
	v56 =	vsub.f32 v53, v29  }
0x284: {  	v32 =	vld.idx.msk [tilespmem:v32+s30+$0x0], $0xffff;
	v31 =	vor.u32 v31, v33  }
0x285: {  	v58 =	vshrl.u32 v34, $0x3;
	v57 =	vor.u32 v6, v31;
	v33 =	vmul.f32 $1.442695020e+00, v56  }
0x286: {  	s31 =	simm.s32 $0x4;
	v36 =	vmul.u32 $0xC00, v58  }
0x287: {  	v59 =	vmov s31;
	v38 =	vshll.u32 v34, $0x7;
	(erf) = vpow2.f32 v33  }
0x288: {  	v37 =	vadd.s32 $0x63, v59;
	v60 =	vand.u32 $0x380, v38;
	v36 =	vadd.s32 v7, v36  }
0x289: {  	v34 =	vbroadcast v37, $0x0;
	v62 =	vor.u32 v60, v36;
	v61 =	vsub.f32 v32, v29  }
0x28a: {  	v32 =	vld.idx.msk [tilespmem:v57+s30+$0x0], $0xffff;
	v33 =	vor.u32 v6, v62  }
0x28b: {  	v63 =	vshrl.u32 v34, $0x3;
	v35 =	vmul.f32 $1.442695020e+00, v61  }
0x28c: {  	s3 =	simm.s32 $0x5;
	v31 =	vimm.f32 $0.0e+00;
	v36 =	vmul.u32 $0xC00, v63  }
.LBB2_33:
0x28d: {  	v37 =	vmov s3;
	p3 =	sne.s32 s3, $0x20;
	s3 =	sadd.s32 $0x1, s3;
	v34 =	vshll.u32 v34, $0x7;
	(erf) = vpow2.f32 v35  }
.Ltmp18:
0x28e: {  	v35 =	vadd.s32 $0x63, v37;
	v36 =	vadd.s32 v7, v36;
	v38 =	vand.u32 $0x380, v34;
	(pc) =	sbr.rel @p3 .LBB2_33-.Ltmp18, $4  }
0x28f: {  	v34 =	vbroadcast v35, $0x0;
	v35 =	vor.u32 v38, v36;
	v36 =	vsub.f32 v32, v29;
	v32 =	vld.idx.msk [tilespmem:v33+s30+$0x0], $0xffff  }
0x290: {  	v33 =	vor.u32 v6, v35;
	v37 =	vpop (erf)  }
0x291: {  	v38 =	vshrl.u32 v34, $0x3;
	v35 =	vmul.f32 $1.442695020e+00, v36;
	v31 =	vadd.f32 v37, v31  }
0x292: {  	v36 =	vmul.u32 $0xC00, v38  }
0x293: {  	v34 =	vshll.u32 v34, $0x7  }
0x294: {  	v36 =	vadd.s32 v7, v36;
	v34 =	vand.u32 $0x380, v34  }
0x295: {  	v34 =	vor.u32 v34, v36  }
0x296: {  	v34 =	vor.u32 v6, v34;
	_ =	sdelay $0x3  }
0x297: {  	v33 =	vld.idx.msk [tilespmem:v33+s30+$0x0], $0xffff  }
0x298: {  	v34 =	vld.idx.msk [tilespmem:v34+s30+$0x0], $0xffff;
	_ =	sdelay $0x2  }
0x299: {  	v32 =	vsub.f32 v32, v29  }
0x29a: {  	v33 =	vsub.f32 v33, v29  }
0x29b: {  	v32 =	vmul.f32 $1.442695020e+00, v32;
	v34 =	vsub.f32 v34, v29  }
0x29c: {  	(erf) = vpow2.f32 v35;
	v52 =	vsub.f32 $0.0e+00, v9;
	v33 =	vmul.f32 $1.442695020e+00, v33  }
0x29d: {  	(erf) = vpow2.f32 v32;
	v53 =	vmul.f32 $1.442695020e+00, v34  }
0x29e: {  	v54 =	vmul.f32 $1.442695020e+00, v52;
	(erf) = vpow2.f32 v33  }
0x29f: {  	(erf) = vpow2.f32 v53  }
0x2a0: {  	(erf) = vpow2.f32 v54;
	_ =	sdelay $0x3  }
0x2a1: {  	v55 =	vpop (erf)  }
0x2a2: {  	v56 =	vpop (erf)  }
0x2a3: {  	v57 =	vpop (erf)  }
0x2a4: {  	v58 =	vpop (erf)  }
0x2a5: {  	v37 =	vand.u32 $0x7FFFFFFF, v9;
	v59 =	vpop (erf)  }
0x2a6: {  	v37 =	vsub.f32 $0.0e+00, v37;
	v38 =	vpop (erf)  }
0x2a7: {  	v38 =	vadd.f32 $1.000000000e+00, v38  }
0x2a8: {  	v37 =	vmul.f32 $1.442695020e+00, v37  }
0x2a9: {  	(erf) = vrcp.f32 v38  }
0x2aa: {  	(erf) = vpow2.f32 v37;
	_ =	sdelay $0x7  }
0x2ab: {  	v60 =	vpop (erf)  }
0x2ac: {  	v61 =	vpop (erf)  }
0x2ad: {  	v39 =	vadd.f32 $2.000000000e+00, v61;
	_ =	sdelay $0x1  }
0x2ae: {  	(erf) = vrcp.f32 v39;
	_ =	sdelay $0x5  }
0x2af: {  	v41 =	vand.u32 $0x7FFFFF, v17  }
0x2b0: {  	v41 =	vor.u32 $0x3F800000, v41  }
0x2b1: {  	v42 =	vmul.f32 $5.000000000e-01, v41  }
0x2b2: {  	vm3 =	vgt.f32 v41, $1.414213540e+00;
	v39 =	vpop (erf)  }
0x2b3: {  	v41 =	vsel vm3, v42, v41;
	v38 =	vmul.f32 v39, v61  }
0x2b4: {  	v42 =	vadd.f32 $1.000000000e+00, v41  }
0x2b5: {  	v62 =	vand.u32 $0x7FFFFF, v25;
	v39 =	vmul.f32 v38, v38  }
0x2b6: {  	(erf) = vrcp.f32 v42;
	v42 =	vor.u32 $0x3F800000, v62  }
0x2b7: {  	v43 =	vmul.f32 $5.000000000e-01, v42;
	v40 =	vmul.f32 $1.818181870e-01, v39  }
0x2b8: {  	vm2 =	vgt.f32 v42, $1.414213540e+00  }
0x2b9: {  	v42 =	vsel vm2, v43, v42;
	v40 =	vadd.f32 $2.222222240e-01, v40  }
0x2ba: {  	v43 =	vadd.f32 $1.000000000e+00, v42  }
0x2bb: {  	v40 =	vmul.f32 v40, v39  }
0x2bc: {  	(erf) = vrcp.f32 v43  }
0x2bd: {  	v40 =	vadd.f32 $2.857142980e-01, v40  }
0x2be: {  	v8 =	vsub.f32 v8, v21;
	v31 =	vadd.f32 v55, v31  }
0x2bf: {  	v40 =	vmul.f32 v40, v39  }
0x2c0: {  	v8 =	vmul.f32 $3.200000000e+01, v8;
	v44 =	vadd.f32 $-1.000000000e+00, v41;
	v31 =	vadd.f32 v56, v31  }
0x2c1: {  	v46 =	vmax.f32 v9, $0.0e+00;
	v49 =	vand.u32 $0x7FFFFF, v30;
	v45 =	vpop (erf);
	v40 =	vadd.f32 $4.000000060e-01, v40  }
0x2c2: {  	v8 =	vmax.f32 v8, $0.0e+00;
	v31 =	vadd.f32 v57, v31;
	v33 =	vmul.f32 v45, v44  }
0x2c3: {  	v13 =	vcvt.s32.f32 v13;
	v8 =	vmin.f32 v8, $3.198999980e+01;
	v40 =	vmul.f32 v40, v39  }
0x2c4: {  	v31 =	vadd.f32 v58, v31;
	v50 =	vadd.f32 $-1.000000000e+00, v42;
	v34 =	vmul.f32 v33, v33  }
0x2c5: {  	v54 =	vsel vm3, $0x1, v3;
	v47 =	vmul.f32 $-7.500000000e-01, v60;
	v52 =	vpop (erf);
	v63 =	vadd.f32 $6.666666860e-01, v40  }
0x2c6: {  	v31 =	vadd.f32 v59, v31;
	v48 =	vmul.f32 $2.222222240e-01, v34;
	v35 =	vmul.f32 v52, v50  }
0x2c7: {  	v37 =	vmul.f32 v47, v60;
	v62 =	vsel vm2, $0x1, v3;
	v32 =	vmul.f32 v63, v39  }
0x2c8: {  	v51 =	vadd.f32 $2.857142980e-01, v48;
	v48 =	vadd.f32 $1.000000000e+00, v13;
	v57 =	vmul.f32 v35, v35  }
0x2c9: {  	v61 =	vand.u32 $0x7FFFFF, v31;
	v40 =	vor.u32 $0x3F800000, v49;
	v32 =	vadd.f32 $2.000000000e+00, v32  }
0x2ca: {  	v52 =	vsub.f32 v48, v12;
	v60 =	vmul.f32 $2.222222240e-01, v57;
	v53 =	vmul.f32 $5.000000000e-01, v40  }
0x2cb: {  	vm3 =	vgt.f32 v40, $1.414213540e+00;
	v32 =	vmul.f32 v32, v38;
	v38 =	vmul.f32 v51, v34  }
0x2cc: {  	v15 =	vmul.f32 v15, v52;
	v63 =	vadd.f32 $2.857142980e-01, v60;
	v56 =	vsel vm3, v53, v40  }
0x2cd: {  	v40 =	vadd.f32 $1.000000000e+00, v56;
	v59 =	vadd.f32 $4.000000060e-01, v38;
	v38 =	vor.u32 $0x3F800000, v61  }
0x2ce: {  	v45 =	vsel vm3, $0x1, v3;
	v32 =	vadd.f32 v32, v46;
	v44 =	vmul.f32 $5.000000000e-01, v38  }
0x2cf: {  	v39 =	vshra.s32 v30, $0x17;
	(erf) = vrcp.f32 v40;
	vm2 =	vgt.f32 v38, $1.414213540e+00  }
0x2d0: {  	v55 =	vsub.f32 v32, v9;
	v58 =	vmul.f32 v32, v37;
	v37 =	vsel vm2, v44, v38  }
0x2d1: {  	v53 =	vsub.f32 v12, v13;
	v32 =	vmul.f32 v59, v34;
	v47 =	vadd.f32 $1.000000000e+00, v37  }
0x2d2: {  	v49 =	vadd.f32 $-1.000000000e+00, v56;
	v46 =	vshra.s32 v17, $0x17;
	v9 =	vadd.f32 v55, v10  }
0x2d3: {  	v32 =	vadd.f32 $6.666666860e-01, v32;
	v10 =	vmul.f32 v63, v57;
	(erf) = vrcp.f32 v47  }
0x2d4: {  	v12 =	vmul.f32 v14, v53;
	v17 =	vadd.s32 v54, v46;
	v46 =	vshra.s32 v31, $0x17  }
0x2d5: {  	v17 =	vadd.s32 $0xFFFFFF81, v17;
	v32 =	vmul.f32 v32, v34;
	v10 =	vadd.f32 $4.000000060e-01, v10  }
0x2d6: {  	v17 =	vcvt.s32.f32 v17;
	v38 =	vtrunc.f32 v8;
	v55 =	vshra.s32 v25, $0x17  }
0x2d7: {  	v60 =	vadd.f32 $-1.000000000e+00, v37;
	v32 =	vadd.f32 $2.000000000e+00, v32;
	v10 =	vmul.f32 v10, v57  }
0x2d8: {  	v37 =	vcvt.s32.f32 v26;
	v17 =	vmul.f32 $6.931471820e-01, v17;
	v9 =	vadd.f32 v58, v9  }
0x2d9: {  	v47 =	vsel vm2, $0x1, v3;
	v51 =	vpop (erf);
	v50 =	vmul.f32 v32, v33;
	v10 =	vadd.f32 $6.666666860e-01, v10  }
0x2da: {  	v40 =	vadd.f32 $1.000000000e+00, v37;
	v48 =	vadd.s32 v47, v46;
	v32 =	vmul.f32 v51, v49  }
0x2db: {  	v54 =	vadd.f32 v50, v17;
	v17 =	vadd.s32 v62, v55;
	v10 =	vmul.f32 v10, v57  }
0x2dc: {  	v56 =	vmul.f32 v32, v32;
	v57 =	vcvt.s32.f32 v20;
	v17 =	vadd.s32 $0xFFFFFF81, v17;
	v61 =	vpop (erf)  }
0x2dd: {  	v11 =	vadd.f32 v54, v11;
	v10 =	vadd.f32 $2.000000000e+00, v10;
	v62 =	vmul.f32 v61, v60  }
0x2de: {  	v17 =	vcvt.s32.f32 v17;
	v58 =	vmul.f32 $2.222222240e-01, v56;
	v59 =	vadd.f32 $1.000000000e+00, v57  }
0x2df: {  	v13 =	vsub.f32 v18, v57;
	v10 =	vmul.f32 v10, v35;
	v33 =	vmul.f32 v62, v62  }
0x2e0: {  	v17 =	vmul.f32 $6.931471820e-01, v17;
	v20 =	vadd.f32 $2.857142980e-01, v58;
	v63 =	vsub.f32 v59, v18  }
0x2e1: {  	v11 =	vsub.f32 v11, v15;
	v18 =	vcvt.f32.s32 v38;
	v35 =	vmul.f32 $2.222222240e-01, v33  }
0x2e2: {  	v10 =	vadd.f32 v10, v17;
	v25 =	vmul.f32 v20, v56;
	v15 =	vmul.f32 v24, v63  }
0x2e3: {  	v20 =	vadd.s32 v45, v39;
	v41 =	vadd.s32 $0x63, v18;
	v17 =	vadd.f32 $2.857142980e-01, v35  }
0x2e4: {  	v43 =	vadd.s32 $0x64, v18;
	v20 =	vadd.s32 $0xFFFFFF81, v20;
	v42 =	vshrl.u32 v41, $0x3  }
0x2e5: {  	v21 =	vshll.u32 v41, $0x7;
	v34 =	vadd.f32 $4.000000060e-01, v25;
	v17 =	vmul.f32 v17, v33  }
0x2e6: {  	v44 =	vshrl.u32 v43, $0x3;
	v45 =	vshll.u32 v43, $0x7;
	v10 =	vadd.f32 v10, v16  }
0x2e7: {  	v25 =	vmul.u32 $0xC00, v42;
	v36 =	vmul.f32 v34, v56;
	v17 =	vadd.f32 $4.000000060e-01, v17  }
0x2e8: {  	v21 =	vand.u32 $0x380, v21;
	v30 =	vmul.u32 $0xC00, v44;
	v10 =	vsub.f32 v10, v15  }
0x2e9: {  	v25 =	vadd.s32 v7, v25;
	v15 =	vadd.f32 $6.666666860e-01, v36;
	v17 =	vmul.f32 v17, v33  }
0x2ea: {  	v7 =	vadd.s32 v7, v30;
	v21 =	vor.u32 v21, v25;
	v25 =	vand.u32 $0x380, v45  }
0x2eb: {  	v21 =	vor.u32 v6, v21;
	v15 =	vmul.f32 v15, v56;
	v17 =	vadd.f32 $6.666666860e-01, v17  }
0x2ec: {  	v11 =	vsub.f32 v11, v12;
	v20 =	vcvt.s32.f32 v20;
	v7 =	vor.u32 v25, v7  }
0x2ed: {  	v6 =	vor.u32 v6, v7;
	v15 =	vadd.f32 $2.000000000e+00, v15;
	v12 =	vmul.f32 v17, v33  }
0x2ee: {  	v50 =	vadd.s32 $0xFFFFFF81, v48;
	v18 =	vcvt.s32.f32 v18;
	v49 =	vmul.f32 $6.931471820e-01, v20  }
0x2ef: {  	v7 =	vmul.f32 v15, v32;
	v17 =	vcvt.s32.f32 v50;
	v12 =	vadd.f32 $2.000000000e+00, v12  }
0x2f0: {  	v51 =	vsub.f32 v40, v22;
	v53 =	vadd.f32 $1.000000000e+00, v18;
	v52 =	vld.idx.msk [tilespmem:v21+s30+$0x0], $0xffff  }
0x2f1: {  	v7 =	vadd.f32 v7, v49;
	v54 =	vmul.f32 $6.931471820e-01, v17;
	v12 =	vmul.f32 v12, v62  }
0x2f2: {  	v13 =	vmul.f32 v19, v13;
	v16 =	vsub.f32 v22, v37;
	v56 =	vsub.f32 v53, v8;
	v6 =	vld.idx.msk [tilespmem:v6+s30+$0x0], $0xffff  }
0x2f3: {  	v55 =	vmul.f32 v28, v51;
	v7 =	vadd.f32 v7, v23;
	v12 =	vadd.f32 v12, v54  }
0x2f4: {  	(xrf2) =	vadd.scan.msk.f32 $0xffff, v9;
	v58 =	vmul.f32 v27, v16;
	v57 =	vsub.f32 v10, v13;
	v8 =	vsub.f32 v8, v18  }
0x2f5: {  	(xrf2) =	vadd.scan.msk.f32 $0xffff, v11;
	v60 =	vmul.f32 v52, v56;
	v7 =	vsub.f32 v7, v55;
	v59 =	vadd.f32 v12, v29;
	_ =	sdelay $0x1  }
0x2f6: {  	(xrf2) =	vadd.scan.msk.f32 $0xffff, v57;
	v6 =	vmul.f32 v6, v8;
	v7 =	vsub.f32 v7, v58;
	v61 =	vsub.f32 v59, v60;
	_ =	sdelay $0x1  }
0x2f7: {  	(xrf2) =	vadd.scan.msk.f32 $0xffff, v7;
	v6 =	vsub.f32 v61, v6;
	_ =	sdelay $0x1  }
0x2f8: {  	(xrf2) =	vadd.scan.msk.f32 $0xffff, v6;
	_ =	sdelay $0x2  }
0x2f9: {  	v6, _, _ =	vpop (xrf2)  }
0x2fa: {  	v7, _, _ =	vpop (xrf2)  }
0x2fb: {  	(v2sf) =	vpush v7, $0xF  }
0x2fc: {  	v7, _, _ =	vpop (xrf2)  }
0x2fd: {  	(v2sf) =	vpush v7, $0xF  }
0x2fe: {  	v7, _, _ =	vpop (xrf2)  }
0x2ff: {  	(v2sf) =	vpush v7, $0xF  }
0x300: {  	v7, _, _ =	vpop (xrf2)  }
0x301: {  	(v2sf) =	vpush v7, $0xF;
	_ =	sdelay $0x8  }
0x302: {  	s3 =	spop (v2sf)  }
0x303: {  	s3 =	sadd.f32 $0.0e+00, s3  }
0x304: {  	s4 =	spop (v2sf)  }
0x305: {  	s3 =	sadd.f32 s4, s3  }
0x306: {  	s17 =	spop (v2sf)  }
0x307: {  	v7 =	vld [tilespmem:$0x16100];
	s3 =	sadd.f32 s17, s3  }
0x308: {  	v62 =	vld [tilespmem:$0x16110];
	s31 =	spop (v2sf)  }
0x309: {  	v6 =	vbroadcast v6, $0xF;
	s3 =	sadd.f32 s31, s3;
	_ =	sdelay $0x1  }
.Ltmp19:
0x30a: {  	v6 =	vnsel vm0, $0x0, v6;
	v63 =	vmov s3;
	(pc) =	sbr.rel @p2 .LBB2_64-.Ltmp19, $4  }
0x30b: {  	v6 =	vadd.f32 v7, v6;
	v7 =	vnsel vm0, $0x0, v63  }
0x30c: {  	v7 =	vadd.f32 v7, v62  }
0x30d: {  	[tilespmem:$0x16100] =	vst v6  }
0x30e: {  	[tilespmem:$0x16110] =	vst v7  }
0x30f: {  	s3 =	simm.s32 $0x0;
	s4 =	rddreg [dreg:$0xf]  }
0x310: {  	[tilespmem:s3], [sflag:$0x1] =	stream.linear.gather [hbm4b:s4+s3], $0x7800, $0x38;
	[tilespmem:$0x16420] =	vst v63  }
0x311: {  	_ =	swait.ge [sflag:s19], $0x7800  }
0x312: {  	[sflag:s19] =	ssyncset.done $0x0  }
0x313: {  	[sflag:s19] =	ssyncadd.s32 $0xFFFF8800  }
0x314: {  	[tilespmem:s20], [sflag:$0x1] =	stream.linear.gather [hbm4b:s12+s3], $0x600, $0x38;
	[tilespmem:$0x16420] =	vst v63  }
0x315: {  	_ =	swait.ge [sflag:s19], $0x600  }
0x316: {  	[sflag:s19] =	ssyncset.done $0x0  }
0x317: {  	s11 =	simm.s32 $0x7E00;
	s17 =	sadd.s32 $0x0, s13;
	[sflag:s19] =	ssyncadd.s32 $0xFFFFFA00  }
0x318: {  	[tilespmem:s11], [sflag:$0x1] =	stream.strided.gather [hbm4b:s17+s21], $0x400, s22, s21, $0x38;
	[tilespmem:$0x16420] =	vst v63  }
0x319: {  	s5 =	simm.s32 $0x8200;
	s6 =	simm.s32 $0x8600;
	s31 =	sadd.s32 $0x80, s17  }
0x31a: {  	[tilespmem:s5], [sflag:$0x1] =	stream.strided.gather [hbm4b:s31+s21], $0x400, s22, s21, $0x38;
	[tilespmem:$0x16420] =	vst v63  }
0x31b: {  	s4 =	simm.s32 $0x8A00;
	s3 =	simm.s32 $0xC00;
	s5 =	sadd.s32 $0x100, s17  }
.LBB2_36:
0x31c: {  	[tilespmem:s6], [sflag:$0x1] =	stream.strided.gather [hbm4b:s5+s21], $0x400, s22, s21, $0x38;
	[tilespmem:$0x16420] =	vst v63  }
0x31d: {  	p3 =	seq.s32 s3, $0xB400  }
.Ltmp20:
0x31e: {  	s5 =	sadd.s32 s3, s13;
	(pc) =	sbr.rel @!p3 .LBB2_36-.Ltmp20, $4  }
0x31f: {  	[tilespmem:s4], [sflag:$0x1] =	stream.strided.gather [hbm4b:s5+s21], $0x400, s22, s21, $0x38;
	[tilespmem:$0x16420] =	vst v63  }
0x320: {  	s11 =	sadd.s32 $0x400, s4;
	s3 =	sadd.s32 $0xC00, s3;
	s6 =	sadd.s32 $0x80, s5  }
0x321: {  	[tilespmem:s11], [sflag:$0x1] =	stream.strided.gather [hbm4b:s6+s21], $0x400, s22, s21, $0x38;
	[tilespmem:$0x16420] =	vst v63  }
0x322: {  	s5 =	sadd.s32 $0x100, s5;
	s6 =	sadd.s32 $0x800, s4;
	s4 =	sadd.s32 $0xC00, s4  }
0x323: {  	[tilespmem:s6], [sflag:$0x1] =	stream.strided.gather [hbm4b:s5+s21], $0x400, s22, s21, $0x38;
	[tilespmem:$0x16420] =	vst v63  }
0x324: {  	s3 =	sadd.s32 $0xC000, s13  }
0x325: {  	[tilespmem:s23], [sflag:$0x1] =	stream.strided.gather [hbm4b:s3+s21], $0x200, s22, s21, $0x38;
	[tilespmem:$0x16420] =	vst v63  }
0x326: {  	s11 =	sadd.s32 $0xC080, s13  }
0x327: {  	[tilespmem:s24], [sflag:$0x1] =	stream.strided.gather [hbm4b:s11+s21], $0x200, s22, s21, $0x38;
	[tilespmem:$0x16420] =	vst v63  }
0x328: {  	s17 =	sadd.s32 $0xC100, s13  }
0x329: {  	[tilespmem:s25], [sflag:$0x1] =	stream.strided.gather [hbm4b:s17+s21], $0x200, s22, s21, $0x38;
	[tilespmem:$0x16420] =	vst v63  }
0x32a: {  	_ =	swait.ge [sflag:s19], $0xC600  }
0x32b: {  	[sflag:s19] =	ssyncset.done $0x0  }
0x32c: {  	s17 =	simm.s32 $0x0;
	[sflag:s19] =	ssyncadd.s32 $0xFFFF3A00  }
0x32d: {  	[tilespmem:s26], [sflag:$0x1] =	stream.linear.gather [hbm4b:s14+s17], $0x80, $0x38;
	[tilespmem:$0x16420] =	vst v63  }
0x32e: {  	_ =	swait.ge [sflag:s19], $0x80  }
0x32f: {  	[sflag:s19] =	ssyncset.done $0x0  }
0x330: {  	[sflag:s19] =	ssyncadd.s32 $0xFFFFFF80  }
0x331: {  	[tilespmem:s28], [sflag:$0x1] =	stream.linear.gather [hbm4b:s15+s17], $0x200, $0x38;
	[tilespmem:$0x16420] =	vst v63  }
0x332: {  	_ =	swait.ge [sflag:s19], $0x200  }
0x333: {  	[sflag:s19] =	ssyncset.done $0x0  }
0x334: {  	s31 =	simm.s32 $0x14A00;
	s3 =	simm.s32 $0x0;
	[sflag:s19] =	ssyncadd.s32 $0xFFFFFE00  }
.LBB2_38:
0x335: {  	v7 =	vmov s17;
	_ =	sdelay $0x4  }
0x336: {  	v6 =	vld.idx.msk [tilespmem:v7+s26+$0x0], $0xffff;
	_ =	sdelay $0x2  }
0x337: {  	s4 =	sshll.u32 s3, $0x4  }
0x338: {  	v12 =	vor.u32 s4, v1  }
0x339: {  	v8 =	vmin.u32 v12, $0x12B;
	v9 =	vshrl.u32 v6, $0x3  }
0x33a: {  	v10 =	vshll.u32 v8, $0x3;
	v9 =	vmul.u32 $0xC00, v9  }
0x33b: {  	v10 =	vand.u32 $0xC00, v10;
	v6 =	vshll.u32 v6, $0x7  }
0x33c: {  	v6 =	vand.u32 $0x380, v6;
	v9 =	vadd.s32 v10, v9  }
0x33d: {  	v11 =	vand.u32 $0x7F, v8;
	v6 =	vor.u32 v6, v9  }
0x33e: {  	v6 =	vor.u32 v11, v6;
	_ =	sdelay $0x4  }
0x33f: {  	v6 =	vld.idx.msk [tilespmem:v6+s2+$0x0], $0xffff;
	_ =	sdelay $0x4  }
0x340: {  	v6 =	vsub.f32 $0.0e+00, v6;
	_ =	sdelay $0x1  }
0x341: {  	v6 =	vmul.f32 $1.442695020e+00, v6;
	_ =	sdelay $0x1  }
0x342: {  	s5 =	sshll.u32 s3, $0x6;
	v9 =	vor.u32 $0x80, v7;
	(erf) = vpow2.f32 v6  }
0x343: {  	s4 =	sand.u32 $0x70, s4;
	s5 =	sand.u32 $0x600, s5  }
0x344: {  	v13 =	vor.u32 $0x100, v7;
	s4 =	sor.u32 s4, s5  }
0x345: {  	v8 =	vld [tilespmem:s4+$0x7880]  }
0x346: {  	v15 =	vor.u32 $0x180, v7;
	v14 =	vld.idx.msk [tilespmem:v7+s28+$0x0], $0xffff  }
0x347: {  	v16 =	vld.idx.msk [tilespmem:v9+s28+$0x0], $0xffff  }
0x348: {  	v6 =	vld [tilespmem:s4+$0x7800]  }
0x349: {  	v13 =	vld.idx.msk [tilespmem:v13+s28+$0x0], $0xffff  }
0x34a: {  	v9 =	vld [tilespmem:s4+$0x7900]  }
0x34b: {  	v15 =	vld.idx.msk [tilespmem:v15+s28+$0x0], $0xffff;
	v17 =	vpop (erf)  }
0x34c: {  	v7 =	vld [tilespmem:s4+$0x7980];
	v17 =	vadd.f32 $1.000000000e+00, v17  }
0x34d: {  	v16 =	vsub.f32 v8, v16;
	v14 =	vsub.f32 v6, v14  }
0x34e: {  	(erf) = vrcp.f32 v17  }
0x34f: {  	v13 =	vsub.f32 v9, v13;
	v16 =	vand.u32 $0x7FFFFFFF, v16;
	v14 =	vand.u32 $0x7FFFFFFF, v14  }
0x350: {  	v14 =	vadd.f32 v16, v14  }
0x351: {  	v15 =	vsub.f32 v7, v15;
	v13 =	vand.u32 $0x7FFFFFFF, v13  }
0x352: {  	v13 =	vadd.f32 v13, v14  }
0x353: {  	v14 =	vand.u32 $0x7FFFFFFF, v15  }
0x354: {  	v13 =	vadd.f32 v14, v13;
	_ =	sdelay $0x1  }
0x355: {  	s6 =	simm.s32 $0x1;
	v13 =	vmul.f32 $5.000000000e+00, v13  }
0x356: {  	v14 =	vmov s6;
	v15 =	vpop (erf)  }
0x357: {  	v13 =	vsub.f32 v13, v15  }
0x358: {  	vm2 =	vlt.u32 v12, $0x12C  }
0x359: {  	v12 =	vnsel vm2, $0x7149F2CA, v13  }
0x35a: {  	[tilespmem:s31+$0x0] =	vst v12  }
0x35b: {  	v12 =	vld.idx.msk [tilespmem:v14+s26+$0x0], $0xffff;
	_ =	sdelay $0x4  }
0x35c: {  	v13 =	vshrl.u32 v12, $0x3  }
0x35d: {  	v13 =	vmul.u32 $0xC00, v13  }
0x35e: {  	v12 =	vshll.u32 v12, $0x7  }
0x35f: {  	v12 =	vand.u32 $0x380, v12;
	v13 =	vadd.s32 v10, v13  }
0x360: {  	v12 =	vor.u32 v12, v13  }
0x361: {  	v12 =	vor.u32 v11, v12;
	_ =	sdelay $0x4  }
0x362: {  	v12 =	vld.idx.msk [tilespmem:v12+s2+$0x0], $0xffff;
	_ =	sdelay $0x4  }
0x363: {  	v12 =	vsub.f32 $0.0e+00, v12;
	_ =	sdelay $0x1  }
0x364: {  	v12 =	vmul.f32 $1.442695020e+00, v12;
	_ =	sdelay $0x1  }
0x365: {  	(erf) = vpow2.f32 v12  }
0x366: {  	v12 =	vor.u32 $0x80, v14;
	_ =	sdelay $0x1  }
0x367: {  	v13 =	vor.u32 $0x100, v14;
	_ =	sdelay $0x1  }
0x368: {  	v15 =	vld.idx.msk [tilespmem:v14+s28+$0x0], $0xffff;
	v14 =	vor.u32 $0x180, v14  }
0x369: {  	v12 =	vld.idx.msk [tilespmem:v12+s28+$0x0], $0xffff;
	_ =	sdelay $0x1  }
0x36a: {  	v13 =	vld.idx.msk [tilespmem:v13+s28+$0x0], $0xffff  }
0x36b: {  	v63 =	vpop (erf)  }
0x36c: {  	v14 =	vld.idx.msk [tilespmem:v14+s28+$0x0], $0xffff;
	v16 =	vadd.f32 $1.000000000e+00, v63  }
0x36d: {  	v15 =	vsub.f32 v6, v15;
	v12 =	vsub.f32 v8, v12  }
0x36e: {  	(erf) = vrcp.f32 v16  }
0x36f: {  	v15 =	vand.u32 $0x7FFFFFFF, v15;
	v13 =	vsub.f32 v9, v13;
	v12 =	vand.u32 $0x7FFFFFFF, v12  }
0x370: {  	v12 =	vadd.f32 v12, v15  }
0x371: {  	v13 =	vand.u32 $0x7FFFFFFF, v13;
	v14 =	vsub.f32 v7, v14  }
0x372: {  	v12 =	vadd.f32 v13, v12  }
0x373: {  	v13 =	vand.u32 $0x7FFFFFFF, v14  }
0x374: {  	v12 =	vadd.f32 v13, v12;
	_ =	sdelay $0x1  }
0x375: {  	s11 =	simm.s32 $0x2;
	v13 =	vmul.f32 $5.000000000e+00, v12  }
0x376: {  	s5 =	simm.s32 $0x3;
	s4 =	smov.u32 s31;
	v12 =	vmov s11;
	v14 =	vpop (erf)  }
.LBB2_39:
0x377: {  	p3 =	sne.s32 s5, $0xF;
	v13 =	vsub.f32 v13, v14;
	_ =	sdelay $0x1  }
0x378: {  	s4 =	sadd.s32 $0x130, s4;
	v13 =	vnsel vm2, $0x7149F2CA, v13  }
0x379: {  	[tilespmem:s4+$0x0] =	vst v13  }
0x37a: {  	v13 =	vld.idx.msk [tilespmem:v12+s26+$0x0], $0xffff;
	_ =	sdelay $0x5  }
0x37b: {  	v14 =	vshrl.u32 v13, $0x3  }
0x37c: {  	v14 =	vmul.u32 $0xC00, v14  }
0x37d: {  	v13 =	vshll.u32 v13, $0x7  }
0x37e: {  	v13 =	vand.u32 $0x380, v13;
	v14 =	vadd.s32 v10, v14  }
0x37f: {  	v13 =	vor.u32 v13, v14  }
0x380: {  	v13 =	vor.u32 v11, v13;
	_ =	sdelay $0x4  }
0x381: {  	v13 =	vld.idx.msk [tilespmem:v13+s2+$0x0], $0xffff;
	_ =	sdelay $0x5  }
0x382: {  	v13 =	vsub.f32 $0.0e+00, v13;
	_ =	sdelay $0x1  }
0x383: {  	v13 =	vmul.f32 $1.442695020e+00, v13;
	_ =	sdelay $0x1  }
0x384: {  	v14 =	vor.u32 $0x80, v12;
	(erf) = vpow2.f32 v13;
	_ =	sdelay $0x1  }
0x385: {  	v13 =	vor.u32 $0x100, v12;
	_ =	sdelay $0x1  }
0x386: {  	v15 =	vld.idx.msk [tilespmem:v12+s28+$0x0], $0xffff;
	v12 =	vor.u32 $0x180, v12  }
0x387: {  	v14 =	vld.idx.msk [tilespmem:v14+s28+$0x0], $0xffff;
	_ =	sdelay $0x1  }
0x388: {  	v13 =	vld.idx.msk [tilespmem:v13+s28+$0x0], $0xffff;
	_ =	sdelay $0x1  }
0x389: {  	v12 =	vld.idx.msk [tilespmem:v12+s28+$0x0], $0xffff;
	v16 =	vpop (erf)  }
0x38a: {  	v16 =	vadd.f32 $1.000000000e+00, v16  }
0x38b: {  	v15 =	vsub.f32 v6, v15;
	v14 =	vsub.f32 v8, v14  }
0x38c: {  	(erf) = vrcp.f32 v16  }
0x38d: {  	v15 =	vand.u32 $0x7FFFFFFF, v15;
	v14 =	vand.u32 $0x7FFFFFFF, v14;
	v13 =	vsub.f32 v9, v13  }
0x38e: {  	v14 =	vadd.f32 v14, v15  }
0x38f: {  	v13 =	vand.u32 $0x7FFFFFFF, v13;
	v12 =	vsub.f32 v7, v12  }
0x390: {  	v13 =	vadd.f32 v13, v14  }
.Ltmp21:
0x391: {  	v12 =	vand.u32 $0x7FFFFFFF, v12;
	(pc) =	sbr.rel @p3 .LBB2_39-.Ltmp21, $3  }
0x392: {  	v12 =	vadd.f32 v12, v13;
	_ =	sdelay $0x1  }
0x393: {  	v13 =	vmul.f32 $5.000000000e+00, v12  }
0x394: {  	v12 =	vmov s5;
	s5 =	sadd.s32 $0x1, s5;
	v14 =	vpop (erf)  }
0x395: {  	v13 =	vsub.f32 v13, v14;
	_ =	sdelay $0x1  }
0x396: {  	s4 =	sadd.s32 $0x130, s4;
	v13 =	vnsel vm2, $0x7149F2CA, v13  }
0x397: {  	[tilespmem:s4+$0x0] =	vst v13  }
0x398: {  	v13 =	vld.idx.msk [tilespmem:v12+s26+$0x0], $0xffff;
	_ =	sdelay $0x4  }
0x399: {  	v57 =	vshrl.u32 v13, $0x3  }
0x39a: {  	v14 =	vmul.u32 $0xC00, v57  }
0x39b: {  	v13 =	vshll.u32 v13, $0x7  }
0x39c: {  	v13 =	vand.u32 $0x380, v13;
	v10 =	vadd.s32 v10, v14  }
0x39d: {  	v10 =	vor.u32 v13, v10  }
0x39e: {  	v10 =	vor.u32 v11, v10;
	_ =	sdelay $0x4  }
0x39f: {  	v10 =	vld.idx.msk [tilespmem:v10+s2+$0x0], $0xffff;
	_ =	sdelay $0x4  }
0x3a0: {  	v10 =	vsub.f32 $0.0e+00, v10;
	_ =	sdelay $0x1  }
0x3a1: {  	v10 =	vmul.f32 $1.442695020e+00, v10;
	_ =	sdelay $0x1  }
0x3a2: {  	(erf) = vpow2.f32 v10  }
0x3a3: {  	v58 =	vor.u32 $0x80, v12;
	_ =	sdelay $0x1  }
0x3a4: {  	v59 =	vor.u32 $0x100, v12;
	_ =	sdelay $0x1  }
0x3a5: {  	v61 =	vor.u32 $0x180, v12;
	v60 =	vld.idx.msk [tilespmem:v12+s28+$0x0], $0xffff  }
0x3a6: {  	v10 =	vld.idx.msk [tilespmem:v58+s28+$0x0], $0xffff;
	_ =	sdelay $0x1  }
0x3a7: {  	v11 =	vld.idx.msk [tilespmem:v59+s28+$0x0], $0xffff  }
0x3a8: {  	v62 =	vpop (erf)  }
0x3a9: {  	v12 =	vld.idx.msk [tilespmem:v61+s28+$0x0], $0xffff;
	v14 =	vadd.f32 $1.000000000e+00, v62  }
0x3aa: {  	v6 =	vsub.f32 v6, v60;
	v8 =	vsub.f32 v8, v10  }
0x3ab: {  	(erf) = vrcp.f32 v14  }
0x3ac: {  	v6 =	vand.u32 $0x7FFFFFFF, v6;
	v9 =	vsub.f32 v9, v11;
	v8 =	vand.u32 $0x7FFFFFFF, v8  }
0x3ad: {  	v6 =	vadd.f32 v8, v6  }
0x3ae: {  	v7 =	vsub.f32 v7, v12;
	v63 =	vand.u32 $0x7FFFFFFF, v9  }
0x3af: {  	v6 =	vadd.f32 v63, v6  }
0x3b0: {  	v7 =	vand.u32 $0x7FFFFFFF, v7  }
0x3b1: {  	v6 =	vadd.f32 v7, v6  }
0x3b2: {  	s3 =	sadd.s32 $0x1, s3  }
0x3b3: {  	p3 =	sne.s32 s3, $0x13;
	v6 =	vmul.f32 $5.000000000e+00, v6  }
.Ltmp22:
0x3b4: {  	v7 =	vpop (erf);
	(pc) =	sbr.rel @p3 .LBB2_38-.Ltmp22, $3  }
0x3b5: {  	v6 =	vsub.f32 v6, v7;
	_ =	sdelay $0x1  }
0x3b6: {  	s4 =	sadd.s32 $0x130, s4;
	v6 =	vnsel vm2, $0x7149F2CA, v6  }
0x3b7: {  	s31 =	sadd.s32 $0x10, s31;
	[tilespmem:s4+$0x0] =	vst v6  }
0x3b8: {  	[tilespmem:$0x15D00] =	vst v0  }
0x3b9: {  	[tilespmem:$0x15D10] =	vst v0  }
0x3ba: {  	[tilespmem:$0x15D20] =	vst v0  }
0x3bb: {  	[tilespmem:$0x15D30] =	vst v0  }
0x3bc: {  	[tilespmem:$0x15D40] =	vst v0  }
0x3bd: {  	[tilespmem:$0x15D50] =	vst v0  }
0x3be: {  	[tilespmem:$0x15D60] =	vst v0  }
0x3bf: {  	[tilespmem:$0x15D70] =	vst v0  }
0x3c0: {  	[tilespmem:$0x15D80] =	vst v0  }
0x3c1: {  	[tilespmem:$0x15D90] =	vst v0  }
0x3c2: {  	[tilespmem:$0x15DA0] =	vst v0  }
0x3c3: {  	[tilespmem:$0x15DB0] =	vst v0  }
0x3c4: {  	[tilespmem:$0x15DC0] =	vst v0  }
0x3c5: {  	[tilespmem:$0x15DD0] =	vst v0  }
0x3c6: {  	[tilespmem:$0x15DE0] =	vst v0  }
0x3c7: {  	[tilespmem:$0x15DF0] =	vst v0  }
0x3c8: {  	[tilespmem:$0x15E00] =	vst v0  }
0x3c9: {  	[tilespmem:$0x15E10] =	vst v0  }
0x3ca: {  	[tilespmem:$0x15E20] =	vst v0;
	s3 =	simm.s32 $0x0;
	v7 =	vimm.s32 $0x0;
	s4 =	simm.s32 $0x14A00  }
.LBB2_42:
0x3cb: {  	s5 =	simm.s32 $0x15D00;
	v9 =	vld [tilespmem:s4+$0x0]  }
0x3cc: {  	v10 =	vld [tilespmem:s5+$0x0];
	_ =	sdelay $0x3  }
0x3cd: {  	v6 =	vimm.f32 $9.999999940e+32;
	s31 =	simm.s32 $0x10;
	s6 =	sadd.s32 $0x10, s4;
	s17 =	simm.s32 $0x0;
	v8 =	vimm.s32 $0x0  }
.LBB2_43:
0x3ce: {  	v11 =	vadd.f32 v10, v9;
	v9 =	vld [tilespmem:s6+$0x0];
	s5 =	sadd.s32 $0x10, s5;
	s11 =	smov.u32 s31;
	p3 =	sne.s32 s31, $0x120  }
.Ltmp23:
0x3cf: {  	s31 =	sadd.s32 $0x10, s31;
	v10 =	vld [tilespmem:s5+$0x0];
	(pc) =	sbr.rel @p3 .LBB2_43-.Ltmp23, $3  }
0x3d0: {  	v12 =	vor.u32 s17, v1;
	s17 =	smov.u32 s11;
	vm2 =	vlt.f32 v11, v6  }
0x3d1: {  	v6 =	vsel vm2, v11, v6;
	v8 =	vsel vm2, v12, v8;
	_ =	sdelay $0x1  }
0x3d2: {  	s6 =	sadd.s32 $0x10, s6  }
0x3d3: {  	v9 =	vadd.f32 v10, v9;
	_ =	sdelay $0x1  }
0x3d4: {  	vm2 =	vlt.f32 v9, v6  }
0x3d5: {  	v6 =	vsel vm2, v9, v6  }
0x3d6: {  	(xrf0) =	vmin.scan.msk.f32 $0xffff, v6;
	_ =	sdelay $0x5  }
0x3d7: {  	v62, _, _ =	vpop (xrf0)  }
0x3d8: {  	v63 =	vor.u32 s17, v1;
	v9 =	vbroadcast v62, $0xF  }
0x3d9: {  	v8 =	vsel vm2, v63, v8  }
0x3da: {  	vm2 =	veq.f32 v6, v9;
	v6 =	vxor.u32 $0x80000000, v8  }
0x3db: {  	v6 =	vnsel vm2, $0xFFFFFFFF, v6  }
0x3dc: {  	(xrf0) =	vmin.scan.msk.u32 $0xffff, v6;
	_ =	sdelay $0x5  }
0x3dd: {  	v6, _, _ =	vpop (xrf0)  }
0x3de: {  	(v2sf) =	vpush v6, $0xF;
	_ =	sdelay $0xe  }
0x3df: {  	s5 =	spop (v2sf)  }
0x3e0: {  	v8 =	vmov s3;
	s3 =	sadd.s32 $0x1, s3;
	s5 =	sxor.u32 $0x80000000, s5  }
0x3e1: {  	p3 =	seq.s32 s3, $0x10;
	v6 =	vmov s5  }
.Ltmp24:
0x3e2: {  	_ = 	snop;
	(pc) =	sbr.rel @!p3 .LBB2_42-.Ltmp24, $3  }
0x3e3: {  	_ =	sdelay $0x1  }
0x3e4: {  	vm2 =	veq.s32 v8, v1  }
0x3e5: {  	s4 =	sadd.s32 $0x130, s4;
	v7 =	vsel vm2, s5, v7;
	[tilespmem:v6+s29+$0x0] =	vst.idx.msk $0x1, v2  }
0x3e6: {  	s3 =	simm.s32 $0x0  }
0x3e7: {  	v9 =	vmov s3  }
0x3e8: {  	v10 =	vshrl.u32 v9, $0x3  }
0x3e9: {  	v8 =	vshll.u32 v7, $0x3;
	v10 =	vmul.u32 $0xC00, v10  }
0x3ea: {  	v14 =	vand.u32 $0xFFFFFC00, v8;
	v9 =	vshll.u32 v9, $0x7  }
0x3eb: {  	v9 =	vand.u32 $0x380, v9;
	v10 =	vadd.s32 v14, v10  }
0x3ec: {  	v6 =	vand.u32 $0x7F, v7;
	v9 =	vor.u32 v9, v10  }
0x3ed: {  	v9 =	vor.u32 v6, v9;
	_ =	sdelay $0x4  }
0x3ee: {  	v13 =	vld.idx.msk [tilespmem:v9+s2+$0x0], $0xffff  }
0x3ef: {  	s5 =	simm.s32 $0x1  }
0x3f0: {  	v9 =	vmov s5  }
0x3f1: {  	v10 =	vshrl.u32 v9, $0x3  }
0x3f2: {  	v10 =	vmul.u32 $0xC00, v10  }
0x3f3: {  	v9 =	vshll.u32 v9, $0x7;
	v11 =	vand.u32 $0x7FFFFFFF, v13  }
0x3f4: {  	v9 =	vand.u32 $0x380, v9;
	v10 =	vadd.s32 v14, v10;
	v11 =	vsub.f32 $0.0e+00, v11  }
0x3f5: {  	v9 =	vor.u32 v9, v10  }
0x3f6: {  	v9 =	vor.u32 v6, v9;
	v10 =	vmul.f32 $1.442695020e+00, v11;
	_ =	sdelay $0x1  }
0x3f7: {  	(erf) = vpow2.f32 v10;
	_ =	sdelay $0x2  }
0x3f8: {  	v11 =	vld.idx.msk [tilespmem:v9+s2+$0x0], $0xffff;
	_ =	sdelay $0x1  }
0x3f9: {  	s6 =	simm.s32 $0x2  }
0x3fa: {  	v9 =	vmov s6  }
0x3fb: {  	v10 =	vshrl.u32 v9, $0x3  }
0x3fc: {  	v10 =	vmul.u32 $0xC00, v10;
	v12 =	vand.u32 $0x7FFFFFFF, v11  }
0x3fd: {  	v9 =	vshll.u32 v9, $0x7;
	v12 =	vsub.f32 $0.0e+00, v12;
	v15 =	vpop (erf)  }
0x3fe: {  	v9 =	vand.u32 $0x380, v9;
	v10 =	vadd.s32 v14, v10;
	v16 =	vadd.f32 $2.000000000e+00, v15  }
0x3ff: {  	v9 =	vor.u32 v9, v10;
	v10 =	vmul.f32 $1.442695020e+00, v12  }
0x400: {  	v9 =	vor.u32 v6, v9;
	(erf) = vrcp.f32 v16  }
0x401: {  	(erf) = vpow2.f32 v10;
	_ =	sdelay $0x3  }
0x402: {  	s11 =	simm.s32 $0x3;
	v9 =	vld.idx.msk [tilespmem:v9+s2+$0x0], $0xffff;
	v16 =	vsub.f32 $0.0e+00, v13  }
0x403: {  	v10 =	vmov s11  }
0x404: {  	v12 =	vshrl.u32 v10, $0x3;
	v19 =	vmul.f32 $1.442695020e+00, v16  }
0x405: {  	v10 =	vshll.u32 v10, $0x7;
	v12 =	vmul.u32 $0xC00, v12  }
0x406: {  	v10 =	vand.u32 $0x380, v10;
	(erf) = vpow2.f32 v19;
	v17 =	vpop (erf)  }
0x407: {  	v12 =	vadd.s32 v14, v12;
	v18 =	vand.u32 $0x7FFFFFFF, v9;
	v20 =	vpop (erf);
	v16 =	vmul.f32 v17, v15  }
0x408: {  	s17 =	simm.s32 $0x4;
	v10 =	vor.u32 v10, v12;
	v12 =	vsub.f32 $0.0e+00, v18;
	v15 =	vadd.f32 $2.000000000e+00, v20  }
0x409: {  	v10 =	vor.u32 v6, v10;
	v17 =	vmov s17;
	v19 =	vmul.f32 v16, v16  }
0x40a: {  	v12 =	vmul.f32 $1.442695020e+00, v12;
	(erf) = vrcp.f32 v15;
	v15 =	vshrl.u32 v17, $0x3  }
0x40b: {  	v17 =	vshll.u32 v17, $0x7;
	v18 =	vmul.f32 $1.818181870e-01, v19;
	v15 =	vmul.u32 $0xC00, v15  }
0x40c: {  	(erf) = vpow2.f32 v12;
	v17 =	vand.u32 $0x380, v17  }
0x40d: {  	v12 =	vadd.f32 $2.222222240e-01, v18;
	v15 =	vadd.s32 v14, v15;
	v18 =	vsub.f32 $0.0e+00, v11  }
0x40e: {  	v15 =	vor.u32 v17, v15  }
0x40f: {  	v10 =	vld.idx.msk [tilespmem:v10+s2+$0x0], $0xffff;
	v17 =	vor.u32 v6, v15;
	v15 =	vmul.f32 $1.442695020e+00, v18  }
0x410: {  	v12 =	vmul.f32 v12, v19;
	_ =	sdelay $0x1  }
0x411: {  	v12 =	vadd.f32 $2.857142980e-01, v12;
	v18 =	vpop (erf)  }
0x412: {  	(erf) = vpow2.f32 v15;
	v15 =	vpop (erf)  }
0x413: {  	s31 =	simm.s32 $0x5;
	v21 =	vand.u32 $0x7FFFFFFF, v10;
	v12 =	vmul.f32 v12, v19;
	v15 =	vmul.f32 v15, v20  }
0x414: {  	v21 =	vsub.f32 $0.0e+00, v21;
	v22 =	vadd.f32 $1.000000000e+00, v18;
	v20 =	vmov s31;
	v18 =	vpop (erf)  }
0x415: {  	v23 =	vadd.f32 $4.000000060e-01, v12;
	v12 =	vld.idx.msk [tilespmem:v17+s2+$0x0], $0xffff;
	v24 =	vadd.f32 $2.000000000e+00, v18;
	v17 =	vmul.f32 v15, v15  }
0x416: {  	v21 =	vmul.f32 $1.442695020e+00, v21;
	(erf) = vrcp.f32 v22;
	v22 =	vshrl.u32 v20, $0x3  }
0x417: {  	v22 =	vmul.u32 $0xC00, v22;
	(erf) = vrcp.f32 v24;
	v24 =	vmul.f32 $1.818181870e-01, v17  }
0x418: {  	v23 =	vmul.f32 v23, v19  }
0x419: {  	(erf) = vpow2.f32 v21;
	v21 =	vadd.s32 v14, v22;
	v22 =	vadd.f32 $2.222222240e-01, v24  }
0x41a: {  	v20 =	vshll.u32 v20, $0x7;
	v23 =	vadd.f32 $6.666666860e-01, v23  }
0x41b: {  	v8 =	vimm.f32 $0.0e+00;
	v20 =	vand.u32 $0x380, v20  }
0x41c: {  	v21 =	vor.u32 v20, v21;
	v20 =	vand.u32 $0x7FFFFFFF, v12;
	v19 =	vmul.f32 v23, v19  }
0x41d: {  	s3 =	simm.s32 $0x6;
	v24 =	vsub.f32 $0.0e+00, v9;
	v23 =	vsub.f32 $0.0e+00, v20;
	v20 =	vmul.f32 v22, v17;
	v22 =	vpop (erf)  }
.LBB2_46:
0x41e: {  	v25 =	vmov s3;
	p3 =	sne.s32 s3, $0x4F;
	v21 =	vor.u32 v6, v21;
	v19 =	vadd.f32 $2.000000000e+00, v19  }
0x41f: {  	v23 =	vmul.f32 $1.442695020e+00, v23;
	v24 =	vmul.f32 $1.442695020e+00, v24;
	v20 =	vadd.f32 $2.857142980e-01, v20;
	v26 =	vpop (erf)  }
0x420: {  	v27 =	vmax.f32 v13, $0.0e+00;
	v13 =	vmovc v11;
	v19 =	vmul.f32 v19, v16;
	v28 =	vmul.f32 $7.500000000e-01, v26;
	v16 =	vmovc v15  }
0x421: {  	v22 =	vadd.f32 $1.000000000e+00, v22;
	(erf) = vpow2.f32 v24;
	v11 =	vpop (erf);
	v20 =	vmul.f32 v20, v17  }
0x422: {  	v15 =	vmul.f32 v11, v18;
	v18 =	vpop (erf);
	v19 =	vadd.f32 v19, v27;
	v24 =	vmul.f32 v28, v26  }
0x423: {  	v11 =	vmovc v9;
	v9 =	vmovc v10;
	v26 =	vld.idx.msk [tilespmem:v21+s2+$0x0], $0xffff;
	v21 =	vadd.f32 $2.000000000e+00, v18;
	v20 =	vadd.f32 $4.000000060e-01, v20;
	(erf) = vrcp.f32 v22  }
0x424: {  	v10 =	vmovc v12;
	v22 =	vshrl.u32 v25, $0x3;
	v27 =	vmul.f32 v15, v15;
	v19 =	vmul.f32 v19, v24  }
0x425: {  	v12 =	vmul.u32 $0xC00, v22;
	(erf) = vrcp.f32 v21;
	v20 =	vmul.f32 v20, v17  }
.Ltmp25:
0x426: {  	(erf) = vpow2.f32 v23;
	v21 =	vmul.f32 $1.818181870e-01, v27;
	v8 =	vadd.f32 v19, v8;
	(pc) =	sbr.rel @p3 .LBB2_46-.Ltmp25, $4  }
0x427: {  	v19 =	vshll.u32 v25, $0x7;
	v20 =	vadd.f32 $6.666666860e-01, v20  }
0x428: {  	v24 =	vadd.s32 v14, v12;
	v19 =	vand.u32 $0x380, v19;
	v25 =	vadd.f32 $2.222222240e-01, v21  }
0x429: {  	v21 =	vor.u32 v19, v24;
	v23 =	vand.u32 $0x7FFFFFFF, v26;
	v12 =	vmovc v26;
	v19 =	vmul.f32 v20, v17;
	v17 =	vmovc v27  }
0x42a: {  	s3 =	sadd.s32 $0x1, s3;
	v24 =	vsub.f32 $0.0e+00, v9;
	v23 =	vsub.f32 $0.0e+00, v23;
	v20 =	vmul.f32 v25, v17;
	v22 =	vpop (erf)  }
0x42b: {  	_ =	sdelay $0x1  }
0x42c: {  	v25 =	vpop (erf)  }
0x42d: {  	v14 =	vmul.f32 $1.442695020e+00, v24;
	v57 =	vpop (erf)  }
0x42e: {  	v22 =	vadd.f32 $1.000000000e+00, v22;
	v26 =	vpop (erf)  }
0x42f: {  	(erf) = vpow2.f32 v14;
	v14 =	vadd.f32 $2.000000000e+00, v26  }
0x430: {  	v21 =	vor.u32 v6, v21;
	v23 =	vmul.f32 $1.442695020e+00, v23;
	(erf) = vrcp.f32 v22  }
0x431: {  	(erf) = vrcp.f32 v14  }
0x432: {  	(erf) = vpow2.f32 v23;
	_ =	sdelay $0x2  }
0x433: {  	v14 =	vld.idx.msk [tilespmem:v21+s2+$0x0], $0xffff;
	_ =	sdelay $0x2  }
0x434: {  	v21 =	vsub.f32 $0.0e+00, v10;
	v22 =	vpop (erf)  }
0x435: {  	v23 =	vpop (erf)  }
0x436: {  	v21 =	vmul.f32 $1.442695020e+00, v21;
	v27 =	vand.u32 $0x7FFFFFFF, v14;
	v28 =	vpop (erf)  }
0x437: {  	v27 =	vsub.f32 $0.0e+00, v27;
	v22 =	vadd.f32 $1.000000000e+00, v22;
	v29 =	vpop (erf)  }
0x438: {  	(erf) = vpow2.f32 v21;
	v21 =	vadd.f32 $2.000000000e+00, v29  }
0x439: {  	v27 =	vmul.f32 $1.442695020e+00, v27;
	(erf) = vrcp.f32 v22  }
0x43a: {  	v18 =	vmul.f32 v57, v18;
	(erf) = vrcp.f32 v21  }
0x43b: {  	(erf) = vpow2.f32 v27  }
0x43c: {  	v21 =	vmul.f32 v18, v18  }
0x43d: {  	v19 =	vadd.f32 $2.000000000e+00, v19  }
0x43e: {  	v20 =	vadd.f32 $2.857142980e-01, v20;
	v22 =	vmul.f32 $1.818181870e-01, v21  }
0x43f: {  	v16 =	vmul.f32 v19, v16  }
0x440: {  	v19 =	vsub.f32 $0.0e+00, v12;
	v20 =	vmul.f32 v20, v17;
	v22 =	vadd.f32 $2.222222240e-01, v22  }
0x441: {  	v13 =	vmax.f32 v13, $0.0e+00;
	v59 =	vmul.f32 $7.500000000e-01, v25;
	v26 =	vmul.f32 v28, v26;
	v58 =	vpop (erf)  }
0x442: {  	v19 =	vmul.f32 $1.442695020e+00, v19;
	v20 =	vadd.f32 $4.000000060e-01, v20;
	v60 =	vpop (erf);
	v22 =	vmul.f32 v22, v21  }
0x443: {  	v13 =	vadd.f32 v16, v13;
	v31 =	vmul.f32 v26, v26;
	v24 =	vadd.f32 $1.000000000e+00, v58;
	v30 =	vpop (erf)  }
0x444: {  	v16 =	vmul.f32 v20, v17;
	(erf) = vpow2.f32 v19;
	v22 =	vadd.f32 $2.857142980e-01, v22;
	v32 =	vpop (erf)  }
0x445: {  	v61 =	vmul.f32 $1.818181870e-01, v31;
	(erf) = vrcp.f32 v24;
	v19 =	vadd.f32 $2.000000000e+00, v32  }
0x446: {  	v16 =	vadd.f32 $6.666666860e-01, v16;
	v20 =	vmul.f32 v22, v21;
	v62 =	vmul.f32 v30, v29  }
0x447: {  	(erf) = vrcp.f32 v19;
	v19 =	vmul.f32 v59, v25  }
0x448: {  	v16 =	vmul.f32 v16, v17;
	v22 =	vadd.f32 $2.222222240e-01, v61  }
0x449: {  	v17 =	vmul.f32 v62, v62;
	v13 =	vmul.f32 v13, v19;
	v19 =	vadd.f32 $4.000000060e-01, v20  }
0x44a: {  	v16 =	vadd.f32 $2.000000000e+00, v16;
	v20 =	vmul.f32 v22, v31  }
0x44b: {  	v22 =	vmul.f32 $1.818181870e-01, v17;
	v8 =	vadd.f32 v13, v8;
	v13 =	vmul.f32 v19, v21  }
0x44c: {  	v19 =	vadd.f32 $2.857142980e-01, v20;
	v20 =	vmul.f32 $7.500000000e-01, v23  }
0x44d: {  	v11 =	vmax.f32 v11, $0.0e+00;
	v15 =	vmul.f32 v16, v15;
	v13 =	vadd.f32 $6.666666860e-01, v13  }
0x44e: {  	v63 =	vpop (erf);
	v19 =	vmul.f32 v19, v31;
	v16 =	vmul.f32 v20, v23;
	v20 =	vadd.f32 $2.222222240e-01, v22  }
0x44f: {  	v11 =	vadd.f32 v15, v11;
	v22 =	vpop (erf)  }
0x450: {  	v13 =	vmul.f32 v13, v21;
	v19 =	vadd.f32 $4.000000060e-01, v19;
	v20 =	vmul.f32 v20, v17;
	v23 =	vpop (erf)  }
0x451: {  	v21 =	vsub.f32 $0.0e+00, v14;
	v11 =	vmul.f32 v11, v16;
	v15 =	vmul.f32 v23, v32  }
0x452: {  	v13 =	vadd.f32 $2.000000000e+00, v13;
	v19 =	vmul.f32 v19, v31;
	v16 =	vadd.f32 $2.857142980e-01, v20  }
0x453: {  	v9 =	vmax.f32 v9, $0.0e+00;
	v21 =	vmul.f32 $1.442695020e+00, v21;
	v20 =	vmul.f32 v15, v15  }
0x454: {  	v13 =	vmul.f32 v13, v18;
	v18 =	vadd.f32 $6.666666860e-01, v19;
	v16 =	vmul.f32 v16, v17  }
0x455: {  	v8 =	vadd.f32 v11, v8;
	(erf) = vpow2.f32 v21;
	v19 =	vmul.f32 $1.818181870e-01, v20  }
0x456: {  	v11 =	vmul.f32 v18, v31;
	v18 =	vmul.f32 $7.500000000e-01, v60;
	v16 =	vadd.f32 $4.000000060e-01, v16  }
0x457: {  	v9 =	vadd.f32 v13, v9  }
0x458: {  	v19 =	vadd.f32 $2.222222240e-01, v19;
	v13 =	vmul.f32 v18, v60;
	v16 =	vmul.f32 v16, v17  }
0x459: {  	v21 =	vadd.f32 $1.000000000e+00, v63;
	v11 =	vadd.f32 $2.000000000e+00, v11;
	v18 =	vld [tilespmem:$0x15E80]  }
0x45a: {  	v19 =	vmul.f32 v19, v20;
	v9 =	vmul.f32 v9, v13;
	v13 =	vadd.f32 $6.666666860e-01, v16  }
0x45b: {  	v11 =	vmul.f32 v11, v26  }
0x45c: {  	v10 =	vmax.f32 v10, $0.0e+00;
	(erf) = vrcp.f32 v21;
	v16 =	vadd.f32 $2.857142980e-01, v19  }
0x45d: {  	v8 =	vadd.f32 v9, v8;
	v9 =	vmul.f32 $7.500000000e-01, v22;
	v10 =	vadd.f32 v11, v10  }
0x45e: {  	v11 =	vmul.f32 v13, v17;
	v17 =	vshrl.u32 v18, $0x3;
	v13 =	vpop (erf);
	v16 =	vmul.f32 v16, v20  }
0x45f: {  	v19 =	vshrl.u32 v7, $0x7;
	v17 =	vmul.u32 $0xC00, v17;
	v13 =	vadd.f32 $1.000000000e+00, v13  }
0x460: {  	v7 =	vshll.u32 v19, $0xA;
	v18 =	vshll.u32 v18, $0x7;
	v16 =	vadd.f32 $4.000000060e-01, v16  }
0x461: {  	(erf) = vrcp.f32 v13;
	v13 =	vadd.s32 v7, v17;
	v17 =	vand.u32 $0x380, v18  }
0x462: {  	v9 =	vmul.f32 v9, v22;
	v13 =	vor.u32 v17, v13;
	v17 =	vshll.u32 v19, $0x9  }
0x463: {  	v11 =	vadd.f32 $2.000000000e+00, v11;
	v16 =	vmul.f32 v16, v20;
	v13 =	vor.u32 v6, v13  }
0x464: {  	s3 =	simm.s32 $0x0;
	v10 =	vmul.f32 v10, v9;
	v9 =	vmax.f32 v12, $0.0e+00;
	v12 =	vor.u32 v6, v17  }
0x465: {  	v22 =	vmov s3;
	v16 =	vadd.f32 $6.666666860e-01, v16;
	v18 =	vor.u32 $0x80, v12;
	v17 =	vpop (erf)  }
0x466: {  	v11 =	vmul.f32 v11, v62;
	v21 =	vor.u32 $0x100, v12;
	v19 =	vmul.f32 $7.500000000e-01, v17  }
0x467: {  	v23 =	vshrl.u32 v22, $0x3;
	v16 =	vmul.f32 v16, v20;
	v20 =	vor.u32 $0x180, v12  }
0x468: {  	v11 =	vadd.f32 v11, v9;
	v17 =	vmul.f32 v19, v17;
	v9 =	vld.idx.msk [tilespmem:v13+s3+$0x0], $0xffff;
	v13 =	vmul.u32 $0xC00, v23  }
0x469: {  	v8 =	vadd.f32 v10, v8;
	v10 =	vadd.f32 $2.000000000e+00, v16;
	v12 =	vld.idx.msk [tilespmem:v12+s20+$0x0], $0xffff;
	v16 =	vshll.u32 v22, $0x7  }
0x46a: {  	v18 =	vld.idx.msk [tilespmem:v18+s20+$0x0], $0xffff;
	v16 =	vand.u32 $0x380, v16;
	v17 =	vmul.f32 v11, v17;
	v22 =	vpop (erf);
	v11 =	vadd.s32 v7, v13  }
0x46b: {  	s31 =	simm.s32 $0x1;
	v10 =	vmul.f32 v10, v15;
	v13 =	vld.idx.msk [tilespmem:v21+s20+$0x0], $0xffff;
	v15 =	vmul.f32 $7.500000000e-01, v22;
	v11 =	vor.u32 v16, v11  }
0x46c: {  	v14 =	vmax.f32 v14, $0.0e+00;
	v19 =	vld.idx.msk [tilespmem:v20+s20+$0x0], $0xffff;
	v16 =	vmov s31;
	v11 =	vor.u32 v6, v11  }
0x46d: {  	v20 =	vld [tilespmem:$0x15F80];
	v10 =	vadd.f32 v10, v14;
	v21 =	vshrl.u32 v16, $0x3;
	v15 =	vmul.f32 v15, v22  }
0x46e: {  	v14 =	vld [tilespmem:$0x15F00];
	v21 =	vmul.u32 $0xC00, v21  }
0x46f: {  	v23 =	vadd.f32 v17, v8;
	v8 =	vld [tilespmem:$0x16080];
	v10 =	vmul.f32 v10, v15;
	v15 =	vshll.u32 v16, $0x7  }
0x470: {  	v22 =	vld [tilespmem:$0x16000];
	v17 =	vadd.s32 v7, v21;
	v21 =	vand.u32 $0x380, v15  }
0x471: {  	s3 =	simm.s32 $0x2;
	v15 =	vimm.f32 $-1.000000020e+30;
	v10 =	vadd.f32 v10, v23;
	v23 =	vor.u32 v21, v17;
	v16 =	vld.idx.msk [tilespmem:v11+s30+$0x0], $0xffff  }
.LBB2_48:
0x472: {  	v24 =	vmov s3;
	p3 =	sne.s32 s3, $0x20;
	s3 =	sadd.s32 $0x1, s3;
	v25 =	vor.u32 v6, v23  }
.Ltmp26:
0x473: {  	v23 =	vshrl.u32 v24, $0x3;
	(pc) =	sbr.rel @p3 .LBB2_48-.Ltmp26, $4  }
0x474: {  	v23 =	vmul.u32 $0xC00, v23  }
0x475: {  	v24 =	vshll.u32 v24, $0x7  }
0x476: {  	v24 =	vand.u32 $0x380, v24;
	v23 =	vadd.s32 v7, v23  }
0x477: {  	v15 =	vmax.f32 v15, v16;
	v23 =	vor.u32 v24, v23;
	v16 =	vld.idx.msk [tilespmem:v25+s30+$0x0], $0xffff  }
0x478: {  	v23 =	vor.u32 v6, v23  }
0x479: {  	s3 =	simm.s32 $0x2  }
0x47a: {  	v24 =	vmov s3  }
0x47b: {  	v17 =	vor.u32 v21, v17;
	v21 =	vshrl.u32 v24, $0x3  }
0x47c: {  	v21 =	vmul.u32 $0xC00, v21  }
0x47d: {  	v24 =	vshll.u32 v24, $0x7;
	v23 =	vld.idx.msk [tilespmem:v23+s30+$0x0], $0xffff  }
0x47e: {  	s17 =	simm.s32 $0x3;
	v25 =	vld.idx.msk [tilespmem:v11+s30+$0x0], $0xffff;
	v17 =	vor.u32 v6, v17;
	v24 =	vand.u32 $0x380, v24;
	v21 =	vadd.s32 v7, v21  }
0x47f: {  	v11 =	vor.u32 v24, v21;
	v21 =	vmov s17  }
0x480: {  	v24 =	vor.u32 v6, v11;
	v11 =	vshrl.u32 v21, $0x3  }
0x481: {  	v26 =	vmul.u32 $0xC00, v11;
	v11 =	vmax.f32 v15, v16  }
0x482: {  	v15 =	vshll.u32 v21, $0x7;
	v11 =	vmax.f32 v11, v23  }
0x483: {  	v17 =	vld.idx.msk [tilespmem:v17+s30+$0x0], $0xffff;
	v15 =	vand.u32 $0x380, v15;
	v16 =	vadd.s32 v7, v26;
	v21 =	vsub.f32 v25, v11  }
0x484: {  	v15 =	vor.u32 v15, v16  }
0x485: {  	v63 =	vor.u32 v6, v15;
	v15 =	vmul.f32 $1.442695020e+00, v21;
	_ =	sdelay $0x1  }
0x486: {  	(erf) = vpow2.f32 v15  }
0x487: {  	v17 =	vsub.f32 v17, v11  }
0x488: {  	s31 =	simm.s32 $0x4  }
0x489: {  	v16 =	vmov s31;
	v23 =	vld.idx.msk [tilespmem:v24+s30+$0x0], $0xffff;
	v17 =	vmul.f32 $1.442695020e+00, v17  }
0x48a: {  	v21 =	vshrl.u32 v16, $0x3  }
0x48b: {  	v21 =	vmul.u32 $0xC00, v21;
	(erf) = vpow2.f32 v17  }
0x48c: {  	v16 =	vshll.u32 v16, $0x7  }
0x48d: {  	v16 =	vand.u32 $0x380, v16;
	v21 =	vadd.s32 v7, v21  }
0x48e: {  	s3 =	simm.s32 $0x5;
	v15 =	vimm.f32 $0.0e+00;
	v21 =	vor.u32 v16, v21;
	v16 =	vld.idx.msk [tilespmem:v63+s30+$0x0], $0xffff;
	v17 =	vsub.f32 v23, v11  }
.LBB2_50:
0x48f: {  	v23 =	vmov s3;
	p3 =	sne.s32 s3, $0x20;
	s3 =	sadd.s32 $0x1, s3;
	v24 =	vor.u32 v6, v21;
	v21 =	vpop (erf)  }
.Ltmp27:
0x490: {  	v25 =	vshrl.u32 v23, $0x3;
	v17 =	vmul.f32 $1.442695020e+00, v17;
	v15 =	vadd.f32 v21, v15;
	(pc) =	sbr.rel @p3 .LBB2_50-.Ltmp27, $4  }
0x491: {  	v21 =	vmul.u32 $0xC00, v25  }
0x492: {  	v23 =	vshll.u32 v23, $0x7;
	(erf) = vpow2.f32 v17  }
0x493: {  	v17 =	vadd.s32 v7, v21;
	v21 =	vand.u32 $0x380, v23  }
0x494: {  	v21 =	vor.u32 v21, v17;
	v17 =	vsub.f32 v16, v11;
	v16 =	vld.idx.msk [tilespmem:v24+s30+$0x0], $0xffff  }
0x495: {  	v12 =	vadd.f32 v13, v12;
	_ =	sdelay $0x1  }
0x496: {  	v26 =	vmul.f32 $5.000000000e-01, v12;
	_ =	sdelay $0x1  }
0x497: {  	v12 =	vor.u32 v6, v21;
	v13 =	vsub.f32 v26, v14;
	_ =	sdelay $0x1  }
0x498: {  	v13 =	vmul.f32 $3.200000000e+01, v13;
	_ =	sdelay $0x1  }
0x499: {  	v13 =	vmax.f32 v13, $0.0e+00  }
0x49a: {  	v14 =	vld.idx.msk [tilespmem:v12+s30+$0x0], $0xffff;
	v12 =	vmin.f32 v13, $3.198999980e+01  }
0x49b: {  	v13 =	vtrunc.f32 v12  }
0x49c: {  	v16 =	vsub.f32 v16, v11;
	v13 =	vcvt.f32.s32 v13  }
0x49d: {  	v23 =	vpop (erf);
	v17 =	vmul.f32 $1.442695020e+00, v17  }
0x49e: {  	s3 =	simm.s32 $0x0;
	v15 =	vadd.f32 v23, v15;
	v16 =	vmul.f32 $1.442695020e+00, v16;
	v21 =	vshrl.u32 v13, $0x3  }
0x49f: {  	v23 =	vmov s3;
	(erf) = vpow2.f32 v17;
	v21 =	vmul.u32 $0xC00, v21  }
0x4a0: {  	v23 =	vadd.s32 $0x21, v23;
	(erf) = vpow2.f32 v16;
	v14 =	vsub.f32 v14, v11  }
0x4a1: {  	v17 =	vshll.u32 v13, $0x7;
	v16 =	vadd.s32 v7, v21;
	v21 =	vadd.s32 $0x1, v13  }
0x4a2: {  	v14 =	vmul.f32 $1.442695020e+00, v14;
	v17 =	vand.u32 $0x380, v17;
	v24 =	vshrl.u32 v21, $0x3  }
0x4a3: {  	s17 =	simm.s32 $0x1;
	v23 =	vbroadcast v23, $0x0;
	v16 =	vor.u32 v17, v16;
	v17 =	vmul.u32 $0xC00, v24  }
0x4a4: {  	v25 =	vpop (erf);
	(erf) = vpow2.f32 v14;
	v14 =	vor.u32 v6, v16;
	v24 =	vmov s17  }
0x4a5: {  	v16 =	vadd.s32 v7, v17;
	v17 =	vshll.u32 v21, $0x7;
	v21 =	vshrl.u32 v23, $0x3  }
0x4a6: {  	v15 =	vadd.f32 v25, v15;
	v17 =	vand.u32 $0x380, v17;
	v21 =	vmul.u32 $0xC00, v21  }
0x4a7: {  	v16 =	vor.u32 v17, v16;
	v17 =	vshll.u32 v23, $0x7;
	v23 =	vadd.s32 $0x21, v24  }
0x4a8: {  	v24 =	vpop (erf);
	v21 =	vadd.s32 v7, v21;
	v17 =	vand.u32 $0x380, v17;
	v23 =	vbroadcast v23, $0x0  }
0x4a9: {  	v15 =	vadd.f32 v24, v15;
	v24 =	vor.u32 v6, v16;
	v16 =	vor.u32 v17, v21  }
0x4aa: {  	s31 =	simm.s32 $0x2;
	v16 =	vor.u32 v6, v16;
	v17 =	vshrl.u32 v23, $0x3  }
0x4ab: {  	v21 =	vmov s31;
	v17 =	vmul.u32 $0xC00, v17  }
0x4ac: {  	v25 =	vpop (erf);
	v21 =	vadd.s32 $0x21, v21;
	v23 =	vshll.u32 v23, $0x7  }
0x4ad: {  	v25 =	vadd.f32 v25, v15;
	v23 =	vand.u32 $0x380, v23;
	v29 =	vadd.s32 v7, v17  }
0x4ae: {  	v28 =	vpop (erf);
	v27 =	vbroadcast v21, $0x0;
	v23 =	vor.u32 v23, v29  }
0x4af: {  	v17 =	vadd.f32 v28, v25;
	v25 =	vld.idx.msk [tilespmem:v16+s30+$0x0], $0xffff;
	v28 =	vor.u32 v6, v23  }
0x4b0: {  	v15 =	vld.idx.msk [tilespmem:v14+s30+$0x0], $0xffff;
	v29 =	vshrl.u32 v27, $0x3  }
0x4b1: {  	s3 =	simm.s32 $0x3;
	v14 =	vld.idx.msk [tilespmem:v24+s30+$0x0], $0xffff;
	v24 =	vimm.f32 $-1.000000020e+30;
	v29 =	vmul.u32 $0xC00, v29  }
.LBB2_52:
0x4b2: {  	v30 =	vmov s3;
	p3 =	sne.s32 s3, $0x20;
	s3 =	sadd.s32 $0x1, s3;
	v27 =	vshll.u32 v27, $0x7  }
.Ltmp28:
0x4b3: {  	v30 =	vadd.s32 $0x21, v30;
	v29 =	vadd.s32 v7, v29;
	v31 =	vand.u32 $0x380, v27;
	(pc) =	sbr.rel @p3 .LBB2_52-.Ltmp28, $4  }
0x4b4: {  	v24 =	vmax.f32 v24, v25;
	v27 =	vbroadcast v30, $0x0;
	v29 =	vor.u32 v31, v29;
	v25 =	vld.idx.msk [tilespmem:v28+s30+$0x0], $0xffff  }
0x4b5: {  	v28 =	vor.u32 v6, v29  }
0x4b6: {  	v29 =	vshrl.u32 v27, $0x3  }
0x4b7: {  	v29 =	vmul.u32 $0xC00, v29  }
0x4b8: {  	v27 =	vshll.u32 v27, $0x7  }
0x4b9: {  	v29 =	vadd.s32 v7, v29;
	v27 =	vand.u32 $0x380, v27  }
0x4ba: {  	v27 =	vor.u32 v27, v29  }
0x4bb: {  	v27 =	vor.u32 v6, v27;
	_ =	sdelay $0x3  }
0x4bc: {  	v28 =	vld.idx.msk [tilespmem:v28+s30+$0x0], $0xffff  }
0x4bd: {  	v21 =	vbroadcast v21, $0x0;
	v27 =	vld.idx.msk [tilespmem:v27+s30+$0x0], $0xffff  }
0x4be: {  	v29 =	vld.idx.msk [tilespmem:v16+s30+$0x0], $0xffff  }
0x4bf: {  	v23 =	vor.u32 v6, v23;
	s3 =	simm.s32 $0x3;
	v16 =	vmax.f32 v24, v25;
	v24 =	vshrl.u32 v21, $0x3  }
0x4c0: {  	v25 =	vmov s3;
	v24 =	vmul.u32 $0xC00, v24  }
0x4c1: {  	v21 =	vshll.u32 v21, $0x7;
	v25 =	vadd.s32 $0x21, v25;
	v16 =	vmax.f32 v16, v28  }
0x4c2: {  	v21 =	vand.u32 $0x380, v21;
	v24 =	vadd.s32 v7, v24;
	v16 =	vmax.f32 v16, v27  }
0x4c3: {  	v25 =	vbroadcast v25, $0x0;
	v21 =	vor.u32 v21, v24;
	v24 =	vsub.f32 v29, v16  }
0x4c4: {  	v27 =	vld.idx.msk [tilespmem:v23+s30+$0x0], $0xffff  }
0x4c5: {  	v28 =	vor.u32 v6, v21;
	v21 =	vshrl.u32 v25, $0x3;
	v24 =	vmul.f32 $1.442695020e+00, v24  }
0x4c6: {  	s31 =	simm.s32 $0x4;
	v30 =	vmul.u32 $0xC00, v21  }
0x4c7: {  	v25 =	vshll.u32 v25, $0x7;
	v29 =	vmov s31;
	(erf) = vpow2.f32 v24  }
0x4c8: {  	v25 =	vand.u32 $0x380, v25;
	v21 =	vadd.s32 $0x21, v29;
	v29 =	vadd.s32 v7, v30  }
0x4c9: {  	v21 =	vbroadcast v21, $0x0;
	v25 =	vor.u32 v25, v29;
	v27 =	vsub.f32 v27, v16  }
0x4ca: {  	v25 =	vor.u32 v6, v25;
	v24 =	vld.idx.msk [tilespmem:v28+s30+$0x0], $0xffff  }
0x4cb: {  	v29 =	vshrl.u32 v21, $0x3;
	v27 =	vmul.f32 $1.442695020e+00, v27  }
0x4cc: {  	s3 =	simm.s32 $0x5;
	v23 =	vimm.f32 $0.0e+00;
	v28 =	vmul.u32 $0xC00, v29  }
.LBB2_54:
0x4cd: {  	v29 =	vmov s3;
	p3 =	sne.s32 s3, $0x20;
	s3 =	sadd.s32 $0x1, s3;
	v21 =	vshll.u32 v21, $0x7;
	(erf) = vpow2.f32 v27  }
.Ltmp29:
0x4ce: {  	v27 =	vadd.s32 $0x21, v29;
	v28 =	vadd.s32 v7, v28;
	v30 =	vand.u32 $0x380, v21;
	(pc) =	sbr.rel @p3 .LBB2_54-.Ltmp29, $4  }
0x4cf: {  	v21 =	vbroadcast v27, $0x0;
	v27 =	vor.u32 v30, v28;
	v28 =	vsub.f32 v24, v16;
	v24 =	vld.idx.msk [tilespmem:v25+s30+$0x0], $0xffff  }
0x4d0: {  	v25 =	vor.u32 v6, v27;
	v29 =	vpop (erf)  }
0x4d1: {  	v30 =	vshrl.u32 v21, $0x3;
	v27 =	vmul.f32 $1.442695020e+00, v28;
	v23 =	vadd.f32 v29, v23  }
0x4d2: {  	v28 =	vmul.u32 $0xC00, v30  }
0x4d3: {  	v18 =	vadd.f32 v19, v18  }
0x4d4: {  	v19 =	vshll.u32 v21, $0x7  }
0x4d5: {  	v19 =	vand.u32 $0x380, v19;
	v21 =	vmul.f32 $5.000000000e-01, v18;
	v18 =	vadd.s32 v7, v28  }
0x4d6: {  	v18 =	vor.u32 v19, v18  }
0x4d7: {  	v19 =	vsub.f32 v21, v20;
	v20 =	vor.u32 v6, v18;
	_ =	sdelay $0x1  }
0x4d8: {  	v18 =	vmul.f32 $3.200000000e+01, v19  }
0x4d9: {  	v19 =	vld.idx.msk [tilespmem:v25+s30+$0x0], $0xffff  }
0x4da: {  	v18 =	vmax.f32 v18, $0.0e+00  }
0x4db: {  	v18 =	vmin.f32 v18, $3.198999980e+01;
	v25 =	vld.idx.msk [tilespmem:v20+s30+$0x0], $0xffff  }
0x4dc: {  	v20 =	vtrunc.f32 v18  }
0x4dd: {  	(erf) = vpow2.f32 v27;
	v24 =	vsub.f32 v24, v16;
	v20 =	vcvt.f32.s32 v20  }
0x4de: {  	v19 =	vsub.f32 v19, v16  }
0x4df: {  	v24 =	vmul.f32 $1.442695020e+00, v24;
	v27 =	vadd.s32 $0x21, v20  }
0x4e0: {  	v29 =	vpop (erf);
	v19 =	vmul.f32 $1.442695020e+00, v19;
	v28 =	vshrl.u32 v27, $0x3;
	v25 =	vsub.f32 v25, v16  }
0x4e1: {  	v23 =	vadd.f32 v29, v23;
	(erf) = vpow2.f32 v24;
	v28 =	vmul.u32 $0xC00, v28  }
0x4e2: {  	s3 =	simm.s32 $0x0;
	(erf) = vpow2.f32 v19;
	v19 =	vmul.f32 $1.442695020e+00, v25;
	v25 =	vshll.u32 v27, $0x7  }
0x4e3: {  	v27 =	vadd.s32 $0x22, v20;
	v24 =	vadd.s32 v7, v28;
	v28 =	vmov s3  }
0x4e4: {  	v25 =	vand.u32 $0x380, v25;
	v29 =	vshrl.u32 v27, $0x3;
	v28 =	vadd.s32 $0x42, v28  }
0x4e5: {  	s17 =	simm.s32 $0x1;
	v24 =	vor.u32 v25, v24;
	v25 =	vmul.u32 $0xC00, v29;
	v28 =	vbroadcast v28, $0x0  }
0x4e6: {  	v30 =	vpop (erf);
	(erf) = vpow2.f32 v19;
	v29 =	vmov s17;
	v19 =	vor.u32 v6, v24  }
0x4e7: {  	v24 =	vadd.s32 v7, v25;
	v25 =	vshll.u32 v27, $0x7;
	v27 =	vshrl.u32 v28, $0x3  }
0x4e8: {  	v23 =	vadd.f32 v30, v23;
	v25 =	vand.u32 $0x380, v25;
	v27 =	vmul.u32 $0xC00, v27  }
0x4e9: {  	v24 =	vor.u32 v25, v24;
	v25 =	vshll.u32 v28, $0x7;
	v28 =	vadd.s32 $0x42, v29  }
0x4ea: {  	v29 =	vpop (erf);
	v25 =	vand.u32 $0x380, v25;
	v28 =	vbroadcast v28, $0x0;
	v27 =	vadd.s32 v7, v27  }
0x4eb: {  	v29 =	vadd.f32 v29, v23;
	v30 =	vor.u32 v6, v24;
	v23 =	vor.u32 v25, v27  }
0x4ec: {  	v24 =	vshrl.u32 v28, $0x3;
	v23 =	vor.u32 v6, v23  }
0x4ed: {  	s31 =	simm.s32 $0x2;
	v32 =	vmul.u32 $0xC00, v24  }
0x4ee: {  	v25 =	vmov s31;
	v28 =	vshll.u32 v28, $0x7  }
0x4ef: {  	v31 =	vpop (erf);
	v27 =	vadd.s32 $0x42, v25;
	v24 =	vld.idx.msk [tilespmem:v19+s30+$0x0], $0xffff;
	v28 =	vand.u32 $0x380, v28;
	v32 =	vadd.s32 v7, v32  }
0x4f0: {  	v25 =	vadd.f32 v31, v29;
	v31 =	vbroadcast v27, $0x0;
	v19 =	vld.idx.msk [tilespmem:v30+s30+$0x0], $0xffff;
	v28 =	vor.u32 v28, v32  }
0x4f1: {  	v32 =	vor.u32 v6, v28;
	v30 =	vld.idx.msk [tilespmem:v23+s30+$0x0], $0xffff  }
0x4f2: {  	v29 =	vpop (erf);
	v33 =	vshrl.u32 v31, $0x3  }
0x4f3: {  	s3 =	simm.s32 $0x3;
	v25 =	vadd.f32 v29, v25;
	v29 =	vimm.f32 $-1.000000020e+30;
	v33 =	vmul.u32 $0xC00, v33  }
.LBB2_56:
0x4f4: {  	v34 =	vmov s3;
	p3 =	sne.s32 s3, $0x20;
	s3 =	sadd.s32 $0x1, s3;
	v31 =	vshll.u32 v31, $0x7  }
.Ltmp30:
0x4f5: {  	v34 =	vadd.s32 $0x42, v34;
	v33 =	vadd.s32 v7, v33;
	v35 =	vand.u32 $0x380, v31;
	(pc) =	sbr.rel @p3 .LBB2_56-.Ltmp30, $4  }
0x4f6: {  	v29 =	vmax.f32 v29, v30;
	v31 =	vbroadcast v34, $0x0;
	v33 =	vor.u32 v35, v33;
	v30 =	vld.idx.msk [tilespmem:v32+s30+$0x0], $0xffff  }
0x4f7: {  	v32 =	vor.u32 v6, v33  }
0x4f8: {  	v33 =	vshrl.u32 v31, $0x3  }
0x4f9: {  	v33 =	vmul.u32 $0xC00, v33  }
0x4fa: {  	v31 =	vshll.u32 v31, $0x7  }
0x4fb: {  	v33 =	vadd.s32 v7, v33;
	v31 =	vand.u32 $0x380, v31  }
0x4fc: {  	v31 =	vor.u32 v31, v33  }
0x4fd: {  	v31 =	vor.u32 v6, v31;
	_ =	sdelay $0x3  }
0x4fe: {  	v32 =	vld.idx.msk [tilespmem:v32+s30+$0x0], $0xffff  }
0x4ff: {  	v27 =	vbroadcast v27, $0x0;
	v31 =	vld.idx.msk [tilespmem:v31+s30+$0x0], $0xffff  }
0x500: {  	v58 =	vld.idx.msk [tilespmem:v23+s30+$0x0], $0xffff  }
0x501: {  	v28 =	vor.u32 v6, v28;
	s3 =	simm.s32 $0x3;
	v23 =	vmax.f32 v29, v30;
	v29 =	vshrl.u32 v27, $0x3  }
0x502: {  	v30 =	vmov s3;
	v29 =	vmul.u32 $0xC00, v29  }
0x503: {  	v27 =	vshll.u32 v27, $0x7;
	v30 =	vadd.s32 $0x42, v30;
	v23 =	vmax.f32 v23, v32  }
0x504: {  	v27 =	vand.u32 $0x380, v27;
	v29 =	vadd.s32 v7, v29;
	v23 =	vmax.f32 v23, v31  }
0x505: {  	v30 =	vbroadcast v30, $0x0;
	v27 =	vor.u32 v27, v29;
	v29 =	vsub.f32 v58, v23  }
0x506: {  	v28 =	vld.idx.msk [tilespmem:v28+s30+$0x0], $0xffff  }
0x507: {  	v59 =	vshrl.u32 v30, $0x3;
	v31 =	vor.u32 v6, v27;
	v29 =	vmul.f32 $1.442695020e+00, v29  }
0x508: {  	s31 =	simm.s32 $0x4;
	v32 =	vmul.u32 $0xC00, v59  }
0x509: {  	v60 =	vmov s31;
	v34 =	vshll.u32 v30, $0x7;
	(erf) = vpow2.f32 v29  }
0x50a: {  	v33 =	vadd.s32 $0x42, v60;
	v61 =	vand.u32 $0x380, v34;
	v32 =	vadd.s32 v7, v32  }
0x50b: {  	v30 =	vbroadcast v33, $0x0;
	v62 =	vsub.f32 v28, v23;
	v29 =	vor.u32 v61, v32  }
0x50c: {  	v28 =	vld.idx.msk [tilespmem:v31+s30+$0x0], $0xffff;
	v29 =	vor.u32 v6, v29  }
0x50d: {  	v63 =	vshrl.u32 v30, $0x3;
	v31 =	vmul.f32 $1.442695020e+00, v62  }
0x50e: {  	s3 =	simm.s32 $0x5;
	v27 =	vimm.f32 $0.0e+00;
	v32 =	vmul.u32 $0xC00, v63  }
.LBB2_58:
0x50f: {  	v33 =	vmov s3;
	p3 =	sne.s32 s3, $0x20;
	s3 =	sadd.s32 $0x1, s3;
	v30 =	vshll.u32 v30, $0x7;
	(erf) = vpow2.f32 v31  }
.Ltmp31:
0x510: {  	v31 =	vadd.s32 $0x42, v33;
	v32 =	vadd.s32 v7, v32;
	v34 =	vand.u32 $0x380, v30;
	(pc) =	sbr.rel @p3 .LBB2_58-.Ltmp31, $4  }
0x511: {  	v30 =	vbroadcast v31, $0x0;
	v31 =	vor.u32 v34, v32;
	v32 =	vsub.f32 v28, v23;
	v28 =	vld.idx.msk [tilespmem:v29+s30+$0x0], $0xffff  }
0x512: {  	v29 =	vor.u32 v6, v31;
	v33 =	vpop (erf)  }
0x513: {  	v34 =	vshrl.u32 v30, $0x3;
	v31 =	vmul.f32 $1.442695020e+00, v32;
	v27 =	vadd.f32 v33, v27  }
0x514: {  	v32 =	vmul.u32 $0xC00, v34  }
0x515: {  	v30 =	vshll.u32 v30, $0x7  }
0x516: {  	v32 =	vadd.s32 v7, v32;
	v30 =	vand.u32 $0x380, v30  }
0x517: {  	v30 =	vor.u32 v30, v32  }
0x518: {  	v22 =	vsub.f32 v22, v26;
	v26 =	vor.u32 v6, v30;
	_ =	sdelay $0x1  }
0x519: {  	v22 =	vmul.f32 $3.200000000e+01, v22  }
0x51a: {  	v29 =	vld.idx.msk [tilespmem:v29+s30+$0x0], $0xffff  }
0x51b: {  	v22 =	vmax.f32 v22, $0.0e+00  }
0x51c: {  	v22 =	vmin.f32 v22, $3.198999980e+01;
	v30 =	vld.idx.msk [tilespmem:v26+s30+$0x0], $0xffff  }
0x51d: {  	v26 =	vtrunc.f32 v22  }
0x51e: {  	(erf) = vpow2.f32 v31;
	v28 =	vsub.f32 v28, v23;
	v26 =	vcvt.f32.s32 v26  }
0x51f: {  	v29 =	vsub.f32 v29, v23  }
0x520: {  	v28 =	vmul.f32 $1.442695020e+00, v28;
	v31 =	vadd.s32 $0x42, v26  }
0x521: {  	v29 =	vmul.f32 $1.442695020e+00, v29;
	v55 =	vshrl.u32 v31, $0x3;
	v30 =	vsub.f32 v30, v23  }
0x522: {  	s3 =	simm.s32 $0x0;
	v33 =	vpop (erf);
	(erf) = vpow2.f32 v28;
	v32 =	vmul.u32 $0xC00, v55  }
0x523: {  	v56 =	vmov s3;
	(erf) = vpow2.f32 v29;
	v28 =	vmul.f32 $1.442695020e+00, v30  }
0x524: {  	v29 =	vadd.s32 v7, v32;
	v30 =	vshll.u32 v31, $0x7;
	v31 =	vadd.s32 $0x43, v26  }
0x525: {  	v32 =	vadd.s32 $0x63, v56;
	v30 =	vand.u32 $0x380, v30;
	v57 =	vshrl.u32 v31, $0x3  }
0x526: {  	s17 =	simm.s32 $0x1;
	v32 =	vbroadcast v32, $0x0;
	v29 =	vor.u32 v30, v29;
	v30 =	vmul.u32 $0xC00, v57  }
0x527: {  	v58 =	vmov s17;
	v34 =	vpop (erf);
	(erf) = vpow2.f32 v28;
	v28 =	vor.u32 v6, v29  }
0x528: {  	v29 =	vadd.s32 v7, v30;
	v30 =	vshll.u32 v31, $0x7;
	v31 =	vshrl.u32 v32, $0x3  }
0x529: {  	v59 =	vadd.s32 $0x63, v58;
	v30 =	vand.u32 $0x380, v30;
	v31 =	vmul.u32 $0xC00, v31  }
0x52a: {  	v27 =	vadd.f32 v33, v27;
	v29 =	vor.u32 v30, v29;
	v30 =	vshll.u32 v32, $0x7  }
0x52b: {  	v32 =	vbroadcast v59, $0x0;
	v31 =	vadd.s32 v7, v31;
	v30 =	vand.u32 $0x380, v30  }
0x52c: {  	v61 =	vor.u32 v6, v29;
	v29 =	vor.u32 v30, v31  }
0x52d: {  	v27 =	vadd.f32 v34, v27;
	v30 =	vshrl.u32 v32, $0x3;
	v29 =	vor.u32 v6, v29  }
0x52e: {  	s31 =	simm.s32 $0x2;
	v60 =	vpop (erf);
	v30 =	vmul.u32 $0xC00, v30  }
0x52f: {  	v27 =	vadd.f32 v60, v27;
	v31 =	vmov s31;
	v32 =	vshll.u32 v32, $0x7  }
0x530: {  	v31 =	vadd.s32 $0x63, v31;
	v32 =	vand.u32 $0x380, v32;
	v36 =	vadd.s32 v7, v30  }
0x531: {  	v62 =	vpop (erf);
	v35 =	vbroadcast v31, $0x0;
	v32 =	vor.u32 v32, v36  }
0x532: {  	v27 =	vadd.f32 v62, v27;
	v36 =	vor.u32 v6, v32;
	v34 =	vld.idx.msk [tilespmem:v29+s30+$0x0], $0xffff  }
0x533: {  	v28 =	vld.idx.msk [tilespmem:v28+s30+$0x0], $0xffff;
	v63 =	vpop (erf);
	v37 =	vshrl.u32 v35, $0x3  }
0x534: {  	s3 =	simm.s32 $0x3;
	v33 =	vimm.f32 $-1.000000020e+30;
	v30 =	vadd.f32 v63, v27;
	v27 =	vld.idx.msk [tilespmem:v61+s30+$0x0], $0xffff;
	v37 =	vmul.u32 $0xC00, v37  }
.LBB2_60:
0x535: {  	v38 =	vmov s3;
	p3 =	sne.s32 s3, $0x20;
	s3 =	sadd.s32 $0x1, s3;
	v35 =	vshll.u32 v35, $0x7  }
.Ltmp32:
0x536: {  	v38 =	vadd.s32 $0x63, v38;
	v37 =	vadd.s32 v7, v37;
	v39 =	vand.u32 $0x380, v35;
	(pc) =	sbr.rel @p3 .LBB2_60-.Ltmp32, $4  }
0x537: {  	v33 =	vmax.f32 v33, v34;
	v35 =	vbroadcast v38, $0x0;
	v37 =	vor.u32 v39, v37;
	v34 =	vld.idx.msk [tilespmem:v36+s30+$0x0], $0xffff  }
0x538: {  	v36 =	vor.u32 v6, v37  }
0x539: {  	v37 =	vshrl.u32 v35, $0x3  }
0x53a: {  	v37 =	vmul.u32 $0xC00, v37  }
0x53b: {  	v35 =	vshll.u32 v35, $0x7  }
0x53c: {  	v37 =	vadd.s32 v7, v37;
	v35 =	vand.u32 $0x380, v35  }
0x53d: {  	v35 =	vor.u32 v35, v37  }
0x53e: {  	v35 =	vor.u32 v6, v35;
	_ =	sdelay $0x3  }
0x53f: {  	v36 =	vld.idx.msk [tilespmem:v36+s30+$0x0], $0xffff  }
0x540: {  	v35 =	vld.idx.msk [tilespmem:v35+s30+$0x0], $0xffff  }
0x541: {  	v31 =	vbroadcast v31, $0x0;
	v53 =	vld.idx.msk [tilespmem:v29+s30+$0x0], $0xffff  }
0x542: {  	v32 =	vor.u32 v6, v32;
	s3 =	simm.s32 $0x3  }
0x543: {  	v29 =	vmax.f32 v33, v34;
	v55 =	vmov s3;
	v54 =	vshrl.u32 v31, $0x3  }
0x544: {  	v31 =	vshll.u32 v31, $0x7;
	v33 =	vmul.u32 $0xC00, v54;
	v29 =	vmax.f32 v29, v36  }
0x545: {  	v34 =	vadd.s32 $0x63, v55;
	v31 =	vand.u32 $0x380, v31;
	v29 =	vmax.f32 v29, v35  }
0x546: {  	v34 =	vbroadcast v34, $0x0;
	v33 =	vadd.s32 v7, v33;
	v56 =	vsub.f32 v53, v29  }
0x547: {  	v32 =	vld.idx.msk [tilespmem:v32+s30+$0x0], $0xffff;
	v31 =	vor.u32 v31, v33  }
0x548: {  	v58 =	vshrl.u32 v34, $0x3;
	v57 =	vor.u32 v6, v31;
	v33 =	vmul.f32 $1.442695020e+00, v56  }
0x549: {  	s31 =	simm.s32 $0x4;
	v36 =	vmul.u32 $0xC00, v58  }
0x54a: {  	v59 =	vmov s31;
	v38 =	vshll.u32 v34, $0x7;
	(erf) = vpow2.f32 v33  }
0x54b: {  	v37 =	vadd.s32 $0x63, v59;
	v60 =	vand.u32 $0x380, v38;
	v36 =	vadd.s32 v7, v36  }
0x54c: {  	v34 =	vbroadcast v37, $0x0;
	v62 =	vor.u32 v60, v36;
	v61 =	vsub.f32 v32, v29  }
0x54d: {  	v32 =	vld.idx.msk [tilespmem:v57+s30+$0x0], $0xffff;
	v33 =	vor.u32 v6, v62  }
0x54e: {  	v63 =	vshrl.u32 v34, $0x3;
	v35 =	vmul.f32 $1.442695020e+00, v61  }
0x54f: {  	s3 =	simm.s32 $0x5;
	v31 =	vimm.f32 $0.0e+00;
	v36 =	vmul.u32 $0xC00, v63  }
.LBB2_62:
0x550: {  	v37 =	vmov s3;
	p3 =	sne.s32 s3, $0x20;
	s3 =	sadd.s32 $0x1, s3;
	v34 =	vshll.u32 v34, $0x7;
	(erf) = vpow2.f32 v35  }
.Ltmp33:
0x551: {  	v35 =	vadd.s32 $0x63, v37;
	v36 =	vadd.s32 v7, v36;
	v38 =	vand.u32 $0x380, v34;
	(pc) =	sbr.rel @p3 .LBB2_62-.Ltmp33, $4  }
0x552: {  	v34 =	vbroadcast v35, $0x0;
	v35 =	vor.u32 v38, v36;
	v36 =	vsub.f32 v32, v29;
	v32 =	vld.idx.msk [tilespmem:v33+s30+$0x0], $0xffff  }
0x553: {  	v33 =	vor.u32 v6, v35;
	v37 =	vpop (erf)  }
0x554: {  	v38 =	vshrl.u32 v34, $0x3;
	v35 =	vmul.f32 $1.442695020e+00, v36;
	v31 =	vadd.f32 v37, v31  }
0x555: {  	v36 =	vmul.u32 $0xC00, v38  }
0x556: {  	v34 =	vshll.u32 v34, $0x7  }
0x557: {  	v36 =	vadd.s32 v7, v36;
	v34 =	vand.u32 $0x380, v34  }
0x558: {  	v34 =	vor.u32 v34, v36  }
0x559: {  	v34 =	vor.u32 v6, v34;
	_ =	sdelay $0x3  }
0x55a: {  	v33 =	vld.idx.msk [tilespmem:v33+s30+$0x0], $0xffff  }
0x55b: {  	v34 =	vld.idx.msk [tilespmem:v34+s30+$0x0], $0xffff;
	_ =	sdelay $0x2  }
0x55c: {  	v32 =	vsub.f32 v32, v29  }
0x55d: {  	v33 =	vsub.f32 v33, v29  }
0x55e: {  	v32 =	vmul.f32 $1.442695020e+00, v32;
	v34 =	vsub.f32 v34, v29  }
0x55f: {  	(erf) = vpow2.f32 v35;
	v52 =	vsub.f32 $0.0e+00, v9;
	v33 =	vmul.f32 $1.442695020e+00, v33  }
0x560: {  	(erf) = vpow2.f32 v32;
	v53 =	vmul.f32 $1.442695020e+00, v34  }
0x561: {  	v54 =	vmul.f32 $1.442695020e+00, v52;
	(erf) = vpow2.f32 v33  }
0x562: {  	(erf) = vpow2.f32 v53  }
0x563: {  	(erf) = vpow2.f32 v54;
	_ =	sdelay $0x3  }
0x564: {  	v55 =	vpop (erf)  }
0x565: {  	v56 =	vpop (erf)  }
0x566: {  	v57 =	vpop (erf)  }
0x567: {  	v58 =	vpop (erf)  }
0x568: {  	v37 =	vand.u32 $0x7FFFFFFF, v9;
	v59 =	vpop (erf)  }
0x569: {  	v37 =	vsub.f32 $0.0e+00, v37;
	v38 =	vpop (erf)  }
0x56a: {  	v38 =	vadd.f32 $1.000000000e+00, v38  }
0x56b: {  	v37 =	vmul.f32 $1.442695020e+00, v37  }
0x56c: {  	(erf) = vrcp.f32 v38  }
0x56d: {  	(erf) = vpow2.f32 v37;
	_ =	sdelay $0x7  }
0x56e: {  	v60 =	vpop (erf)  }
0x56f: {  	v61 =	vpop (erf)  }
0x570: {  	v39 =	vadd.f32 $2.000000000e+00, v61;
	_ =	sdelay $0x1  }
0x571: {  	(erf) = vrcp.f32 v39;
	_ =	sdelay $0x5  }
0x572: {  	v41 =	vand.u32 $0x7FFFFF, v17  }
0x573: {  	v41 =	vor.u32 $0x3F800000, v41  }
0x574: {  	v42 =	vmul.f32 $5.000000000e-01, v41  }
0x575: {  	vm3 =	vgt.f32 v41, $1.414213540e+00;
	v39 =	vpop (erf)  }
0x576: {  	v41 =	vsel vm3, v42, v41;
	v38 =	vmul.f32 v39, v61  }
0x577: {  	v42 =	vadd.f32 $1.000000000e+00, v41  }
0x578: {  	v62 =	vand.u32 $0x7FFFFF, v25;
	v39 =	vmul.f32 v38, v38  }
0x579: {  	(erf) = vrcp.f32 v42;
	v42 =	vor.u32 $0x3F800000, v62  }
0x57a: {  	v43 =	vmul.f32 $5.000000000e-01, v42;
	v40 =	vmul.f32 $1.818181870e-01, v39  }
0x57b: {  	vm2 =	vgt.f32 v42, $1.414213540e+00  }
0x57c: {  	v42 =	vsel vm2, v43, v42;
	v40 =	vadd.f32 $2.222222240e-01, v40  }
0x57d: {  	v43 =	vadd.f32 $1.000000000e+00, v42  }
0x57e: {  	v40 =	vmul.f32 v40, v39  }
0x57f: {  	(erf) = vrcp.f32 v43  }
0x580: {  	v40 =	vadd.f32 $2.857142980e-01, v40  }
0x581: {  	v8 =	vsub.f32 v8, v21;
	v31 =	vadd.f32 v55, v31  }
0x582: {  	v40 =	vmul.f32 v40, v39  }
0x583: {  	v8 =	vmul.f32 $3.200000000e+01, v8;
	v44 =	vadd.f32 $-1.000000000e+00, v41;
	v31 =	vadd.f32 v56, v31  }
0x584: {  	v46 =	vmax.f32 v9, $0.0e+00;
	v49 =	vand.u32 $0x7FFFFF, v30;
	v45 =	vpop (erf);
	v40 =	vadd.f32 $4.000000060e-01, v40  }
0x585: {  	v8 =	vmax.f32 v8, $0.0e+00;
	v31 =	vadd.f32 v57, v31;
	v33 =	vmul.f32 v45, v44  }
0x586: {  	v13 =	vcvt.s32.f32 v13;
	v8 =	vmin.f32 v8, $3.198999980e+01;
	v40 =	vmul.f32 v40, v39  }
0x587: {  	v31 =	vadd.f32 v58, v31;
	v50 =	vadd.f32 $-1.000000000e+00, v42;
	v34 =	vmul.f32 v33, v33  }
0x588: {  	v54 =	vsel vm3, $0x1, v3;
	v47 =	vmul.f32 $-7.500000000e-01, v60;
	v52 =	vpop (erf);
	v63 =	vadd.f32 $6.666666860e-01, v40  }
0x589: {  	v31 =	vadd.f32 v59, v31;
	v48 =	vmul.f32 $2.222222240e-01, v34;
	v35 =	vmul.f32 v52, v50  }
0x58a: {  	v37 =	vmul.f32 v47, v60;
	v62 =	vsel vm2, $0x1, v3;
	v32 =	vmul.f32 v63, v39  }
0x58b: {  	v51 =	vadd.f32 $2.857142980e-01, v48;
	v48 =	vadd.f32 $1.000000000e+00, v13;
	v57 =	vmul.f32 v35, v35  }
0x58c: {  	v61 =	vand.u32 $0x7FFFFF, v31;
	v40 =	vor.u32 $0x3F800000, v49;
	v32 =	vadd.f32 $2.000000000e+00, v32  }
0x58d: {  	v52 =	vsub.f32 v48, v12;
	v60 =	vmul.f32 $2.222222240e-01, v57;
	v53 =	vmul.f32 $5.000000000e-01, v40  }
0x58e: {  	vm3 =	vgt.f32 v40, $1.414213540e+00;
	v32 =	vmul.f32 v32, v38;
	v38 =	vmul.f32 v51, v34  }
0x58f: {  	v15 =	vmul.f32 v15, v52;
	v63 =	vadd.f32 $2.857142980e-01, v60;
	v56 =	vsel vm3, v53, v40  }
0x590: {  	v40 =	vadd.f32 $1.000000000e+00, v56;
	v59 =	vadd.f32 $4.000000060e-01, v38;
	v38 =	vor.u32 $0x3F800000, v61  }
0x591: {  	v45 =	vsel vm3, $0x1, v3;
	v32 =	vadd.f32 v32, v46;
	v44 =	vmul.f32 $5.000000000e-01, v38  }
0x592: {  	v39 =	vshra.s32 v30, $0x17;
	(erf) = vrcp.f32 v40;
	vm2 =	vgt.f32 v38, $1.414213540e+00  }
0x593: {  	v55 =	vsub.f32 v32, v9;
	v58 =	vmul.f32 v32, v37;
	v37 =	vsel vm2, v44, v38  }
0x594: {  	v53 =	vsub.f32 v12, v13;
	v32 =	vmul.f32 v59, v34;
	v47 =	vadd.f32 $1.000000000e+00, v37  }
0x595: {  	v49 =	vadd.f32 $-1.000000000e+00, v56;
	v46 =	vshra.s32 v17, $0x17;
	v9 =	vadd.f32 v55, v10  }
0x596: {  	v32 =	vadd.f32 $6.666666860e-01, v32;
	v10 =	vmul.f32 v63, v57;
	(erf) = vrcp.f32 v47  }
0x597: {  	v12 =	vmul.f32 v14, v53;
	v17 =	vadd.s32 v54, v46;
	v46 =	vshra.s32 v31, $0x17  }
0x598: {  	v17 =	vadd.s32 $0xFFFFFF81, v17;
	v32 =	vmul.f32 v32, v34;
	v10 =	vadd.f32 $4.000000060e-01, v10  }
0x599: {  	v17 =	vcvt.s32.f32 v17;
	v38 =	vtrunc.f32 v8;
	v55 =	vshra.s32 v25, $0x17  }
0x59a: {  	v60 =	vadd.f32 $-1.000000000e+00, v37;
	v32 =	vadd.f32 $2.000000000e+00, v32;
	v10 =	vmul.f32 v10, v57  }
0x59b: {  	v37 =	vcvt.s32.f32 v26;
	v17 =	vmul.f32 $6.931471820e-01, v17;
	v9 =	vadd.f32 v58, v9  }
0x59c: {  	v47 =	vsel vm2, $0x1, v3;
	v51 =	vpop (erf);
	v50 =	vmul.f32 v32, v33;
	v10 =	vadd.f32 $6.666666860e-01, v10  }
0x59d: {  	v40 =	vadd.f32 $1.000000000e+00, v37;
	v48 =	vadd.s32 v47, v46;
	v32 =	vmul.f32 v51, v49  }
0x59e: {  	v54 =	vadd.f32 v50, v17;
	v17 =	vadd.s32 v62, v55;
	v10 =	vmul.f32 v10, v57  }
0x59f: {  	v56 =	vmul.f32 v32, v32;
	v57 =	vcvt.s32.f32 v20;
	v17 =	vadd.s32 $0xFFFFFF81, v17;
	v61 =	vpop (erf)  }
0x5a0: {  	v11 =	vadd.f32 v54, v11;
	v10 =	vadd.f32 $2.000000000e+00, v10;
	v62 =	vmul.f32 v61, v60  }
0x5a1: {  	v17 =	vcvt.s32.f32 v17;
	v58 =	vmul.f32 $2.222222240e-01, v56;
	v59 =	vadd.f32 $1.000000000e+00, v57  }
0x5a2: {  	v13 =	vsub.f32 v18, v57;
	v10 =	vmul.f32 v10, v35;
	v33 =	vmul.f32 v62, v62  }
0x5a3: {  	v17 =	vmul.f32 $6.931471820e-01, v17;
	v20 =	vadd.f32 $2.857142980e-01, v58;
	v63 =	vsub.f32 v59, v18  }
0x5a4: {  	v11 =	vsub.f32 v11, v15;
	v18 =	vcvt.f32.s32 v38;
	v35 =	vmul.f32 $2.222222240e-01, v33  }
0x5a5: {  	v10 =	vadd.f32 v10, v17;
	v25 =	vmul.f32 v20, v56;
	v15 =	vmul.f32 v24, v63  }
0x5a6: {  	v20 =	vadd.s32 v45, v39;
	v41 =	vadd.s32 $0x63, v18;
	v17 =	vadd.f32 $2.857142980e-01, v35  }
0x5a7: {  	v43 =	vadd.s32 $0x64, v18;
	v20 =	vadd.s32 $0xFFFFFF81, v20;
	v42 =	vshrl.u32 v41, $0x3  }
0x5a8: {  	v21 =	vshll.u32 v41, $0x7;
	v34 =	vadd.f32 $4.000000060e-01, v25;
	v17 =	vmul.f32 v17, v33  }
0x5a9: {  	v44 =	vshrl.u32 v43, $0x3;
	v45 =	vshll.u32 v43, $0x7;
	v10 =	vadd.f32 v10, v16  }
0x5aa: {  	v25 =	vmul.u32 $0xC00, v42;
	v36 =	vmul.f32 v34, v56;
	v17 =	vadd.f32 $4.000000060e-01, v17  }
0x5ab: {  	v21 =	vand.u32 $0x380, v21;
	v30 =	vmul.u32 $0xC00, v44;
	v10 =	vsub.f32 v10, v15  }
0x5ac: {  	v25 =	vadd.s32 v7, v25;
	v15 =	vadd.f32 $6.666666860e-01, v36;
	v17 =	vmul.f32 v17, v33  }
0x5ad: {  	v7 =	vadd.s32 v7, v30;
	v21 =	vor.u32 v21, v25;
	v25 =	vand.u32 $0x380, v45  }
0x5ae: {  	v21 =	vor.u32 v6, v21;
	v15 =	vmul.f32 v15, v56;
	v17 =	vadd.f32 $6.666666860e-01, v17  }
0x5af: {  	v11 =	vsub.f32 v11, v12;
	v20 =	vcvt.s32.f32 v20;
	v7 =	vor.u32 v25, v7  }
0x5b0: {  	v6 =	vor.u32 v6, v7;
	v15 =	vadd.f32 $2.000000000e+00, v15;
	v12 =	vmul.f32 v17, v33  }
0x5b1: {  	v50 =	vadd.s32 $0xFFFFFF81, v48;
	v18 =	vcvt.s32.f32 v18;
	v49 =	vmul.f32 $6.931471820e-01, v20  }
0x5b2: {  	v7 =	vmul.f32 v15, v32;
	v17 =	vcvt.s32.f32 v50;
	v12 =	vadd.f32 $2.000000000e+00, v12  }
0x5b3: {  	v51 =	vsub.f32 v40, v22;
	v53 =	vadd.f32 $1.000000000e+00, v18;
	v52 =	vld.idx.msk [tilespmem:v21+s30+$0x0], $0xffff  }
0x5b4: {  	v7 =	vadd.f32 v7, v49;
	v54 =	vmul.f32 $6.931471820e-01, v17;
	v12 =	vmul.f32 v12, v62  }
0x5b5: {  	v13 =	vmul.f32 v19, v13;
	v16 =	vsub.f32 v22, v37;
	v56 =	vsub.f32 v53, v8;
	v6 =	vld.idx.msk [tilespmem:v6+s30+$0x0], $0xffff  }
0x5b6: {  	v55 =	vmul.f32 v28, v51;
	v7 =	vadd.f32 v7, v23;
	v12 =	vadd.f32 v12, v54  }
0x5b7: {  	(xrf2) =	vadd.scan.msk.f32 $0xffff, v9;
	v58 =	vmul.f32 v27, v16;
	v57 =	vsub.f32 v10, v13;
	v8 =	vsub.f32 v8, v18  }
0x5b8: {  	(xrf2) =	vadd.scan.msk.f32 $0xffff, v11;
	v60 =	vmul.f32 v52, v56;
	v7 =	vsub.f32 v7, v55;
	v59 =	vadd.f32 v12, v29;
	_ =	sdelay $0x1  }
0x5b9: {  	(xrf2) =	vadd.scan.msk.f32 $0xffff, v57;
	v6 =	vmul.f32 v6, v8;
	v7 =	vsub.f32 v7, v58;
	v61 =	vsub.f32 v59, v60;
	_ =	sdelay $0x1  }
0x5ba: {  	(xrf2) =	vadd.scan.msk.f32 $0xffff, v7;
	v6 =	vsub.f32 v61, v6;
	_ =	sdelay $0x1  }
0x5bb: {  	(xrf2) =	vadd.scan.msk.f32 $0xffff, v6;
	_ =	sdelay $0x2  }
0x5bc: {  	v6, _, _ =	vpop (xrf2)  }
0x5bd: {  	v7, _, _ =	vpop (xrf2)  }
0x5be: {  	(v2sf) =	vpush v7, $0xF  }
0x5bf: {  	v7, _, _ =	vpop (xrf2)  }
0x5c0: {  	(v2sf) =	vpush v7, $0xF  }
0x5c1: {  	v7, _, _ =	vpop (xrf2)  }
0x5c2: {  	(v2sf) =	vpush v7, $0xF  }
0x5c3: {  	v7, _, _ =	vpop (xrf2)  }
0x5c4: {  	(v2sf) =	vpush v7, $0xF;
	_ =	sdelay $0x8  }
0x5c5: {  	s3 =	spop (v2sf)  }
0x5c6: {  	s3 =	sadd.f32 $0.0e+00, s3  }
0x5c7: {  	s4 =	spop (v2sf)  }
0x5c8: {  	s3 =	sadd.f32 s4, s3  }
0x5c9: {  	s17 =	spop (v2sf)  }
0x5ca: {  	v7 =	vld [tilespmem:$0x16100];
	s3 =	sadd.f32 s17, s3  }
0x5cb: {  	v62 =	vld [tilespmem:$0x16110];
	s31 =	spop (v2sf)  }
0x5cc: {  	v6 =	vbroadcast v6, $0xF;
	s3 =	sadd.f32 s31, s3;
	_ =	sdelay $0x1  }
0x5cd: {  	v6 =	vnsel vm1, $0x0, v6;
	v63 =	vmov s3  }
0x5ce: {  	v6 =	vadd.f32 v7, v6;
	v7 =	vnsel vm1, $0x0, v63  }
0x5cf: {  	v7 =	vadd.f32 v7, v62  }
0x5d0: {  	[tilespmem:$0x16100] =	vst v6  }
0x5d1: {  	[tilespmem:$0x16110] =	vst v7  }
.LBB2_64:
0x5d2: {  	s3 =	simm.s32 $0x16100  }
0x5d3: {  	[spmem:s16] =	stream.linear.scatter [tilespmem:s3], [sflag:$0x1], $0x20, $0x38;
	[tilespmem:$0x16420] =	vst v63  }
.Ltmp34:
0x5d4: {  	_ =	swait.ge [sflag:s19], $0x20;
	(pc) =	sbr.rel @p1 .LBB2_66-.Ltmp34, $3  }
0x5d5: {  	[sflag:s19] =	ssyncset.done $0x0  }
0x5d6: {  	[sflag:s19] =	ssyncadd.s32 $0xFFFFFFE0  }
0x5d7: {  	[bflag:$0x0] =	sbarrier.arrive $0xFFFF;
	_ =	sdelay $0x1  }
0x5d8: {  	s3 =	rddreg [dreg:$0x9];
	s4 =	simm.s32 $0x16220  }
0x5d9: {  	[tilespmem:s4], [sflag:$0x1] =	stream.linear.gather [spmem:s3], $0x200, $0x38;
	[tilespmem:$0x16420] =	vst v63  }
0x5da: {  	_ =	swait.ge [sflag:s19], $0x200  }
0x5db: {  	[sflag:s19] =	ssyncset.done $0x0  }
0x5dc: {  	[sflag:s19] =	ssyncadd.s32 $0xFFFFFE00  }
0x5dd: {  	v6 =	vld [tilespmem:$0x16220]  }
0x5de: {  	v7 =	vld [tilespmem:$0x16230]  }
0x5df: {  	v8 =	vld [tilespmem:$0x16240]  }
0x5e0: {  	v9 =	vld [tilespmem:$0x16250]  }
0x5e1: {  	v10 =	vld [tilespmem:$0x16260]  }
0x5e2: {  	v11 =	vld [tilespmem:$0x16270];
	v6 =	vadd.f32 $0.0e+00, v6  }
0x5e3: {  	v12 =	vld [tilespmem:$0x16280];
	v7 =	vadd.f32 $0.0e+00, v7  }
0x5e4: {  	v39 =	vld [tilespmem:$0x16290];
	v6 =	vadd.f32 v8, v6  }
0x5e5: {  	v40 =	vld [tilespmem:$0x162A0];
	v7 =	vadd.f32 v9, v7  }
0x5e6: {  	v41 =	vld [tilespmem:$0x162B0];
	v6 =	vadd.f32 v10, v6  }
0x5e7: {  	v42 =	vld [tilespmem:$0x162C0];
	v7 =	vadd.f32 v11, v7  }
0x5e8: {  	v43 =	vld [tilespmem:$0x162D0];
	v6 =	vadd.f32 v12, v6  }
0x5e9: {  	v44 =	vld [tilespmem:$0x162E0];
	v7 =	vadd.f32 v39, v7  }
0x5ea: {  	v45 =	vld [tilespmem:$0x162F0];
	v6 =	vadd.f32 v40, v6  }
0x5eb: {  	v46 =	vld [tilespmem:$0x16300];
	v7 =	vadd.f32 v41, v7  }
0x5ec: {  	v47 =	vld [tilespmem:$0x16310];
	v6 =	vadd.f32 v42, v6  }
0x5ed: {  	v48 =	vld [tilespmem:$0x16320];
	v7 =	vadd.f32 v43, v7  }
0x5ee: {  	v49 =	vld [tilespmem:$0x16330];
	v6 =	vadd.f32 v44, v6  }
0x5ef: {  	v50 =	vld [tilespmem:$0x16340];
	v7 =	vadd.f32 v45, v7  }
0x5f0: {  	v51 =	vld [tilespmem:$0x16350];
	v6 =	vadd.f32 v46, v6  }
0x5f1: {  	v52 =	vld [tilespmem:$0x16360];
	v7 =	vadd.f32 v47, v7  }
0x5f2: {  	v53 =	vld [tilespmem:$0x16370];
	v6 =	vadd.f32 v48, v6  }
0x5f3: {  	v54 =	vld [tilespmem:$0x16380];
	v7 =	vadd.f32 v49, v7  }
0x5f4: {  	v55 =	vld [tilespmem:$0x16390];
	v6 =	vadd.f32 v50, v6  }
0x5f5: {  	v56 =	vld [tilespmem:$0x163A0];
	v7 =	vadd.f32 v51, v7  }
0x5f6: {  	v57 =	vld [tilespmem:$0x163B0];
	v6 =	vadd.f32 v52, v6  }
0x5f7: {  	v58 =	vld [tilespmem:$0x163C0];
	v7 =	vadd.f32 v53, v7  }
0x5f8: {  	v59 =	vld [tilespmem:$0x163D0];
	v6 =	vadd.f32 v54, v6  }
0x5f9: {  	v60 =	vld [tilespmem:$0x163E0];
	v7 =	vadd.f32 v55, v7  }
0x5fa: {  	v61 =	vld [tilespmem:$0x163F0];
	v6 =	vadd.f32 v56, v6  }
0x5fb: {  	v62 =	vld [tilespmem:$0x16400];
	v7 =	vadd.f32 v57, v7  }
0x5fc: {  	v63 =	vld [tilespmem:$0x16410];
	v6 =	vadd.f32 v58, v6  }
0x5fd: {  	v7 =	vadd.f32 v59, v7  }
0x5fe: {  	v6 =	vadd.f32 v60, v6  }
0x5ff: {  	v7 =	vadd.f32 v61, v7  }
0x600: {  	v6 =	vadd.f32 v62, v6  }
0x601: {  	v7 =	vadd.f32 v63, v7  }
0x602: {  	v6 =	vmul.f32 $7.812500000e-03, v6  }
0x603: {  	[tilespmem:$0x16180] =	vst v0;
	v7 =	vmul.f32 $2.929687620e-04, v7  }
0x604: {  	[tilespmem:v4+s0+$0x0] =	vst.idx.msk $0x3f, v6  }
.Ltmp35:
0x605: {  	s31 =	rddreg [dreg:$0x10];
	[tilespmem:v5+s0+$0x0] =	vst.idx.msk $0x3f, v7;
	(pc) =	sbr.rel .LBB2_66-.Ltmp35, $4  }
0x606: {  	[hbm4b:s31+s2] =	stream.linear.scatter [tilespmem:s0], [sflag:$0x1], $0x80, $0x38;
	[tilespmem:$0x16420] =	vst v63  }
0x607: {  	_ =	swait.ge [sflag:s19], $0x80  }
0x608: {  	[sflag:s19] =	ssyncset.done $0x0  }
0x609: {  	[sflag:s19] =	ssyncadd.s32 $0xFFFFFF80  }
.LBB2_67:
0x60a: {  	_ =	sfence.sel $0x180000  }
0x60b: {  	[bflag:$0x0] =	sbarrier.arrive $0xFFFF  }
0x60c: {  	_ =	strace $0x90000047  }
0x60d: {  	[bflag:$0x2] =	sbarrier.arrive $0xFFFF  }
0x60e: {  	s0 =	rddreg [dreg:$0xa]  }
0x60f: {  	s0 =	sadd.s32 @!p1 $0x100000, s0  }
0x610: {  	[sflag:s0] =	ssyncadd.tile.s32 @!p1 $0x1;
	_ =	shalt  }
.Lfunc_end2:
_tile_overlayer_lowered:
.L_overlay_start_2:
0x611: {  	(tag) =	ssettag $0x2  }
0x612: {  	s0 =	rddreg [dreg:$0x0];
	s2 =	stileid.u32  }
0x613: {  	s1 =	rddreg [dreg:$0x1];
	p0 =	sne.s32 s2, $0x0  }
0x614: {  	s3 =	rddreg [dreg:$0x2];
	[bflag:$0x3] =	sbarrier.arrive $0xFFFF;
	s2 =	simm.s32 @!p0 $0x1C01  }
0x615: {  	[timem:s3], [sflag:s2] =	dma.local @!p0 [hbm:s0], s1  }
0x616: {  	s0 =	simm.s32 @!p0 $0x1  }
0x617: {  	_ =	swait.ge @!p0 [sflag:s0], s1  }
0x618: {  	s1 =	ssub.s32 @!p0 $0x0, s1;
	[sflag:s0] =	ssyncset.done @!p0 $0x0  }
0x619: {  	[sflag:s0] =	ssyncadd.s32 @!p0 s1  }
0x61a: {  	[bflag:$0x3] =	sbarrier.arrive $0xFFFF  }
0x61b: {  	_ =	shalt  }

</sc_bundles>
